<compile_context>
chip_gen: v7x
topology: tpu7x:2x2x1
jax: 0.10.2.dev20260603
libtpu: 0.0.44.dev20260713+nightly
codegen_flags: <defaults>
</compile_context>

<pallas_src>
import functools

import jax
import jax.numpy as jnp
from jax import lax
from jax.experimental import pallas as pl
from jax.experimental.pallas import tpu as pltpu
from jax.experimental.pallas import tpu_sc as plsc

N = 10000
E = 160000
DIM = 256
HID = 512
NCLS = 2

NC = 2
NS = 16
NPAD = 10240
FQ = 64
P16 = 16
NPT = NPAD // NS

EPT_A = E // NS
CH_A = 400
NCH_A = EPT_A // CH_A
NBUF = 2


CB = 8


def _make_sc_layer1(p):
    def body(xflat, srcq, ei4, ones8, z64, z8, *refs):
        if p == 0:
            out, cnt_out, srcgb, dstb, rows0, rows1, onesb, acc, cacc, \
                sem0, sem1 = refs
        else:
            out, srcgb, dstb, rows0, rows1, acc, sem0, sem1 = refs
        c = lax.axis_index("c")
        s = lax.axis_index("s")
        bufs = (rows0, rows1)
        sems = (sem0, sem1)

        pltpu.sync_copy(ei4.at[1, s], dstb)
        if p == 0:
            pltpu.sync_copy(ones8, onesb)
            pltpu.sync_copy(z8, cacc.at[pl.ds(s * NPT, NPT)])
        pltpu.sync_copy(z64, acc.at[pl.ds(s * NPT, NPT)])
        plsc.subcore_barrier()

        q = 2 * p + c
        pltpu.sync_copy(srcq.at[pl.ds(q * E + s * EPT_A, EPT_A)], srcgb)

        hg = {}
        for i in range(NBUF):
            hg[i] = pltpu.async_copy(
                xflat.at[srcgb.at[pl.ds(i * CH_A, CH_A)]], bufs[i], sems[i])
        for i in range(NCH_A):
            buf = bufs[i % NBUF]
            hg[i].wait()
            pltpu.sync_copy(buf, acc.at[dstb.at[i]], add=True)
            if p == 0:
                @pl.when(c == (i % 2))
                def _():
                    pltpu.sync_copy(onesb, cacc.at[dstb.at[i]], add=True)
            if i + NBUF < NCH_A:
                hg[i + NBUF] = pltpu.async_copy(
                    xflat.at[srcgb.at[pl.ds((i + NBUF) * CH_A, CH_A)]],
                    buf, sems[i % NBUF])

        plsc.subcore_barrier()
        pltpu.sync_copy(acc.at[pl.ds(s * NPT, NPT)],
                        out.at[c, pl.ds(s * NPT, NPT)])
        if p == 0:
            pltpu.sync_copy(cacc.at[pl.ds(s * NPT, NPT)],
                            cnt_out.at[c, pl.ds(s * NPT, NPT)])

    out_type = [jax.ShapeDtypeStruct((2, NPAD, FQ), jnp.float32)]
    scratch = [
        pltpu.VMEM((EPT_A,), jnp.int32),
        pltpu.VMEM((NCH_A, CH_A), jnp.int32),
        pltpu.VMEM((CH_A, FQ), jnp.float32),
        pltpu.VMEM((CH_A, FQ), jnp.float32),
    ]
    if p == 0:
        out_type.append(jax.ShapeDtypeStruct((2, NPAD, CB), jnp.float32))
        scratch.append(pltpu.VMEM((CH_A, CB), jnp.float32))
    scratch.append(pltpu.VMEM_SHARED((NPAD, FQ), jnp.float32))
    if p == 0:
        scratch.append(pltpu.VMEM_SHARED((NPAD, CB), jnp.float32))
    scratch += [pltpu.SemaphoreType.DMA, pltpu.SemaphoreType.DMA]
    return pl.kernel(
        body,
        mesh=plsc.VectorSubcoreMesh(core_axis_name="c", subcore_axis_name="s"),
        out_type=out_type,
        scratch_types=scratch,
        compiler_params=pltpu.CompilerParams(use_tc_tiling_on_sc=False),
    )


_sc_layer1_p0 = _make_sc_layer1(0)
_sc_layer1_p1 = _make_sc_layer1(1)

EPT_B = E // (NC * NS)
CH_B = 1000
NCH_B = EPT_B // CH_B
NPB = NPAD // (NC * NS)


def _sc_layer2(p16, ei4, z16, outp, srcb, dstb, rowsA, rowsB, acc,
               semA, semB):
    c = lax.axis_index("c")
    s = lax.axis_index("s")
    w = c * NS + s

    pltpu.sync_copy(ei4.at[0, w], srcb)
    pltpu.sync_copy(ei4.at[1, w], dstb)
    pltpu.sync_copy(z16, acc.at[pl.ds(s * NPT, NPT)])
    plsc.subcore_barrier()

    bufs = (rowsA, rowsB)
    sems = (semA, semB)
    hg = {}
    for i in range(2):
        hg[i] = pltpu.async_copy(p16.at[srcb.at[i]], bufs[i], sems[i])
    for i in range(NCH_B):
        buf = bufs[i % 2]
        hg[i].wait()
        pltpu.sync_copy(buf, acc.at[dstb.at[i]], add=True)
        if i + 2 < NCH_B:
            hg[i + 2] = pltpu.async_copy(p16.at[srcb.at[i + 2]], buf,
                                         sems[i % 2])

    plsc.subcore_barrier()
    pltpu.sync_copy(acc.at[pl.ds(s * NPT, NPT)],
                    outp.at[c, pl.ds(s * NPT, NPT)])


_sc_layer2_call = functools.partial(
    pl.kernel,
    mesh=plsc.VectorSubcoreMesh(core_axis_name="c", subcore_axis_name="s"),
    out_type=jax.ShapeDtypeStruct((2, NPAD, P16), jnp.float32),
    scratch_types=[
        pltpu.VMEM((NCH_B, CH_B), jnp.int32),
        pltpu.VMEM((NCH_B, CH_B), jnp.int32),
        pltpu.VMEM((CH_B, P16), jnp.float32),
        pltpu.VMEM((CH_B, P16), jnp.float32),
        pltpu.VMEM_SHARED((NPAD, P16), jnp.float32),
        pltpu.SemaphoreType.DMA,
        pltpu.SemaphoreType.DMA,
    ],
    compiler_params=pltpu.CompilerParams(use_tc_tiling_on_sc=False),
)(_sc_layer2)


def _sc_combine(outp, p16, out, a0buf, a1buf, pbuf, obuf):
    c = lax.axis_index("c")
    s = lax.axis_index("s")
    base = (c * NS + s) * NPB
    pltpu.sync_copy(outp.at[0, pl.ds(base, NPB)], a0buf)
    pltpu.sync_copy(outp.at[1, pl.ds(base, NPB)], a1buf)
    pltpu.sync_copy(p16.at[pl.ds(base, NPB)], pbuf)

    def body(r, _):
        av = a0buf[r] + a1buf[r]
        pv = pbuf[r]
        inv = pv[4]
        o0 = av[0] * inv + pv[NCLS]
        o1 = av[1] * inv + pv[NCLS + 1]
        lane = lax.iota(jnp.int32, 16)
        obuf[r] = jnp.where(lane == 0, o0, jnp.where(lane == 1, o1, 0.0))
        return 0

    lax.fori_loop(0, NPB, body, 0)
    pltpu.sync_copy(obuf, out.at[pl.ds(base, NPB)])


_sc_combine_call = functools.partial(
    pl.kernel,
    mesh=plsc.VectorSubcoreMesh(core_axis_name="c", subcore_axis_name="s"),
    out_type=jax.ShapeDtypeStruct((NPAD, P16), jnp.float32),
    scratch_types=[
        pltpu.VMEM((NPB, P16), jnp.float32),
        pltpu.VMEM((NPB, P16), jnp.float32),
        pltpu.VMEM((NPB, P16), jnp.float32),
        pltpu.VMEM((NPB, P16), jnp.float32),
    ],
    compiler_params=pltpu.CompilerParams(use_tc_tiling_on_sc=False),
)(_sc_combine)

BM = 2048


def _tc_root(x, b, b1, xb_out):
    xb_out[...] = (jnp.dot(x[...], b[...], preferred_element_type=jnp.float32)
                   + b1[...]).astype(jnp.bfloat16)


def _tc_root_call(x, b, b1):
    return pl.pallas_call(
        _tc_root,
        grid=(NPAD // BM,),
        in_specs=[
            pl.BlockSpec((BM, DIM), lambda i: (i, 0)),
            pl.BlockSpec((DIM, HID), lambda i: (0, 0)),
            pl.BlockSpec((1, HID), lambda i: (0, 0)),
        ],
        out_specs=pl.BlockSpec((BM, HID), lambda i: (i, 0)),
        out_shape=jax.ShapeDtypeStruct((NPAD, HID), jnp.bfloat16),
    )(x, b, b1)


def _tc_hidden(s0, s1, s2, s3, c0, c1, xb, a, w2cat, b2row, p16_out):
    cnt = c0[0][:, 0:1] + c1[0][:, 0:1]
    inv = 1.0 / jnp.maximum(cnt, 1.0)
    sfull = jnp.concatenate([s0[0], s1[0], s2[0], s3[0]], axis=1)
    zs = jnp.dot(sfull, a[...], preferred_element_type=jnp.float32)
    h = jnp.maximum(zs * inv + xb[...].astype(jnp.float32), 0.0)
    p = jnp.dot(h, w2cat[...], preferred_element_type=jnp.float32)
    col = lax.broadcasted_iota(jnp.int32, (BM, P16), 1)
    inv_col = jnp.where(col == 4, inv, 0.0)
    p16_out[...] = p + b2row[...] + inv_col


def _quarter_spec(q):
    return pl.BlockSpec((1, BM, FQ), lambda i, _q=q: (_q, i, 0))


def _tc_hidden_call(s01b, s23b, cnt, xb, a, w2cat, b2row):
    return pl.pallas_call(
        _tc_hidden,
        grid=(NPAD // BM,),
        in_specs=[
            _quarter_spec(0), _quarter_spec(1), _quarter_spec(0),
            _quarter_spec(1),
            pl.BlockSpec((1, BM, CB), lambda i: (0, i, 0)),
            pl.BlockSpec((1, BM, CB), lambda i: (1, i, 0)),
            pl.BlockSpec((BM, HID), lambda i: (i, 0)),
            pl.BlockSpec((DIM, HID), lambda i: (0, 0)),
            pl.BlockSpec((HID, P16), lambda i: (0, 0)),
            pl.BlockSpec((1, P16), lambda i: (0, 0)),
        ],
        out_specs=pl.BlockSpec((BM, P16), lambda i: (i, 0)),
        out_shape=jax.ShapeDtypeStruct((NPAD, P16), jnp.float32),
    )(s01b, s01b, s23b, s23b, cnt, cnt, xb, a, w2cat, b2row)


def kernel(x, edge_index, W1l, b1l, W1r, W2l, b2l, W2r):
    src = edge_index[0].astype(jnp.int32)
    dst = edge_index[1].astype(jnp.int32)

    xflat = x.reshape(4 * N, FQ)
    srcq = (src[None, :] * 4 + jnp.arange(4, dtype=jnp.int32)[:, None]).ravel()
    ei = jnp.stack([src, dst]) if edge_index.dtype != jnp.int32 else edge_index
    ei4a = ei.reshape(2, NS, NCH_A, CH_A)
    ones8 = jnp.ones((CH_A, CB), jnp.float32)
    z64 = jnp.zeros((NPT, FQ), jnp.float32)
    z8 = jnp.zeros((NPT, CB), jnp.float32)
    z16 = jnp.zeros((NPT, P16), jnp.float32)

    s01, cnt = _sc_layer1_p0(xflat, srcq, ei4a, ones8, z64, z8)
    s23, = _sc_layer1_p1(xflat, srcq, ei4a, ones8, z64, z8)
    xb = _tc_root_call(x.astype(jnp.bfloat16), W1r.T.astype(jnp.bfloat16),
                       b1l.reshape(1, HID))

    w2cat = jnp.concatenate(
        [W2l.T, W2r.T, jnp.zeros((HID, P16 - 2 * NCLS), jnp.float32)], axis=1)
    b2row = jnp.concatenate(
        [jnp.zeros((NCLS,), jnp.float32), b2l,
         jnp.zeros((P16 - 2 * NCLS,), jnp.float32)]).reshape(1, P16)
    p16 = _tc_hidden_call(s01.astype(jnp.bfloat16), s23.astype(jnp.bfloat16),
                          cnt, xb, W1l.T.astype(jnp.bfloat16), w2cat, b2row)

    ei4b = ei.reshape(2, NC * NS, NCH_B, CH_B)
    agg2 = _sc_layer2_call(p16, ei4b, z16)
    out16 = _sc_combine_call(agg2, p16)

    return out16[:N, :NCLS]

# --- scband reference (transcript-rebuilt; emitter-appended) ---
"""Pipeline reference for scband-graph-sagenet-17892833755185 (READ-ONLY COPY).

The authoritative reference and input builder live on the scoring server;
editing this copy changes nothing except your own understanding.
"""

import jax, jax.numpy as jnp
import numpy as np

N_NODES = 10000
N_EDGES = 160000
DIM = 256
HIDDEN = 512
NUM_CLASSES = 2


def setup_inputs(seed: int = 0) -> dict:
    key = jax.random.key(seed)
    ks = jax.random.split(key, 8)
    x = jax.random.normal(ks[0], (N_NODES, DIM), dtype=jnp.float32)
    edge_index = jax.random.randint(ks[1], (2, N_EDGES), 0, N_NODES, dtype=jnp.int64)
    # SAGEConv layer 1: lin_l (neighbor, with bias), lin_r (root, no bias)
    s1 = 1.0 / np.sqrt(DIM)
    W1l = jax.random.uniform(ks[2], (HIDDEN, DIM), minval=-s1, maxval=s1, dtype=jnp.float32)
    b1l = jnp.zeros((HIDDEN,), dtype=jnp.float32)
    W1r = jax.random.uniform(ks[3], (HIDDEN, DIM), minval=-s1, maxval=s1, dtype=jnp.float32)
    # SAGEConv layer 2
    s2 = 1.0 / np.sqrt(HIDDEN)
    W2l = jax.random.uniform(ks[4], (NUM_CLASSES, HIDDEN), minval=-s2, maxval=s2, dtype=jnp.float32)
    b2l = jnp.zeros((NUM_CLASSES,), dtype=jnp.float32)
    W2r = jax.random.uniform(ks[5], (NUM_CLASSES, HIDDEN), minval=-s2, maxval=s2, dtype=jnp.float32)
    return {"x": x, "edge_index": edge_index, "W1l": W1l, "b1l": b1l, "W1r": W1r,
            "W2l": W2l, "b2l": b2l, "W2r": W2r}


def _sage_conv(x, src, dst, Wl, bl, Wr, num_nodes):
    # message = x[src]; mean-aggregate at dst; out = lin_l(agg) + lin_r(x)
    msgs = jnp.take(x, src, axis=0)
    summed = jax.ops.segment_sum(msgs, dst, num_segments=num_nodes)
    count = jax.ops.segment_sum(jnp.ones((src.shape[0],), dtype=x.dtype), dst, num_segments=num_nodes)
    mean = summed / jnp.clip(count, 1.0, None)[:, None]
    return mean @ Wl.T + bl + x @ Wr.T


def reference(x, edge_index, W1l, b1l, W1r, W2l, b2l, W2r):
    src = edge_index[0]
    dst = edge_index[1]
    h = _sage_conv(x, src, dst, W1l, b1l, W1r, N_NODES)
    h = jax.nn.relu(h)
    # dropout p=0.5 is identity in eval mode
    out = _sage_conv(h, src, dst, W2l, b2l, W2r, N_NODES)
    return out

if __name__ == "__main__":
    import jax
    _d = setup_inputs()
    print(jax.jit(kernel)(*tuple(_d.values())))

</pallas_src>

<mosaic_0001>
#map = affine_map<(d0, d1) -> (0, 0)>
#map1 = affine_map<(d0, d1) -> (0)>
#map2 = affine_map<(d0, d1) -> (0, 0, 0, 0)>
#map3 = affine_map<(d0, d1) -> (0, 0, 0)>
module attributes {stable_mosaic.version = 14 : i64} {
  func.func @body(%arg0: i32, %arg1: i32, %arg2: memref<40000x64xf32, #tpu.memory_space<hbm>>, %arg3: memref<640000xi32, #tpu.memory_space<hbm>>, %arg4: memref<2x16x25x400xi32, #tpu.memory_space<hbm>>, %arg5: memref<400x8xf32, #tpu.memory_space<hbm>>, %arg6: memref<640x64xf32, #tpu.memory_space<hbm>>, %arg7: memref<640x8xf32, #tpu.memory_space<hbm>>, %arg8: memref<2x10240x64xf32, #tpu.memory_space<hbm>>, %arg9: memref<2x10240x8xf32, #tpu.memory_space<hbm>>, %arg10: memref<10000xi32, #tpu.memory_space<vmem>>, %arg11: memref<25x400xi32, #tpu.memory_space<vmem>>, %arg12: memref<400x64xf32, #tpu.memory_space<vmem>>, %arg13: memref<400x64xf32, #tpu.memory_space<vmem>>, %arg14: memref<400x8xf32, #tpu.memory_space<vmem>>, %arg15: memref<10240x64xf32, #tpu.memory_space<vmem_shared>>, %arg16: memref<10240x8xf32, #tpu.memory_space<vmem_shared>>, %arg17: memref<!tpu.dma_semaphore, #tpu.memory_space<semaphore_mem>>, %arg18: memref<!tpu.dma_semaphore, #tpu.memory_space<semaphore_mem>>) attributes {dimension_semantics = [#tpu.dimension_semantics<core_parallel>, #tpu.dimension_semantics<subcore_parallel>], iteration_bounds = array<i64: 2, 16>, scalar_prefetch = 0 : i64, scratch_operands = 9 : i64, tpu.core_type = #tpu.core_type<sc_vector_subcore>, window_params = [{transform_indices = #map}, {transform_indices = #map1}, {transform_indices = #map2}, {transform_indices = #map}, {transform_indices = #map}, {transform_indices = #map}, {transform_indices = #map3}, {transform_indices = #map3}]} {
    %run_scoped3A = arith.constant 1 : i32
    "tpu.region"() ({
      %run_scoped3A_413 = tpu.sem_alloc : memref<!tpu.dma_semaphore, #tpu.memory_space<semaphore_mem>>
      %dma_start3A_414 = arith.constant 0 : i32
      %dma_start3A_415 = arith.constant 0 : i32
      %dma_start3A_416 = tpu.memref_slice %arg4[%run_scoped3A, %arg1, %dma_start3A_414, %dma_start3A_415] : memref<2x16x25x400xi32, #tpu.memory_space<hbm>> -> memref<1x1x25x400xi32, #tpu.memory_space<hbm>>
      %dma_start3A_417 = tpu.memref_squeeze %dma_start3A_416 : memref<1x1x25x400xi32, #tpu.memory_space<hbm>> -> memref<25x400xi32, #tpu.memory_space<hbm>>
      %dma_start3A_418 = arith.constant 0 : i32
      %dma_start3A_419 = arith.constant 0 : i32
      %dma_start3A_420 = tpu.memref_slice %arg4[%run_scoped3A, %arg1, %dma_start3A_418, %dma_start3A_419] : memref<2x16x25x400xi32, #tpu.memory_space<hbm>> -> memref<1x1x25x400xi32, #tpu.memory_space<hbm>>
      %dma_start3A_421 = tpu.memref_squeeze %dma_start3A_420 : memref<1x1x25x400xi32, #tpu.memory_space<hbm>> -> memref<25x400xi32, #tpu.memory_space<hbm>>
      tpu.enqueue_dma source(%dma_start3A_421 : memref<25x400xi32, #tpu.memory_space<hbm>>) target(%arg11 : memref<25x400xi32, #tpu.memory_space<vmem>>) target_semaphore(%run_scoped3A_413 : memref<!tpu.dma_semaphore, #tpu.memory_space<semaphore_mem>>)
      %dma_wait3A_422 = arith.constant 0 : i32
      %dma_wait3A_423 = arith.constant 0 : i32
      %dma_wait3A_424 = tpu.memref_slice %arg4[%run_scoped3A, %arg1, %dma_wait3A_422, %dma_wait3A_423] : memref<2x16x25x400xi32, #tpu.memory_space<hbm>> -> memref<1x1x25x400xi32, #tpu.memory_space<hbm>>
      %dma_wait3A_425 = tpu.memref_squeeze %dma_wait3A_424 : memref<1x1x25x400xi32, #tpu.memory_space<hbm>> -> memref<25x400xi32, #tpu.memory_space<hbm>>
      %dma_wait3A_426 = arith.constant 0 : i32
      %dma_wait3A_427 = arith.constant 0 : i32
      %dma_wait3A_428 = tpu.memref_slice %arg4[%run_scoped3A, %arg1, %dma_wait3A_426, %dma_wait3A_427] : memref<2x16x25x400xi32, #tpu.memory_space<hbm>> -> memref<1x1x25x400xi32, #tpu.memory_space<hbm>>
      %dma_wait3A_429 = tpu.memref_squeeze %dma_wait3A_428 : memref<1x1x25x400xi32, #tpu.memory_space<hbm>> -> memref<25x400xi32, #tpu.memory_space<hbm>>
      tpu.wait_dma2 semaphore(%run_scoped3A_413 : memref<!tpu.dma_semaphore, #tpu.memory_space<semaphore_mem>>) src(%dma_wait3A_429 : memref<25x400xi32, #tpu.memory_space<hbm>>) dst(%arg11 : memref<25x400xi32, #tpu.memory_space<vmem>>)
      tpu.yield
    }) : () -> ()
    "tpu.region"() ({
      %run_scoped3A_413 = tpu.sem_alloc : memref<!tpu.dma_semaphore, #tpu.memory_space<semaphore_mem>>
      tpu.enqueue_dma source(%arg5 : memref<400x8xf32, #tpu.memory_space<hbm>>) target(%arg14 : memref<400x8xf32, #tpu.memory_space<vmem>>) target_semaphore(%run_scoped3A_413 : memref<!tpu.dma_semaphore, #tpu.memory_space<semaphore_mem>>)
      tpu.wait_dma2 semaphore(%run_scoped3A_413 : memref<!tpu.dma_semaphore, #tpu.memory_space<semaphore_mem>>) src(%arg5 : memref<400x8xf32, #tpu.memory_space<hbm>>) dst(%arg14 : memref<400x8xf32, #tpu.memory_space<vmem>>)
      tpu.yield
    }) : () -> ()
    %mul3A = arith.constant 640 : i32
    %mul3A_0 = arith.muli %arg1, %mul3A : i32
    "tpu.region"() ({
      %run_scoped3A_413 = tpu.sem_alloc : memref<!tpu.dma_semaphore, #tpu.memory_space<semaphore_mem>>
      %dma_start3A_414 = arith.constant 0 : i32
      %dma_start3A_415 = tpu.memref_slice %arg16[%mul3A_0, %dma_start3A_414] : memref<10240x8xf32, #tpu.memory_space<vmem_shared>> -> memref<640x8xf32, #tpu.memory_space<vmem_shared>>
      tpu.enqueue_dma source(%arg7 : memref<640x8xf32, #tpu.memory_space<hbm>>) target(%dma_start3A_415 : memref<640x8xf32, #tpu.memory_space<vmem_shared>>) target_semaphore(%run_scoped3A_413 : memref<!tpu.dma_semaphore, #tpu.memory_space<semaphore_mem>>)
      %dma_wait3A_416 = arith.constant 0 : i32
      %dma_wait3A_417 = tpu.memref_slice %arg16[%mul3A_0, %dma_wait3A_416] : memref<10240x8xf32, #tpu.memory_space<vmem_shared>> -> memref<640x8xf32, #tpu.memory_space<vmem_shared>>
      tpu.wait_dma2 semaphore(%run_scoped3A_413 : memref<!tpu.dma_semaphore, #tpu.memory_space<semaphore_mem>>) src(%arg7 : memref<640x8xf32, #tpu.memory_space<hbm>>) dst(%dma_wait3A_417 : memref<640x8xf32, #tpu.memory_space<vmem_shared>>)
      tpu.yield
    }) : () -> ()
    %mul3A_1 = arith.constant 640 : i32
    %mul3A_2 = arith.muli %arg1, %mul3A_1 : i32
    "tpu.region"() ({
      %run_scoped3A_413 = tpu.sem_alloc : memref<!tpu.dma_semaphore, #tpu.memory_space<semaphore_mem>>
      %dma_start3A_414 = arith.constant 0 : i32
      %dma_start3A_415 = tpu.memref_slice %arg15[%mul3A_2, %dma_start3A_414] : memref<10240x64xf32, #tpu.memory_space<vmem_shared>> -> memref<640x64xf32, #tpu.memory_space<vmem_shared>>
      tpu.enqueue_dma source(%arg6 : memref<640x64xf32, #tpu.memory_space<hbm>>) target(%dma_start3A_415 : memref<640x64xf32, #tpu.memory_space<vmem_shared>>) target_semaphore(%run_scoped3A_413 : memref<!tpu.dma_semaphore, #tpu.memory_space<semaphore_mem>>)
      %dma_wait3A_416 = arith.constant 0 : i32
      %dma_wait3A_417 = tpu.memref_slice %arg15[%mul3A_2, %dma_wait3A_416] : memref<10240x64xf32, #tpu.memory_space<vmem_shared>> -> memref<640x64xf32, #tpu.memory_space<vmem_shared>>
      tpu.wait_dma2 semaphore(%run_scoped3A_413 : memref<!tpu.dma_semaphore, #tpu.memory_space<semaphore_mem>>) src(%arg6 : memref<640x64xf32, #tpu.memory_space<hbm>>) dst(%dma_wait3A_417 : memref<640x64xf32, #tpu.memory_space<vmem_shared>>)
      tpu.yield
    }) : () -> ()
    %barrier3A = arith.constant 0 : index
    tpu.barrier barrier_id(%barrier3A)
    %add3A = arith.constant 0 : i32
    %add3A_3 = arith.addi %add3A, %arg0 : i32
    %mul3A_4 = arith.constant 160000 : i32
    %mul3A_5 = arith.muli %add3A_3, %mul3A_4 : i32
    %mul3A_6 = arith.constant 10000 : i32
    %mul3A_7 = arith.muli %arg1, %mul3A_6 : i32
    %add3A_8 = arith.addi %mul3A_5, %mul3A_7 : i32
    "tpu.region"() ({
      %run_scoped3A_413 = tpu.sem_alloc : memref<!tpu.dma_semaphore, #tpu.memory_space<semaphore_mem>>
      %dma_start3A_414 = tpu.memref_slice %arg3[%add3A_8] : memref<640000xi32, #tpu.memory_space<hbm>> -> memref<10000xi32, #tpu.memory_space<hbm>>
      %dma_start3A_415 = tpu.memref_slice %arg3[%add3A_8] : memref<640000xi32, #tpu.memory_space<hbm>> -> memref<10000xi32, #tpu.memory_space<hbm>>
      tpu.enqueue_dma source(%dma_start3A_415 : memref<10000xi32, #tpu.memory_space<hbm>>) target(%arg10 : memref<10000xi32, #tpu.memory_space<vmem>>) target_semaphore(%run_scoped3A_413 : memref<!tpu.dma_semaphore, #tpu.memory_space<semaphore_mem>>)
      %dma_wait3A_416 = tpu.memref_slice %arg3[%add3A_8] : memref<640000xi32, #tpu.memory_space<hbm>> -> memref<10000xi32, #tpu.memory_space<hbm>>
      %dma_wait3A_417 = tpu.memref_slice %arg3[%add3A_8] : memref<640000xi32, #tpu.memory_space<hbm>> -> memref<10000xi32, #tpu.memory_space<hbm>>
      tpu.wait_dma2 semaphore(%run_scoped3A_413 : memref<!tpu.dma_semaphore, #tpu.memory_space<semaphore_mem>>) src(%dma_wait3A_417 : memref<10000xi32, #tpu.memory_space<hbm>>) dst(%arg10 : memref<10000xi32, #tpu.memory_space<vmem>>)
      tpu.yield
    }) : () -> ()
    %dma_start3A = arith.constant 0 : i32
    %dma_start3A_9 = tpu.memref_slice %arg10[%dma_start3A] : memref<10000xi32, #tpu.memory_space<vmem>> -> memref<400xi32, #tpu.memory_space<vmem>>
    %dma_start3A_10 = arith.constant 0 : i32
    %dma_start3A_11 = arith.constant 0 : i32
    %dma_start3A_12 = tpu.memref_slice %arg2[%dma_start3A_10, %dma_start3A_11] : memref<40000x64xf32, #tpu.memory_space<hbm>> -> memref<40000x64xf32, #tpu.memory_space<hbm>>
    tpu.enqueue_indirect_dma source(%dma_start3A_12 : memref<40000x64xf32, #tpu.memory_space<hbm>>) target(%arg12 : memref<400x64xf32, #tpu.memory_space<vmem>>) offsets(%dma_start3A_9 : memref<400xi32, #tpu.memory_space<vmem>>) semaphore(%arg17 : memref<!tpu.dma_semaphore, #tpu.memory_space<semaphore_mem>>)
    %dma_start3A_13 = arith.constant 400 : i32
    %dma_start3A_14 = tpu.memref_slice %arg10[%dma_start3A_13] : memref<10000xi32, #tpu.memory_space<vmem>> -> memref<400xi32, #tpu.memory_space<vmem>>
    %dma_start3A_15 = arith.constant 0 : i32
    %dma_start3A_16 = arith.constant 0 : i32
    %dma_start3A_17 = tpu.memref_slice %arg2[%dma_start3A_15, %dma_start3A_16] : memref<40000x64xf32, #tpu.memory_space<hbm>> -> memref<40000x64xf32, #tpu.memory_space<hbm>>
    tpu.enqueue_indirect_dma source(%dma_start3A_17 : memref<40000x64xf32, #tpu.memory_space<hbm>>) target(%arg13 : memref<400x64xf32, #tpu.memory_space<vmem>>) offsets(%dma_start3A_14 : memref<400xi32, #tpu.memory_space<vmem>>) semaphore(%arg18 : memref<!tpu.dma_semaphore, #tpu.memory_space<semaphore_mem>>)
    %dma_wait3A = arith.constant 0 : i32
    %dma_wait3A_18 = tpu.memref_slice %arg10[%dma_wait3A] : memref<10000xi32, #tpu.memory_space<vmem>> -> memref<400xi32, #tpu.memory_space<vmem>>
    %dma_wait3A_19 = arith.constant 0 : i32
    %dma_wait3A_20 = arith.constant 0 : i32
    %dma_wait3A_21 = tpu.memref_slice %arg2[%dma_wait3A_19, %dma_wait3A_20] : memref<40000x64xf32, #tpu.memory_space<hbm>> -> memref<40000x64xf32, #tpu.memory_space<hbm>>
    tpu.wait_indirect_dma semaphore(%arg17 : memref<!tpu.dma_semaphore, #tpu.memory_space<semaphore_mem>>) src(%dma_wait3A_21 : memref<40000x64xf32, #tpu.memory_space<hbm>>) dst(%arg12 : memref<400x64xf32, #tpu.memory_space<vmem>>)
    %run_scoped3A_22 = arith.constant 0 : i32
    "tpu.region"() ({
      %run_scoped3A_413 = tpu.sem_alloc : memref<!tpu.dma_semaphore, #tpu.memory_space<semaphore_mem>>
      %dma_start3A_414 = arith.constant 0 : i32
      %dma_start3A_415 = tpu.memref_slice %arg11[%run_scoped3A_22, %dma_start3A_414] : memref<25x400xi32, #tpu.memory_space<vmem>> -> memref<1x400xi32, #tpu.memory_space<vmem>>
      %dma_start3A_416 = tpu.memref_squeeze %dma_start3A_415 : memref<1x400xi32, #tpu.memory_space<vmem>> -> memref<400xi32, #tpu.memory_space<vmem>>
      %dma_start3A_417 = arith.constant 0 : i32
      %dma_start3A_418 = arith.constant 0 : i32
      %dma_start3A_419 = tpu.memref_slice %arg15[%dma_start3A_417, %dma_start3A_418] : memref<10240x64xf32, #tpu.memory_space<vmem_shared>> -> memref<10240x64xf32, #tpu.memory_space<vmem_shared>>
      tpu.enqueue_indirect_dma source(%arg12 : memref<400x64xf32, #tpu.memory_space<vmem>>) target(%dma_start3A_419 : memref<10240x64xf32, #tpu.memory_space<vmem_shared>>) offsets(%dma_start3A_416 : memref<400xi32, #tpu.memory_space<vmem>>) semaphore(%run_scoped3A_413 : memref<!tpu.dma_semaphore, #tpu.memory_space<semaphore_mem>>) {add = true}
      %dma_wait3A_420 = arith.constant 0 : i32
      %dma_wait3A_421 = tpu.memref_slice %arg11[%run_scoped3A_22, %dma_wait3A_420] : memref<25x400xi32, #tpu.memory_space<vmem>> -> memref<1x400xi32, #tpu.memory_space<vmem>>
      %dma_wait3A_422 = tpu.memref_squeeze %dma_wait3A_421 : memref<1x400xi32, #tpu.memory_space<vmem>> -> memref<400xi32, #tpu.memory_space<vmem>>
      %dma_wait3A_423 = arith.constant 0 : i32
      %dma_wait3A_424 = arith.constant 0 : i32
      %dma_wait3A_425 = tpu.memref_slice %arg15[%dma_wait3A_423, %dma_wait3A_424] : memref<10240x64xf32, #tpu.memory_space<vmem_shared>> -> memref<10240x64xf32, #tpu.memory_space<vmem_shared>>
      tpu.wait_indirect_dma semaphore(%run_scoped3A_413 : memref<!tpu.dma_semaphore, #tpu.memory_space<semaphore_mem>>) src(%arg12 : memref<400x64xf32, #tpu.memory_space<vmem>>) dst(%dma_wait3A_425 : memref<10240x64xf32, #tpu.memory_space<vmem_shared>>)
      tpu.yield
    }) : () -> ()
    %eq3A = arith.constant 0 : i32
    %eq3A_23 = arith.cmpi eq, %arg0, %eq3A : i32
    %convert_element_type3A = arith.extui %eq3A_23 : i1 to i32
    %cond3A = arith.constant 0 : i32
    %cond3A_24 = arith.cmpi ne, %convert_element_type3A, %cond3A : i32
    scf.if %cond3A_24 {
      %run_scoped3A_413 = arith.constant 0 : i32
      "tpu.region"() ({
        %run_scoped3A_414 = tpu.sem_alloc : memref<!tpu.dma_semaphore, #tpu.memory_space<semaphore_mem>>
        %dma_start3A_415 = arith.constant 0 : i32
        %dma_start3A_416 = tpu.memref_slice %arg11[%run_scoped3A_413, %dma_start3A_415] : memref<25x400xi32, #tpu.memory_space<vmem>> -> memref<1x400xi32, #tpu.memory_space<vmem>>
        %dma_start3A_417 = tpu.memref_squeeze %dma_start3A_416 : memref<1x400xi32, #tpu.memory_space<vmem>> -> memref<400xi32, #tpu.memory_space<vmem>>
        %dma_start3A_418 = arith.constant 0 : i32
        %dma_start3A_419 = arith.constant 0 : i32
        %dma_start3A_420 = tpu.memref_slice %arg16[%dma_start3A_418, %dma_start3A_419] : memref<10240x8xf32, #tpu.memory_space<vmem_shared>> -> memref<10240x8xf32, #tpu.memory_space<vmem_shared>>
        tpu.enqueue_indirect_dma source(%arg14 : memref<400x8xf32, #tpu.memory_space<vmem>>) target(%dma_start3A_420 : memref<10240x8xf32, #tpu.memory_space<vmem_shared>>) offsets(%dma_start3A_417 : memref<400xi32, #tpu.memory_space<vmem>>) semaphore(%run_scoped3A_414 : memref<!tpu.dma_semaphore, #tpu.memory_space<semaphore_mem>>) {add = true}
        %dma_wait3A_421 = arith.constant 0 : i32
        %dma_wait3A_422 = tpu.memref_slice %arg11[%run_scoped3A_413, %dma_wait3A_421] : memref<25x400xi32, #tpu.memory_space<vmem>> -> memref<1x400xi32, #tpu.memory_space<vmem>>
        %dma_wait3A_423 = tpu.memref_squeeze %dma_wait3A_422 : memref<1x400xi32, #tpu.memory_space<vmem>> -> memref<400xi32, #tpu.memory_space<vmem>>
        %dma_wait3A_424 = arith.constant 0 : i32
        %dma_wait3A_425 = arith.constant 0 : i32
        %dma_wait3A_426 = tpu.memref_slice %arg16[%dma_wait3A_424, %dma_wait3A_425] : memref<10240x8xf32, #tpu.memory_space<vmem_shared>> -> memref<10240x8xf32, #tpu.memory_space<vmem_shared>>
        tpu.wait_indirect_dma semaphore(%run_scoped3A_414 : memref<!tpu.dma_semaphore, #tpu.memory_space<semaphore_mem>>) src(%arg14 : memref<400x8xf32, #tpu.memory_space<vmem>>) dst(%dma_wait3A_426 : memref<10240x8xf32, #tpu.memory_space<vmem_shared>>)
        tpu.yield
      }) : () -> ()
    } else {
    }
    %dma_start3A_25 = arith.constant 800 : i32
    %dma_start3A_26 = tpu.memref_slice %arg10[%dma_start3A_25] : memref<10000xi32, #tpu.memory_space<vmem>> -> memref<400xi32, #tpu.memory_space<vmem>>
    %dma_start3A_27 = arith.constant 0 : i32
    %dma_start3A_28 = arith.constant 0 : i32
    %dma_start3A_29 = tpu.memref_slice %arg2[%dma_start3A_27, %dma_start3A_28] : memref<40000x64xf32, #tpu.memory_space<hbm>> -> memref<40000x64xf32, #tpu.memory_space<hbm>>
    tpu.enqueue_indirect_dma source(%dma_start3A_29 : memref<40000x64xf32, #tpu.memory_space<hbm>>) target(%arg12 : memref<400x64xf32, #tpu.memory_space<vmem>>) offsets(%dma_start3A_26 : memref<400xi32, #tpu.memory_space<vmem>>) semaphore(%arg17 : memref<!tpu.dma_semaphore, #tpu.memory_space<semaphore_mem>>)
    %dma_wait3A_30 = arith.constant 400 : i32
    %dma_wait3A_31 = tpu.memref_slice %arg10[%dma_wait3A_30] : memref<10000xi32, #tpu.memory_space<vmem>> -> memref<400xi32, #tpu.memory_space<vmem>>
    %dma_wait3A_32 = arith.constant 0 : i32
    %dma_wait3A_33 = arith.constant 0 : i32
    %dma_wait3A_34 = tpu.memref_slice %arg2[%dma_wait3A_32, %dma_wait3A_33] : memref<40000x64xf32, #tpu.memory_space<hbm>> -> memref<40000x64xf32, #tpu.memory_space<hbm>>
    tpu.wait_indirect_dma semaphore(%arg18 : memref<!tpu.dma_semaphore, #tpu.memory_space<semaphore_mem>>) src(%dma_wait3A_34 : memref<40000x64xf32, #tpu.memory_space<hbm>>) dst(%arg13 : memref<400x64xf32, #tpu.memory_space<vmem>>)
    %run_scoped3A_35 = arith.constant 1 : i32
    "tpu.region"() ({
      %run_scoped3A_413 = tpu.sem_alloc : memref<!tpu.dma_semaphore, #tpu.memory_space<semaphore_mem>>
      %dma_start3A_414 = arith.constant 0 : i32
      %dma_start3A_415 = tpu.memref_slice %arg11[%run_scoped3A_35, %dma_start3A_414] : memref<25x400xi32, #tpu.memory_space<vmem>> -> memref<1x400xi32, #tpu.memory_space<vmem>>
      %dma_start3A_416 = tpu.memref_squeeze %dma_start3A_415 : memref<1x400xi32, #tpu.memory_space<vmem>> -> memref<400xi32, #tpu.memory_space<vmem>>
      %dma_start3A_417 = arith.constant 0 : i32
      %dma_start3A_418 = arith.constant 0 : i32
      %dma_start3A_419 = tpu.memref_slice %arg15[%dma_start3A_417, %dma_start3A_418] : memref<10240x64xf32, #tpu.memory_space<vmem_shared>> -> memref<10240x64xf32, #tpu.memory_space<vmem_shared>>
      tpu.enqueue_indirect_dma source(%arg13 : memref<400x64xf32, #tpu.memory_space<vmem>>) target(%dma_start3A_419 : memref<10240x64xf32, #tpu.memory_space<vmem_shared>>) offsets(%dma_start3A_416 : memref<400xi32, #tpu.memory_space<vmem>>) semaphore(%run_scoped3A_413 : memref<!tpu.dma_semaphore, #tpu.memory_space<semaphore_mem>>) {add = true}
      %dma_wait3A_420 = arith.constant 0 : i32
      %dma_wait3A_421 = tpu.memref_slice %arg11[%run_scoped3A_35, %dma_wait3A_420] : memref<25x400xi32, #tpu.memory_space<vmem>> -> memref<1x400xi32, #tpu.memory_space<vmem>>
      %dma_wait3A_422 = tpu.memref_squeeze %dma_wait3A_421 : memref<1x400xi32, #tpu.memory_space<vmem>> -> memref<400xi32, #tpu.memory_space<vmem>>
      %dma_wait3A_423 = arith.constant 0 : i32
      %dma_wait3A_424 = arith.constant 0 : i32
      %dma_wait3A_425 = tpu.memref_slice %arg15[%dma_wait3A_423, %dma_wait3A_424] : memref<10240x64xf32, #tpu.memory_space<vmem_shared>> -> memref<10240x64xf32, #tpu.memory_space<vmem_shared>>
      tpu.wait_indirect_dma semaphore(%run_scoped3A_413 : memref<!tpu.dma_semaphore, #tpu.memory_space<semaphore_mem>>) src(%arg13 : memref<400x64xf32, #tpu.memory_space<vmem>>) dst(%dma_wait3A_425 : memref<10240x64xf32, #tpu.memory_space<vmem_shared>>)
      tpu.yield
    }) : () -> ()
    %eq3A_36 = arith.constant 1 : i32
    %eq3A_37 = arith.cmpi eq, %arg0, %eq3A_36 : i32
    %convert_element_type3A_38 = arith.extui %eq3A_37 : i1 to i32
    %cond3A_39 = arith.constant 0 : i32
    %cond3A_40 = arith.cmpi ne, %convert_element_type3A_38, %cond3A_39 : i32
    scf.if %cond3A_40 {
      %run_scoped3A_413 = arith.constant 1 : i32
      "tpu.region"() ({
        %run_scoped3A_414 = tpu.sem_alloc : memref<!tpu.dma_semaphore, #tpu.memory_space<semaphore_mem>>
        %dma_start3A_415 = arith.constant 0 : i32
        %dma_start3A_416 = tpu.memref_slice %arg11[%run_scoped3A_413, %dma_start3A_415] : memref<25x400xi32, #tpu.memory_space<vmem>> -> memref<1x400xi32, #tpu.memory_space<vmem>>
        %dma_start3A_417 = tpu.memref_squeeze %dma_start3A_416 : memref<1x400xi32, #tpu.memory_space<vmem>> -> memref<400xi32, #tpu.memory_space<vmem>>
        %dma_start3A_418 = arith.constant 0 : i32
        %dma_start3A_419 = arith.constant 0 : i32
        %dma_start3A_420 = tpu.memref_slice %arg16[%dma_start3A_418, %dma_start3A_419] : memref<10240x8xf32, #tpu.memory_space<vmem_shared>> -> memref<10240x8xf32, #tpu.memory_space<vmem_shared>>
        tpu.enqueue_indirect_dma source(%arg14 : memref<400x8xf32, #tpu.memory_space<vmem>>) target(%dma_start3A_420 : memref<10240x8xf32, #tpu.memory_space<vmem_shared>>) offsets(%dma_start3A_417 : memref<400xi32, #tpu.memory_space<vmem>>) semaphore(%run_scoped3A_414 : memref<!tpu.dma_semaphore, #tpu.memory_space<semaphore_mem>>) {add = true}
        %dma_wait3A_421 = arith.constant 0 : i32
        %dma_wait3A_422 = tpu.memref_slice %arg11[%run_scoped3A_413, %dma_wait3A_421] : memref<25x400xi32, #tpu.memory_space<vmem>> -> memref<1x400xi32, #tpu.memory_space<vmem>>
        %dma_wait3A_423 = tpu.memref_squeeze %dma_wait3A_422 : memref<1x400xi32, #tpu.memory_space<vmem>> -> memref<400xi32, #tpu.memory_space<vmem>>
        %dma_wait3A_424 = arith.constant 0 : i32
        %dma_wait3A_425 = arith.constant 0 : i32
        %dma_wait3A_426 = tpu.memref_slice %arg16[%dma_wait3A_424, %dma_wait3A_425] : memref<10240x8xf32, #tpu.memory_space<vmem_shared>> -> memref<10240x8xf32, #tpu.memory_space<vmem_shared>>
        tpu.wait_indirect_dma semaphore(%run_scoped3A_414 : memref<!tpu.dma_semaphore, #tpu.memory_space<semaphore_mem>>) src(%arg14 : memref<400x8xf32, #tpu.memory_space<vmem>>) dst(%dma_wait3A_426 : memref<10240x8xf32, #tpu.memory_space<vmem_shared>>)
        tpu.yield
      }) : () -> ()
    } else {
    }
    %dma_start3A_41 = arith.constant 1200 : i32
    %dma_start3A_42 = tpu.memref_slice %arg10[%dma_start3A_41] : memref<10000xi32, #tpu.memory_space<vmem>> -> memref<400xi32, #tpu.memory_space<vmem>>
    %dma_start3A_43 = arith.constant 0 : i32
    %dma_start3A_44 = arith.constant 0 : i32
    %dma_start3A_45 = tpu.memref_slice %arg2[%dma_start3A_43, %dma_start3A_44] : memref<40000x64xf32, #tpu.memory_space<hbm>> -> memref<40000x64xf32, #tpu.memory_space<hbm>>
    tpu.enqueue_indirect_dma source(%dma_start3A_45 : memref<40000x64xf32, #tpu.memory_space<hbm>>) target(%arg13 : memref<400x64xf32, #tpu.memory_space<vmem>>) offsets(%dma_start3A_42 : memref<400xi32, #tpu.memory_space<vmem>>) semaphore(%arg18 : memref<!tpu.dma_semaphore, #tpu.memory_space<semaphore_mem>>)
    %dma_wait3A_46 = arith.constant 800 : i32
    %dma_wait3A_47 = tpu.memref_slice %arg10[%dma_wait3A_46] : memref<10000xi32, #tpu.memory_space<vmem>> -> memref<400xi32, #tpu.memory_space<vmem>>
    %dma_wait3A_48 = arith.constant 0 : i32
    %dma_wait3A_49 = arith.constant 0 : i32
    %dma_wait3A_50 = tpu.memref_slice %arg2[%dma_wait3A_48, %dma_wait3A_49] : memref<40000x64xf32, #tpu.memory_space<hbm>> -> memref<40000x64xf32, #tpu.memory_space<hbm>>
    tpu.wait_indirect_dma semaphore(%arg17 : memref<!tpu.dma_semaphore, #tpu.memory_space<semaphore_mem>>) src(%dma_wait3A_50 : memref<40000x64xf32, #tpu.memory_space<hbm>>) dst(%arg12 : memref<400x64xf32, #tpu.memory_space<vmem>>)
    %run_scoped3A_51 = arith.constant 2 : i32
    "tpu.region"() ({
      %run_scoped3A_413 = tpu.sem_alloc : memref<!tpu.dma_semaphore, #tpu.memory_space<semaphore_mem>>
      %dma_start3A_414 = arith.constant 0 : i32
      %dma_start3A_415 = tpu.memref_slice %arg11[%run_scoped3A_51, %dma_start3A_414] : memref<25x400xi32, #tpu.memory_space<vmem>> -> memref<1x400xi32, #tpu.memory_space<vmem>>
      %dma_start3A_416 = tpu.memref_squeeze %dma_start3A_415 : memref<1x400xi32, #tpu.memory_space<vmem>> -> memref<400xi32, #tpu.memory_space<vmem>>
      %dma_start3A_417 = arith.constant 0 : i32
      %dma_start3A_418 = arith.constant 0 : i32
      %dma_start3A_419 = tpu.memref_slice %arg15[%dma_start3A_417, %dma_start3A_418] : memref<10240x64xf32, #tpu.memory_space<vmem_shared>> -> memref<10240x64xf32, #tpu.memory_space<vmem_shared>>
      tpu.enqueue_indirect_dma source(%arg12 : memref<400x64xf32, #tpu.memory_space<vmem>>) target(%dma_start3A_419 : memref<10240x64xf32, #tpu.memory_space<vmem_shared>>) offsets(%dma_start3A_416 : memref<400xi32, #tpu.memory_space<vmem>>) semaphore(%run_scoped3A_413 : memref<!tpu.dma_semaphore, #tpu.memory_space<semaphore_mem>>) {add = true}
      %dma_wait3A_420 = arith.constant 0 : i32
      %dma_wait3A_421 = tpu.memref_slice %arg11[%run_scoped3A_51, %dma_wait3A_420] : memref<25x400xi32, #tpu.memory_space<vmem>> -> memref<1x400xi32, #tpu.memory_space<vmem>>
      %dma_wait3A_422 = tpu.memref_squeeze %dma_wait3A_421 : memref<1x400xi32, #tpu.memory_space<vmem>> -> memref<400xi32, #tpu.memory_space<vmem>>
      %dma_wait3A_423 = arith.constant 0 : i32
      %dma_wait3A_424 = arith.constant 0 : i32
      %dma_wait3A_425 = tpu.memref_slice %arg15[%dma_wait3A_423, %dma_wait3A_424] : memref<10240x64xf32, #tpu.memory_space<vmem_shared>> -> memref<10240x64xf32, #tpu.memory_space<vmem_shared>>
      tpu.wait_indirect_dma semaphore(%run_scoped3A_413 : memref<!tpu.dma_semaphore, #tpu.memory_space<semaphore_mem>>) src(%arg12 : memref<400x64xf32, #tpu.memory_space<vmem>>) dst(%dma_wait3A_425 : memref<10240x64xf32, #tpu.memory_space<vmem_shared>>)
      tpu.yield
    }) : () -> ()
    %eq3A_52 = arith.constant 0 : i32
    %eq3A_53 = arith.cmpi eq, %arg0, %eq3A_52 : i32
    %convert_element_type3A_54 = arith.extui %eq3A_53 : i1 to i32
    %cond3A_55 = arith.constant 0 : i32
    %cond3A_56 = arith.cmpi ne, %convert_element_type3A_54, %cond3A_55 : i32
    scf.if %cond3A_56 {
      %run_scoped3A_413 = arith.constant 2 : i32
      "tpu.region"() ({
        %run_scoped3A_414 = tpu.sem_alloc : memref<!tpu.dma_semaphore, #tpu.memory_space<semaphore_mem>>
        %dma_start3A_415 = arith.constant 0 : i32
        %dma_start3A_416 = tpu.memref_slice %arg11[%run_scoped3A_413, %dma_start3A_415] : memref<25x400xi32, #tpu.memory_space<vmem>> -> memref<1x400xi32, #tpu.memory_space<vmem>>
        %dma_start3A_417 = tpu.memref_squeeze %dma_start3A_416 : memref<1x400xi32, #tpu.memory_space<vmem>> -> memref<400xi32, #tpu.memory_space<vmem>>
        %dma_start3A_418 = arith.constant 0 : i32
        %dma_start3A_419 = arith.constant 0 : i32
        %dma_start3A_420 = tpu.memref_slice %arg16[%dma_start3A_418, %dma_start3A_419] : memref<10240x8xf32, #tpu.memory_space<vmem_shared>> -> memref<10240x8xf32, #tpu.memory_space<vmem_shared>>
        tpu.enqueue_indirect_dma source(%arg14 : memref<400x8xf32, #tpu.memory_space<vmem>>) target(%dma_start3A_420 : memref<10240x8xf32, #tpu.memory_space<vmem_shared>>) offsets(%dma_start3A_417 : memref<400xi32, #tpu.memory_space<vmem>>) semaphore(%run_scoped3A_414 : memref<!tpu.dma_semaphore, #tpu.memory_space<semaphore_mem>>) {add = true}
        %dma_wait3A_421 = arith.constant 0 : i32
        %dma_wait3A_422 = tpu.memref_slice %arg11[%run_scoped3A_413, %dma_wait3A_421] : memref<25x400xi32, #tpu.memory_space<vmem>> -> memref<1x400xi32, #tpu.memory_space<vmem>>
        %dma_wait3A_423 = tpu.memref_squeeze %dma_wait3A_422 : memref<1x400xi32, #tpu.memory_space<vmem>> -> memref<400xi32, #tpu.memory_space<vmem>>
        %dma_wait3A_424 = arith.constant 0 : i32
        %dma_wait3A_425 = arith.constant 0 : i32
        %dma_wait3A_426 = tpu.memref_slice %arg16[%dma_wait3A_424, %dma_wait3A_425] : memref<10240x8xf32, #tpu.memory_space<vmem_shared>> -> memref<10240x8xf32, #tpu.memory_space<vmem_shared>>
        tpu.wait_indirect_dma semaphore(%run_scoped3A_414 : memref<!tpu.dma_semaphore, #tpu.memory_space<semaphore_mem>>) src(%arg14 : memref<400x8xf32, #tpu.memory_space<vmem>>) dst(%dma_wait3A_426 : memref<10240x8xf32, #tpu.memory_space<vmem_shared>>)
        tpu.yield
      }) : () -> ()
    } else {
    }
    %dma_start3A_57 = arith.constant 1600 : i32
    %dma_start3A_58 = tpu.memref_slice %arg10[%dma_start3A_57] : memref<10000xi32, #tpu.memory_space<vmem>> -> memref<400xi32, #tpu.memory_space<vmem>>
    %dma_start3A_59 = arith.constant 0 : i32
    %dma_start3A_60 = arith.constant 0 : i32
    %dma_start3A_61 = tpu.memref_slice %arg2[%dma_start3A_59, %dma_start3A_60] : memref<40000x64xf32, #tpu.memory_space<hbm>> -> memref<40000x64xf32, #tpu.memory_space<hbm>>
    tpu.enqueue_indirect_dma source(%dma_start3A_61 : memref<40000x64xf32, #tpu.memory_space<hbm>>) target(%arg12 : memref<400x64xf32, #tpu.memory_space<vmem>>) offsets(%dma_start3A_58 : memref<400xi32, #tpu.memory_space<vmem>>) semaphore(%arg17 : memref<!tpu.dma_semaphore, #tpu.memory_space<semaphore_mem>>)
    %dma_wait3A_62 = arith.constant 1200 : i32
    %dma_wait3A_63 = tpu.memref_slice %arg10[%dma_wait3A_62] : memref<10000xi32, #tpu.memory_space<vmem>> -> memref<400xi32, #tpu.memory_space<vmem>>
    %dma_wait3A_64 = arith.constant 0 : i32
    %dma_wait3A_65 = arith.constant 0 : i32
    %dma_wait3A_66 = tpu.memref_slice %arg2[%dma_wait3A_64, %dma_wait3A_65] : memref<40000x64xf32, #tpu.memory_space<hbm>> -> memref<40000x64xf32, #tpu.memory_space<hbm>>
    tpu.wait_indirect_dma semaphore(%arg18 : memref<!tpu.dma_semaphore, #tpu.memory_space<semaphore_mem>>) src(%dma_wait3A_66 : memref<40000x64xf32, #tpu.memory_space<hbm>>) dst(%arg13 : memref<400x64xf32, #tpu.memory_space<vmem>>)
    %run_scoped3A_67 = arith.constant 3 : i32
    "tpu.region"() ({
      %run_scoped3A_413 = tpu.sem_alloc : memref<!tpu.dma_semaphore, #tpu.memory_space<semaphore_mem>>
      %dma_start3A_414 = arith.constant 0 : i32
      %dma_start3A_415 = tpu.memref_slice %arg11[%run_scoped3A_67, %dma_start3A_414] : memref<25x400xi32, #tpu.memory_space<vmem>> -> memref<1x400xi32, #tpu.memory_space<vmem>>
      %dma_start3A_416 = tpu.memref_squeeze %dma_start3A_415 : memref<1x400xi32, #tpu.memory_space<vmem>> -> memref<400xi32, #tpu.memory_space<vmem>>
      %dma_start3A_417 = arith.constant 0 : i32
      %dma_start3A_418 = arith.constant 0 : i32
      %dma_start3A_419 = tpu.memref_slice %arg15[%dma_start3A_417, %dma_start3A_418] : memref<10240x64xf32, #tpu.memory_space<vmem_shared>> -> memref<10240x64xf32, #tpu.memory_space<vmem_shared>>
      tpu.enqueue_indirect_dma source(%arg13 : memref<400x64xf32, #tpu.memory_space<vmem>>) target(%dma_start3A_419 : memref<10240x64xf32, #tpu.memory_space<vmem_shared>>) offsets(%dma_start3A_416 : memref<400xi32, #tpu.memory_space<vmem>>) semaphore(%run_scoped3A_413 : memref<!tpu.dma_semaphore, #tpu.memory_space<semaphore_mem>>) {add = true}
      %dma_wait3A_420 = arith.constant 0 : i32
      %dma_wait3A_421 = tpu.memref_slice %arg11[%run_scoped3A_67, %dma_wait3A_420] : memref<25x400xi32, #tpu.memory_space<vmem>> -> memref<1x400xi32, #tpu.memory_space<vmem>>
      %dma_wait3A_422 = tpu.memref_squeeze %dma_wait3A_421 : memref<1x400xi32, #tpu.memory_space<vmem>> -> memref<400xi32, #tpu.memory_space<vmem>>
      %dma_wait3A_423 = arith.constant 0 : i32
      %dma_wait3A_424 = arith.constant 0 : i32
      %dma_wait3A_425 = tpu.memref_slice %arg15[%dma_wait3A_423, %dma_wait3A_424] : memref<10240x64xf32, #tpu.memory_space<vmem_shared>> -> memref<10240x64xf32, #tpu.memory_space<vmem_shared>>
      tpu.wait_indirect_dma semaphore(%run_scoped3A_413 : memref<!tpu.dma_semaphore, #tpu.memory_space<semaphore_mem>>) src(%arg13 : memref<400x64xf32, #tpu.memory_space<vmem>>) dst(%dma_wait3A_425 : memref<10240x64xf32, #tpu.memory_space<vmem_shared>>)
      tpu.yield
    }) : () -> ()
    %eq3A_68 = arith.constant 1 : i32
    %eq3A_69 = arith.cmpi eq, %arg0, %eq3A_68 : i32
    %convert_element_type3A_70 = arith.extui %eq3A_69 : i1 to i32
    %cond3A_71 = arith.constant 0 : i32
    %cond3A_72 = arith.cmpi ne, %convert_element_type3A_70, %cond3A_71 : i32
    scf.if %cond3A_72 {
      %run_scoped3A_413 = arith.constant 3 : i32
      "tpu.region"() ({
        %run_scoped3A_414 = tpu.sem_alloc : memref<!tpu.dma_semaphore, #tpu.memory_space<semaphore_mem>>
        %dma_start3A_415 = arith.constant 0 : i32
        %dma_start3A_416 = tpu.memref_slice %arg11[%run_scoped3A_413, %dma_start3A_415] : memref<25x400xi32, #tpu.memory_space<vmem>> -> memref<1x400xi32, #tpu.memory_space<vmem>>
        %dma_start3A_417 = tpu.memref_squeeze %dma_start3A_416 : memref<1x400xi32, #tpu.memory_space<vmem>> -> memref<400xi32, #tpu.memory_space<vmem>>
        %dma_start3A_418 = arith.constant 0 : i32
        %dma_start3A_419 = arith.constant 0 : i32
        %dma_start3A_420 = tpu.memref_slice %arg16[%dma_start3A_418, %dma_start3A_419] : memref<10240x8xf32, #tpu.memory_space<vmem_shared>> -> memref<10240x8xf32, #tpu.memory_space<vmem_shared>>
        tpu.enqueue_indirect_dma source(%arg14 : memref<400x8xf32, #tpu.memory_space<vmem>>) target(%dma_start3A_420 : memref<10240x8xf32, #tpu.memory_space<vmem_shared>>) offsets(%dma_start3A_417 : memref<400xi32, #tpu.memory_space<vmem>>) semaphore(%run_scoped3A_414 : memref<!tpu.dma_semaphore, #tpu.memory_space<semaphore_mem>>) {add = true}
        %dma_wait3A_421 = arith.constant 0 : i32
        %dma_wait3A_422 = tpu.memref_slice %arg11[%run_scoped3A_413, %dma_wait3A_421] : memref<25x400xi32, #tpu.memory_space<vmem>> -> memref<1x400xi32, #tpu.memory_space<vmem>>
        %dma_wait3A_423 = tpu.memref_squeeze %dma_wait3A_422 : memref<1x400xi32, #tpu.memory_space<vmem>> -> memref<400xi32, #tpu.memory_space<vmem>>
        %dma_wait3A_424 = arith.constant 0 : i32
        %dma_wait3A_425 = arith.constant 0 : i32
        %dma_wait3A_426 = tpu.memref_slice %arg16[%dma_wait3A_424, %dma_wait3A_425] : memref<10240x8xf32, #tpu.memory_space<vmem_shared>> -> memref<10240x8xf32, #tpu.memory_space<vmem_shared>>
        tpu.wait_indirect_dma semaphore(%run_scoped3A_414 : memref<!tpu.dma_semaphore, #tpu.memory_space<semaphore_mem>>) src(%arg14 : memref<400x8xf32, #tpu.memory_space<vmem>>) dst(%dma_wait3A_426 : memref<10240x8xf32, #tpu.memory_space<vmem_shared>>)
        tpu.yield
      }) : () -> ()
    } else {
    }
    %dma_start3A_73 = arith.constant 2000 : i32
    %dma_start3A_74 = tpu.memref_slice %arg10[%dma_start3A_73] : memref<10000xi32, #tpu.memory_space<vmem>> -> memref<400xi32, #tpu.memory_space<vmem>>
    %dma_start3A_75 = arith.constant 0 : i32
    %dma_start3A_76 = arith.constant 0 : i32
    %dma_start3A_77 = tpu.memref_slice %arg2[%dma_start3A_75, %dma_start3A_76] : memref<40000x64xf32, #tpu.memory_space<hbm>> -> memref<40000x64xf32, #tpu.memory_space<hbm>>
    tpu.enqueue_indirect_dma source(%dma_start3A_77 : memref<40000x64xf32, #tpu.memory_space<hbm>>) target(%arg13 : memref<400x64xf32, #tpu.memory_space<vmem>>) offsets(%dma_start3A_74 : memref<400xi32, #tpu.memory_space<vmem>>) semaphore(%arg18 : memref<!tpu.dma_semaphore, #tpu.memory_space<semaphore_mem>>)
    %dma_wait3A_78 = arith.constant 1600 : i32
    %dma_wait3A_79 = tpu.memref_slice %arg10[%dma_wait3A_78] : memref<10000xi32, #tpu.memory_space<vmem>> -> memref<400xi32, #tpu.memory_space<vmem>>
    %dma_wait3A_80 = arith.constant 0 : i32
    %dma_wait3A_81 = arith.constant 0 : i32
    %dma_wait3A_82 = tpu.memref_slice %arg2[%dma_wait3A_80, %dma_wait3A_81] : memref<40000x64xf32, #tpu.memory_space<hbm>> -> memref<40000x64xf32, #tpu.memory_space<hbm>>
    tpu.wait_indirect_dma semaphore(%arg17 : memref<!tpu.dma_semaphore, #tpu.memory_space<semaphore_mem>>) src(%dma_wait3A_82 : memref<40000x64xf32, #tpu.memory_space<hbm>>) dst(%arg12 : memref<400x64xf32, #tpu.memory_space<vmem>>)
    %run_scoped3A_83 = arith.constant 4 : i32
    "tpu.region"() ({
      %run_scoped3A_413 = tpu.sem_alloc : memref<!tpu.dma_semaphore, #tpu.memory_space<semaphore_mem>>
      %dma_start3A_414 = arith.constant 0 : i32
      %dma_start3A_415 = tpu.memref_slice %arg11[%run_scoped3A_83, %dma_start3A_414] : memref<25x400xi32, #tpu.memory_space<vmem>> -> memref<1x400xi32, #tpu.memory_space<vmem>>
      %dma_start3A_416 = tpu.memref_squeeze %dma_start3A_415 : memref<1x400xi32, #tpu.memory_space<vmem>> -> memref<400xi32, #tpu.memory_space<vmem>>
      %dma_start3A_417 = arith.constant 0 : i32
      %dma_start3A_418 = arith.constant 0 : i32
      %dma_start3A_419 = tpu.memref_slice %arg15[%dma_start3A_417, %dma_start3A_418] : memref<10240x64xf32, #tpu.memory_space<vmem_shared>> -> memref<10240x64xf32, #tpu.memory_space<vmem_shared>>
      tpu.enqueue_indirect_dma source(%arg12 : memref<400x64xf32, #tpu.memory_space<vmem>>) target(%dma_start3A_419 : memref<10240x64xf32, #tpu.memory_space<vmem_shared>>) offsets(%dma_start3A_416 : memref<400xi32, #tpu.memory_space<vmem>>) semaphore(%run_scoped3A_413 : memref<!tpu.dma_semaphore, #tpu.memory_space<semaphore_mem>>) {add = true}
      %dma_wait3A_420 = arith.constant 0 : i32
      %dma_wait3A_421 = tpu.memref_slice %arg11[%run_scoped3A_83, %dma_wait3A_420] : memref<25x400xi32, #tpu.memory_space<vmem>> -> memref<1x400xi32, #tpu.memory_space<vmem>>
      %dma_wait3A_422 = tpu.memref_squeeze %dma_wait3A_421 : memref<1x400xi32, #tpu.memory_space<vmem>> -> memref<400xi32, #tpu.memory_space<vmem>>
      %dma_wait3A_423 = arith.constant 0 : i32
      %dma_wait3A_424 = arith.constant 0 : i32
      %dma_wait3A_425 = tpu.memref_slice %arg15[%dma_wait3A_423, %dma_wait3A_424] : memref<10240x64xf32, #tpu.memory_space<vmem_shared>> -> memref<10240x64xf32, #tpu.memory_space<vmem_shared>>
      tpu.wait_indirect_dma semaphore(%run_scoped3A_413 : memref<!tpu.dma_semaphore, #tpu.memory_space<semaphore_mem>>) src(%arg12 : memref<400x64xf32, #tpu.memory_space<vmem>>) dst(%dma_wait3A_425 : memref<10240x64xf32, #tpu.memory_space<vmem_shared>>)
      tpu.yield
    }) : () -> ()
    %eq3A_84 = arith.constant 0 : i32
    %eq3A_85 = arith.cmpi eq, %arg0, %eq3A_84 : i32
    %convert_element_type3A_86 = arith.extui %eq3A_85 : i1 to i32
    %cond3A_87 = arith.constant 0 : i32
    %cond3A_88 = arith.cmpi ne, %convert_element_type3A_86, %cond3A_87 : i32
    scf.if %cond3A_88 {
      %run_scoped3A_413 = arith.constant 4 : i32
      "tpu.region"() ({
        %run_scoped3A_414 = tpu.sem_alloc : memref<!tpu.dma_semaphore, #tpu.memory_space<semaphore_mem>>
        %dma_start3A_415 = arith.constant 0 : i32
        %dma_start3A_416 = tpu.memref_slice %arg11[%run_scoped3A_413, %dma_start3A_415] : memref<25x400xi32, #tpu.memory_space<vmem>> -> memref<1x400xi32, #tpu.memory_space<vmem>>
        %dma_start3A_417 = tpu.memref_squeeze %dma_start3A_416 : memref<1x400xi32, #tpu.memory_space<vmem>> -> memref<400xi32, #tpu.memory_space<vmem>>
        %dma_start3A_418 = arith.constant 0 : i32
        %dma_start3A_419 = arith.constant 0 : i32
        %dma_start3A_420 = tpu.memref_slice %arg16[%dma_start3A_418, %dma_start3A_419] : memref<10240x8xf32, #tpu.memory_space<vmem_shared>> -> memref<10240x8xf32, #tpu.memory_space<vmem_shared>>
        tpu.enqueue_indirect_dma source(%arg14 : memref<400x8xf32, #tpu.memory_space<vmem>>) target(%dma_start3A_420 : memref<10240x8xf32, #tpu.memory_space<vmem_shared>>) offsets(%dma_start3A_417 : memref<400xi32, #tpu.memory_space<vmem>>) semaphore(%run_scoped3A_414 : memref<!tpu.dma_semaphore, #tpu.memory_space<semaphore_mem>>) {add = true}
        %dma_wait3A_421 = arith.constant 0 : i32
        %dma_wait3A_422 = tpu.memref_slice %arg11[%run_scoped3A_413, %dma_wait3A_421] : memref<25x400xi32, #tpu.memory_space<vmem>> -> memref<1x400xi32, #tpu.memory_space<vmem>>
        %dma_wait3A_423 = tpu.memref_squeeze %dma_wait3A_422 : memref<1x400xi32, #tpu.memory_space<vmem>> -> memref<400xi32, #tpu.memory_space<vmem>>
        %dma_wait3A_424 = arith.constant 0 : i32
        %dma_wait3A_425 = arith.constant 0 : i32
        %dma_wait3A_426 = tpu.memref_slice %arg16[%dma_wait3A_424, %dma_wait3A_425] : memref<10240x8xf32, #tpu.memory_space<vmem_shared>> -> memref<10240x8xf32, #tpu.memory_space<vmem_shared>>
        tpu.wait_indirect_dma semaphore(%run_scoped3A_414 : memref<!tpu.dma_semaphore, #tpu.memory_space<semaphore_mem>>) src(%arg14 : memref<400x8xf32, #tpu.memory_space<vmem>>) dst(%dma_wait3A_426 : memref<10240x8xf32, #tpu.memory_space<vmem_shared>>)
        tpu.yield
      }) : () -> ()
    } else {
    }
    %dma_start3A_89 = arith.constant 2400 : i32
    %dma_start3A_90 = tpu.memref_slice %arg10[%dma_start3A_89] : memref<10000xi32, #tpu.memory_space<vmem>> -> memref<400xi32, #tpu.memory_space<vmem>>
    %dma_start3A_91 = arith.constant 0 : i32
    %dma_start3A_92 = arith.constant 0 : i32
    %dma_start3A_93 = tpu.memref_slice %arg2[%dma_start3A_91, %dma_start3A_92] : memref<40000x64xf32, #tpu.memory_space<hbm>> -> memref<40000x64xf32, #tpu.memory_space<hbm>>
    tpu.enqueue_indirect_dma source(%dma_start3A_93 : memref<40000x64xf32, #tpu.memory_space<hbm>>) target(%arg12 : memref<400x64xf32, #tpu.memory_space<vmem>>) offsets(%dma_start3A_90 : memref<400xi32, #tpu.memory_space<vmem>>) semaphore(%arg17 : memref<!tpu.dma_semaphore, #tpu.memory_space<semaphore_mem>>)
    %dma_wait3A_94 = arith.constant 2000 : i32
    %dma_wait3A_95 = tpu.memref_slice %arg10[%dma_wait3A_94] : memref<10000xi32, #tpu.memory_space<vmem>> -> memref<400xi32, #tpu.memory_space<vmem>>
    %dma_wait3A_96 = arith.constant 0 : i32
    %dma_wait3A_97 = arith.constant 0 : i32
    %dma_wait3A_98 = tpu.memref_slice %arg2[%dma_wait3A_96, %dma_wait3A_97] : memref<40000x64xf32, #tpu.memory_space<hbm>> -> memref<40000x64xf32, #tpu.memory_space<hbm>>
    tpu.wait_indirect_dma semaphore(%arg18 : memref<!tpu.dma_semaphore, #tpu.memory_space<semaphore_mem>>) src(%dma_wait3A_98 : memref<40000x64xf32, #tpu.memory_space<hbm>>) dst(%arg13 : memref<400x64xf32, #tpu.memory_space<vmem>>)
    %run_scoped3A_99 = arith.constant 5 : i32
    "tpu.region"() ({
      %run_scoped3A_413 = tpu.sem_alloc : memref<!tpu.dma_semaphore, #tpu.memory_space<semaphore_mem>>
      %dma_start3A_414 = arith.constant 0 : i32
      %dma_start3A_415 = tpu.memref_slice %arg11[%run_scoped3A_99, %dma_start3A_414] : memref<25x400xi32, #tpu.memory_space<vmem>> -> memref<1x400xi32, #tpu.memory_space<vmem>>
      %dma_start3A_416 = tpu.memref_squeeze %dma_start3A_415 : memref<1x400xi32, #tpu.memory_space<vmem>> -> memref<400xi32, #tpu.memory_space<vmem>>
      %dma_start3A_417 = arith.constant 0 : i32
      %dma_start3A_418 = arith.constant 0 : i32
      %dma_start3A_419 = tpu.memref_slice %arg15[%dma_start3A_417, %dma_start3A_418] : memref<10240x64xf32, #tpu.memory_space<vmem_shared>> -> memref<10240x64xf32, #tpu.memory_space<vmem_shared>>
      tpu.enqueue_indirect_dma source(%arg13 : memref<400x64xf32, #tpu.memory_space<vmem>>) target(%dma_start3A_419 : memref<10240x64xf32, #tpu.memory_space<vmem_shared>>) offsets(%dma_start3A_416 : memref<400xi32, #tpu.memory_space<vmem>>) semaphore(%run_scoped3A_413 : memref<!tpu.dma_semaphore, #tpu.memory_space<semaphore_mem>>) {add = true}
      %dma_wait3A_420 = arith.constant 0 : i32
      %dma_wait3A_421 = tpu.memref_slice %arg11[%run_scoped3A_99, %dma_wait3A_420] : memref<25x400xi32, #tpu.memory_space<vmem>> -> memref<1x400xi32, #tpu.memory_space<vmem>>
      %dma_wait3A_422 = tpu.memref_squeeze %dma_wait3A_421 : memref<1x400xi32, #tpu.memory_space<vmem>> -> memref<400xi32, #tpu.memory_space<vmem>>
      %dma_wait3A_423 = arith.constant 0 : i32
      %dma_wait3A_424 = arith.constant 0 : i32
      %dma_wait3A_425 = tpu.memref_slice %arg15[%dma_wait3A_423, %dma_wait3A_424] : memref<10240x64xf32, #tpu.memory_space<vmem_shared>> -> memref<10240x64xf32, #tpu.memory_space<vmem_shared>>
      tpu.wait_indirect_dma semaphore(%run_scoped3A_413 : memref<!tpu.dma_semaphore, #tpu.memory_space<semaphore_mem>>) src(%arg13 : memref<400x64xf32, #tpu.memory_space<vmem>>) dst(%dma_wait3A_425 : memref<10240x64xf32, #tpu.memory_space<vmem_shared>>)
      tpu.yield
    }) : () -> ()
    %eq3A_100 = arith.constant 1 : i32
    %eq3A_101 = arith.cmpi eq, %arg0, %eq3A_100 : i32
    %convert_element_type3A_102 = arith.extui %eq3A_101 : i1 to i32
    %cond3A_103 = arith.constant 0 : i32
    %cond3A_104 = arith.cmpi ne, %convert_element_type3A_102, %cond3A_103 : i32
    scf.if %cond3A_104 {
      %run_scoped3A_413 = arith.constant 5 : i32
      "tpu.region"() ({
        %run_scoped3A_414 = tpu.sem_alloc : memref<!tpu.dma_semaphore, #tpu.memory_space<semaphore_mem>>
        %dma_start3A_415 = arith.constant 0 : i32
        %dma_start3A_416 = tpu.memref_slice %arg11[%run_scoped3A_413, %dma_start3A_415] : memref<25x400xi32, #tpu.memory_space<vmem>> -> memref<1x400xi32, #tpu.memory_space<vmem>>
        %dma_start3A_417 = tpu.memref_squeeze %dma_start3A_416 : memref<1x400xi32, #tpu.memory_space<vmem>> -> memref<400xi32, #tpu.memory_space<vmem>>
        %dma_start3A_418 = arith.constant 0 : i32
        %dma_start3A_419 = arith.constant 0 : i32
        %dma_start3A_420 = tpu.memref_slice %arg16[%dma_start3A_418, %dma_start3A_419] : memref<10240x8xf32, #tpu.memory_space<vmem_shared>> -> memref<10240x8xf32, #tpu.memory_space<vmem_shared>>
        tpu.enqueue_indirect_dma source(%arg14 : memref<400x8xf32, #tpu.memory_space<vmem>>) target(%dma_start3A_420 : memref<10240x8xf32, #tpu.memory_space<vmem_shared>>) offsets(%dma_start3A_417 : memref<400xi32, #tpu.memory_space<vmem>>) semaphore(%run_scoped3A_414 : memref<!tpu.dma_semaphore, #tpu.memory_space<semaphore_mem>>) {add = true}
        %dma_wait3A_421 = arith.constant 0 : i32
        %dma_wait3A_422 = tpu.memref_slice %arg11[%run_scoped3A_413, %dma_wait3A_421] : memref<25x400xi32, #tpu.memory_space<vmem>> -> memref<1x400xi32, #tpu.memory_space<vmem>>
        %dma_wait3A_423 = tpu.memref_squeeze %dma_wait3A_422 : memref<1x400xi32, #tpu.memory_space<vmem>> -> memref<400xi32, #tpu.memory_space<vmem>>
        %dma_wait3A_424 = arith.constant 0 : i32
        %dma_wait3A_425 = arith.constant 0 : i32
        %dma_wait3A_426 = tpu.memref_slice %arg16[%dma_wait3A_424, %dma_wait3A_425] : memref<10240x8xf32, #tpu.memory_space<vmem_shared>> -> memref<10240x8xf32, #tpu.memory_space<vmem_shared>>
        tpu.wait_indirect_dma semaphore(%run_scoped3A_414 : memref<!tpu.dma_semaphore, #tpu.memory_space<semaphore_mem>>) src(%arg14 : memref<400x8xf32, #tpu.memory_space<vmem>>) dst(%dma_wait3A_426 : memref<10240x8xf32, #tpu.memory_space<vmem_shared>>)
        tpu.yield
      }) : () -> ()
    } else {
    }
    %dma_start3A_105 = arith.constant 2800 : i32
    %dma_start3A_106 = tpu.memref_slice %arg10[%dma_start3A_105] : memref<10000xi32, #tpu.memory_space<vmem>> -> memref<400xi32, #tpu.memory_space<vmem>>
    %dma_start3A_107 = arith.constant 0 : i32
    %dma_start3A_108 = arith.constant 0 : i32
    %dma_start3A_109 = tpu.memref_slice %arg2[%dma_start3A_107, %dma_start3A_108] : memref<40000x64xf32, #tpu.memory_space<hbm>> -> memref<40000x64xf32, #tpu.memory_space<hbm>>
    tpu.enqueue_indirect_dma source(%dma_start3A_109 : memref<40000x64xf32, #tpu.memory_space<hbm>>) target(%arg13 : memref<400x64xf32, #tpu.memory_space<vmem>>) offsets(%dma_start3A_106 : memref<400xi32, #tpu.memory_space<vmem>>) semaphore(%arg18 : memref<!tpu.dma_semaphore, #tpu.memory_space<semaphore_mem>>)
    %dma_wait3A_110 = arith.constant 2400 : i32
    %dma_wait3A_111 = tpu.memref_slice %arg10[%dma_wait3A_110] : memref<10000xi32, #tpu.memory_space<vmem>> -> memref<400xi32, #tpu.memory_space<vmem>>
    %dma_wait3A_112 = arith.constant 0 : i32
    %dma_wait3A_113 = arith.constant 0 : i32
    %dma_wait3A_114 = tpu.memref_slice %arg2[%dma_wait3A_112, %dma_wait3A_113] : memref<40000x64xf32, #tpu.memory_space<hbm>> -> memref<40000x64xf32, #tpu.memory_space<hbm>>
    tpu.wait_indirect_dma semaphore(%arg17 : memref<!tpu.dma_semaphore, #tpu.memory_space<semaphore_mem>>) src(%dma_wait3A_114 : memref<40000x64xf32, #tpu.memory_space<hbm>>) dst(%arg12 : memref<400x64xf32, #tpu.memory_space<vmem>>)
    %run_scoped3A_115 = arith.constant 6 : i32
    "tpu.region"() ({
      %run_scoped3A_413 = tpu.sem_alloc : memref<!tpu.dma_semaphore, #tpu.memory_space<semaphore_mem>>
      %dma_start3A_414 = arith.constant 0 : i32
      %dma_start3A_415 = tpu.memref_slice %arg11[%run_scoped3A_115, %dma_start3A_414] : memref<25x400xi32, #tpu.memory_space<vmem>> -> memref<1x400xi32, #tpu.memory_space<vmem>>
      %dma_start3A_416 = tpu.memref_squeeze %dma_start3A_415 : memref<1x400xi32, #tpu.memory_space<vmem>> -> memref<400xi32, #tpu.memory_space<vmem>>
      %dma_start3A_417 = arith.constant 0 : i32
      %dma_start3A_418 = arith.constant 0 : i32
      %dma_start3A_419 = tpu.memref_slice %arg15[%dma_start3A_417, %dma_start3A_418] : memref<10240x64xf32, #tpu.memory_space<vmem_shared>> -> memref<10240x64xf32, #tpu.memory_space<vmem_shared>>
      tpu.enqueue_indirect_dma source(%arg12 : memref<400x64xf32, #tpu.memory_space<vmem>>) target(%dma_start3A_419 : memref<10240x64xf32, #tpu.memory_space<vmem_shared>>) offsets(%dma_start3A_416 : memref<400xi32, #tpu.memory_space<vmem>>) semaphore(%run_scoped3A_413 : memref<!tpu.dma_semaphore, #tpu.memory_space<semaphore_mem>>) {add = true}
      %dma_wait3A_420 = arith.constant 0 : i32
      %dma_wait3A_421 = tpu.memref_slice %arg11[%run_scoped3A_115, %dma_wait3A_420] : memref<25x400xi32, #tpu.memory_space<vmem>> -> memref<1x400xi32, #tpu.memory_space<vmem>>
      %dma_wait3A_422 = tpu.memref_squeeze %dma_wait3A_421 : memref<1x400xi32, #tpu.memory_space<vmem>> -> memref<400xi32, #tpu.memory_space<vmem>>
      %dma_wait3A_423 = arith.constant 0 : i32
      %dma_wait3A_424 = arith.constant 0 : i32
      %dma_wait3A_425 = tpu.memref_slice %arg15[%dma_wait3A_423, %dma_wait3A_424] : memref<10240x64xf32, #tpu.memory_space<vmem_shared>> -> memref<10240x64xf32, #tpu.memory_space<vmem_shared>>
      tpu.wait_indirect_dma semaphore(%run_scoped3A_413 : memref<!tpu.dma_semaphore, #tpu.memory_space<semaphore_mem>>) src(%arg12 : memref<400x64xf32, #tpu.memory_space<vmem>>) dst(%dma_wait3A_425 : memref<10240x64xf32, #tpu.memory_space<vmem_shared>>)
      tpu.yield
    }) : () -> ()
    %eq3A_116 = arith.constant 0 : i32
    %eq3A_117 = arith.cmpi eq, %arg0, %eq3A_116 : i32
    %convert_element_type3A_118 = arith.extui %eq3A_117 : i1 to i32
    %cond3A_119 = arith.constant 0 : i32
    %cond3A_120 = arith.cmpi ne, %convert_element_type3A_118, %cond3A_119 : i32
    scf.if %cond3A_120 {
      %run_scoped3A_413 = arith.constant 6 : i32
      "tpu.region"() ({
        %run_scoped3A_414 = tpu.sem_alloc : memref<!tpu.dma_semaphore, #tpu.memory_space<semaphore_mem>>
        %dma_start3A_415 = arith.constant 0 : i32
        %dma_start3A_416 = tpu.memref_slice %arg11[%run_scoped3A_413, %dma_start3A_415] : memref<25x400xi32, #tpu.memory_space<vmem>> -> memref<1x400xi32, #tpu.memory_space<vmem>>
        %dma_start3A_417 = tpu.memref_squeeze %dma_start3A_416 : memref<1x400xi32, #tpu.memory_space<vmem>> -> memref<400xi32, #tpu.memory_space<vmem>>
        %dma_start3A_418 = arith.constant 0 : i32
        %dma_start3A_419 = arith.constant 0 : i32
        %dma_start3A_420 = tpu.memref_slice %arg16[%dma_start3A_418, %dma_start3A_419] : memref<10240x8xf32, #tpu.memory_space<vmem_shared>> -> memref<10240x8xf32, #tpu.memory_space<vmem_shared>>
        tpu.enqueue_indirect_dma source(%arg14 : memref<400x8xf32, #tpu.memory_space<vmem>>) target(%dma_start3A_420 : memref<10240x8xf32, #tpu.memory_space<vmem_shared>>) offsets(%dma_start3A_417 : memref<400xi32, #tpu.memory_space<vmem>>) semaphore(%run_scoped3A_414 : memref<!tpu.dma_semaphore, #tpu.memory_space<semaphore_mem>>) {add = true}
        %dma_wait3A_421 = arith.constant 0 : i32
        %dma_wait3A_422 = tpu.memref_slice %arg11[%run_scoped3A_413, %dma_wait3A_421] : memref<25x400xi32, #tpu.memory_space<vmem>> -> memref<1x400xi32, #tpu.memory_space<vmem>>
        %dma_wait3A_423 = tpu.memref_squeeze %dma_wait3A_422 : memref<1x400xi32, #tpu.memory_space<vmem>> -> memref<400xi32, #tpu.memory_space<vmem>>
        %dma_wait3A_424 = arith.constant 0 : i32
        %dma_wait3A_425 = arith.constant 0 : i32
        %dma_wait3A_426 = tpu.memref_slice %arg16[%dma_wait3A_424, %dma_wait3A_425] : memref<10240x8xf32, #tpu.memory_space<vmem_shared>> -> memref<10240x8xf32, #tpu.memory_space<vmem_shared>>
        tpu.wait_indirect_dma semaphore(%run_scoped3A_414 : memref<!tpu.dma_semaphore, #tpu.memory_space<semaphore_mem>>) src(%arg14 : memref<400x8xf32, #tpu.memory_space<vmem>>) dst(%dma_wait3A_426 : memref<10240x8xf32, #tpu.memory_space<vmem_shared>>)
        tpu.yield
      }) : () -> ()
    } else {
    }
    %dma_start3A_121 = arith.constant 3200 : i32
    %dma_start3A_122 = tpu.memref_slice %arg10[%dma_start3A_121] : memref<10000xi32, #tpu.memory_space<vmem>> -> memref<400xi32, #tpu.memory_space<vmem>>
    %dma_start3A_123 = arith.constant 0 : i32
    %dma_start3A_124 = arith.constant 0 : i32
    %dma_start3A_125 = tpu.memref_slice %arg2[%dma_start3A_123, %dma_start3A_124] : memref<40000x64xf32, #tpu.memory_space<hbm>> -> memref<40000x64xf32, #tpu.memory_space<hbm>>
    tpu.enqueue_indirect_dma source(%dma_start3A_125 : memref<40000x64xf32, #tpu.memory_space<hbm>>) target(%arg12 : memref<400x64xf32, #tpu.memory_space<vmem>>) offsets(%dma_start3A_122 : memref<400xi32, #tpu.memory_space<vmem>>) semaphore(%arg17 : memref<!tpu.dma_semaphore, #tpu.memory_space<semaphore_mem>>)
    %dma_wait3A_126 = arith.constant 2800 : i32
    %dma_wait3A_127 = tpu.memref_slice %arg10[%dma_wait3A_126] : memref<10000xi32, #tpu.memory_space<vmem>> -> memref<400xi32, #tpu.memory_space<vmem>>
    %dma_wait3A_128 = arith.constant 0 : i32
    %dma_wait3A_129 = arith.constant 0 : i32
    %dma_wait3A_130 = tpu.memref_slice %arg2[%dma_wait3A_128, %dma_wait3A_129] : memref<40000x64xf32, #tpu.memory_space<hbm>> -> memref<40000x64xf32, #tpu.memory_space<hbm>>
    tpu.wait_indirect_dma semaphore(%arg18 : memref<!tpu.dma_semaphore, #tpu.memory_space<semaphore_mem>>) src(%dma_wait3A_130 : memref<40000x64xf32, #tpu.memory_space<hbm>>) dst(%arg13 : memref<400x64xf32, #tpu.memory_space<vmem>>)
    %run_scoped3A_131 = arith.constant 7 : i32
    "tpu.region"() ({
      %run_scoped3A_413 = tpu.sem_alloc : memref<!tpu.dma_semaphore, #tpu.memory_space<semaphore_mem>>
      %dma_start3A_414 = arith.constant 0 : i32
      %dma_start3A_415 = tpu.memref_slice %arg11[%run_scoped3A_131, %dma_start3A_414] : memref<25x400xi32, #tpu.memory_space<vmem>> -> memref<1x400xi32, #tpu.memory_space<vmem>>
      %dma_start3A_416 = tpu.memref_squeeze %dma_start3A_415 : memref<1x400xi32, #tpu.memory_space<vmem>> -> memref<400xi32, #tpu.memory_space<vmem>>
      %dma_start3A_417 = arith.constant 0 : i32
      %dma_start3A_418 = arith.constant 0 : i32
      %dma_start3A_419 = tpu.memref_slice %arg15[%dma_start3A_417, %dma_start3A_418] : memref<10240x64xf32, #tpu.memory_space<vmem_shared>> -> memref<10240x64xf32, #tpu.memory_space<vmem_shared>>
      tpu.enqueue_indirect_dma source(%arg13 : memref<400x64xf32, #tpu.memory_space<vmem>>) target(%dma_start3A_419 : memref<10240x64xf32, #tpu.memory_space<vmem_shared>>) offsets(%dma_start3A_416 : memref<400xi32, #tpu.memory_space<vmem>>) semaphore(%run_scoped3A_413 : memref<!tpu.dma_semaphore, #tpu.memory_space<semaphore_mem>>) {add = true}
      %dma_wait3A_420 = arith.constant 0 : i32
      %dma_wait3A_421 = tpu.memref_slice %arg11[%run_scoped3A_131, %dma_wait3A_420] : memref<25x400xi32, #tpu.memory_space<vmem>> -> memref<1x400xi32, #tpu.memory_space<vmem>>
      %dma_wait3A_422 = tpu.memref_squeeze %dma_wait3A_421 : memref<1x400xi32, #tpu.memory_space<vmem>> -> memref<400xi32, #tpu.memory_space<vmem>>
      %dma_wait3A_423 = arith.constant 0 : i32
      %dma_wait3A_424 = arith.constant 0 : i32
      %dma_wait3A_425 = tpu.memref_slice %arg15[%dma_wait3A_423, %dma_wait3A_424] : memref<10240x64xf32, #tpu.memory_space<vmem_shared>> -> memref<10240x64xf32, #tpu.memory_space<vmem_shared>>
      tpu.wait_indirect_dma semaphore(%run_scoped3A_413 : memref<!tpu.dma_semaphore, #tpu.memory_space<semaphore_mem>>) src(%arg13 : memref<400x64xf32, #tpu.memory_space<vmem>>) dst(%dma_wait3A_425 : memref<10240x64xf32, #tpu.memory_space<vmem_shared>>)
      tpu.yield
    }) : () -> ()
    %eq3A_132 = arith.constant 1 : i32
    %eq3A_133 = arith.cmpi eq, %arg0, %eq3A_132 : i32
    %convert_element_type3A_134 = arith.extui %eq3A_133 : i1 to i32
    %cond3A_135 = arith.constant 0 : i32
    %cond3A_136 = arith.cmpi ne, %convert_element_type3A_134, %cond3A_135 : i32
    scf.if %cond3A_136 {
      %run_scoped3A_413 = arith.constant 7 : i32
      "tpu.region"() ({
        %run_scoped3A_414 = tpu.sem_alloc : memref<!tpu.dma_semaphore, #tpu.memory_space<semaphore_mem>>
        %dma_start3A_415 = arith.constant 0 : i32
        %dma_start3A_416 = tpu.memref_slice %arg11[%run_scoped3A_413, %dma_start3A_415] : memref<25x400xi32, #tpu.memory_space<vmem>> -> memref<1x400xi32, #tpu.memory_space<vmem>>
        %dma_start3A_417 = tpu.memref_squeeze %dma_start3A_416 : memref<1x400xi32, #tpu.memory_space<vmem>> -> memref<400xi32, #tpu.memory_space<vmem>>
        %dma_start3A_418 = arith.constant 0 : i32
        %dma_start3A_419 = arith.constant 0 : i32
        %dma_start3A_420 = tpu.memref_slice %arg16[%dma_start3A_418, %dma_start3A_419] : memref<10240x8xf32, #tpu.memory_space<vmem_shared>> -> memref<10240x8xf32, #tpu.memory_space<vmem_shared>>
        tpu.enqueue_indirect_dma source(%arg14 : memref<400x8xf32, #tpu.memory_space<vmem>>) target(%dma_start3A_420 : memref<10240x8xf32, #tpu.memory_space<vmem_shared>>) offsets(%dma_start3A_417 : memref<400xi32, #tpu.memory_space<vmem>>) semaphore(%run_scoped3A_414 : memref<!tpu.dma_semaphore, #tpu.memory_space<semaphore_mem>>) {add = true}
        %dma_wait3A_421 = arith.constant 0 : i32
        %dma_wait3A_422 = tpu.memref_slice %arg11[%run_scoped3A_413, %dma_wait3A_421] : memref<25x400xi32, #tpu.memory_space<vmem>> -> memref<1x400xi32, #tpu.memory_space<vmem>>
        %dma_wait3A_423 = tpu.memref_squeeze %dma_wait3A_422 : memref<1x400xi32, #tpu.memory_space<vmem>> -> memref<400xi32, #tpu.memory_space<vmem>>
        %dma_wait3A_424 = arith.constant 0 : i32
        %dma_wait3A_425 = arith.constant 0 : i32
        %dma_wait3A_426 = tpu.memref_slice %arg16[%dma_wait3A_424, %dma_wait3A_425] : memref<10240x8xf32, #tpu.memory_space<vmem_shared>> -> memref<10240x8xf32, #tpu.memory_space<vmem_shared>>
        tpu.wait_indirect_dma semaphore(%run_scoped3A_414 : memref<!tpu.dma_semaphore, #tpu.memory_space<semaphore_mem>>) src(%arg14 : memref<400x8xf32, #tpu.memory_space<vmem>>) dst(%dma_wait3A_426 : memref<10240x8xf32, #tpu.memory_space<vmem_shared>>)
        tpu.yield
      }) : () -> ()
    } else {
    }
    %dma_start3A_137 = arith.constant 3600 : i32
    %dma_start3A_138 = tpu.memref_slice %arg10[%dma_start3A_137] : memref<10000xi32, #tpu.memory_space<vmem>> -> memref<400xi32, #tpu.memory_space<vmem>>
    %dma_start3A_139 = arith.constant 0 : i32
    %dma_start3A_140 = arith.constant 0 : i32
    %dma_start3A_141 = tpu.memref_slice %arg2[%dma_start3A_139, %dma_start3A_140] : memref<40000x64xf32, #tpu.memory_space<hbm>> -> memref<40000x64xf32, #tpu.memory_space<hbm>>
    tpu.enqueue_indirect_dma source(%dma_start3A_141 : memref<40000x64xf32, #tpu.memory_space<hbm>>) target(%arg13 : memref<400x64xf32, #tpu.memory_space<vmem>>) offsets(%dma_start3A_138 : memref<400xi32, #tpu.memory_space<vmem>>) semaphore(%arg18 : memref<!tpu.dma_semaphore, #tpu.memory_space<semaphore_mem>>)
    %dma_wait3A_142 = arith.constant 3200 : i32
    %dma_wait3A_143 = tpu.memref_slice %arg10[%dma_wait3A_142] : memref<10000xi32, #tpu.memory_space<vmem>> -> memref<400xi32, #tpu.memory_space<vmem>>
    %dma_wait3A_144 = arith.constant 0 : i32
    %dma_wait3A_145 = arith.constant 0 : i32
    %dma_wait3A_146 = tpu.memref_slice %arg2[%dma_wait3A_144, %dma_wait3A_145] : memref<40000x64xf32, #tpu.memory_space<hbm>> -> memref<40000x64xf32, #tpu.memory_space<hbm>>
    tpu.wait_indirect_dma semaphore(%arg17 : memref<!tpu.dma_semaphore, #tpu.memory_space<semaphore_mem>>) src(%dma_wait3A_146 : memref<40000x64xf32, #tpu.memory_space<hbm>>) dst(%arg12 : memref<400x64xf32, #tpu.memory_space<vmem>>)
    %run_scoped3A_147 = arith.constant 8 : i32
    "tpu.region"() ({
      %run_scoped3A_413 = tpu.sem_alloc : memref<!tpu.dma_semaphore, #tpu.memory_space<semaphore_mem>>
      %dma_start3A_414 = arith.constant 0 : i32
      %dma_start3A_415 = tpu.memref_slice %arg11[%run_scoped3A_147, %dma_start3A_414] : memref<25x400xi32, #tpu.memory_space<vmem>> -> memref<1x400xi32, #tpu.memory_space<vmem>>
      %dma_start3A_416 = tpu.memref_squeeze %dma_start3A_415 : memref<1x400xi32, #tpu.memory_space<vmem>> -> memref<400xi32, #tpu.memory_space<vmem>>
      %dma_start3A_417 = arith.constant 0 : i32
      %dma_start3A_418 = arith.constant 0 : i32
      %dma_start3A_419 = tpu.memref_slice %arg15[%dma_start3A_417, %dma_start3A_418] : memref<10240x64xf32, #tpu.memory_space<vmem_shared>> -> memref<10240x64xf32, #tpu.memory_space<vmem_shared>>
      tpu.enqueue_indirect_dma source(%arg12 : memref<400x64xf32, #tpu.memory_space<vmem>>) target(%dma_start3A_419 : memref<10240x64xf32, #tpu.memory_space<vmem_shared>>) offsets(%dma_start3A_416 : memref<400xi32, #tpu.memory_space<vmem>>) semaphore(%run_scoped3A_413 : memref<!tpu.dma_semaphore, #tpu.memory_space<semaphore_mem>>) {add = true}
      %dma_wait3A_420 = arith.constant 0 : i32
      %dma_wait3A_421 = tpu.memref_slice %arg11[%run_scoped3A_147, %dma_wait3A_420] : memref<25x400xi32, #tpu.memory_space<vmem>> -> memref<1x400xi32, #tpu.memory_space<vmem>>
      %dma_wait3A_422 = tpu.memref_squeeze %dma_wait3A_421 : memref<1x400xi32, #tpu.memory_space<vmem>> -> memref<400xi32, #tpu.memory_space<vmem>>
      %dma_wait3A_423 = arith.constant 0 : i32
      %dma_wait3A_424 = arith.constant 0 : i32
      %dma_wait3A_425 = tpu.memref_slice %arg15[%dma_wait3A_423, %dma_wait3A_424] : memref<10240x64xf32, #tpu.memory_space<vmem_shared>> -> memref<10240x64xf32, #tpu.memory_space<vmem_shared>>
      tpu.wait_indirect_dma semaphore(%run_scoped3A_413 : memref<!tpu.dma_semaphore, #tpu.memory_space<semaphore_mem>>) src(%arg12 : memref<400x64xf32, #tpu.memory_space<vmem>>) dst(%dma_wait3A_425 : memref<10240x64xf32, #tpu.memory_space<vmem_shared>>)
      tpu.yield
    }) : () -> ()
    %eq3A_148 = arith.constant 0 : i32
    %eq3A_149 = arith.cmpi eq, %arg0, %eq3A_148 : i32
    %convert_element_type3A_150 = arith.extui %eq3A_149 : i1 to i32
    %cond3A_151 = arith.constant 0 : i32
    %cond3A_152 = arith.cmpi ne, %convert_element_type3A_150, %cond3A_151 : i32
    scf.if %cond3A_152 {
      %run_scoped3A_413 = arith.constant 8 : i32
      "tpu.region"() ({
        %run_scoped3A_414 = tpu.sem_alloc : memref<!tpu.dma_semaphore, #tpu.memory_space<semaphore_mem>>
        %dma_start3A_415 = arith.constant 0 : i32
        %dma_start3A_416 = tpu.memref_slice %arg11[%run_scoped3A_413, %dma_start3A_415] : memref<25x400xi32, #tpu.memory_space<vmem>> -> memref<1x400xi32, #tpu.memory_space<vmem>>
        %dma_start3A_417 = tpu.memref_squeeze %dma_start3A_416 : memref<1x400xi32, #tpu.memory_space<vmem>> -> memref<400xi32, #tpu.memory_space<vmem>>
        %dma_start3A_418 = arith.constant 0 : i32
        %dma_start3A_419 = arith.constant 0 : i32
        %dma_start3A_420 = tpu.memref_slice %arg16[%dma_start3A_418, %dma_start3A_419] : memref<10240x8xf32, #tpu.memory_space<vmem_shared>> -> memref<10240x8xf32, #tpu.memory_space<vmem_shared>>
        tpu.enqueue_indirect_dma source(%arg14 : memref<400x8xf32, #tpu.memory_space<vmem>>) target(%dma_start3A_420 : memref<10240x8xf32, #tpu.memory_space<vmem_shared>>) offsets(%dma_start3A_417 : memref<400xi32, #tpu.memory_space<vmem>>) semaphore(%run_scoped3A_414 : memref<!tpu.dma_semaphore, #tpu.memory_space<semaphore_mem>>) {add = true}
        %dma_wait3A_421 = arith.constant 0 : i32
        %dma_wait3A_422 = tpu.memref_slice %arg11[%run_scoped3A_413, %dma_wait3A_421] : memref<25x400xi32, #tpu.memory_space<vmem>> -> memref<1x400xi32, #tpu.memory_space<vmem>>
        %dma_wait3A_423 = tpu.memref_squeeze %dma_wait3A_422 : memref<1x400xi32, #tpu.memory_space<vmem>> -> memref<400xi32, #tpu.memory_space<vmem>>
        %dma_wait3A_424 = arith.constant 0 : i32
        %dma_wait3A_425 = arith.constant 0 : i32
        %dma_wait3A_426 = tpu.memref_slice %arg16[%dma_wait3A_424, %dma_wait3A_425] : memref<10240x8xf32, #tpu.memory_space<vmem_shared>> -> memref<10240x8xf32, #tpu.memory_space<vmem_shared>>
        tpu.wait_indirect_dma semaphore(%run_scoped3A_414 : memref<!tpu.dma_semaphore, #tpu.memory_space<semaphore_mem>>) src(%arg14 : memref<400x8xf32, #tpu.memory_space<vmem>>) dst(%dma_wait3A_426 : memref<10240x8xf32, #tpu.memory_space<vmem_shared>>)
        tpu.yield
      }) : () -> ()
    } else {
    }
    %dma_start3A_153 = arith.constant 4000 : i32
    %dma_start3A_154 = tpu.memref_slice %arg10[%dma_start3A_153] : memref<10000xi32, #tpu.memory_space<vmem>> -> memref<400xi32, #tpu.memory_space<vmem>>
    %dma_start3A_155 = arith.constant 0 : i32
    %dma_start3A_156 = arith.constant 0 : i32
    %dma_start3A_157 = tpu.memref_slice %arg2[%dma_start3A_155, %dma_start3A_156] : memref<40000x64xf32, #tpu.memory_space<hbm>> -> memref<40000x64xf32, #tpu.memory_space<hbm>>
    tpu.enqueue_indirect_dma source(%dma_start3A_157 : memref<40000x64xf32, #tpu.memory_space<hbm>>) target(%arg12 : memref<400x64xf32, #tpu.memory_space<vmem>>) offsets(%dma_start3A_154 : memref<400xi32, #tpu.memory_space<vmem>>) semaphore(%arg17 : memref<!tpu.dma_semaphore, #tpu.memory_space<semaphore_mem>>)
    %dma_wait3A_158 = arith.constant 3600 : i32
    %dma_wait3A_159 = tpu.memref_slice %arg10[%dma_wait3A_158] : memref<10000xi32, #tpu.memory_space<vmem>> -> memref<400xi32, #tpu.memory_space<vmem>>
    %dma_wait3A_160 = arith.constant 0 : i32
    %dma_wait3A_161 = arith.constant 0 : i32
    %dma_wait3A_162 = tpu.memref_slice %arg2[%dma_wait3A_160, %dma_wait3A_161] : memref<40000x64xf32, #tpu.memory_space<hbm>> -> memref<40000x64xf32, #tpu.memory_space<hbm>>
    tpu.wait_indirect_dma semaphore(%arg18 : memref<!tpu.dma_semaphore, #tpu.memory_space<semaphore_mem>>) src(%dma_wait3A_162 : memref<40000x64xf32, #tpu.memory_space<hbm>>) dst(%arg13 : memref<400x64xf32, #tpu.memory_space<vmem>>)
    %run_scoped3A_163 = arith.constant 9 : i32
    "tpu.region"() ({
      %run_scoped3A_413 = tpu.sem_alloc : memref<!tpu.dma_semaphore, #tpu.memory_space<semaphore_mem>>
      %dma_start3A_414 = arith.constant 0 : i32
      %dma_start3A_415 = tpu.memref_slice %arg11[%run_scoped3A_163, %dma_start3A_414] : memref<25x400xi32, #tpu.memory_space<vmem>> -> memref<1x400xi32, #tpu.memory_space<vmem>>
      %dma_start3A_416 = tpu.memref_squeeze %dma_start3A_415 : memref<1x400xi32, #tpu.memory_space<vmem>> -> memref<400xi32, #tpu.memory_space<vmem>>
      %dma_start3A_417 = arith.constant 0 : i32
      %dma_start3A_418 = arith.constant 0 : i32
      %dma_start3A_419 = tpu.memref_slice %arg15[%dma_start3A_417, %dma_start3A_418] : memref<10240x64xf32, #tpu.memory_space<vmem_shared>> -> memref<10240x64xf32, #tpu.memory_space<vmem_shared>>
      tpu.enqueue_indirect_dma source(%arg13 : memref<400x64xf32, #tpu.memory_space<vmem>>) target(%dma_start3A_419 : memref<10240x64xf32, #tpu.memory_space<vmem_shared>>) offsets(%dma_start3A_416 : memref<400xi32, #tpu.memory_space<vmem>>) semaphore(%run_scoped3A_413 : memref<!tpu.dma_semaphore, #tpu.memory_space<semaphore_mem>>) {add = true}
      %dma_wait3A_420 = arith.constant 0 : i32
      %dma_wait3A_421 = tpu.memref_slice %arg11[%run_scoped3A_163, %dma_wait3A_420] : memref<25x400xi32, #tpu.memory_space<vmem>> -> memref<1x400xi32, #tpu.memory_space<vmem>>
      %dma_wait3A_422 = tpu.memref_squeeze %dma_wait3A_421 : memref<1x400xi32, #tpu.memory_space<vmem>> -> memref<400xi32, #tpu.memory_space<vmem>>
      %dma_wait3A_423 = arith.constant 0 : i32
      %dma_wait3A_424 = arith.constant 0 : i32
      %dma_wait3A_425 = tpu.memref_slice %arg15[%dma_wait3A_423, %dma_wait3A_424] : memref<10240x64xf32, #tpu.memory_space<vmem_shared>> -> memref<10240x64xf32, #tpu.memory_space<vmem_shared>>
      tpu.wait_indirect_dma semaphore(%run_scoped3A_413 : memref<!tpu.dma_semaphore, #tpu.memory_space<semaphore_mem>>) src(%arg13 : memref<400x64xf32, #tpu.memory_space<vmem>>) dst(%dma_wait3A_425 : memref<10240x64xf32, #tpu.memory_space<vmem_shared>>)
      tpu.yield
    }) : () -> ()
    %eq3A_164 = arith.constant 1 : i32
    %eq3A_165 = arith.cmpi eq, %arg0, %eq3A_164 : i32
    %convert_element_type3A_166 = arith.extui %eq3A_165 : i1 to i32
    %cond3A_167 = arith.constant 0 : i32
    %cond3A_168 = arith.cmpi ne, %convert_element_type3A_166, %cond3A_167 : i32
    scf.if %cond3A_168 {
      %run_scoped3A_413 = arith.constant 9 : i32
      "tpu.region"() ({
        %run_scoped3A_414 = tpu.sem_alloc : memref<!tpu.dma_semaphore, #tpu.memory_space<semaphore_mem>>
        %dma_start3A_415 = arith.constant 0 : i32
        %dma_start3A_416 = tpu.memref_slice %arg11[%run_scoped3A_413, %dma_start3A_415] : memref<25x400xi32, #tpu.memory_space<vmem>> -> memref<1x400xi32, #tpu.memory_space<vmem>>
        %dma_start3A_417 = tpu.memref_squeeze %dma_start3A_416 : memref<1x400xi32, #tpu.memory_space<vmem>> -> memref<400xi32, #tpu.memory_space<vmem>>
        %dma_start3A_418 = arith.constant 0 : i32
        %dma_start3A_419 = arith.constant 0 : i32
        %dma_start3A_420 = tpu.memref_slice %arg16[%dma_start3A_418, %dma_start3A_419] : memref<10240x8xf32, #tpu.memory_space<vmem_shared>> -> memref<10240x8xf32, #tpu.memory_space<vmem_shared>>
        tpu.enqueue_indirect_dma source(%arg14 : memref<400x8xf32, #tpu.memory_space<vmem>>) target(%dma_start3A_420 : memref<10240x8xf32, #tpu.memory_space<vmem_shared>>) offsets(%dma_start3A_417 : memref<400xi32, #tpu.memory_space<vmem>>) semaphore(%run_scoped3A_414 : memref<!tpu.dma_semaphore, #tpu.memory_space<semaphore_mem>>) {add = true}
        %dma_wait3A_421 = arith.constant 0 : i32
        %dma_wait3A_422 = tpu.memref_slice %arg11[%run_scoped3A_413, %dma_wait3A_421] : memref<25x400xi32, #tpu.memory_space<vmem>> -> memref<1x400xi32, #tpu.memory_space<vmem>>
        %dma_wait3A_423 = tpu.memref_squeeze %dma_wait3A_422 : memref<1x400xi32, #tpu.memory_space<vmem>> -> memref<400xi32, #tpu.memory_space<vmem>>
        %dma_wait3A_424 = arith.constant 0 : i32
        %dma_wait3A_425 = arith.constant 0 : i32
        %dma_wait3A_426 = tpu.memref_slice %arg16[%dma_wait3A_424, %dma_wait3A_425] : memref<10240x8xf32, #tpu.memory_space<vmem_shared>> -> memref<10240x8xf32, #tpu.memory_space<vmem_shared>>
        tpu.wait_indirect_dma semaphore(%run_scoped3A_414 : memref<!tpu.dma_semaphore, #tpu.memory_space<semaphore_mem>>) src(%arg14 : memref<400x8xf32, #tpu.memory_space<vmem>>) dst(%dma_wait3A_426 : memref<10240x8xf32, #tpu.memory_space<vmem_shared>>)
        tpu.yield
      }) : () -> ()
    } else {
    }
    %dma_start3A_169 = arith.constant 4400 : i32
    %dma_start3A_170 = tpu.memref_slice %arg10[%dma_start3A_169] : memref<10000xi32, #tpu.memory_space<vmem>> -> memref<400xi32, #tpu.memory_space<vmem>>
    %dma_start3A_171 = arith.constant 0 : i32
    %dma_start3A_172 = arith.constant 0 : i32
    %dma_start3A_173 = tpu.memref_slice %arg2[%dma_start3A_171, %dma_start3A_172] : memref<40000x64xf32, #tpu.memory_space<hbm>> -> memref<40000x64xf32, #tpu.memory_space<hbm>>
    tpu.enqueue_indirect_dma source(%dma_start3A_173 : memref<40000x64xf32, #tpu.memory_space<hbm>>) target(%arg13 : memref<400x64xf32, #tpu.memory_space<vmem>>) offsets(%dma_start3A_170 : memref<400xi32, #tpu.memory_space<vmem>>) semaphore(%arg18 : memref<!tpu.dma_semaphore, #tpu.memory_space<semaphore_mem>>)
    %dma_wait3A_174 = arith.constant 4000 : i32
    %dma_wait3A_175 = tpu.memref_slice %arg10[%dma_wait3A_174] : memref<10000xi32, #tpu.memory_space<vmem>> -> memref<400xi32, #tpu.memory_space<vmem>>
    %dma_wait3A_176 = arith.constant 0 : i32
    %dma_wait3A_177 = arith.constant 0 : i32
    %dma_wait3A_178 = tpu.memref_slice %arg2[%dma_wait3A_176, %dma_wait3A_177] : memref<40000x64xf32, #tpu.memory_space<hbm>> -> memref<40000x64xf32, #tpu.memory_space<hbm>>
    tpu.wait_indirect_dma semaphore(%arg17 : memref<!tpu.dma_semaphore, #tpu.memory_space<semaphore_mem>>) src(%dma_wait3A_178 : memref<40000x64xf32, #tpu.memory_space<hbm>>) dst(%arg12 : memref<400x64xf32, #tpu.memory_space<vmem>>)
    %run_scoped3A_179 = arith.constant 10 : i32
    "tpu.region"() ({
      %run_scoped3A_413 = tpu.sem_alloc : memref<!tpu.dma_semaphore, #tpu.memory_space<semaphore_mem>>
      %dma_start3A_414 = arith.constant 0 : i32
      %dma_start3A_415 = tpu.memref_slice %arg11[%run_scoped3A_179, %dma_start3A_414] : memref<25x400xi32, #tpu.memory_space<vmem>> -> memref<1x400xi32, #tpu.memory_space<vmem>>
      %dma_start3A_416 = tpu.memref_squeeze %dma_start3A_415 : memref<1x400xi32, #tpu.memory_space<vmem>> -> memref<400xi32, #tpu.memory_space<vmem>>
      %dma_start3A_417 = arith.constant 0 : i32
      %dma_start3A_418 = arith.constant 0 : i32
      %dma_start3A_419 = tpu.memref_slice %arg15[%dma_start3A_417, %dma_start3A_418] : memref<10240x64xf32, #tpu.memory_space<vmem_shared>> -> memref<10240x64xf32, #tpu.memory_space<vmem_shared>>
      tpu.enqueue_indirect_dma source(%arg12 : memref<400x64xf32, #tpu.memory_space<vmem>>) target(%dma_start3A_419 : memref<10240x64xf32, #tpu.memory_space<vmem_shared>>) offsets(%dma_start3A_416 : memref<400xi32, #tpu.memory_space<vmem>>) semaphore(%run_scoped3A_413 : memref<!tpu.dma_semaphore, #tpu.memory_space<semaphore_mem>>) {add = true}
      %dma_wait3A_420 = arith.constant 0 : i32
      %dma_wait3A_421 = tpu.memref_slice %arg11[%run_scoped3A_179, %dma_wait3A_420] : memref<25x400xi32, #tpu.memory_space<vmem>> -> memref<1x400xi32, #tpu.memory_space<vmem>>
      %dma_wait3A_422 = tpu.memref_squeeze %dma_wait3A_421 : memref<1x400xi32, #tpu.memory_space<vmem>> -> memref<400xi32, #tpu.memory_space<vmem>>
      %dma_wait3A_423 = arith.constant 0 : i32
      %dma_wait3A_424 = arith.constant 0 : i32
      %dma_wait3A_425 = tpu.memref_slice %arg15[%dma_wait3A_423, %dma_wait3A_424] : memref<10240x64xf32, #tpu.memory_space<vmem_shared>> -> memref<10240x64xf32, #tpu.memory_space<vmem_shared>>
      tpu.wait_indirect_dma semaphore(%run_scoped3A_413 : memref<!tpu.dma_semaphore, #tpu.memory_space<semaphore_mem>>) src(%arg12 : memref<400x64xf32, #tpu.memory_space<vmem>>) dst(%dma_wait3A_425 : memref<10240x64xf32, #tpu.memory_space<vmem_shared>>)
      tpu.yield
    }) : () -> ()
    %eq3A_180 = arith.constant 0 : i32
    %eq3A_181 = arith.cmpi eq, %arg0, %eq3A_180 : i32
    %convert_element_type3A_182 = arith.extui %eq3A_181 : i1 to i32
    %cond3A_183 = arith.constant 0 : i32
    %cond3A_184 = arith.cmpi ne, %convert_element_type3A_182, %cond3A_183 : i32
    scf.if %cond3A_184 {
      %run_scoped3A_413 = arith.constant 10 : i32
      "tpu.region"() ({
        %run_scoped3A_414 = tpu.sem_alloc : memref<!tpu.dma_semaphore, #tpu.memory_space<semaphore_mem>>
        %dma_start3A_415 = arith.constant 0 : i32
        %dma_start3A_416 = tpu.memref_slice %arg11[%run_scoped3A_413, %dma_start3A_415] : memref<25x400xi32, #tpu.memory_space<vmem>> -> memref<1x400xi32, #tpu.memory_space<vmem>>
        %dma_start3A_417 = tpu.memref_squeeze %dma_start3A_416 : memref<1x400xi32, #tpu.memory_space<vmem>> -> memref<400xi32, #tpu.memory_space<vmem>>
        %dma_start3A_418 = arith.constant 0 : i32
        %dma_start3A_419 = arith.constant 0 : i32
        %dma_start3A_420 = tpu.memref_slice %arg16[%dma_start3A_418, %dma_start3A_419] : memref<10240x8xf32, #tpu.memory_space<vmem_shared>> -> memref<10240x8xf32, #tpu.memory_space<vmem_shared>>
        tpu.enqueue_indirect_dma source(%arg14 : memref<400x8xf32, #tpu.memory_space<vmem>>) target(%dma_start3A_420 : memref<10240x8xf32, #tpu.memory_space<vmem_shared>>) offsets(%dma_start3A_417 : memref<400xi32, #tpu.memory_space<vmem>>) semaphore(%run_scoped3A_414 : memref<!tpu.dma_semaphore, #tpu.memory_space<semaphore_mem>>) {add = true}
        %dma_wait3A_421 = arith.constant 0 : i32
        %dma_wait3A_422 = tpu.memref_slice %arg11[%run_scoped3A_413, %dma_wait3A_421] : memref<25x400xi32, #tpu.memory_space<vmem>> -> memref<1x400xi32, #tpu.memory_space<vmem>>
        %dma_wait3A_423 = tpu.memref_squeeze %dma_wait3A_422 : memref<1x400xi32, #tpu.memory_space<vmem>> -> memref<400xi32, #tpu.memory_space<vmem>>
        %dma_wait3A_424 = arith.constant 0 : i32
        %dma_wait3A_425 = arith.constant 0 : i32
        %dma_wait3A_426 = tpu.memref_slice %arg16[%dma_wait3A_424, %dma_wait3A_425] : memref<10240x8xf32, #tpu.memory_space<vmem_shared>> -> memref<10240x8xf32, #tpu.memory_space<vmem_shared>>
        tpu.wait_indirect_dma semaphore(%run_scoped3A_414 : memref<!tpu.dma_semaphore, #tpu.memory_space<semaphore_mem>>) src(%arg14 : memref<400x8xf32, #tpu.memory_space<vmem>>) dst(%dma_wait3A_426 : memref<10240x8xf32, #tpu.memory_space<vmem_shared>>)
        tpu.yield
      }) : () -> ()
    } else {
    }
    %dma_start3A_185 = arith.constant 4800 : i32
    %dma_start3A_186 = tpu.memref_slice %arg10[%dma_start3A_185] : memref<10000xi32, #tpu.memory_space<vmem>> -> memref<400xi32, #tpu.memory_space<vmem>>
    %dma_start3A_187 = arith.constant 0 : i32
    %dma_start3A_188 = arith.constant 0 : i32
    %dma_start3A_189 = tpu.memref_slice %arg2[%dma_start3A_187, %dma_start3A_188] : memref<40000x64xf32, #tpu.memory_space<hbm>> -> memref<40000x64xf32, #tpu.memory_space<hbm>>
    tpu.enqueue_indirect_dma source(%dma_start3A_189 : memref<40000x64xf32, #tpu.memory_space<hbm>>) target(%arg12 : memref<400x64xf32, #tpu.memory_space<vmem>>) offsets(%dma_start3A_186 : memref<400xi32, #tpu.memory_space<vmem>>) semaphore(%arg17 : memref<!tpu.dma_semaphore, #tpu.memory_space<semaphore_mem>>)
    %dma_wait3A_190 = arith.constant 4400 : i32
    %dma_wait3A_191 = tpu.memref_slice %arg10[%dma_wait3A_190] : memref<10000xi32, #tpu.memory_space<vmem>> -> memref<400xi32, #tpu.memory_space<vmem>>
    %dma_wait3A_192 = arith.constant 0 : i32
    %dma_wait3A_193 = arith.constant 0 : i32
    %dma_wait3A_194 = tpu.memref_slice %arg2[%dma_wait3A_192, %dma_wait3A_193] : memref<40000x64xf32, #tpu.memory_space<hbm>> -> memref<40000x64xf32, #tpu.memory_space<hbm>>
    tpu.wait_indirect_dma semaphore(%arg18 : memref<!tpu.dma_semaphore, #tpu.memory_space<semaphore_mem>>) src(%dma_wait3A_194 : memref<40000x64xf32, #tpu.memory_space<hbm>>) dst(%arg13 : memref<400x64xf32, #tpu.memory_space<vmem>>)
    %run_scoped3A_195 = arith.constant 11 : i32
    "tpu.region"() ({
      %run_scoped3A_413 = tpu.sem_alloc : memref<!tpu.dma_semaphore, #tpu.memory_space<semaphore_mem>>
      %dma_start3A_414 = arith.constant 0 : i32
      %dma_start3A_415 = tpu.memref_slice %arg11[%run_scoped3A_195, %dma_start3A_414] : memref<25x400xi32, #tpu.memory_space<vmem>> -> memref<1x400xi32, #tpu.memory_space<vmem>>
      %dma_start3A_416 = tpu.memref_squeeze %dma_start3A_415 : memref<1x400xi32, #tpu.memory_space<vmem>> -> memref<400xi32, #tpu.memory_space<vmem>>
      %dma_start3A_417 = arith.constant 0 : i32
      %dma_start3A_418 = arith.constant 0 : i32
      %dma_start3A_419 = tpu.memref_slice %arg15[%dma_start3A_417, %dma_start3A_418] : memref<10240x64xf32, #tpu.memory_space<vmem_shared>> -> memref<10240x64xf32, #tpu.memory_space<vmem_shared>>
      tpu.enqueue_indirect_dma source(%arg13 : memref<400x64xf32, #tpu.memory_space<vmem>>) target(%dma_start3A_419 : memref<10240x64xf32, #tpu.memory_space<vmem_shared>>) offsets(%dma_start3A_416 : memref<400xi32, #tpu.memory_space<vmem>>) semaphore(%run_scoped3A_413 : memref<!tpu.dma_semaphore, #tpu.memory_space<semaphore_mem>>) {add = true}
      %dma_wait3A_420 = arith.constant 0 : i32
      %dma_wait3A_421 = tpu.memref_slice %arg11[%run_scoped3A_195, %dma_wait3A_420] : memref<25x400xi32, #tpu.memory_space<vmem>> -> memref<1x400xi32, #tpu.memory_space<vmem>>
      %dma_wait3A_422 = tpu.memref_squeeze %dma_wait3A_421 : memref<1x400xi32, #tpu.memory_space<vmem>> -> memref<400xi32, #tpu.memory_space<vmem>>
      %dma_wait3A_423 = arith.constant 0 : i32
      %dma_wait3A_424 = arith.constant 0 : i32
      %dma_wait3A_425 = tpu.memref_slice %arg15[%dma_wait3A_423, %dma_wait3A_424] : memref<10240x64xf32, #tpu.memory_space<vmem_shared>> -> memref<10240x64xf32, #tpu.memory_space<vmem_shared>>
      tpu.wait_indirect_dma semaphore(%run_scoped3A_413 : memref<!tpu.dma_semaphore, #tpu.memory_space<semaphore_mem>>) src(%arg13 : memref<400x64xf32, #tpu.memory_space<vmem>>) dst(%dma_wait3A_425 : memref<10240x64xf32, #tpu.memory_space<vmem_shared>>)
      tpu.yield
    }) : () -> ()
    %eq3A_196 = arith.constant 1 : i32
    %eq3A_197 = arith.cmpi eq, %arg0, %eq3A_196 : i32
    %convert_element_type3A_198 = arith.extui %eq3A_197 : i1 to i32
    %cond3A_199 = arith.constant 0 : i32
    %cond3A_200 = arith.cmpi ne, %convert_element_type3A_198, %cond3A_199 : i32
    scf.if %cond3A_200 {
      %run_scoped3A_413 = arith.constant 11 : i32
      "tpu.region"() ({
        %run_scoped3A_414 = tpu.sem_alloc : memref<!tpu.dma_semaphore, #tpu.memory_space<semaphore_mem>>
        %dma_start3A_415 = arith.constant 0 : i32
        %dma_start3A_416 = tpu.memref_slice %arg11[%run_scoped3A_413, %dma_start3A_415] : memref<25x400xi32, #tpu.memory_space<vmem>> -> memref<1x400xi32, #tpu.memory_space<vmem>>
        %dma_start3A_417 = tpu.memref_squeeze %dma_start3A_416 : memref<1x400xi32, #tpu.memory_space<vmem>> -> memref<400xi32, #tpu.memory_space<vmem>>
        %dma_start3A_418 = arith.constant 0 : i32
        %dma_start3A_419 = arith.constant 0 : i32
        %dma_start3A_420 = tpu.memref_slice %arg16[%dma_start3A_418, %dma_start3A_419] : memref<10240x8xf32, #tpu.memory_space<vmem_shared>> -> memref<10240x8xf32, #tpu.memory_space<vmem_shared>>
        tpu.enqueue_indirect_dma source(%arg14 : memref<400x8xf32, #tpu.memory_space<vmem>>) target(%dma_start3A_420 : memref<10240x8xf32, #tpu.memory_space<vmem_shared>>) offsets(%dma_start3A_417 : memref<400xi32, #tpu.memory_space<vmem>>) semaphore(%run_scoped3A_414 : memref<!tpu.dma_semaphore, #tpu.memory_space<semaphore_mem>>) {add = true}
        %dma_wait3A_421 = arith.constant 0 : i32
        %dma_wait3A_422 = tpu.memref_slice %arg11[%run_scoped3A_413, %dma_wait3A_421] : memref<25x400xi32, #tpu.memory_space<vmem>> -> memref<1x400xi32, #tpu.memory_space<vmem>>
        %dma_wait3A_423 = tpu.memref_squeeze %dma_wait3A_422 : memref<1x400xi32, #tpu.memory_space<vmem>> -> memref<400xi32, #tpu.memory_space<vmem>>
        %dma_wait3A_424 = arith.constant 0 : i32
        %dma_wait3A_425 = arith.constant 0 : i32
        %dma_wait3A_426 = tpu.memref_slice %arg16[%dma_wait3A_424, %dma_wait3A_425] : memref<10240x8xf32, #tpu.memory_space<vmem_shared>> -> memref<10240x8xf32, #tpu.memory_space<vmem_shared>>
        tpu.wait_indirect_dma semaphore(%run_scoped3A_414 : memref<!tpu.dma_semaphore, #tpu.memory_space<semaphore_mem>>) src(%arg14 : memref<400x8xf32, #tpu.memory_space<vmem>>) dst(%dma_wait3A_426 : memref<10240x8xf32, #tpu.memory_space<vmem_shared>>)
        tpu.yield
      }) : () -> ()
    } else {
    }
    %dma_start3A_201 = arith.constant 5200 : i32
    %dma_start3A_202 = tpu.memref_slice %arg10[%dma_start3A_201] : memref<10000xi32, #tpu.memory_space<vmem>> -> memref<400xi32, #tpu.memory_space<vmem>>
    %dma_start3A_203 = arith.constant 0 : i32
    %dma_start3A_204 = arith.constant 0 : i32
    %dma_start3A_205 = tpu.memref_slice %arg2[%dma_start3A_203, %dma_start3A_204] : memref<40000x64xf32, #tpu.memory_space<hbm>> -> memref<40000x64xf32, #tpu.memory_space<hbm>>
    tpu.enqueue_indirect_dma source(%dma_start3A_205 : memref<40000x64xf32, #tpu.memory_space<hbm>>) target(%arg13 : memref<400x64xf32, #tpu.memory_space<vmem>>) offsets(%dma_start3A_202 : memref<400xi32, #tpu.memory_space<vmem>>) semaphore(%arg18 : memref<!tpu.dma_semaphore, #tpu.memory_space<semaphore_mem>>)
    %dma_wait3A_206 = arith.constant 4800 : i32
    %dma_wait3A_207 = tpu.memref_slice %arg10[%dma_wait3A_206] : memref<10000xi32, #tpu.memory_space<vmem>> -> memref<400xi32, #tpu.memory_space<vmem>>
    %dma_wait3A_208 = arith.constant 0 : i32
    %dma_wait3A_209 = arith.constant 0 : i32
    %dma_wait3A_210 = tpu.memref_slice %arg2[%dma_wait3A_208, %dma_wait3A_209] : memref<40000x64xf32, #tpu.memory_space<hbm>> -> memref<40000x64xf32, #tpu.memory_space<hbm>>
    tpu.wait_indirect_dma semaphore(%arg17 : memref<!tpu.dma_semaphore, #tpu.memory_space<semaphore_mem>>) src(%dma_wait3A_210 : memref<40000x64xf32, #tpu.memory_space<hbm>>) dst(%arg12 : memref<400x64xf32, #tpu.memory_space<vmem>>)
    %run_scoped3A_211 = arith.constant 12 : i32
    "tpu.region"() ({
      %run_scoped3A_413 = tpu.sem_alloc : memref<!tpu.dma_semaphore, #tpu.memory_space<semaphore_mem>>
      %dma_start3A_414 = arith.constant 0 : i32
      %dma_start3A_415 = tpu.memref_slice %arg11[%run_scoped3A_211, %dma_start3A_414] : memref<25x400xi32, #tpu.memory_space<vmem>> -> memref<1x400xi32, #tpu.memory_space<vmem>>
      %dma_start3A_416 = tpu.memref_squeeze %dma_start3A_415 : memref<1x400xi32, #tpu.memory_space<vmem>> -> memref<400xi32, #tpu.memory_space<vmem>>
      %dma_start3A_417 = arith.constant 0 : i32
      %dma_start3A_418 = arith.constant 0 : i32
      %dma_start3A_419 = tpu.memref_slice %arg15[%dma_start3A_417, %dma_start3A_418] : memref<10240x64xf32, #tpu.memory_space<vmem_shared>> -> memref<10240x64xf32, #tpu.memory_space<vmem_shared>>
      tpu.enqueue_indirect_dma source(%arg12 : memref<400x64xf32, #tpu.memory_space<vmem>>) target(%dma_start3A_419 : memref<10240x64xf32, #tpu.memory_space<vmem_shared>>) offsets(%dma_start3A_416 : memref<400xi32, #tpu.memory_space<vmem>>) semaphore(%run_scoped3A_413 : memref<!tpu.dma_semaphore, #tpu.memory_space<semaphore_mem>>) {add = true}
      %dma_wait3A_420 = arith.constant 0 : i32
      %dma_wait3A_421 = tpu.memref_slice %arg11[%run_scoped3A_211, %dma_wait3A_420] : memref<25x400xi32, #tpu.memory_space<vmem>> -> memref<1x400xi32, #tpu.memory_space<vmem>>
      %dma_wait3A_422 = tpu.memref_squeeze %dma_wait3A_421 : memref<1x400xi32, #tpu.memory_space<vmem>> -> memref<400xi32, #tpu.memory_space<vmem>>
      %dma_wait3A_423 = arith.constant 0 : i32
      %dma_wait3A_424 = arith.constant 0 : i32
      %dma_wait3A_425 = tpu.memref_slice %arg15[%dma_wait3A_423, %dma_wait3A_424] : memref<10240x64xf32, #tpu.memory_space<vmem_shared>> -> memref<10240x64xf32, #tpu.memory_space<vmem_shared>>
      tpu.wait_indirect_dma semaphore(%run_scoped3A_413 : memref<!tpu.dma_semaphore, #tpu.memory_space<semaphore_mem>>) src(%arg12 : memref<400x64xf32, #tpu.memory_space<vmem>>) dst(%dma_wait3A_425 : memref<10240x64xf32, #tpu.memory_space<vmem_shared>>)
      tpu.yield
    }) : () -> ()
    %eq3A_212 = arith.constant 0 : i32
    %eq3A_213 = arith.cmpi eq, %arg0, %eq3A_212 : i32
    %convert_element_type3A_214 = arith.extui %eq3A_213 : i1 to i32
    %cond3A_215 = arith.constant 0 : i32
    %cond3A_216 = arith.cmpi ne, %convert_element_type3A_214, %cond3A_215 : i32
    scf.if %cond3A_216 {
      %run_scoped3A_413 = arith.constant 12 : i32
      "tpu.region"() ({
        %run_scoped3A_414 = tpu.sem_alloc : memref<!tpu.dma_semaphore, #tpu.memory_space<semaphore_mem>>
        %dma_start3A_415 = arith.constant 0 : i32
        %dma_start3A_416 = tpu.memref_slice %arg11[%run_scoped3A_413, %dma_start3A_415] : memref<25x400xi32, #tpu.memory_space<vmem>> -> memref<1x400xi32, #tpu.memory_space<vmem>>
        %dma_start3A_417 = tpu.memref_squeeze %dma_start3A_416 : memref<1x400xi32, #tpu.memory_space<vmem>> -> memref<400xi32, #tpu.memory_space<vmem>>
        %dma_start3A_418 = arith.constant 0 : i32
        %dma_start3A_419 = arith.constant 0 : i32
        %dma_start3A_420 = tpu.memref_slice %arg16[%dma_start3A_418, %dma_start3A_419] : memref<10240x8xf32, #tpu.memory_space<vmem_shared>> -> memref<10240x8xf32, #tpu.memory_space<vmem_shared>>
        tpu.enqueue_indirect_dma source(%arg14 : memref<400x8xf32, #tpu.memory_space<vmem>>) target(%dma_start3A_420 : memref<10240x8xf32, #tpu.memory_space<vmem_shared>>) offsets(%dma_start3A_417 : memref<400xi32, #tpu.memory_space<vmem>>) semaphore(%run_scoped3A_414 : memref<!tpu.dma_semaphore, #tpu.memory_space<semaphore_mem>>) {add = true}
        %dma_wait3A_421 = arith.constant 0 : i32
        %dma_wait3A_422 = tpu.memref_slice %arg11[%run_scoped3A_413, %dma_wait3A_421] : memref<25x400xi32, #tpu.memory_space<vmem>> -> memref<1x400xi32, #tpu.memory_space<vmem>>
        %dma_wait3A_423 = tpu.memref_squeeze %dma_wait3A_422 : memref<1x400xi32, #tpu.memory_space<vmem>> -> memref<400xi32, #tpu.memory_space<vmem>>
        %dma_wait3A_424 = arith.constant 0 : i32
        %dma_wait3A_425 = arith.constant 0 : i32
        %dma_wait3A_426 = tpu.memref_slice %arg16[%dma_wait3A_424, %dma_wait3A_425] : memref<10240x8xf32, #tpu.memory_space<vmem_shared>> -> memref<10240x8xf32, #tpu.memory_space<vmem_shared>>
        tpu.wait_indirect_dma semaphore(%run_scoped3A_414 : memref<!tpu.dma_semaphore, #tpu.memory_space<semaphore_mem>>) src(%arg14 : memref<400x8xf32, #tpu.memory_space<vmem>>) dst(%dma_wait3A_426 : memref<10240x8xf32, #tpu.memory_space<vmem_shared>>)
        tpu.yield
      }) : () -> ()
    } else {
    }
    %dma_start3A_217 = arith.constant 5600 : i32
    %dma_start3A_218 = tpu.memref_slice %arg10[%dma_start3A_217] : memref<10000xi32, #tpu.memory_space<vmem>> -> memref<400xi32, #tpu.memory_space<vmem>>
    %dma_start3A_219 = arith.constant 0 : i32
    %dma_start3A_220 = arith.constant 0 : i32
    %dma_start3A_221 = tpu.memref_slice %arg2[%dma_start3A_219, %dma_start3A_220] : memref<40000x64xf32, #tpu.memory_space<hbm>> -> memref<40000x64xf32, #tpu.memory_space<hbm>>
    tpu.enqueue_indirect_dma source(%dma_start3A_221 : memref<40000x64xf32, #tpu.memory_space<hbm>>) target(%arg12 : memref<400x64xf32, #tpu.memory_space<vmem>>) offsets(%dma_start3A_218 : memref<400xi32, #tpu.memory_space<vmem>>) semaphore(%arg17 : memref<!tpu.dma_semaphore, #tpu.memory_space<semaphore_mem>>)
    %dma_wait3A_222 = arith.constant 5200 : i32
    %dma_wait3A_223 = tpu.memref_slice %arg10[%dma_wait3A_222] : memref<10000xi32, #tpu.memory_space<vmem>> -> memref<400xi32, #tpu.memory_space<vmem>>
    %dma_wait3A_224 = arith.constant 0 : i32
    %dma_wait3A_225 = arith.constant 0 : i32
    %dma_wait3A_226 = tpu.memref_slice %arg2[%dma_wait3A_224, %dma_wait3A_225] : memref<40000x64xf32, #tpu.memory_space<hbm>> -> memref<40000x64xf32, #tpu.memory_space<hbm>>
    tpu.wait_indirect_dma semaphore(%arg18 : memref<!tpu.dma_semaphore, #tpu.memory_space<semaphore_mem>>) src(%dma_wait3A_226 : memref<40000x64xf32, #tpu.memory_space<hbm>>) dst(%arg13 : memref<400x64xf32, #tpu.memory_space<vmem>>)
    %run_scoped3A_227 = arith.constant 13 : i32
    "tpu.region"() ({
      %run_scoped3A_413 = tpu.sem_alloc : memref<!tpu.dma_semaphore, #tpu.memory_space<semaphore_mem>>
      %dma_start3A_414 = arith.constant 0 : i32
      %dma_start3A_415 = tpu.memref_slice %arg11[%run_scoped3A_227, %dma_start3A_414] : memref<25x400xi32, #tpu.memory_space<vmem>> -> memref<1x400xi32, #tpu.memory_space<vmem>>
      %dma_start3A_416 = tpu.memref_squeeze %dma_start3A_415 : memref<1x400xi32, #tpu.memory_space<vmem>> -> memref<400xi32, #tpu.memory_space<vmem>>
      %dma_start3A_417 = arith.constant 0 : i32
      %dma_start3A_418 = arith.constant 0 : i32
      %dma_start3A_419 = tpu.memref_slice %arg15[%dma_start3A_417, %dma_start3A_418] : memref<10240x64xf32, #tpu.memory_space<vmem_shared>> -> memref<10240x64xf32, #tpu.memory_space<vmem_shared>>
      tpu.enqueue_indirect_dma source(%arg13 : memref<400x64xf32, #tpu.memory_space<vmem>>) target(%dma_start3A_419 : memref<10240x64xf32, #tpu.memory_space<vmem_shared>>) offsets(%dma_start3A_416 : memref<400xi32, #tpu.memory_space<vmem>>) semaphore(%run_scoped3A_413 : memref<!tpu.dma_semaphore, #tpu.memory_space<semaphore_mem>>) {add = true}
      %dma_wait3A_420 = arith.constant 0 : i32
      %dma_wait3A_421 = tpu.memref_slice %arg11[%run_scoped3A_227, %dma_wait3A_420] : memref<25x400xi32, #tpu.memory_space<vmem>> -> memref<1x400xi32, #tpu.memory_space<vmem>>
      %dma_wait3A_422 = tpu.memref_squeeze %dma_wait3A_421 : memref<1x400xi32, #tpu.memory_space<vmem>> -> memref<400xi32, #tpu.memory_space<vmem>>
      %dma_wait3A_423 = arith.constant 0 : i32
      %dma_wait3A_424 = arith.constant 0 : i32
      %dma_wait3A_425 = tpu.memref_slice %arg15[%dma_wait3A_423, %dma_wait3A_424] : memref<10240x64xf32, #tpu.memory_space<vmem_shared>> -> memref<10240x64xf32, #tpu.memory_space<vmem_shared>>
      tpu.wait_indirect_dma semaphore(%run_scoped3A_413 : memref<!tpu.dma_semaphore, #tpu.memory_space<semaphore_mem>>) src(%arg13 : memref<400x64xf32, #tpu.memory_space<vmem>>) dst(%dma_wait3A_425 : memref<10240x64xf32, #tpu.memory_space<vmem_shared>>)
      tpu.yield
    }) : () -> ()
    %eq3A_228 = arith.constant 1 : i32
    %eq3A_229 = arith.cmpi eq, %arg0, %eq3A_228 : i32
    %convert_element_type3A_230 = arith.extui %eq3A_229 : i1 to i32
    %cond3A_231 = arith.constant 0 : i32
    %cond3A_232 = arith.cmpi ne, %convert_element_type3A_230, %cond3A_231 : i32
    scf.if %cond3A_232 {
      %run_scoped3A_413 = arith.constant 13 : i32
      "tpu.region"() ({
        %run_scoped3A_414 = tpu.sem_alloc : memref<!tpu.dma_semaphore, #tpu.memory_space<semaphore_mem>>
        %dma_start3A_415 = arith.constant 0 : i32
        %dma_start3A_416 = tpu.memref_slice %arg11[%run_scoped3A_413, %dma_start3A_415] : memref<25x400xi32, #tpu.memory_space<vmem>> -> memref<1x400xi32, #tpu.memory_space<vmem>>
        %dma_start3A_417 = tpu.memref_squeeze %dma_start3A_416 : memref<1x400xi32, #tpu.memory_space<vmem>> -> memref<400xi32, #tpu.memory_space<vmem>>
        %dma_start3A_418 = arith.constant 0 : i32
        %dma_start3A_419 = arith.constant 0 : i32
        %dma_start3A_420 = tpu.memref_slice %arg16[%dma_start3A_418, %dma_start3A_419] : memref<10240x8xf32, #tpu.memory_space<vmem_shared>> -> memref<10240x8xf32, #tpu.memory_space<vmem_shared>>
        tpu.enqueue_indirect_dma source(%arg14 : memref<400x8xf32, #tpu.memory_space<vmem>>) target(%dma_start3A_420 : memref<10240x8xf32, #tpu.memory_space<vmem_shared>>) offsets(%dma_start3A_417 : memref<400xi32, #tpu.memory_space<vmem>>) semaphore(%run_scoped3A_414 : memref<!tpu.dma_semaphore, #tpu.memory_space<semaphore_mem>>) {add = true}
        %dma_wait3A_421 = arith.constant 0 : i32
        %dma_wait3A_422 = tpu.memref_slice %arg11[%run_scoped3A_413, %dma_wait3A_421] : memref<25x400xi32, #tpu.memory_space<vmem>> -> memref<1x400xi32, #tpu.memory_space<vmem>>
        %dma_wait3A_423 = tpu.memref_squeeze %dma_wait3A_422 : memref<1x400xi32, #tpu.memory_space<vmem>> -> memref<400xi32, #tpu.memory_space<vmem>>
        %dma_wait3A_424 = arith.constant 0 : i32
        %dma_wait3A_425 = arith.constant 0 : i32
        %dma_wait3A_426 = tpu.memref_slice %arg16[%dma_wait3A_424, %dma_wait3A_425] : memref<10240x8xf32, #tpu.memory_space<vmem_shared>> -> memref<10240x8xf32, #tpu.memory_space<vmem_shared>>
        tpu.wait_indirect_dma semaphore(%run_scoped3A_414 : memref<!tpu.dma_semaphore, #tpu.memory_space<semaphore_mem>>) src(%arg14 : memref<400x8xf32, #tpu.memory_space<vmem>>) dst(%dma_wait3A_426 : memref<10240x8xf32, #tpu.memory_space<vmem_shared>>)
        tpu.yield
      }) : () -> ()
    } else {
    }
    %dma_start3A_233 = arith.constant 6000 : i32
    %dma_start3A_234 = tpu.memref_slice %arg10[%dma_start3A_233] : memref<10000xi32, #tpu.memory_space<vmem>> -> memref<400xi32, #tpu.memory_space<vmem>>
    %dma_start3A_235 = arith.constant 0 : i32
    %dma_start3A_236 = arith.constant 0 : i32
    %dma_start3A_237 = tpu.memref_slice %arg2[%dma_start3A_235, %dma_start3A_236] : memref<40000x64xf32, #tpu.memory_space<hbm>> -> memref<40000x64xf32, #tpu.memory_space<hbm>>
    tpu.enqueue_indirect_dma source(%dma_start3A_237 : memref<40000x64xf32, #tpu.memory_space<hbm>>) target(%arg13 : memref<400x64xf32, #tpu.memory_space<vmem>>) offsets(%dma_start3A_234 : memref<400xi32, #tpu.memory_space<vmem>>) semaphore(%arg18 : memref<!tpu.dma_semaphore, #tpu.memory_space<semaphore_mem>>)
    %dma_wait3A_238 = arith.constant 5600 : i32
    %dma_wait3A_239 = tpu.memref_slice %arg10[%dma_wait3A_238] : memref<10000xi32, #tpu.memory_space<vmem>> -> memref<400xi32, #tpu.memory_space<vmem>>
    %dma_wait3A_240 = arith.constant 0 : i32
    %dma_wait3A_241 = arith.constant 0 : i32
    %dma_wait3A_242 = tpu.memref_slice %arg2[%dma_wait3A_240, %dma_wait3A_241] : memref<40000x64xf32, #tpu.memory_space<hbm>> -> memref<40000x64xf32, #tpu.memory_space<hbm>>
    tpu.wait_indirect_dma semaphore(%arg17 : memref<!tpu.dma_semaphore, #tpu.memory_space<semaphore_mem>>) src(%dma_wait3A_242 : memref<40000x64xf32, #tpu.memory_space<hbm>>) dst(%arg12 : memref<400x64xf32, #tpu.memory_space<vmem>>)
    %run_scoped3A_243 = arith.constant 14 : i32
    "tpu.region"() ({
      %run_scoped3A_413 = tpu.sem_alloc : memref<!tpu.dma_semaphore, #tpu.memory_space<semaphore_mem>>
      %dma_start3A_414 = arith.constant 0 : i32
      %dma_start3A_415 = tpu.memref_slice %arg11[%run_scoped3A_243, %dma_start3A_414] : memref<25x400xi32, #tpu.memory_space<vmem>> -> memref<1x400xi32, #tpu.memory_space<vmem>>
      %dma_start3A_416 = tpu.memref_squeeze %dma_start3A_415 : memref<1x400xi32, #tpu.memory_space<vmem>> -> memref<400xi32, #tpu.memory_space<vmem>>
      %dma_start3A_417 = arith.constant 0 : i32
      %dma_start3A_418 = arith.constant 0 : i32
      %dma_start3A_419 = tpu.memref_slice %arg15[%dma_start3A_417, %dma_start3A_418] : memref<10240x64xf32, #tpu.memory_space<vmem_shared>> -> memref<10240x64xf32, #tpu.memory_space<vmem_shared>>
      tpu.enqueue_indirect_dma source(%arg12 : memref<400x64xf32, #tpu.memory_space<vmem>>) target(%dma_start3A_419 : memref<10240x64xf32, #tpu.memory_space<vmem_shared>>) offsets(%dma_start3A_416 : memref<400xi32, #tpu.memory_space<vmem>>) semaphore(%run_scoped3A_413 : memref<!tpu.dma_semaphore, #tpu.memory_space<semaphore_mem>>) {add = true}
      %dma_wait3A_420 = arith.constant 0 : i32
      %dma_wait3A_421 = tpu.memref_slice %arg11[%run_scoped3A_243, %dma_wait3A_420] : memref<25x400xi32, #tpu.memory_space<vmem>> -> memref<1x400xi32, #tpu.memory_space<vmem>>
      %dma_wait3A_422 = tpu.memref_squeeze %dma_wait3A_421 : memref<1x400xi32, #tpu.memory_space<vmem>> -> memref<400xi32, #tpu.memory_space<vmem>>
      %dma_wait3A_423 = arith.constant 0 : i32
      %dma_wait3A_424 = arith.constant 0 : i32
      %dma_wait3A_425 = tpu.memref_slice %arg15[%dma_wait3A_423, %dma_wait3A_424] : memref<10240x64xf32, #tpu.memory_space<vmem_shared>> -> memref<10240x64xf32, #tpu.memory_space<vmem_shared>>
      tpu.wait_indirect_dma semaphore(%run_scoped3A_413 : memref<!tpu.dma_semaphore, #tpu.memory_space<semaphore_mem>>) src(%arg12 : memref<400x64xf32, #tpu.memory_space<vmem>>) dst(%dma_wait3A_425 : memref<10240x64xf32, #tpu.memory_space<vmem_shared>>)
      tpu.yield
    }) : () -> ()
    %eq3A_244 = arith.constant 0 : i32
    %eq3A_245 = arith.cmpi eq, %arg0, %eq3A_244 : i32
    %convert_element_type3A_246 = arith.extui %eq3A_245 : i1 to i32
    %cond3A_247 = arith.constant 0 : i32
    %cond3A_248 = arith.cmpi ne, %convert_element_type3A_246, %cond3A_247 : i32
    scf.if %cond3A_248 {
      %run_scoped3A_413 = arith.constant 14 : i32
      "tpu.region"() ({
        %run_scoped3A_414 = tpu.sem_alloc : memref<!tpu.dma_semaphore, #tpu.memory_space<semaphore_mem>>
        %dma_start3A_415 = arith.constant 0 : i32
        %dma_start3A_416 = tpu.memref_slice %arg11[%run_scoped3A_413, %dma_start3A_415] : memref<25x400xi32, #tpu.memory_space<vmem>> -> memref<1x400xi32, #tpu.memory_space<vmem>>
        %dma_start3A_417 = tpu.memref_squeeze %dma_start3A_416 : memref<1x400xi32, #tpu.memory_space<vmem>> -> memref<400xi32, #tpu.memory_space<vmem>>
        %dma_start3A_418 = arith.constant 0 : i32
        %dma_start3A_419 = arith.constant 0 : i32
        %dma_start3A_420 = tpu.memref_slice %arg16[%dma_start3A_418, %dma_start3A_419] : memref<10240x8xf32, #tpu.memory_space<vmem_shared>> -> memref<10240x8xf32, #tpu.memory_space<vmem_shared>>
        tpu.enqueue_indirect_dma source(%arg14 : memref<400x8xf32, #tpu.memory_space<vmem>>) target(%dma_start3A_420 : memref<10240x8xf32, #tpu.memory_space<vmem_shared>>) offsets(%dma_start3A_417 : memref<400xi32, #tpu.memory_space<vmem>>) semaphore(%run_scoped3A_414 : memref<!tpu.dma_semaphore, #tpu.memory_space<semaphore_mem>>) {add = true}
        %dma_wait3A_421 = arith.constant 0 : i32
        %dma_wait3A_422 = tpu.memref_slice %arg11[%run_scoped3A_413, %dma_wait3A_421] : memref<25x400xi32, #tpu.memory_space<vmem>> -> memref<1x400xi32, #tpu.memory_space<vmem>>
        %dma_wait3A_423 = tpu.memref_squeeze %dma_wait3A_422 : memref<1x400xi32, #tpu.memory_space<vmem>> -> memref<400xi32, #tpu.memory_space<vmem>>
        %dma_wait3A_424 = arith.constant 0 : i32
        %dma_wait3A_425 = arith.constant 0 : i32
        %dma_wait3A_426 = tpu.memref_slice %arg16[%dma_wait3A_424, %dma_wait3A_425] : memref<10240x8xf32, #tpu.memory_space<vmem_shared>> -> memref<10240x8xf32, #tpu.memory_space<vmem_shared>>
        tpu.wait_indirect_dma semaphore(%run_scoped3A_414 : memref<!tpu.dma_semaphore, #tpu.memory_space<semaphore_mem>>) src(%arg14 : memref<400x8xf32, #tpu.memory_space<vmem>>) dst(%dma_wait3A_426 : memref<10240x8xf32, #tpu.memory_space<vmem_shared>>)
        tpu.yield
      }) : () -> ()
    } else {
    }
    %dma_start3A_249 = arith.constant 6400 : i32
    %dma_start3A_250 = tpu.memref_slice %arg10[%dma_start3A_249] : memref<10000xi32, #tpu.memory_space<vmem>> -> memref<400xi32, #tpu.memory_space<vmem>>
    %dma_start3A_251 = arith.constant 0 : i32
    %dma_start3A_252 = arith.constant 0 : i32
    %dma_start3A_253 = tpu.memref_slice %arg2[%dma_start3A_251, %dma_start3A_252] : memref<40000x64xf32, #tpu.memory_space<hbm>> -> memref<40000x64xf32, #tpu.memory_space<hbm>>
    tpu.enqueue_indirect_dma source(%dma_start3A_253 : memref<40000x64xf32, #tpu.memory_space<hbm>>) target(%arg12 : memref<400x64xf32, #tpu.memory_space<vmem>>) offsets(%dma_start3A_250 : memref<400xi32, #tpu.memory_space<vmem>>) semaphore(%arg17 : memref<!tpu.dma_semaphore, #tpu.memory_space<semaphore_mem>>)
    %dma_wait3A_254 = arith.constant 6000 : i32
    %dma_wait3A_255 = tpu.memref_slice %arg10[%dma_wait3A_254] : memref<10000xi32, #tpu.memory_space<vmem>> -> memref<400xi32, #tpu.memory_space<vmem>>
    %dma_wait3A_256 = arith.constant 0 : i32
    %dma_wait3A_257 = arith.constant 0 : i32
    %dma_wait3A_258 = tpu.memref_slice %arg2[%dma_wait3A_256, %dma_wait3A_257] : memref<40000x64xf32, #tpu.memory_space<hbm>> -> memref<40000x64xf32, #tpu.memory_space<hbm>>
    tpu.wait_indirect_dma semaphore(%arg18 : memref<!tpu.dma_semaphore, #tpu.memory_space<semaphore_mem>>) src(%dma_wait3A_258 : memref<40000x64xf32, #tpu.memory_space<hbm>>) dst(%arg13 : memref<400x64xf32, #tpu.memory_space<vmem>>)
    %run_scoped3A_259 = arith.constant 15 : i32
    "tpu.region"() ({
      %run_scoped3A_413 = tpu.sem_alloc : memref<!tpu.dma_semaphore, #tpu.memory_space<semaphore_mem>>
      %dma_start3A_414 = arith.constant 0 : i32
      %dma_start3A_415 = tpu.memref_slice %arg11[%run_scoped3A_259, %dma_start3A_414] : memref<25x400xi32, #tpu.memory_space<vmem>> -> memref<1x400xi32, #tpu.memory_space<vmem>>
      %dma_start3A_416 = tpu.memref_squeeze %dma_start3A_415 : memref<1x400xi32, #tpu.memory_space<vmem>> -> memref<400xi32, #tpu.memory_space<vmem>>
      %dma_start3A_417 = arith.constant 0 : i32
      %dma_start3A_418 = arith.constant 0 : i32
      %dma_start3A_419 = tpu.memref_slice %arg15[%dma_start3A_417, %dma_start3A_418] : memref<10240x64xf32, #tpu.memory_space<vmem_shared>> -> memref<10240x64xf32, #tpu.memory_space<vmem_shared>>
      tpu.enqueue_indirect_dma source(%arg13 : memref<400x64xf32, #tpu.memory_space<vmem>>) target(%dma_start3A_419 : memref<10240x64xf32, #tpu.memory_space<vmem_shared>>) offsets(%dma_start3A_416 : memref<400xi32, #tpu.memory_space<vmem>>) semaphore(%run_scoped3A_413 : memref<!tpu.dma_semaphore, #tpu.memory_space<semaphore_mem>>) {add = true}
      %dma_wait3A_420 = arith.constant 0 : i32
      %dma_wait3A_421 = tpu.memref_slice %arg11[%run_scoped3A_259, %dma_wait3A_420] : memref<25x400xi32, #tpu.memory_space<vmem>> -> memref<1x400xi32, #tpu.memory_space<vmem>>
      %dma_wait3A_422 = tpu.memref_squeeze %dma_wait3A_421 : memref<1x400xi32, #tpu.memory_space<vmem>> -> memref<400xi32, #tpu.memory_space<vmem>>
      %dma_wait3A_423 = arith.constant 0 : i32
      %dma_wait3A_424 = arith.constant 0 : i32
      %dma_wait3A_425 = tpu.memref_slice %arg15[%dma_wait3A_423, %dma_wait3A_424] : memref<10240x64xf32, #tpu.memory_space<vmem_shared>> -> memref<10240x64xf32, #tpu.memory_space<vmem_shared>>
      tpu.wait_indirect_dma semaphore(%run_scoped3A_413 : memref<!tpu.dma_semaphore, #tpu.memory_space<semaphore_mem>>) src(%arg13 : memref<400x64xf32, #tpu.memory_space<vmem>>) dst(%dma_wait3A_425 : memref<10240x64xf32, #tpu.memory_space<vmem_shared>>)
      tpu.yield
    }) : () -> ()
    %eq3A_260 = arith.constant 1 : i32
    %eq3A_261 = arith.cmpi eq, %arg0, %eq3A_260 : i32
    %convert_element_type3A_262 = arith.extui %eq3A_261 : i1 to i32
    %cond3A_263 = arith.constant 0 : i32
    %cond3A_264 = arith.cmpi ne, %convert_element_type3A_262, %cond3A_263 : i32
    scf.if %cond3A_264 {
      %run_scoped3A_413 = arith.constant 15 : i32
      "tpu.region"() ({
        %run_scoped3A_414 = tpu.sem_alloc : memref<!tpu.dma_semaphore, #tpu.memory_space<semaphore_mem>>
        %dma_start3A_415 = arith.constant 0 : i32
        %dma_start3A_416 = tpu.memref_slice %arg11[%run_scoped3A_413, %dma_start3A_415] : memref<25x400xi32, #tpu.memory_space<vmem>> -> memref<1x400xi32, #tpu.memory_space<vmem>>
        %dma_start3A_417 = tpu.memref_squeeze %dma_start3A_416 : memref<1x400xi32, #tpu.memory_space<vmem>> -> memref<400xi32, #tpu.memory_space<vmem>>
        %dma_start3A_418 = arith.constant 0 : i32
        %dma_start3A_419 = arith.constant 0 : i32
        %dma_start3A_420 = tpu.memref_slice %arg16[%dma_start3A_418, %dma_start3A_419] : memref<10240x8xf32, #tpu.memory_space<vmem_shared>> -> memref<10240x8xf32, #tpu.memory_space<vmem_shared>>
        tpu.enqueue_indirect_dma source(%arg14 : memref<400x8xf32, #tpu.memory_space<vmem>>) target(%dma_start3A_420 : memref<10240x8xf32, #tpu.memory_space<vmem_shared>>) offsets(%dma_start3A_417 : memref<400xi32, #tpu.memory_space<vmem>>) semaphore(%run_scoped3A_414 : memref<!tpu.dma_semaphore, #tpu.memory_space<semaphore_mem>>) {add = true}
        %dma_wait3A_421 = arith.constant 0 : i32
        %dma_wait3A_422 = tpu.memref_slice %arg11[%run_scoped3A_413, %dma_wait3A_421] : memref<25x400xi32, #tpu.memory_space<vmem>> -> memref<1x400xi32, #tpu.memory_space<vmem>>
        %dma_wait3A_423 = tpu.memref_squeeze %dma_wait3A_422 : memref<1x400xi32, #tpu.memory_space<vmem>> -> memref<400xi32, #tpu.memory_space<vmem>>
        %dma_wait3A_424 = arith.constant 0 : i32
        %dma_wait3A_425 = arith.constant 0 : i32
        %dma_wait3A_426 = tpu.memref_slice %arg16[%dma_wait3A_424, %dma_wait3A_425] : memref<10240x8xf32, #tpu.memory_space<vmem_shared>> -> memref<10240x8xf32, #tpu.memory_space<vmem_shared>>
        tpu.wait_indirect_dma semaphore(%run_scoped3A_414 : memref<!tpu.dma_semaphore, #tpu.memory_space<semaphore_mem>>) src(%arg14 : memref<400x8xf32, #tpu.memory_space<vmem>>) dst(%dma_wait3A_426 : memref<10240x8xf32, #tpu.memory_space<vmem_shared>>)
        tpu.yield
      }) : () -> ()
    } else {
    }
    %dma_start3A_265 = arith.constant 6800 : i32
    %dma_start3A_266 = tpu.memref_slice %arg10[%dma_start3A_265] : memref<10000xi32, #tpu.memory_space<vmem>> -> memref<400xi32, #tpu.memory_space<vmem>>
    %dma_start3A_267 = arith.constant 0 : i32
    %dma_start3A_268 = arith.constant 0 : i32
    %dma_start3A_269 = tpu.memref_slice %arg2[%dma_start3A_267, %dma_start3A_268] : memref<40000x64xf32, #tpu.memory_space<hbm>> -> memref<40000x64xf32, #tpu.memory_space<hbm>>
    tpu.enqueue_indirect_dma source(%dma_start3A_269 : memref<40000x64xf32, #tpu.memory_space<hbm>>) target(%arg13 : memref<400x64xf32, #tpu.memory_space<vmem>>) offsets(%dma_start3A_266 : memref<400xi32, #tpu.memory_space<vmem>>) semaphore(%arg18 : memref<!tpu.dma_semaphore, #tpu.memory_space<semaphore_mem>>)
    %dma_wait3A_270 = arith.constant 6400 : i32
    %dma_wait3A_271 = tpu.memref_slice %arg10[%dma_wait3A_270] : memref<10000xi32, #tpu.memory_space<vmem>> -> memref<400xi32, #tpu.memory_space<vmem>>
    %dma_wait3A_272 = arith.constant 0 : i32
    %dma_wait3A_273 = arith.constant 0 : i32
    %dma_wait3A_274 = tpu.memref_slice %arg2[%dma_wait3A_272, %dma_wait3A_273] : memref<40000x64xf32, #tpu.memory_space<hbm>> -> memref<40000x64xf32, #tpu.memory_space<hbm>>
    tpu.wait_indirect_dma semaphore(%arg17 : memref<!tpu.dma_semaphore, #tpu.memory_space<semaphore_mem>>) src(%dma_wait3A_274 : memref<40000x64xf32, #tpu.memory_space<hbm>>) dst(%arg12 : memref<400x64xf32, #tpu.memory_space<vmem>>)
    %run_scoped3A_275 = arith.constant 16 : i32
    "tpu.region"() ({
      %run_scoped3A_413 = tpu.sem_alloc : memref<!tpu.dma_semaphore, #tpu.memory_space<semaphore_mem>>
      %dma_start3A_414 = arith.constant 0 : i32
      %dma_start3A_415 = tpu.memref_slice %arg11[%run_scoped3A_275, %dma_start3A_414] : memref<25x400xi32, #tpu.memory_space<vmem>> -> memref<1x400xi32, #tpu.memory_space<vmem>>
      %dma_start3A_416 = tpu.memref_squeeze %dma_start3A_415 : memref<1x400xi32, #tpu.memory_space<vmem>> -> memref<400xi32, #tpu.memory_space<vmem>>
      %dma_start3A_417 = arith.constant 0 : i32
      %dma_start3A_418 = arith.constant 0 : i32
      %dma_start3A_419 = tpu.memref_slice %arg15[%dma_start3A_417, %dma_start3A_418] : memref<10240x64xf32, #tpu.memory_space<vmem_shared>> -> memref<10240x64xf32, #tpu.memory_space<vmem_shared>>
      tpu.enqueue_indirect_dma source(%arg12 : memref<400x64xf32, #tpu.memory_space<vmem>>) target(%dma_start3A_419 : memref<10240x64xf32, #tpu.memory_space<vmem_shared>>) offsets(%dma_start3A_416 : memref<400xi32, #tpu.memory_space<vmem>>) semaphore(%run_scoped3A_413 : memref<!tpu.dma_semaphore, #tpu.memory_space<semaphore_mem>>) {add = true}
      %dma_wait3A_420 = arith.constant 0 : i32
      %dma_wait3A_421 = tpu.memref_slice %arg11[%run_scoped3A_275, %dma_wait3A_420] : memref<25x400xi32, #tpu.memory_space<vmem>> -> memref<1x400xi32, #tpu.memory_space<vmem>>
      %dma_wait3A_422 = tpu.memref_squeeze %dma_wait3A_421 : memref<1x400xi32, #tpu.memory_space<vmem>> -> memref<400xi32, #tpu.memory_space<vmem>>
      %dma_wait3A_423 = arith.constant 0 : i32
      %dma_wait3A_424 = arith.constant 0 : i32
      %dma_wait3A_425 = tpu.memref_slice %arg15[%dma_wait3A_423, %dma_wait3A_424] : memref<10240x64xf32, #tpu.memory_space<vmem_shared>> -> memref<10240x64xf32, #tpu.memory_space<vmem_shared>>
      tpu.wait_indirect_dma semaphore(%run_scoped3A_413 : memref<!tpu.dma_semaphore, #tpu.memory_space<semaphore_mem>>) src(%arg12 : memref<400x64xf32, #tpu.memory_space<vmem>>) dst(%dma_wait3A_425 : memref<10240x64xf32, #tpu.memory_space<vmem_shared>>)
      tpu.yield
    }) : () -> ()
    %eq3A_276 = arith.constant 0 : i32
    %eq3A_277 = arith.cmpi eq, %arg0, %eq3A_276 : i32
    %convert_element_type3A_278 = arith.extui %eq3A_277 : i1 to i32
    %cond3A_279 = arith.constant 0 : i32
    %cond3A_280 = arith.cmpi ne, %convert_element_type3A_278, %cond3A_279 : i32
    scf.if %cond3A_280 {
      %run_scoped3A_413 = arith.constant 16 : i32
      "tpu.region"() ({
        %run_scoped3A_414 = tpu.sem_alloc : memref<!tpu.dma_semaphore, #tpu.memory_space<semaphore_mem>>
        %dma_start3A_415 = arith.constant 0 : i32
        %dma_start3A_416 = tpu.memref_slice %arg11[%run_scoped3A_413, %dma_start3A_415] : memref<25x400xi32, #tpu.memory_space<vmem>> -> memref<1x400xi32, #tpu.memory_space<vmem>>
        %dma_start3A_417 = tpu.memref_squeeze %dma_start3A_416 : memref<1x400xi32, #tpu.memory_space<vmem>> -> memref<400xi32, #tpu.memory_space<vmem>>
        %dma_start3A_418 = arith.constant 0 : i32
        %dma_start3A_419 = arith.constant 0 : i32
        %dma_start3A_420 = tpu.memref_slice %arg16[%dma_start3A_418, %dma_start3A_419] : memref<10240x8xf32, #tpu.memory_space<vmem_shared>> -> memref<10240x8xf32, #tpu.memory_space<vmem_shared>>
        tpu.enqueue_indirect_dma source(%arg14 : memref<400x8xf32, #tpu.memory_space<vmem>>) target(%dma_start3A_420 : memref<10240x8xf32, #tpu.memory_space<vmem_shared>>) offsets(%dma_start3A_417 : memref<400xi32, #tpu.memory_space<vmem>>) semaphore(%run_scoped3A_414 : memref<!tpu.dma_semaphore, #tpu.memory_space<semaphore_mem>>) {add = true}
        %dma_wait3A_421 = arith.constant 0 : i32
        %dma_wait3A_422 = tpu.memref_slice %arg11[%run_scoped3A_413, %dma_wait3A_421] : memref<25x400xi32, #tpu.memory_space<vmem>> -> memref<1x400xi32, #tpu.memory_space<vmem>>
        %dma_wait3A_423 = tpu.memref_squeeze %dma_wait3A_422 : memref<1x400xi32, #tpu.memory_space<vmem>> -> memref<400xi32, #tpu.memory_space<vmem>>
        %dma_wait3A_424 = arith.constant 0 : i32
        %dma_wait3A_425 = arith.constant 0 : i32
        %dma_wait3A_426 = tpu.memref_slice %arg16[%dma_wait3A_424, %dma_wait3A_425] : memref<10240x8xf32, #tpu.memory_space<vmem_shared>> -> memref<10240x8xf32, #tpu.memory_space<vmem_shared>>
        tpu.wait_indirect_dma semaphore(%run_scoped3A_414 : memref<!tpu.dma_semaphore, #tpu.memory_space<semaphore_mem>>) src(%arg14 : memref<400x8xf32, #tpu.memory_space<vmem>>) dst(%dma_wait3A_426 : memref<10240x8xf32, #tpu.memory_space<vmem_shared>>)
        tpu.yield
      }) : () -> ()
    } else {
    }
    %dma_start3A_281 = arith.constant 7200 : i32
    %dma_start3A_282 = tpu.memref_slice %arg10[%dma_start3A_281] : memref<10000xi32, #tpu.memory_space<vmem>> -> memref<400xi32, #tpu.memory_space<vmem>>
    %dma_start3A_283 = arith.constant 0 : i32
    %dma_start3A_284 = arith.constant 0 : i32
    %dma_start3A_285 = tpu.memref_slice %arg2[%dma_start3A_283, %dma_start3A_284] : memref<40000x64xf32, #tpu.memory_space<hbm>> -> memref<40000x64xf32, #tpu.memory_space<hbm>>
    tpu.enqueue_indirect_dma source(%dma_start3A_285 : memref<40000x64xf32, #tpu.memory_space<hbm>>) target(%arg12 : memref<400x64xf32, #tpu.memory_space<vmem>>) offsets(%dma_start3A_282 : memref<400xi32, #tpu.memory_space<vmem>>) semaphore(%arg17 : memref<!tpu.dma_semaphore, #tpu.memory_space<semaphore_mem>>)
    %dma_wait3A_286 = arith.constant 6800 : i32
    %dma_wait3A_287 = tpu.memref_slice %arg10[%dma_wait3A_286] : memref<10000xi32, #tpu.memory_space<vmem>> -> memref<400xi32, #tpu.memory_space<vmem>>
    %dma_wait3A_288 = arith.constant 0 : i32
    %dma_wait3A_289 = arith.constant 0 : i32
    %dma_wait3A_290 = tpu.memref_slice %arg2[%dma_wait3A_288, %dma_wait3A_289] : memref<40000x64xf32, #tpu.memory_space<hbm>> -> memref<40000x64xf32, #tpu.memory_space<hbm>>
    tpu.wait_indirect_dma semaphore(%arg18 : memref<!tpu.dma_semaphore, #tpu.memory_space<semaphore_mem>>) src(%dma_wait3A_290 : memref<40000x64xf32, #tpu.memory_space<hbm>>) dst(%arg13 : memref<400x64xf32, #tpu.memory_space<vmem>>)
    %run_scoped3A_291 = arith.constant 17 : i32
    "tpu.region"() ({
      %run_scoped3A_413 = tpu.sem_alloc : memref<!tpu.dma_semaphore, #tpu.memory_space<semaphore_mem>>
      %dma_start3A_414 = arith.constant 0 : i32
      %dma_start3A_415 = tpu.memref_slice %arg11[%run_scoped3A_291, %dma_start3A_414] : memref<25x400xi32, #tpu.memory_space<vmem>> -> memref<1x400xi32, #tpu.memory_space<vmem>>
      %dma_start3A_416 = tpu.memref_squeeze %dma_start3A_415 : memref<1x400xi32, #tpu.memory_space<vmem>> -> memref<400xi32, #tpu.memory_space<vmem>>
      %dma_start3A_417 = arith.constant 0 : i32
      %dma_start3A_418 = arith.constant 0 : i32
      %dma_start3A_419 = tpu.memref_slice %arg15[%dma_start3A_417, %dma_start3A_418] : memref<10240x64xf32, #tpu.memory_space<vmem_shared>> -> memref<10240x64xf32, #tpu.memory_space<vmem_shared>>
      tpu.enqueue_indirect_dma source(%arg13 : memref<400x64xf32, #tpu.memory_space<vmem>>) target(%dma_start3A_419 : memref<10240x64xf32, #tpu.memory_space<vmem_shared>>) offsets(%dma_start3A_416 : memref<400xi32, #tpu.memory_space<vmem>>) semaphore(%run_scoped3A_413 : memref<!tpu.dma_semaphore, #tpu.memory_space<semaphore_mem>>) {add = true}
      %dma_wait3A_420 = arith.constant 0 : i32
      %dma_wait3A_421 = tpu.memref_slice %arg11[%run_scoped3A_291, %dma_wait3A_420] : memref<25x400xi32, #tpu.memory_space<vmem>> -> memref<1x400xi32, #tpu.memory_space<vmem>>
      %dma_wait3A_422 = tpu.memref_squeeze %dma_wait3A_421 : memref<1x400xi32, #tpu.memory_space<vmem>> -> memref<400xi32, #tpu.memory_space<vmem>>
      %dma_wait3A_423 = arith.constant 0 : i32
      %dma_wait3A_424 = arith.constant 0 : i32
      %dma_wait3A_425 = tpu.memref_slice %arg15[%dma_wait3A_423, %dma_wait3A_424] : memref<10240x64xf32, #tpu.memory_space<vmem_shared>> -> memref<10240x64xf32, #tpu.memory_space<vmem_shared>>
      tpu.wait_indirect_dma semaphore(%run_scoped3A_413 : memref<!tpu.dma_semaphore, #tpu.memory_space<semaphore_mem>>) src(%arg13 : memref<400x64xf32, #tpu.memory_space<vmem>>) dst(%dma_wait3A_425 : memref<10240x64xf32, #tpu.memory_space<vmem_shared>>)
      tpu.yield
    }) : () -> ()
    %eq3A_292 = arith.constant 1 : i32
    %eq3A_293 = arith.cmpi eq, %arg0, %eq3A_292 : i32
    %convert_element_type3A_294 = arith.extui %eq3A_293 : i1 to i32
    %cond3A_295 = arith.constant 0 : i32
    %cond3A_296 = arith.cmpi ne, %convert_element_type3A_294, %cond3A_295 : i32
    scf.if %cond3A_296 {
      %run_scoped3A_413 = arith.constant 17 : i32
      "tpu.region"() ({
        %run_scoped3A_414 = tpu.sem_alloc : memref<!tpu.dma_semaphore, #tpu.memory_space<semaphore_mem>>
        %dma_start3A_415 = arith.constant 0 : i32
        %dma_start3A_416 = tpu.memref_slice %arg11[%run_scoped3A_413, %dma_start3A_415] : memref<25x400xi32, #tpu.memory_space<vmem>> -> memref<1x400xi32, #tpu.memory_space<vmem>>
        %dma_start3A_417 = tpu.memref_squeeze %dma_start3A_416 : memref<1x400xi32, #tpu.memory_space<vmem>> -> memref<400xi32, #tpu.memory_space<vmem>>
        %dma_start3A_418 = arith.constant 0 : i32
        %dma_start3A_419 = arith.constant 0 : i32
        %dma_start3A_420 = tpu.memref_slice %arg16[%dma_start3A_418, %dma_start3A_419] : memref<10240x8xf32, #tpu.memory_space<vmem_shared>> -> memref<10240x8xf32, #tpu.memory_space<vmem_shared>>
        tpu.enqueue_indirect_dma source(%arg14 : memref<400x8xf32, #tpu.memory_space<vmem>>) target(%dma_start3A_420 : memref<10240x8xf32, #tpu.memory_space<vmem_shared>>) offsets(%dma_start3A_417 : memref<400xi32, #tpu.memory_space<vmem>>) semaphore(%run_scoped3A_414 : memref<!tpu.dma_semaphore, #tpu.memory_space<semaphore_mem>>) {add = true}
        %dma_wait3A_421 = arith.constant 0 : i32
        %dma_wait3A_422 = tpu.memref_slice %arg11[%run_scoped3A_413, %dma_wait3A_421] : memref<25x400xi32, #tpu.memory_space<vmem>> -> memref<1x400xi32, #tpu.memory_space<vmem>>
        %dma_wait3A_423 = tpu.memref_squeeze %dma_wait3A_422 : memref<1x400xi32, #tpu.memory_space<vmem>> -> memref<400xi32, #tpu.memory_space<vmem>>
        %dma_wait3A_424 = arith.constant 0 : i32
        %dma_wait3A_425 = arith.constant 0 : i32
        %dma_wait3A_426 = tpu.memref_slice %arg16[%dma_wait3A_424, %dma_wait3A_425] : memref<10240x8xf32, #tpu.memory_space<vmem_shared>> -> memref<10240x8xf32, #tpu.memory_space<vmem_shared>>
        tpu.wait_indirect_dma semaphore(%run_scoped3A_414 : memref<!tpu.dma_semaphore, #tpu.memory_space<semaphore_mem>>) src(%arg14 : memref<400x8xf32, #tpu.memory_space<vmem>>) dst(%dma_wait3A_426 : memref<10240x8xf32, #tpu.memory_space<vmem_shared>>)
        tpu.yield
      }) : () -> ()
    } else {
    }
    %dma_start3A_297 = arith.constant 7600 : i32
    %dma_start3A_298 = tpu.memref_slice %arg10[%dma_start3A_297] : memref<10000xi32, #tpu.memory_space<vmem>> -> memref<400xi32, #tpu.memory_space<vmem>>
    %dma_start3A_299 = arith.constant 0 : i32
    %dma_start3A_300 = arith.constant 0 : i32
    %dma_start3A_301 = tpu.memref_slice %arg2[%dma_start3A_299, %dma_start3A_300] : memref<40000x64xf32, #tpu.memory_space<hbm>> -> memref<40000x64xf32, #tpu.memory_space<hbm>>
    tpu.enqueue_indirect_dma source(%dma_start3A_301 : memref<40000x64xf32, #tpu.memory_space<hbm>>) target(%arg13 : memref<400x64xf32, #tpu.memory_space<vmem>>) offsets(%dma_start3A_298 : memref<400xi32, #tpu.memory_space<vmem>>) semaphore(%arg18 : memref<!tpu.dma_semaphore, #tpu.memory_space<semaphore_mem>>)
    %dma_wait3A_302 = arith.constant 7200 : i32
    %dma_wait3A_303 = tpu.memref_slice %arg10[%dma_wait3A_302] : memref<10000xi32, #tpu.memory_space<vmem>> -> memref<400xi32, #tpu.memory_space<vmem>>
    %dma_wait3A_304 = arith.constant 0 : i32
    %dma_wait3A_305 = arith.constant 0 : i32
    %dma_wait3A_306 = tpu.memref_slice %arg2[%dma_wait3A_304, %dma_wait3A_305] : memref<40000x64xf32, #tpu.memory_space<hbm>> -> memref<40000x64xf32, #tpu.memory_space<hbm>>
    tpu.wait_indirect_dma semaphore(%arg17 : memref<!tpu.dma_semaphore, #tpu.memory_space<semaphore_mem>>) src(%dma_wait3A_306 : memref<40000x64xf32, #tpu.memory_space<hbm>>) dst(%arg12 : memref<400x64xf32, #tpu.memory_space<vmem>>)
    %run_scoped3A_307 = arith.constant 18 : i32
    "tpu.region"() ({
      %run_scoped3A_413 = tpu.sem_alloc : memref<!tpu.dma_semaphore, #tpu.memory_space<semaphore_mem>>
      %dma_start3A_414 = arith.constant 0 : i32
      %dma_start3A_415 = tpu.memref_slice %arg11[%run_scoped3A_307, %dma_start3A_414] : memref<25x400xi32, #tpu.memory_space<vmem>> -> memref<1x400xi32, #tpu.memory_space<vmem>>
      %dma_start3A_416 = tpu.memref_squeeze %dma_start3A_415 : memref<1x400xi32, #tpu.memory_space<vmem>> -> memref<400xi32, #tpu.memory_space<vmem>>
      %dma_start3A_417 = arith.constant 0 : i32
      %dma_start3A_418 = arith.constant 0 : i32
      %dma_start3A_419 = tpu.memref_slice %arg15[%dma_start3A_417, %dma_start3A_418] : memref<10240x64xf32, #tpu.memory_space<vmem_shared>> -> memref<10240x64xf32, #tpu.memory_space<vmem_shared>>
      tpu.enqueue_indirect_dma source(%arg12 : memref<400x64xf32, #tpu.memory_space<vmem>>) target(%dma_start3A_419 : memref<10240x64xf32, #tpu.memory_space<vmem_shared>>) offsets(%dma_start3A_416 : memref<400xi32, #tpu.memory_space<vmem>>) semaphore(%run_scoped3A_413 : memref<!tpu.dma_semaphore, #tpu.memory_space<semaphore_mem>>) {add = true}
      %dma_wait3A_420 = arith.constant 0 : i32
      %dma_wait3A_421 = tpu.memref_slice %arg11[%run_scoped3A_307, %dma_wait3A_420] : memref<25x400xi32, #tpu.memory_space<vmem>> -> memref<1x400xi32, #tpu.memory_space<vmem>>
      %dma_wait3A_422 = tpu.memref_squeeze %dma_wait3A_421 : memref<1x400xi32, #tpu.memory_space<vmem>> -> memref<400xi32, #tpu.memory_space<vmem>>
      %dma_wait3A_423 = arith.constant 0 : i32
      %dma_wait3A_424 = arith.constant 0 : i32
      %dma_wait3A_425 = tpu.memref_slice %arg15[%dma_wait3A_423, %dma_wait3A_424] : memref<10240x64xf32, #tpu.memory_space<vmem_shared>> -> memref<10240x64xf32, #tpu.memory_space<vmem_shared>>
      tpu.wait_indirect_dma semaphore(%run_scoped3A_413 : memref<!tpu.dma_semaphore, #tpu.memory_space<semaphore_mem>>) src(%arg12 : memref<400x64xf32, #tpu.memory_space<vmem>>) dst(%dma_wait3A_425 : memref<10240x64xf32, #tpu.memory_space<vmem_shared>>)
      tpu.yield
    }) : () -> ()
    %eq3A_308 = arith.constant 0 : i32
    %eq3A_309 = arith.cmpi eq, %arg0, %eq3A_308 : i32
    %convert_element_type3A_310 = arith.extui %eq3A_309 : i1 to i32
    %cond3A_311 = arith.constant 0 : i32
    %cond3A_312 = arith.cmpi ne, %convert_element_type3A_310, %cond3A_311 : i32
    scf.if %cond3A_312 {
      %run_scoped3A_413 = arith.constant 18 : i32
      "tpu.region"() ({
        %run_scoped3A_414 = tpu.sem_alloc : memref<!tpu.dma_semaphore, #tpu.memory_space<semaphore_mem>>
        %dma_start3A_415 = arith.constant 0 : i32
        %dma_start3A_416 = tpu.memref_slice %arg11[%run_scoped3A_413, %dma_start3A_415] : memref<25x400xi32, #tpu.memory_space<vmem>> -> memref<1x400xi32, #tpu.memory_space<vmem>>
        %dma_start3A_417 = tpu.memref_squeeze %dma_start3A_416 : memref<1x400xi32, #tpu.memory_space<vmem>> -> memref<400xi32, #tpu.memory_space<vmem>>
        %dma_start3A_418 = arith.constant 0 : i32
        %dma_start3A_419 = arith.constant 0 : i32
        %dma_start3A_420 = tpu.memref_slice %arg16[%dma_start3A_418, %dma_start3A_419] : memref<10240x8xf32, #tpu.memory_space<vmem_shared>> -> memref<10240x8xf32, #tpu.memory_space<vmem_shared>>
        tpu.enqueue_indirect_dma source(%arg14 : memref<400x8xf32, #tpu.memory_space<vmem>>) target(%dma_start3A_420 : memref<10240x8xf32, #tpu.memory_space<vmem_shared>>) offsets(%dma_start3A_417 : memref<400xi32, #tpu.memory_space<vmem>>) semaphore(%run_scoped3A_414 : memref<!tpu.dma_semaphore, #tpu.memory_space<semaphore_mem>>) {add = true}
        %dma_wait3A_421 = arith.constant 0 : i32
        %dma_wait3A_422 = tpu.memref_slice %arg11[%run_scoped3A_413, %dma_wait3A_421] : memref<25x400xi32, #tpu.memory_space<vmem>> -> memref<1x400xi32, #tpu.memory_space<vmem>>
        %dma_wait3A_423 = tpu.memref_squeeze %dma_wait3A_422 : memref<1x400xi32, #tpu.memory_space<vmem>> -> memref<400xi32, #tpu.memory_space<vmem>>
        %dma_wait3A_424 = arith.constant 0 : i32
        %dma_wait3A_425 = arith.constant 0 : i32
        %dma_wait3A_426 = tpu.memref_slice %arg16[%dma_wait3A_424, %dma_wait3A_425] : memref<10240x8xf32, #tpu.memory_space<vmem_shared>> -> memref<10240x8xf32, #tpu.memory_space<vmem_shared>>
        tpu.wait_indirect_dma semaphore(%run_scoped3A_414 : memref<!tpu.dma_semaphore, #tpu.memory_space<semaphore_mem>>) src(%arg14 : memref<400x8xf32, #tpu.memory_space<vmem>>) dst(%dma_wait3A_426 : memref<10240x8xf32, #tpu.memory_space<vmem_shared>>)
        tpu.yield
      }) : () -> ()
    } else {
    }
    %dma_start3A_313 = arith.constant 8000 : i32
    %dma_start3A_314 = tpu.memref_slice %arg10[%dma_start3A_313] : memref<10000xi32, #tpu.memory_space<vmem>> -> memref<400xi32, #tpu.memory_space<vmem>>
    %dma_start3A_315 = arith.constant 0 : i32
    %dma_start3A_316 = arith.constant 0 : i32
    %dma_start3A_317 = tpu.memref_slice %arg2[%dma_start3A_315, %dma_start3A_316] : memref<40000x64xf32, #tpu.memory_space<hbm>> -> memref<40000x64xf32, #tpu.memory_space<hbm>>
    tpu.enqueue_indirect_dma source(%dma_start3A_317 : memref<40000x64xf32, #tpu.memory_space<hbm>>) target(%arg12 : memref<400x64xf32, #tpu.memory_space<vmem>>) offsets(%dma_start3A_314 : memref<400xi32, #tpu.memory_space<vmem>>) semaphore(%arg17 : memref<!tpu.dma_semaphore, #tpu.memory_space<semaphore_mem>>)
    %dma_wait3A_318 = arith.constant 7600 : i32
    %dma_wait3A_319 = tpu.memref_slice %arg10[%dma_wait3A_318] : memref<10000xi32, #tpu.memory_space<vmem>> -> memref<400xi32, #tpu.memory_space<vmem>>
    %dma_wait3A_320 = arith.constant 0 : i32
    %dma_wait3A_321 = arith.constant 0 : i32
    %dma_wait3A_322 = tpu.memref_slice %arg2[%dma_wait3A_320, %dma_wait3A_321] : memref<40000x64xf32, #tpu.memory_space<hbm>> -> memref<40000x64xf32, #tpu.memory_space<hbm>>
    tpu.wait_indirect_dma semaphore(%arg18 : memref<!tpu.dma_semaphore, #tpu.memory_space<semaphore_mem>>) src(%dma_wait3A_322 : memref<40000x64xf32, #tpu.memory_space<hbm>>) dst(%arg13 : memref<400x64xf32, #tpu.memory_space<vmem>>)
    %run_scoped3A_323 = arith.constant 19 : i32
    "tpu.region"() ({
      %run_scoped3A_413 = tpu.sem_alloc : memref<!tpu.dma_semaphore, #tpu.memory_space<semaphore_mem>>
      %dma_start3A_414 = arith.constant 0 : i32
      %dma_start3A_415 = tpu.memref_slice %arg11[%run_scoped3A_323, %dma_start3A_414] : memref<25x400xi32, #tpu.memory_space<vmem>> -> memref<1x400xi32, #tpu.memory_space<vmem>>
      %dma_start3A_416 = tpu.memref_squeeze %dma_start3A_415 : memref<1x400xi32, #tpu.memory_space<vmem>> -> memref<400xi32, #tpu.memory_space<vmem>>
      %dma_start3A_417 = arith.constant 0 : i32
      %dma_start3A_418 = arith.constant 0 : i32
      %dma_start3A_419 = tpu.memref_slice %arg15[%dma_start3A_417, %dma_start3A_418] : memref<10240x64xf32, #tpu.memory_space<vmem_shared>> -> memref<10240x64xf32, #tpu.memory_space<vmem_shared>>
      tpu.enqueue_indirect_dma source(%arg13 : memref<400x64xf32, #tpu.memory_space<vmem>>) target(%dma_start3A_419 : memref<10240x64xf32, #tpu.memory_space<vmem_shared>>) offsets(%dma_start3A_416 : memref<400xi32, #tpu.memory_space<vmem>>) semaphore(%run_scoped3A_413 : memref<!tpu.dma_semaphore, #tpu.memory_space<semaphore_mem>>) {add = true}
      %dma_wait3A_420 = arith.constant 0 : i32
      %dma_wait3A_421 = tpu.memref_slice %arg11[%run_scoped3A_323, %dma_wait3A_420] : memref<25x400xi32, #tpu.memory_space<vmem>> -> memref<1x400xi32, #tpu.memory_space<vmem>>
      %dma_wait3A_422 = tpu.memref_squeeze %dma_wait3A_421 : memref<1x400xi32, #tpu.memory_space<vmem>> -> memref<400xi32, #tpu.memory_space<vmem>>
      %dma_wait3A_423 = arith.constant 0 : i32
      %dma_wait3A_424 = arith.constant 0 : i32
      %dma_wait3A_425 = tpu.memref_slice %arg15[%dma_wait3A_423, %dma_wait3A_424] : memref<10240x64xf32, #tpu.memory_space<vmem_shared>> -> memref<10240x64xf32, #tpu.memory_space<vmem_shared>>
      tpu.wait_indirect_dma semaphore(%run_scoped3A_413 : memref<!tpu.dma_semaphore, #tpu.memory_space<semaphore_mem>>) src(%arg13 : memref<400x64xf32, #tpu.memory_space<vmem>>) dst(%dma_wait3A_425 : memref<10240x64xf32, #tpu.memory_space<vmem_shared>>)
      tpu.yield
    }) : () -> ()
    %eq3A_324 = arith.constant 1 : i32
    %eq3A_325 = arith.cmpi eq, %arg0, %eq3A_324 : i32
    %convert_element_type3A_326 = arith.extui %eq3A_325 : i1 to i32
    %cond3A_327 = arith.constant 0 : i32
    %cond3A_328 = arith.cmpi ne, %convert_element_type3A_326, %cond3A_327 : i32
    scf.if %cond3A_328 {
      %run_scoped3A_413 = arith.constant 19 : i32
      "tpu.region"() ({
        %run_scoped3A_414 = tpu.sem_alloc : memref<!tpu.dma_semaphore, #tpu.memory_space<semaphore_mem>>
        %dma_start3A_415 = arith.constant 0 : i32
        %dma_start3A_416 = tpu.memref_slice %arg11[%run_scoped3A_413, %dma_start3A_415] : memref<25x400xi32, #tpu.memory_space<vmem>> -> memref<1x400xi32, #tpu.memory_space<vmem>>
        %dma_start3A_417 = tpu.memref_squeeze %dma_start3A_416 : memref<1x400xi32, #tpu.memory_space<vmem>> -> memref<400xi32, #tpu.memory_space<vmem>>
        %dma_start3A_418 = arith.constant 0 : i32
        %dma_start3A_419 = arith.constant 0 : i32
        %dma_start3A_420 = tpu.memref_slice %arg16[%dma_start3A_418, %dma_start3A_419] : memref<10240x8xf32, #tpu.memory_space<vmem_shared>> -> memref<10240x8xf32, #tpu.memory_space<vmem_shared>>
        tpu.enqueue_indirect_dma source(%arg14 : memref<400x8xf32, #tpu.memory_space<vmem>>) target(%dma_start3A_420 : memref<10240x8xf32, #tpu.memory_space<vmem_shared>>) offsets(%dma_start3A_417 : memref<400xi32, #tpu.memory_space<vmem>>) semaphore(%run_scoped3A_414 : memref<!tpu.dma_semaphore, #tpu.memory_space<semaphore_mem>>) {add = true}
        %dma_wait3A_421 = arith.constant 0 : i32
        %dma_wait3A_422 = tpu.memref_slice %arg11[%run_scoped3A_413, %dma_wait3A_421] : memref<25x400xi32, #tpu.memory_space<vmem>> -> memref<1x400xi32, #tpu.memory_space<vmem>>
        %dma_wait3A_423 = tpu.memref_squeeze %dma_wait3A_422 : memref<1x400xi32, #tpu.memory_space<vmem>> -> memref<400xi32, #tpu.memory_space<vmem>>
        %dma_wait3A_424 = arith.constant 0 : i32
        %dma_wait3A_425 = arith.constant 0 : i32
        %dma_wait3A_426 = tpu.memref_slice %arg16[%dma_wait3A_424, %dma_wait3A_425] : memref<10240x8xf32, #tpu.memory_space<vmem_shared>> -> memref<10240x8xf32, #tpu.memory_space<vmem_shared>>
        tpu.wait_indirect_dma semaphore(%run_scoped3A_414 : memref<!tpu.dma_semaphore, #tpu.memory_space<semaphore_mem>>) src(%arg14 : memref<400x8xf32, #tpu.memory_space<vmem>>) dst(%dma_wait3A_426 : memref<10240x8xf32, #tpu.memory_space<vmem_shared>>)
        tpu.yield
      }) : () -> ()
    } else {
    }
    %dma_start3A_329 = arith.constant 8400 : i32
    %dma_start3A_330 = tpu.memref_slice %arg10[%dma_start3A_329] : memref<10000xi32, #tpu.memory_space<vmem>> -> memref<400xi32, #tpu.memory_space<vmem>>
    %dma_start3A_331 = arith.constant 0 : i32
    %dma_start3A_332 = arith.constant 0 : i32
    %dma_start3A_333 = tpu.memref_slice %arg2[%dma_start3A_331, %dma_start3A_332] : memref<40000x64xf32, #tpu.memory_space<hbm>> -> memref<40000x64xf32, #tpu.memory_space<hbm>>
    tpu.enqueue_indirect_dma source(%dma_start3A_333 : memref<40000x64xf32, #tpu.memory_space<hbm>>) target(%arg13 : memref<400x64xf32, #tpu.memory_space<vmem>>) offsets(%dma_start3A_330 : memref<400xi32, #tpu.memory_space<vmem>>) semaphore(%arg18 : memref<!tpu.dma_semaphore, #tpu.memory_space<semaphore_mem>>)
    %dma_wait3A_334 = arith.constant 8000 : i32
    %dma_wait3A_335 = tpu.memref_slice %arg10[%dma_wait3A_334] : memref<10000xi32, #tpu.memory_space<vmem>> -> memref<400xi32, #tpu.memory_space<vmem>>
    %dma_wait3A_336 = arith.constant 0 : i32
    %dma_wait3A_337 = arith.constant 0 : i32
    %dma_wait3A_338 = tpu.memref_slice %arg2[%dma_wait3A_336, %dma_wait3A_337] : memref<40000x64xf32, #tpu.memory_space<hbm>> -> memref<40000x64xf32, #tpu.memory_space<hbm>>
    tpu.wait_indirect_dma semaphore(%arg17 : memref<!tpu.dma_semaphore, #tpu.memory_space<semaphore_mem>>) src(%dma_wait3A_338 : memref<40000x64xf32, #tpu.memory_space<hbm>>) dst(%arg12 : memref<400x64xf32, #tpu.memory_space<vmem>>)
    %run_scoped3A_339 = arith.constant 20 : i32
    "tpu.region"() ({
      %run_scoped3A_413 = tpu.sem_alloc : memref<!tpu.dma_semaphore, #tpu.memory_space<semaphore_mem>>
      %dma_start3A_414 = arith.constant 0 : i32
      %dma_start3A_415 = tpu.memref_slice %arg11[%run_scoped3A_339, %dma_start3A_414] : memref<25x400xi32, #tpu.memory_space<vmem>> -> memref<1x400xi32, #tpu.memory_space<vmem>>
      %dma_start3A_416 = tpu.memref_squeeze %dma_start3A_415 : memref<1x400xi32, #tpu.memory_space<vmem>> -> memref<400xi32, #tpu.memory_space<vmem>>
      %dma_start3A_417 = arith.constant 0 : i32
      %dma_start3A_418 = arith.constant 0 : i32
      %dma_start3A_419 = tpu.memref_slice %arg15[%dma_start3A_417, %dma_start3A_418] : memref<10240x64xf32, #tpu.memory_space<vmem_shared>> -> memref<10240x64xf32, #tpu.memory_space<vmem_shared>>
      tpu.enqueue_indirect_dma source(%arg12 : memref<400x64xf32, #tpu.memory_space<vmem>>) target(%dma_start3A_419 : memref<10240x64xf32, #tpu.memory_space<vmem_shared>>) offsets(%dma_start3A_416 : memref<400xi32, #tpu.memory_space<vmem>>) semaphore(%run_scoped3A_413 : memref<!tpu.dma_semaphore, #tpu.memory_space<semaphore_mem>>) {add = true}
      %dma_wait3A_420 = arith.constant 0 : i32
      %dma_wait3A_421 = tpu.memref_slice %arg11[%run_scoped3A_339, %dma_wait3A_420] : memref<25x400xi32, #tpu.memory_space<vmem>> -> memref<1x400xi32, #tpu.memory_space<vmem>>
      %dma_wait3A_422 = tpu.memref_squeeze %dma_wait3A_421 : memref<1x400xi32, #tpu.memory_space<vmem>> -> memref<400xi32, #tpu.memory_space<vmem>>
      %dma_wait3A_423 = arith.constant 0 : i32
      %dma_wait3A_424 = arith.constant 0 : i32
      %dma_wait3A_425 = tpu.memref_slice %arg15[%dma_wait3A_423, %dma_wait3A_424] : memref<10240x64xf32, #tpu.memory_space<vmem_shared>> -> memref<10240x64xf32, #tpu.memory_space<vmem_shared>>
      tpu.wait_indirect_dma semaphore(%run_scoped3A_413 : memref<!tpu.dma_semaphore, #tpu.memory_space<semaphore_mem>>) src(%arg12 : memref<400x64xf32, #tpu.memory_space<vmem>>) dst(%dma_wait3A_425 : memref<10240x64xf32, #tpu.memory_space<vmem_shared>>)
      tpu.yield
    }) : () -> ()
    %eq3A_340 = arith.constant 0 : i32
    %eq3A_341 = arith.cmpi eq, %arg0, %eq3A_340 : i32
    %convert_element_type3A_342 = arith.extui %eq3A_341 : i1 to i32
    %cond3A_343 = arith.constant 0 : i32
    %cond3A_344 = arith.cmpi ne, %convert_element_type3A_342, %cond3A_343 : i32
    scf.if %cond3A_344 {
      %run_scoped3A_413 = arith.constant 20 : i32
      "tpu.region"() ({
        %run_scoped3A_414 = tpu.sem_alloc : memref<!tpu.dma_semaphore, #tpu.memory_space<semaphore_mem>>
        %dma_start3A_415 = arith.constant 0 : i32
        %dma_start3A_416 = tpu.memref_slice %arg11[%run_scoped3A_413, %dma_start3A_415] : memref<25x400xi32, #tpu.memory_space<vmem>> -> memref<1x400xi32, #tpu.memory_space<vmem>>
        %dma_start3A_417 = tpu.memref_squeeze %dma_start3A_416 : memref<1x400xi32, #tpu.memory_space<vmem>> -> memref<400xi32, #tpu.memory_space<vmem>>
        %dma_start3A_418 = arith.constant 0 : i32
        %dma_start3A_419 = arith.constant 0 : i32
        %dma_start3A_420 = tpu.memref_slice %arg16[%dma_start3A_418, %dma_start3A_419] : memref<10240x8xf32, #tpu.memory_space<vmem_shared>> -> memref<10240x8xf32, #tpu.memory_space<vmem_shared>>
        tpu.enqueue_indirect_dma source(%arg14 : memref<400x8xf32, #tpu.memory_space<vmem>>) target(%dma_start3A_420 : memref<10240x8xf32, #tpu.memory_space<vmem_shared>>) offsets(%dma_start3A_417 : memref<400xi32, #tpu.memory_space<vmem>>) semaphore(%run_scoped3A_414 : memref<!tpu.dma_semaphore, #tpu.memory_space<semaphore_mem>>) {add = true}
        %dma_wait3A_421 = arith.constant 0 : i32
        %dma_wait3A_422 = tpu.memref_slice %arg11[%run_scoped3A_413, %dma_wait3A_421] : memref<25x400xi32, #tpu.memory_space<vmem>> -> memref<1x400xi32, #tpu.memory_space<vmem>>
        %dma_wait3A_423 = tpu.memref_squeeze %dma_wait3A_422 : memref<1x400xi32, #tpu.memory_space<vmem>> -> memref<400xi32, #tpu.memory_space<vmem>>
        %dma_wait3A_424 = arith.constant 0 : i32
        %dma_wait3A_425 = arith.constant 0 : i32
        %dma_wait3A_426 = tpu.memref_slice %arg16[%dma_wait3A_424, %dma_wait3A_425] : memref<10240x8xf32, #tpu.memory_space<vmem_shared>> -> memref<10240x8xf32, #tpu.memory_space<vmem_shared>>
        tpu.wait_indirect_dma semaphore(%run_scoped3A_414 : memref<!tpu.dma_semaphore, #tpu.memory_space<semaphore_mem>>) src(%arg14 : memref<400x8xf32, #tpu.memory_space<vmem>>) dst(%dma_wait3A_426 : memref<10240x8xf32, #tpu.memory_space<vmem_shared>>)
        tpu.yield
      }) : () -> ()
    } else {
    }
    %dma_start3A_345 = arith.constant 8800 : i32
    %dma_start3A_346 = tpu.memref_slice %arg10[%dma_start3A_345] : memref<10000xi32, #tpu.memory_space<vmem>> -> memref<400xi32, #tpu.memory_space<vmem>>
    %dma_start3A_347 = arith.constant 0 : i32
    %dma_start3A_348 = arith.constant 0 : i32
    %dma_start3A_349 = tpu.memref_slice %arg2[%dma_start3A_347, %dma_start3A_348] : memref<40000x64xf32, #tpu.memory_space<hbm>> -> memref<40000x64xf32, #tpu.memory_space<hbm>>
    tpu.enqueue_indirect_dma source(%dma_start3A_349 : memref<40000x64xf32, #tpu.memory_space<hbm>>) target(%arg12 : memref<400x64xf32, #tpu.memory_space<vmem>>) offsets(%dma_start3A_346 : memref<400xi32, #tpu.memory_space<vmem>>) semaphore(%arg17 : memref<!tpu.dma_semaphore, #tpu.memory_space<semaphore_mem>>)
    %dma_wait3A_350 = arith.constant 8400 : i32
    %dma_wait3A_351 = tpu.memref_slice %arg10[%dma_wait3A_350] : memref<10000xi32, #tpu.memory_space<vmem>> -> memref<400xi32, #tpu.memory_space<vmem>>
    %dma_wait3A_352 = arith.constant 0 : i32
    %dma_wait3A_353 = arith.constant 0 : i32
    %dma_wait3A_354 = tpu.memref_slice %arg2[%dma_wait3A_352, %dma_wait3A_353] : memref<40000x64xf32, #tpu.memory_space<hbm>> -> memref<40000x64xf32, #tpu.memory_space<hbm>>
    tpu.wait_indirect_dma semaphore(%arg18 : memref<!tpu.dma_semaphore, #tpu.memory_space<semaphore_mem>>) src(%dma_wait3A_354 : memref<40000x64xf32, #tpu.memory_space<hbm>>) dst(%arg13 : memref<400x64xf32, #tpu.memory_space<vmem>>)
    %run_scoped3A_355 = arith.constant 21 : i32
    "tpu.region"() ({
      %run_scoped3A_413 = tpu.sem_alloc : memref<!tpu.dma_semaphore, #tpu.memory_space<semaphore_mem>>
      %dma_start3A_414 = arith.constant 0 : i32
      %dma_start3A_415 = tpu.memref_slice %arg11[%run_scoped3A_355, %dma_start3A_414] : memref<25x400xi32, #tpu.memory_space<vmem>> -> memref<1x400xi32, #tpu.memory_space<vmem>>
      %dma_start3A_416 = tpu.memref_squeeze %dma_start3A_415 : memref<1x400xi32, #tpu.memory_space<vmem>> -> memref<400xi32, #tpu.memory_space<vmem>>
      %dma_start3A_417 = arith.constant 0 : i32
      %dma_start3A_418 = arith.constant 0 : i32
      %dma_start3A_419 = tpu.memref_slice %arg15[%dma_start3A_417, %dma_start3A_418] : memref<10240x64xf32, #tpu.memory_space<vmem_shared>> -> memref<10240x64xf32, #tpu.memory_space<vmem_shared>>
      tpu.enqueue_indirect_dma source(%arg13 : memref<400x64xf32, #tpu.memory_space<vmem>>) target(%dma_start3A_419 : memref<10240x64xf32, #tpu.memory_space<vmem_shared>>) offsets(%dma_start3A_416 : memref<400xi32, #tpu.memory_space<vmem>>) semaphore(%run_scoped3A_413 : memref<!tpu.dma_semaphore, #tpu.memory_space<semaphore_mem>>) {add = true}
      %dma_wait3A_420 = arith.constant 0 : i32
      %dma_wait3A_421 = tpu.memref_slice %arg11[%run_scoped3A_355, %dma_wait3A_420] : memref<25x400xi32, #tpu.memory_space<vmem>> -> memref<1x400xi32, #tpu.memory_space<vmem>>
      %dma_wait3A_422 = tpu.memref_squeeze %dma_wait3A_421 : memref<1x400xi32, #tpu.memory_space<vmem>> -> memref<400xi32, #tpu.memory_space<vmem>>
      %dma_wait3A_423 = arith.constant 0 : i32
      %dma_wait3A_424 = arith.constant 0 : i32
      %dma_wait3A_425 = tpu.memref_slice %arg15[%dma_wait3A_423, %dma_wait3A_424] : memref<10240x64xf32, #tpu.memory_space<vmem_shared>> -> memref<10240x64xf32, #tpu.memory_space<vmem_shared>>
      tpu.wait_indirect_dma semaphore(%run_scoped3A_413 : memref<!tpu.dma_semaphore, #tpu.memory_space<semaphore_mem>>) src(%arg13 : memref<400x64xf32, #tpu.memory_space<vmem>>) dst(%dma_wait3A_425 : memref<10240x64xf32, #tpu.memory_space<vmem_shared>>)
      tpu.yield
    }) : () -> ()
    %eq3A_356 = arith.constant 1 : i32
    %eq3A_357 = arith.cmpi eq, %arg0, %eq3A_356 : i32
    %convert_element_type3A_358 = arith.extui %eq3A_357 : i1 to i32
    %cond3A_359 = arith.constant 0 : i32
    %cond3A_360 = arith.cmpi ne, %convert_element_type3A_358, %cond3A_359 : i32
    scf.if %cond3A_360 {
      %run_scoped3A_413 = arith.constant 21 : i32
      "tpu.region"() ({
        %run_scoped3A_414 = tpu.sem_alloc : memref<!tpu.dma_semaphore, #tpu.memory_space<semaphore_mem>>
        %dma_start3A_415 = arith.constant 0 : i32
        %dma_start3A_416 = tpu.memref_slice %arg11[%run_scoped3A_413, %dma_start3A_415] : memref<25x400xi32, #tpu.memory_space<vmem>> -> memref<1x400xi32, #tpu.memory_space<vmem>>
        %dma_start3A_417 = tpu.memref_squeeze %dma_start3A_416 : memref<1x400xi32, #tpu.memory_space<vmem>> -> memref<400xi32, #tpu.memory_space<vmem>>
        %dma_start3A_418 = arith.constant 0 : i32
        %dma_start3A_419 = arith.constant 0 : i32
        %dma_start3A_420 = tpu.memref_slice %arg16[%dma_start3A_418, %dma_start3A_419] : memref<10240x8xf32, #tpu.memory_space<vmem_shared>> -> memref<10240x8xf32, #tpu.memory_space<vmem_shared>>
        tpu.enqueue_indirect_dma source(%arg14 : memref<400x8xf32, #tpu.memory_space<vmem>>) target(%dma_start3A_420 : memref<10240x8xf32, #tpu.memory_space<vmem_shared>>) offsets(%dma_start3A_417 : memref<400xi32, #tpu.memory_space<vmem>>) semaphore(%run_scoped3A_414 : memref<!tpu.dma_semaphore, #tpu.memory_space<semaphore_mem>>) {add = true}
        %dma_wait3A_421 = arith.constant 0 : i32
        %dma_wait3A_422 = tpu.memref_slice %arg11[%run_scoped3A_413, %dma_wait3A_421] : memref<25x400xi32, #tpu.memory_space<vmem>> -> memref<1x400xi32, #tpu.memory_space<vmem>>
        %dma_wait3A_423 = tpu.memref_squeeze %dma_wait3A_422 : memref<1x400xi32, #tpu.memory_space<vmem>> -> memref<400xi32, #tpu.memory_space<vmem>>
        %dma_wait3A_424 = arith.constant 0 : i32
        %dma_wait3A_425 = arith.constant 0 : i32
        %dma_wait3A_426 = tpu.memref_slice %arg16[%dma_wait3A_424, %dma_wait3A_425] : memref<10240x8xf32, #tpu.memory_space<vmem_shared>> -> memref<10240x8xf32, #tpu.memory_space<vmem_shared>>
        tpu.wait_indirect_dma semaphore(%run_scoped3A_414 : memref<!tpu.dma_semaphore, #tpu.memory_space<semaphore_mem>>) src(%arg14 : memref<400x8xf32, #tpu.memory_space<vmem>>) dst(%dma_wait3A_426 : memref<10240x8xf32, #tpu.memory_space<vmem_shared>>)
        tpu.yield
      }) : () -> ()
    } else {
    }
    %dma_start3A_361 = arith.constant 9200 : i32
    %dma_start3A_362 = tpu.memref_slice %arg10[%dma_start3A_361] : memref<10000xi32, #tpu.memory_space<vmem>> -> memref<400xi32, #tpu.memory_space<vmem>>
    %dma_start3A_363 = arith.constant 0 : i32
    %dma_start3A_364 = arith.constant 0 : i32
    %dma_start3A_365 = tpu.memref_slice %arg2[%dma_start3A_363, %dma_start3A_364] : memref<40000x64xf32, #tpu.memory_space<hbm>> -> memref<40000x64xf32, #tpu.memory_space<hbm>>
    tpu.enqueue_indirect_dma source(%dma_start3A_365 : memref<40000x64xf32, #tpu.memory_space<hbm>>) target(%arg13 : memref<400x64xf32, #tpu.memory_space<vmem>>) offsets(%dma_start3A_362 : memref<400xi32, #tpu.memory_space<vmem>>) semaphore(%arg18 : memref<!tpu.dma_semaphore, #tpu.memory_space<semaphore_mem>>)
    %dma_wait3A_366 = arith.constant 8800 : i32
    %dma_wait3A_367 = tpu.memref_slice %arg10[%dma_wait3A_366] : memref<10000xi32, #tpu.memory_space<vmem>> -> memref<400xi32, #tpu.memory_space<vmem>>
    %dma_wait3A_368 = arith.constant 0 : i32
    %dma_wait3A_369 = arith.constant 0 : i32
    %dma_wait3A_370 = tpu.memref_slice %arg2[%dma_wait3A_368, %dma_wait3A_369] : memref<40000x64xf32, #tpu.memory_space<hbm>> -> memref<40000x64xf32, #tpu.memory_space<hbm>>
    tpu.wait_indirect_dma semaphore(%arg17 : memref<!tpu.dma_semaphore, #tpu.memory_space<semaphore_mem>>) src(%dma_wait3A_370 : memref<40000x64xf32, #tpu.memory_space<hbm>>) dst(%arg12 : memref<400x64xf32, #tpu.memory_space<vmem>>)
    %run_scoped3A_371 = arith.constant 22 : i32
    "tpu.region"() ({
      %run_scoped3A_413 = tpu.sem_alloc : memref<!tpu.dma_semaphore, #tpu.memory_space<semaphore_mem>>
      %dma_start3A_414 = arith.constant 0 : i32
      %dma_start3A_415 = tpu.memref_slice %arg11[%run_scoped3A_371, %dma_start3A_414] : memref<25x400xi32, #tpu.memory_space<vmem>> -> memref<1x400xi32, #tpu.memory_space<vmem>>
      %dma_start3A_416 = tpu.memref_squeeze %dma_start3A_415 : memref<1x400xi32, #tpu.memory_space<vmem>> -> memref<400xi32, #tpu.memory_space<vmem>>
      %dma_start3A_417 = arith.constant 0 : i32
      %dma_start3A_418 = arith.constant 0 : i32
      %dma_start3A_419 = tpu.memref_slice %arg15[%dma_start3A_417, %dma_start3A_418] : memref<10240x64xf32, #tpu.memory_space<vmem_shared>> -> memref<10240x64xf32, #tpu.memory_space<vmem_shared>>
      tpu.enqueue_indirect_dma source(%arg12 : memref<400x64xf32, #tpu.memory_space<vmem>>) target(%dma_start3A_419 : memref<10240x64xf32, #tpu.memory_space<vmem_shared>>) offsets(%dma_start3A_416 : memref<400xi32, #tpu.memory_space<vmem>>) semaphore(%run_scoped3A_413 : memref<!tpu.dma_semaphore, #tpu.memory_space<semaphore_mem>>) {add = true}
      %dma_wait3A_420 = arith.constant 0 : i32
      %dma_wait3A_421 = tpu.memref_slice %arg11[%run_scoped3A_371, %dma_wait3A_420] : memref<25x400xi32, #tpu.memory_space<vmem>> -> memref<1x400xi32, #tpu.memory_space<vmem>>
      %dma_wait3A_422 = tpu.memref_squeeze %dma_wait3A_421 : memref<1x400xi32, #tpu.memory_space<vmem>> -> memref<400xi32, #tpu.memory_space<vmem>>
      %dma_wait3A_423 = arith.constant 0 : i32
      %dma_wait3A_424 = arith.constant 0 : i32
      %dma_wait3A_425 = tpu.memref_slice %arg15[%dma_wait3A_423, %dma_wait3A_424] : memref<10240x64xf32, #tpu.memory_space<vmem_shared>> -> memref<10240x64xf32, #tpu.memory_space<vmem_shared>>
      tpu.wait_indirect_dma semaphore(%run_scoped3A_413 : memref<!tpu.dma_semaphore, #tpu.memory_space<semaphore_mem>>) src(%arg12 : memref<400x64xf32, #tpu.memory_space<vmem>>) dst(%dma_wait3A_425 : memref<10240x64xf32, #tpu.memory_space<vmem_shared>>)
      tpu.yield
    }) : () -> ()
    %eq3A_372 = arith.constant 0 : i32
    %eq3A_373 = arith.cmpi eq, %arg0, %eq3A_372 : i32
    %convert_element_type3A_374 = arith.extui %eq3A_373 : i1 to i32
    %cond3A_375 = arith.constant 0 : i32
    %cond3A_376 = arith.cmpi ne, %convert_element_type3A_374, %cond3A_375 : i32
    scf.if %cond3A_376 {
      %run_scoped3A_413 = arith.constant 22 : i32
      "tpu.region"() ({
        %run_scoped3A_414 = tpu.sem_alloc : memref<!tpu.dma_semaphore, #tpu.memory_space<semaphore_mem>>
        %dma_start3A_415 = arith.constant 0 : i32
        %dma_start3A_416 = tpu.memref_slice %arg11[%run_scoped3A_413, %dma_start3A_415] : memref<25x400xi32, #tpu.memory_space<vmem>> -> memref<1x400xi32, #tpu.memory_space<vmem>>
        %dma_start3A_417 = tpu.memref_squeeze %dma_start3A_416 : memref<1x400xi32, #tpu.memory_space<vmem>> -> memref<400xi32, #tpu.memory_space<vmem>>
        %dma_start3A_418 = arith.constant 0 : i32
        %dma_start3A_419 = arith.constant 0 : i32
        %dma_start3A_420 = tpu.memref_slice %arg16[%dma_start3A_418, %dma_start3A_419] : memref<10240x8xf32, #tpu.memory_space<vmem_shared>> -> memref<10240x8xf32, #tpu.memory_space<vmem_shared>>
        tpu.enqueue_indirect_dma source(%arg14 : memref<400x8xf32, #tpu.memory_space<vmem>>) target(%dma_start3A_420 : memref<10240x8xf32, #tpu.memory_space<vmem_shared>>) offsets(%dma_start3A_417 : memref<400xi32, #tpu.memory_space<vmem>>) semaphore(%run_scoped3A_414 : memref<!tpu.dma_semaphore, #tpu.memory_space<semaphore_mem>>) {add = true}
        %dma_wait3A_421 = arith.constant 0 : i32
        %dma_wait3A_422 = tpu.memref_slice %arg11[%run_scoped3A_413, %dma_wait3A_421] : memref<25x400xi32, #tpu.memory_space<vmem>> -> memref<1x400xi32, #tpu.memory_space<vmem>>
        %dma_wait3A_423 = tpu.memref_squeeze %dma_wait3A_422 : memref<1x400xi32, #tpu.memory_space<vmem>> -> memref<400xi32, #tpu.memory_space<vmem>>
        %dma_wait3A_424 = arith.constant 0 : i32
        %dma_wait3A_425 = arith.constant 0 : i32
        %dma_wait3A_426 = tpu.memref_slice %arg16[%dma_wait3A_424, %dma_wait3A_425] : memref<10240x8xf32, #tpu.memory_space<vmem_shared>> -> memref<10240x8xf32, #tpu.memory_space<vmem_shared>>
        tpu.wait_indirect_dma semaphore(%run_scoped3A_414 : memref<!tpu.dma_semaphore, #tpu.memory_space<semaphore_mem>>) src(%arg14 : memref<400x8xf32, #tpu.memory_space<vmem>>) dst(%dma_wait3A_426 : memref<10240x8xf32, #tpu.memory_space<vmem_shared>>)
        tpu.yield
      }) : () -> ()
    } else {
    }
    %dma_start3A_377 = arith.constant 9600 : i32
    %dma_start3A_378 = tpu.memref_slice %arg10[%dma_start3A_377] : memref<10000xi32, #tpu.memory_space<vmem>> -> memref<400xi32, #tpu.memory_space<vmem>>
    %dma_start3A_379 = arith.constant 0 : i32
    %dma_start3A_380 = arith.constant 0 : i32
    %dma_start3A_381 = tpu.memref_slice %arg2[%dma_start3A_379, %dma_start3A_380] : memref<40000x64xf32, #tpu.memory_space<hbm>> -> memref<40000x64xf32, #tpu.memory_space<hbm>>
    tpu.enqueue_indirect_dma source(%dma_start3A_381 : memref<40000x64xf32, #tpu.memory_space<hbm>>) target(%arg12 : memref<400x64xf32, #tpu.memory_space<vmem>>) offsets(%dma_start3A_378 : memref<400xi32, #tpu.memory_space<vmem>>) semaphore(%arg17 : memref<!tpu.dma_semaphore, #tpu.memory_space<semaphore_mem>>)
    %dma_wait3A_382 = arith.constant 9200 : i32
    %dma_wait3A_383 = tpu.memref_slice %arg10[%dma_wait3A_382] : memref<10000xi32, #tpu.memory_space<vmem>> -> memref<400xi32, #tpu.memory_space<vmem>>
    %dma_wait3A_384 = arith.constant 0 : i32
    %dma_wait3A_385 = arith.constant 0 : i32
    %dma_wait3A_386 = tpu.memref_slice %arg2[%dma_wait3A_384, %dma_wait3A_385] : memref<40000x64xf32, #tpu.memory_space<hbm>> -> memref<40000x64xf32, #tpu.memory_space<hbm>>
    tpu.wait_indirect_dma semaphore(%arg18 : memref<!tpu.dma_semaphore, #tpu.memory_space<semaphore_mem>>) src(%dma_wait3A_386 : memref<40000x64xf32, #tpu.memory_space<hbm>>) dst(%arg13 : memref<400x64xf32, #tpu.memory_space<vmem>>)
    %run_scoped3A_387 = arith.constant 23 : i32
    "tpu.region"() ({
      %run_scoped3A_413 = tpu.sem_alloc : memref<!tpu.dma_semaphore, #tpu.memory_space<semaphore_mem>>
      %dma_start3A_414 = arith.constant 0 : i32
      %dma_start3A_415 = tpu.memref_slice %arg11[%run_scoped3A_387, %dma_start3A_414] : memref<25x400xi32, #tpu.memory_space<vmem>> -> memref<1x400xi32, #tpu.memory_space<vmem>>
      %dma_start3A_416 = tpu.memref_squeeze %dma_start3A_415 : memref<1x400xi32, #tpu.memory_space<vmem>> -> memref<400xi32, #tpu.memory_space<vmem>>
      %dma_start3A_417 = arith.constant 0 : i32
      %dma_start3A_418 = arith.constant 0 : i32
      %dma_start3A_419 = tpu.memref_slice %arg15[%dma_start3A_417, %dma_start3A_418] : memref<10240x64xf32, #tpu.memory_space<vmem_shared>> -> memref<10240x64xf32, #tpu.memory_space<vmem_shared>>
      tpu.enqueue_indirect_dma source(%arg13 : memref<400x64xf32, #tpu.memory_space<vmem>>) target(%dma_start3A_419 : memref<10240x64xf32, #tpu.memory_space<vmem_shared>>) offsets(%dma_start3A_416 : memref<400xi32, #tpu.memory_space<vmem>>) semaphore(%run_scoped3A_413 : memref<!tpu.dma_semaphore, #tpu.memory_space<semaphore_mem>>) {add = true}
      %dma_wait3A_420 = arith.constant 0 : i32
      %dma_wait3A_421 = tpu.memref_slice %arg11[%run_scoped3A_387, %dma_wait3A_420] : memref<25x400xi32, #tpu.memory_space<vmem>> -> memref<1x400xi32, #tpu.memory_space<vmem>>
      %dma_wait3A_422 = tpu.memref_squeeze %dma_wait3A_421 : memref<1x400xi32, #tpu.memory_space<vmem>> -> memref<400xi32, #tpu.memory_space<vmem>>
      %dma_wait3A_423 = arith.constant 0 : i32
      %dma_wait3A_424 = arith.constant 0 : i32
      %dma_wait3A_425 = tpu.memref_slice %arg15[%dma_wait3A_423, %dma_wait3A_424] : memref<10240x64xf32, #tpu.memory_space<vmem_shared>> -> memref<10240x64xf32, #tpu.memory_space<vmem_shared>>
      tpu.wait_indirect_dma semaphore(%run_scoped3A_413 : memref<!tpu.dma_semaphore, #tpu.memory_space<semaphore_mem>>) src(%arg13 : memref<400x64xf32, #tpu.memory_space<vmem>>) dst(%dma_wait3A_425 : memref<10240x64xf32, #tpu.memory_space<vmem_shared>>)
      tpu.yield
    }) : () -> ()
    %eq3A_388 = arith.constant 1 : i32
    %eq3A_389 = arith.cmpi eq, %arg0, %eq3A_388 : i32
    %convert_element_type3A_390 = arith.extui %eq3A_389 : i1 to i32
    %cond3A_391 = arith.constant 0 : i32
    %cond3A_392 = arith.cmpi ne, %convert_element_type3A_390, %cond3A_391 : i32
    scf.if %cond3A_392 {
      %run_scoped3A_413 = arith.constant 23 : i32
      "tpu.region"() ({
        %run_scoped3A_414 = tpu.sem_alloc : memref<!tpu.dma_semaphore, #tpu.memory_space<semaphore_mem>>
        %dma_start3A_415 = arith.constant 0 : i32
        %dma_start3A_416 = tpu.memref_slice %arg11[%run_scoped3A_413, %dma_start3A_415] : memref<25x400xi32, #tpu.memory_space<vmem>> -> memref<1x400xi32, #tpu.memory_space<vmem>>
        %dma_start3A_417 = tpu.memref_squeeze %dma_start3A_416 : memref<1x400xi32, #tpu.memory_space<vmem>> -> memref<400xi32, #tpu.memory_space<vmem>>
        %dma_start3A_418 = arith.constant 0 : i32
        %dma_start3A_419 = arith.constant 0 : i32
        %dma_start3A_420 = tpu.memref_slice %arg16[%dma_start3A_418, %dma_start3A_419] : memref<10240x8xf32, #tpu.memory_space<vmem_shared>> -> memref<10240x8xf32, #tpu.memory_space<vmem_shared>>
        tpu.enqueue_indirect_dma source(%arg14 : memref<400x8xf32, #tpu.memory_space<vmem>>) target(%dma_start3A_420 : memref<10240x8xf32, #tpu.memory_space<vmem_shared>>) offsets(%dma_start3A_417 : memref<400xi32, #tpu.memory_space<vmem>>) semaphore(%run_scoped3A_414 : memref<!tpu.dma_semaphore, #tpu.memory_space<semaphore_mem>>) {add = true}
        %dma_wait3A_421 = arith.constant 0 : i32
        %dma_wait3A_422 = tpu.memref_slice %arg11[%run_scoped3A_413, %dma_wait3A_421] : memref<25x400xi32, #tpu.memory_space<vmem>> -> memref<1x400xi32, #tpu.memory_space<vmem>>
        %dma_wait3A_423 = tpu.memref_squeeze %dma_wait3A_422 : memref<1x400xi32, #tpu.memory_space<vmem>> -> memref<400xi32, #tpu.memory_space<vmem>>
        %dma_wait3A_424 = arith.constant 0 : i32
        %dma_wait3A_425 = arith.constant 0 : i32
        %dma_wait3A_426 = tpu.memref_slice %arg16[%dma_wait3A_424, %dma_wait3A_425] : memref<10240x8xf32, #tpu.memory_space<vmem_shared>> -> memref<10240x8xf32, #tpu.memory_space<vmem_shared>>
        tpu.wait_indirect_dma semaphore(%run_scoped3A_414 : memref<!tpu.dma_semaphore, #tpu.memory_space<semaphore_mem>>) src(%arg14 : memref<400x8xf32, #tpu.memory_space<vmem>>) dst(%dma_wait3A_426 : memref<10240x8xf32, #tpu.memory_space<vmem_shared>>)
        tpu.yield
      }) : () -> ()
    } else {
    }
    %dma_wait3A_393 = arith.constant 9600 : i32
    %dma_wait3A_394 = tpu.memref_slice %arg10[%dma_wait3A_393] : memref<10000xi32, #tpu.memory_space<vmem>> -> memref<400xi32, #tpu.memory_space<vmem>>
    %dma_wait3A_395 = arith.constant 0 : i32
    %dma_wait3A_396 = arith.constant 0 : i32
    %dma_wait3A_397 = tpu.memref_slice %arg2[%dma_wait3A_395, %dma_wait3A_396] : memref<40000x64xf32, #tpu.memory_space<hbm>> -> memref<40000x64xf32, #tpu.memory_space<hbm>>
    tpu.wait_indirect_dma semaphore(%arg17 : memref<!tpu.dma_semaphore, #tpu.memory_space<semaphore_mem>>) src(%dma_wait3A_397 : memref<40000x64xf32, #tpu.memory_space<hbm>>) dst(%arg12 : memref<400x64xf32, #tpu.memory_space<vmem>>)
    %run_scoped3A_398 = arith.constant 24 : i32
    "tpu.region"() ({
      %run_scoped3A_413 = tpu.sem_alloc : memref<!tpu.dma_semaphore, #tpu.memory_space<semaphore_mem>>
      %dma_start3A_414 = arith.constant 0 : i32
      %dma_start3A_415 = tpu.memref_slice %arg11[%run_scoped3A_398, %dma_start3A_414] : memref<25x400xi32, #tpu.memory_space<vmem>> -> memref<1x400xi32, #tpu.memory_space<vmem>>
      %dma_start3A_416 = tpu.memref_squeeze %dma_start3A_415 : memref<1x400xi32, #tpu.memory_space<vmem>> -> memref<400xi32, #tpu.memory_space<vmem>>
      %dma_start3A_417 = arith.constant 0 : i32
      %dma_start3A_418 = arith.constant 0 : i32
      %dma_start3A_419 = tpu.memref_slice %arg15[%dma_start3A_417, %dma_start3A_418] : memref<10240x64xf32, #tpu.memory_space<vmem_shared>> -> memref<10240x64xf32, #tpu.memory_space<vmem_shared>>
      tpu.enqueue_indirect_dma source(%arg12 : memref<400x64xf32, #tpu.memory_space<vmem>>) target(%dma_start3A_419 : memref<10240x64xf32, #tpu.memory_space<vmem_shared>>) offsets(%dma_start3A_416 : memref<400xi32, #tpu.memory_space<vmem>>) semaphore(%run_scoped3A_413 : memref<!tpu.dma_semaphore, #tpu.memory_space<semaphore_mem>>) {add = true}
      %dma_wait3A_420 = arith.constant 0 : i32
      %dma_wait3A_421 = tpu.memref_slice %arg11[%run_scoped3A_398, %dma_wait3A_420] : memref<25x400xi32, #tpu.memory_space<vmem>> -> memref<1x400xi32, #tpu.memory_space<vmem>>
      %dma_wait3A_422 = tpu.memref_squeeze %dma_wait3A_421 : memref<1x400xi32, #tpu.memory_space<vmem>> -> memref<400xi32, #tpu.memory_space<vmem>>
      %dma_wait3A_423 = arith.constant 0 : i32
      %dma_wait3A_424 = arith.constant 0 : i32
      %dma_wait3A_425 = tpu.memref_slice %arg15[%dma_wait3A_423, %dma_wait3A_424] : memref<10240x64xf32, #tpu.memory_space<vmem_shared>> -> memref<10240x64xf32, #tpu.memory_space<vmem_shared>>
      tpu.wait_indirect_dma semaphore(%run_scoped3A_413 : memref<!tpu.dma_semaphore, #tpu.memory_space<semaphore_mem>>) src(%arg12 : memref<400x64xf32, #tpu.memory_space<vmem>>) dst(%dma_wait3A_425 : memref<10240x64xf32, #tpu.memory_space<vmem_shared>>)
      tpu.yield
    }) : () -> ()
    %eq3A_399 = arith.constant 0 : i32
    %eq3A_400 = arith.cmpi eq, %arg0, %eq3A_399 : i32
    %convert_element_type3A_401 = arith.extui %eq3A_400 : i1 to i32
    %cond3A_402 = arith.constant 0 : i32
    %cond3A_403 = arith.cmpi ne, %convert_element_type3A_401, %cond3A_402 : i32
    scf.if %cond3A_403 {
      %run_scoped3A_413 = arith.constant 24 : i32
      "tpu.region"() ({
        %run_scoped3A_414 = tpu.sem_alloc : memref<!tpu.dma_semaphore, #tpu.memory_space<semaphore_mem>>
        %dma_start3A_415 = arith.constant 0 : i32
        %dma_start3A_416 = tpu.memref_slice %arg11[%run_scoped3A_413, %dma_start3A_415] : memref<25x400xi32, #tpu.memory_space<vmem>> -> memref<1x400xi32, #tpu.memory_space<vmem>>
        %dma_start3A_417 = tpu.memref_squeeze %dma_start3A_416 : memref<1x400xi32, #tpu.memory_space<vmem>> -> memref<400xi32, #tpu.memory_space<vmem>>
        %dma_start3A_418 = arith.constant 0 : i32
        %dma_start3A_419 = arith.constant 0 : i32
        %dma_start3A_420 = tpu.memref_slice %arg16[%dma_start3A_418, %dma_start3A_419] : memref<10240x8xf32, #tpu.memory_space<vmem_shared>> -> memref<10240x8xf32, #tpu.memory_space<vmem_shared>>
        tpu.enqueue_indirect_dma source(%arg14 : memref<400x8xf32, #tpu.memory_space<vmem>>) target(%dma_start3A_420 : memref<10240x8xf32, #tpu.memory_space<vmem_shared>>) offsets(%dma_start3A_417 : memref<400xi32, #tpu.memory_space<vmem>>) semaphore(%run_scoped3A_414 : memref<!tpu.dma_semaphore, #tpu.memory_space<semaphore_mem>>) {add = true}
        %dma_wait3A_421 = arith.constant 0 : i32
        %dma_wait3A_422 = tpu.memref_slice %arg11[%run_scoped3A_413, %dma_wait3A_421] : memref<25x400xi32, #tpu.memory_space<vmem>> -> memref<1x400xi32, #tpu.memory_space<vmem>>
        %dma_wait3A_423 = tpu.memref_squeeze %dma_wait3A_422 : memref<1x400xi32, #tpu.memory_space<vmem>> -> memref<400xi32, #tpu.memory_space<vmem>>
        %dma_wait3A_424 = arith.constant 0 : i32
        %dma_wait3A_425 = arith.constant 0 : i32
        %dma_wait3A_426 = tpu.memref_slice %arg16[%dma_wait3A_424, %dma_wait3A_425] : memref<10240x8xf32, #tpu.memory_space<vmem_shared>> -> memref<10240x8xf32, #tpu.memory_space<vmem_shared>>
        tpu.wait_indirect_dma semaphore(%run_scoped3A_414 : memref<!tpu.dma_semaphore, #tpu.memory_space<semaphore_mem>>) src(%arg14 : memref<400x8xf32, #tpu.memory_space<vmem>>) dst(%dma_wait3A_426 : memref<10240x8xf32, #tpu.memory_space<vmem_shared>>)
        tpu.yield
      }) : () -> ()
    } else {
    }
    %barrier3A_404 = arith.constant 0 : index
    tpu.barrier barrier_id(%barrier3A_404)
    %mul3A_405 = arith.constant 640 : i32
    %mul3A_406 = arith.muli %arg1, %mul3A_405 : i32
    %mul3A_407 = arith.constant 640 : i32
    %mul3A_408 = arith.muli %arg1, %mul3A_407 : i32
    "tpu.region"() ({
      %run_scoped3A_413 = tpu.sem_alloc : memref<!tpu.dma_semaphore, #tpu.memory_space<semaphore_mem>>
      %dma_start3A_414 = arith.constant 0 : i32
      %dma_start3A_415 = tpu.memref_slice %arg8[%arg0, %mul3A_408, %dma_start3A_414] : memref<2x10240x64xf32, #tpu.memory_space<hbm>> -> memref<1x640x64xf32, #tpu.memory_space<hbm>>
      %dma_start3A_416 = tpu.memref_squeeze %dma_start3A_415 : memref<1x640x64xf32, #tpu.memory_space<hbm>> -> memref<640x64xf32, #tpu.memory_space<hbm>>
      %dma_start3A_417 = arith.constant 0 : i32
      %dma_start3A_418 = tpu.memref_slice %arg15[%mul3A_406, %dma_start3A_417] : memref<10240x64xf32, #tpu.memory_space<vmem_shared>> -> memref<640x64xf32, #tpu.memory_space<vmem_shared>>
      tpu.enqueue_dma source(%dma_start3A_418 : memref<640x64xf32, #tpu.memory_space<vmem_shared>>) target(%dma_start3A_416 : memref<640x64xf32, #tpu.memory_space<hbm>>) target_semaphore(%run_scoped3A_413 : memref<!tpu.dma_semaphore, #tpu.memory_space<semaphore_mem>>)
      %dma_wait3A_419 = arith.constant 0 : i32
      %dma_wait3A_420 = tpu.memref_slice %arg8[%arg0, %mul3A_408, %dma_wait3A_419] : memref<2x10240x64xf32, #tpu.memory_space<hbm>> -> memref<1x640x64xf32, #tpu.memory_space<hbm>>
      %dma_wait3A_421 = tpu.memref_squeeze %dma_wait3A_420 : memref<1x640x64xf32, #tpu.memory_space<hbm>> -> memref<640x64xf32, #tpu.memory_space<hbm>>
      %dma_wait3A_422 = arith.constant 0 : i32
      %dma_wait3A_423 = tpu.memref_slice %arg15[%mul3A_406, %dma_wait3A_422] : memref<10240x64xf32, #tpu.memory_space<vmem_shared>> -> memref<640x64xf32, #tpu.memory_space<vmem_shared>>
      tpu.wait_dma2 semaphore(%run_scoped3A_413 : memref<!tpu.dma_semaphore, #tpu.memory_space<semaphore_mem>>) src(%dma_wait3A_423 : memref<640x64xf32, #tpu.memory_space<vmem_shared>>) dst(%dma_wait3A_421 : memref<640x64xf32, #tpu.memory_space<hbm>>)
      tpu.yield
    }) : () -> ()
    %mul3A_409 = arith.constant 640 : i32
    %mul3A_410 = arith.muli %arg1, %mul3A_409 : i32
    %mul3A_411 = arith.constant 640 : i32
    %mul3A_412 = arith.muli %arg1, %mul3A_411 : i32
    "tpu.region"() ({
      %run_scoped3A_413 = tpu.sem_alloc : memref<!tpu.dma_semaphore, #tpu.memory_space<semaphore_mem>>
      %dma_start3A_414 = arith.constant 0 : i32
      %dma_start3A_415 = tpu.memref_slice %arg9[%arg0, %mul3A_412, %dma_start3A_414] : memref<2x10240x8xf32, #tpu.memory_space<hbm>> -> memref<1x640x8xf32, #tpu.memory_space<hbm>>
      %dma_start3A_416 = tpu.memref_squeeze %dma_start3A_415 : memref<1x640x8xf32, #tpu.memory_space<hbm>> -> memref<640x8xf32, #tpu.memory_space<hbm>>
      %dma_start3A_417 = arith.constant 0 : i32
      %dma_start3A_418 = tpu.memref_slice %arg16[%mul3A_410, %dma_start3A_417] : memref<10240x8xf32, #tpu.memory_space<vmem_shared>> -> memref<640x8xf32, #tpu.memory_space<vmem_shared>>
      tpu.enqueue_dma source(%dma_start3A_418 : memref<640x8xf32, #tpu.memory_space<vmem_shared>>) target(%dma_start3A_416 : memref<640x8xf32, #tpu.memory_space<hbm>>) target_semaphore(%run_scoped3A_413 : memref<!tpu.dma_semaphore, #tpu.memory_space<semaphore_mem>>)
      %dma_wait3A_419 = arith.constant 0 : i32
      %dma_wait3A_420 = tpu.memref_slice %arg9[%arg0, %mul3A_412, %dma_wait3A_419] : memref<2x10240x8xf32, #tpu.memory_space<hbm>> -> memref<1x640x8xf32, #tpu.memory_space<hbm>>
      %dma_wait3A_421 = tpu.memref_squeeze %dma_wait3A_420 : memref<1x640x8xf32, #tpu.memory_space<hbm>> -> memref<640x8xf32, #tpu.memory_space<hbm>>
      %dma_wait3A_422 = arith.constant 0 : i32
      %dma_wait3A_423 = tpu.memref_slice %arg16[%mul3A_410, %dma_wait3A_422] : memref<10240x8xf32, #tpu.memory_space<vmem_shared>> -> memref<640x8xf32, #tpu.memory_space<vmem_shared>>
      tpu.wait_dma2 semaphore(%run_scoped3A_413 : memref<!tpu.dma_semaphore, #tpu.memory_space<semaphore_mem>>) src(%dma_wait3A_423 : memref<640x8xf32, #tpu.memory_space<vmem_shared>>) dst(%dma_wait3A_421 : memref<640x8xf32, #tpu.memory_space<hbm>>)
      tpu.yield
    }) : () -> ()
    return
  }
}

#map = affine_map<(d0, d1) -> (0, 0, 0)>
#map1 = affine_map<(d0, d1) -> (0, 0)>
module attributes {stable_mosaic.version = 14 : i64} {
  func.func @_sc_combine(%arg0: i32, %arg1: i32, %arg2: memref<2x10240x16xf32, #tpu.memory_space<hbm>>, %arg3: memref<10240x16xf32, #tpu.memory_space<hbm>>, %arg4: memref<10240x16xf32, #tpu.memory_space<hbm>>, %arg5: memref<320x16xf32, #tpu.memory_space<vmem>>, %arg6: memref<320x16xf32, #tpu.memory_space<vmem>>, %arg7: memref<320x16xf32, #tpu.memory_space<vmem>>, %arg8: memref<320x16xf32, #tpu.memory_space<vmem>>) attributes {dimension_semantics = [#tpu.dimension_semantics<core_parallel>, #tpu.dimension_semantics<subcore_parallel>], iteration_bounds = array<i64: 2, 16>, scalar_prefetch = 0 : i64, scratch_operands = 4 : i64, tpu.core_type = #tpu.core_type<sc_vector_subcore>, window_params = [{transform_indices = #map}, {transform_indices = #map1}, {transform_indices = #map1}]} {
    %mul3A = arith.constant 16 : i32
    %mul3A_0 = arith.muli %arg0, %mul3A : i32
    %add3A = arith.addi %mul3A_0, %arg1 : i32
    %mul3A_1 = arith.constant 320 : i32
    %mul3A_2 = arith.muli %add3A, %mul3A_1 : i32
    %run_scoped3A = arith.constant 0 : i32
    "tpu.region"() ({
      %run_scoped3A_10 = tpu.sem_alloc : memref<!tpu.dma_semaphore, #tpu.memory_space<semaphore_mem>>
      %dma_start3A = arith.constant 0 : i32
      %dma_start3A_11 = tpu.memref_slice %arg2[%run_scoped3A, %mul3A_2, %dma_start3A] : memref<2x10240x16xf32, #tpu.memory_space<hbm>> -> memref<1x320x16xf32, #tpu.memory_space<hbm>>
      %dma_start3A_12 = tpu.memref_squeeze %dma_start3A_11 : memref<1x320x16xf32, #tpu.memory_space<hbm>> -> memref<320x16xf32, #tpu.memory_space<hbm>>
      %dma_start3A_13 = arith.constant 0 : i32
      %dma_start3A_14 = tpu.memref_slice %arg2[%run_scoped3A, %mul3A_2, %dma_start3A_13] : memref<2x10240x16xf32, #tpu.memory_space<hbm>> -> memref<1x320x16xf32, #tpu.memory_space<hbm>>
      %dma_start3A_15 = tpu.memref_squeeze %dma_start3A_14 : memref<1x320x16xf32, #tpu.memory_space<hbm>> -> memref<320x16xf32, #tpu.memory_space<hbm>>
      tpu.enqueue_dma source(%dma_start3A_15 : memref<320x16xf32, #tpu.memory_space<hbm>>) target(%arg5 : memref<320x16xf32, #tpu.memory_space<vmem>>) target_semaphore(%run_scoped3A_10 : memref<!tpu.dma_semaphore, #tpu.memory_space<semaphore_mem>>)
      %dma_wait3A = arith.constant 0 : i32
      %dma_wait3A_16 = tpu.memref_slice %arg2[%run_scoped3A, %mul3A_2, %dma_wait3A] : memref<2x10240x16xf32, #tpu.memory_space<hbm>> -> memref<1x320x16xf32, #tpu.memory_space<hbm>>
      %dma_wait3A_17 = tpu.memref_squeeze %dma_wait3A_16 : memref<1x320x16xf32, #tpu.memory_space<hbm>> -> memref<320x16xf32, #tpu.memory_space<hbm>>
      %dma_wait3A_18 = arith.constant 0 : i32
      %dma_wait3A_19 = tpu.memref_slice %arg2[%run_scoped3A, %mul3A_2, %dma_wait3A_18] : memref<2x10240x16xf32, #tpu.memory_space<hbm>> -> memref<1x320x16xf32, #tpu.memory_space<hbm>>
      %dma_wait3A_20 = tpu.memref_squeeze %dma_wait3A_19 : memref<1x320x16xf32, #tpu.memory_space<hbm>> -> memref<320x16xf32, #tpu.memory_space<hbm>>
      tpu.wait_dma2 semaphore(%run_scoped3A_10 : memref<!tpu.dma_semaphore, #tpu.memory_space<semaphore_mem>>) src(%dma_wait3A_20 : memref<320x16xf32, #tpu.memory_space<hbm>>) dst(%arg5 : memref<320x16xf32, #tpu.memory_space<vmem>>)
      tpu.yield
    }) : () -> ()
    %run_scoped3A_3 = arith.constant 1 : i32
    "tpu.region"() ({
      %run_scoped3A_10 = tpu.sem_alloc : memref<!tpu.dma_semaphore, #tpu.memory_space<semaphore_mem>>
      %dma_start3A = arith.constant 0 : i32
      %dma_start3A_11 = tpu.memref_slice %arg2[%run_scoped3A_3, %mul3A_2, %dma_start3A] : memref<2x10240x16xf32, #tpu.memory_space<hbm>> -> memref<1x320x16xf32, #tpu.memory_space<hbm>>
      %dma_start3A_12 = tpu.memref_squeeze %dma_start3A_11 : memref<1x320x16xf32, #tpu.memory_space<hbm>> -> memref<320x16xf32, #tpu.memory_space<hbm>>
      %dma_start3A_13 = arith.constant 0 : i32
      %dma_start3A_14 = tpu.memref_slice %arg2[%run_scoped3A_3, %mul3A_2, %dma_start3A_13] : memref<2x10240x16xf32, #tpu.memory_space<hbm>> -> memref<1x320x16xf32, #tpu.memory_space<hbm>>
      %dma_start3A_15 = tpu.memref_squeeze %dma_start3A_14 : memref<1x320x16xf32, #tpu.memory_space<hbm>> -> memref<320x16xf32, #tpu.memory_space<hbm>>
      tpu.enqueue_dma source(%dma_start3A_15 : memref<320x16xf32, #tpu.memory_space<hbm>>) target(%arg6 : memref<320x16xf32, #tpu.memory_space<vmem>>) target_semaphore(%run_scoped3A_10 : memref<!tpu.dma_semaphore, #tpu.memory_space<semaphore_mem>>)
      %dma_wait3A = arith.constant 0 : i32
      %dma_wait3A_16 = tpu.memref_slice %arg2[%run_scoped3A_3, %mul3A_2, %dma_wait3A] : memref<2x10240x16xf32, #tpu.memory_space<hbm>> -> memref<1x320x16xf32, #tpu.memory_space<hbm>>
      %dma_wait3A_17 = tpu.memref_squeeze %dma_wait3A_16 : memref<1x320x16xf32, #tpu.memory_space<hbm>> -> memref<320x16xf32, #tpu.memory_space<hbm>>
      %dma_wait3A_18 = arith.constant 0 : i32
      %dma_wait3A_19 = tpu.memref_slice %arg2[%run_scoped3A_3, %mul3A_2, %dma_wait3A_18] : memref<2x10240x16xf32, #tpu.memory_space<hbm>> -> memref<1x320x16xf32, #tpu.memory_space<hbm>>
      %dma_wait3A_20 = tpu.memref_squeeze %dma_wait3A_19 : memref<1x320x16xf32, #tpu.memory_space<hbm>> -> memref<320x16xf32, #tpu.memory_space<hbm>>
      tpu.wait_dma2 semaphore(%run_scoped3A_10 : memref<!tpu.dma_semaphore, #tpu.memory_space<semaphore_mem>>) src(%dma_wait3A_20 : memref<320x16xf32, #tpu.memory_space<hbm>>) dst(%arg6 : memref<320x16xf32, #tpu.memory_space<vmem>>)
      tpu.yield
    }) : () -> ()
    "tpu.region"() ({
      %run_scoped3A_10 = tpu.sem_alloc : memref<!tpu.dma_semaphore, #tpu.memory_space<semaphore_mem>>
      %dma_start3A = arith.constant 0 : i32
      %dma_start3A_11 = tpu.memref_slice %arg3[%mul3A_2, %dma_start3A] : memref<10240x16xf32, #tpu.memory_space<hbm>> -> memref<320x16xf32, #tpu.memory_space<hbm>>
      %dma_start3A_12 = arith.constant 0 : i32
      %dma_start3A_13 = tpu.memref_slice %arg3[%mul3A_2, %dma_start3A_12] : memref<10240x16xf32, #tpu.memory_space<hbm>> -> memref<320x16xf32, #tpu.memory_space<hbm>>
      tpu.enqueue_dma source(%dma_start3A_13 : memref<320x16xf32, #tpu.memory_space<hbm>>) target(%arg7 : memref<320x16xf32, #tpu.memory_space<vmem>>) target_semaphore(%run_scoped3A_10 : memref<!tpu.dma_semaphore, #tpu.memory_space<semaphore_mem>>)
      %dma_wait3A = arith.constant 0 : i32
      %dma_wait3A_14 = tpu.memref_slice %arg3[%mul3A_2, %dma_wait3A] : memref<10240x16xf32, #tpu.memory_space<hbm>> -> memref<320x16xf32, #tpu.memory_space<hbm>>
      %dma_wait3A_15 = arith.constant 0 : i32
      %dma_wait3A_16 = tpu.memref_slice %arg3[%mul3A_2, %dma_wait3A_15] : memref<10240x16xf32, #tpu.memory_space<hbm>> -> memref<320x16xf32, #tpu.memory_space<hbm>>
      tpu.wait_dma2 semaphore(%run_scoped3A_10 : memref<!tpu.dma_semaphore, #tpu.memory_space<semaphore_mem>>) src(%dma_wait3A_16 : memref<320x16xf32, #tpu.memory_space<hbm>>) dst(%arg7 : memref<320x16xf32, #tpu.memory_space<vmem>>)
      tpu.yield
    }) : () -> ()
    %scan3A = arith.constant 0 : i32
    %scan3A_4 = arith.constant 0 : i32
    %scan3A_5 = arith.constant 320 : i32
    %scan3A_6 = arith.addi %scan3A_4, %scan3A_5 : i32
    %scan3A_7 = arith.constant 1 : i32
    %scan3A_8 = scf.for %scan3A_10 = %scan3A_4 to %scan3A_6 step %scan3A_7 iter_args(%scan3A_11 = %scan3A) -> (i32)  : i32 {
      %get3A = arith.index_cast %scan3A_10 : i32 to index
      %get3A_12 = arith.constant 0 : index
      %get3A_13 = tpu.vector_load %arg5[%get3A, %get3A_12] {strides = array<i32>} : memref<320x16xf32, #tpu.memory_space<vmem>>, vector<1x16xf32>,
      %get3A_14 = vector.shape_cast %get3A_13 : vector<1x16xf32> to vector<16xf32>
      %get3A_15 = arith.index_cast %scan3A_10 : i32 to index
      %get3A_16 = arith.constant 0 : index
      %get3A_17 = tpu.vector_load %arg6[%get3A_15, %get3A_16] {strides = array<i32>} : memref<320x16xf32, #tpu.memory_space<vmem>>, vector<1x16xf32>,
      %get3A_18 = vector.shape_cast %get3A_17 : vector<1x16xf32> to vector<16xf32>
      %add3A_19 = arith.addf %get3A_14, %get3A_18 : vector<16xf32>
      %get3A_20 = arith.index_cast %scan3A_10 : i32 to index
      %get3A_21 = arith.constant 0 : index
      %get3A_22 = tpu.vector_load %arg7[%get3A_20, %get3A_21] {strides = array<i32>} : memref<320x16xf32, #tpu.memory_space<vmem>>, vector<1x16xf32>,
      %get3A_23 = vector.shape_cast %get3A_22 : vector<1x16xf32> to vector<16xf32>
      %slice3A = vector.extract_strided_slice %get3A_23 {offsets = [4], sizes = [1], strides = [1]} : vector<16xf32> to vector<1xf32>
      %squeeze3A = vector.extract %slice3A[0] : f32 from vector<1xf32>
      %slice3A_24 = vector.extract_strided_slice %add3A_19 {offsets = [0], sizes = [1], strides = [1]} : vector<16xf32> to vector<1xf32>
      %squeeze3A_25 = vector.extract %slice3A_24[0] : f32 from vector<1xf32>
      %mul3A_26 = arith.mulf %squeeze3A_25, %squeeze3A : f32
      %slice3A_27 = vector.extract_strided_slice %get3A_23 {offsets = [2], sizes = [1], strides = [1]} : vector<16xf32> to vector<1xf32>
      %squeeze3A_28 = vector.extract %slice3A_27[0] : f32 from vector<1xf32>
      %add3A_29 = arith.addf %mul3A_26, %squeeze3A_28 : f32
      %slice3A_30 = vector.extract_strided_slice %add3A_19 {offsets = [1], sizes = [1], strides = [1]} : vector<16xf32> to vector<1xf32>
      %squeeze3A_31 = vector.extract %slice3A_30[0] : f32 from vector<1xf32>
      %mul3A_32 = arith.mulf %squeeze3A_31, %squeeze3A : f32
      %slice3A_33 = vector.extract_strided_slice %get3A_23 {offsets = [3], sizes = [1], strides = [1]} : vector<16xf32> to vector<1xf32>
      %squeeze3A_34 = vector.extract %slice3A_33[0] : f32 from vector<1xf32>
      %add3A_35 = arith.addf %mul3A_32, %squeeze3A_34 : f32
      %iota3A = tpu.iota {dimensions = array<i32: 0>} : vector<16xi32>
      %eq3A = arith.constant 0 : i32
      %eq3A_36 = vector.broadcast %eq3A : i32 to vector<16xi32>
      %eq3A_37 = arith.cmpi eq, %iota3A, %eq3A_36 : vector<16xi32>
      %eq3A_38 = arith.constant 1 : i32
      %eq3A_39 = vector.broadcast %eq3A_38 : i32 to vector<16xi32>
      %eq3A_40 = arith.cmpi eq, %iota3A, %eq3A_39 : vector<16xi32>
      %jit3A = arith.constant 0.000000e+00 : f32
      %broadcast_in_dim3A = vector.broadcast %add3A_35 : f32 to vector<16xf32>
      %broadcast_in_dim3A_41 = vector.broadcast %jit3A : f32 to vector<16xf32>
      %select_n3A = arith.select %eq3A_40, %broadcast_in_dim3A, %broadcast_in_dim3A_41 : vector<16xi1>, vector<16xf32>
      %broadcast_in_dim3A_42 = vector.broadcast %add3A_29 : f32 to vector<16xf32>
      %select_n3A_43 = arith.select %eq3A_37, %broadcast_in_dim3A_42, %select_n3A : vector<16xi1>, vector<16xf32>
      %swap3A = arith.index_cast %scan3A_10 : i32 to index
      %swap3A_44 = arith.constant 0 : index
      %swap3A_45 = tpu.vector_load %arg8[%swap3A, %swap3A_44] {strides = array<i32>} : memref<320x16xf32, #tpu.memory_space<vmem>>, vector<1x16xf32>,
      %swap3A_46 = vector.shape_cast %swap3A_45 : vector<1x16xf32> to vector<16xf32>
      %swap3A_47 = vector.shape_cast %select_n3A_43 : vector<16xf32> to vector<1x16xf32>
      tpu.vector_store %arg8[%swap3A, %swap3A_44], %swap3A_47 {strides = array<i32>} : memref<320x16xf32, #tpu.memory_space<vmem>>, vector<1x16xf32>,
      %scan3A_48 = arith.constant 0 : i32
      scf.yield %scan3A_48 : i32
    }
    %scan3A_9 = arith.constant 320 : i32
    "tpu.region"() ({
      %run_scoped3A_10 = tpu.sem_alloc : memref<!tpu.dma_semaphore, #tpu.memory_space<semaphore_mem>>
      %dma_start3A = arith.constant 0 : i32
      %dma_start3A_11 = tpu.memref_slice %arg4[%mul3A_2, %dma_start3A] : memref<10240x16xf32, #tpu.memory_space<hbm>> -> memref<320x16xf32, #tpu.memory_space<hbm>>
      %dma_start3A_12 = arith.constant 0 : i32
      %dma_start3A_13 = tpu.memref_slice %arg4[%mul3A_2, %dma_start3A_12] : memref<10240x16xf32, #tpu.memory_space<hbm>> -> memref<320x16xf32, #tpu.memory_space<hbm>>
      tpu.enqueue_dma source(%arg8 : memref<320x16xf32, #tpu.memory_space<vmem>>) target(%dma_start3A_13 : memref<320x16xf32, #tpu.memory_space<hbm>>) target_semaphore(%run_scoped3A_10 : memref<!tpu.dma_semaphore, #tpu.memory_space<semaphore_mem>>)
      %dma_wait3A = arith.constant 0 : i32
      %dma_wait3A_14 = tpu.memref_slice %arg4[%mul3A_2, %dma_wait3A] : memref<10240x16xf32, #tpu.memory_space<hbm>> -> memref<320x16xf32, #tpu.memory_space<hbm>>
      %dma_wait3A_15 = arith.constant 0 : i32
      %dma_wait3A_16 = tpu.memref_slice %arg4[%mul3A_2, %dma_wait3A_15] : memref<10240x16xf32, #tpu.memory_space<hbm>> -> memref<320x16xf32, #tpu.memory_space<hbm>>
      tpu.wait_dma2 semaphore(%run_scoped3A_10 : memref<!tpu.dma_semaphore, #tpu.memory_space<semaphore_mem>>) src(%arg8 : memref<320x16xf32, #tpu.memory_space<vmem>>) dst(%dma_wait3A_16 : memref<320x16xf32, #tpu.memory_space<hbm>>)
      tpu.yield
    }) : () -> ()
    return
  }
}

#map = affine_map<(d0, d1) -> (0, 0)>
#map1 = affine_map<(d0, d1) -> (0)>
#map2 = affine_map<(d0, d1) -> (0, 0, 0, 0)>
#map3 = affine_map<(d0, d1) -> (0, 0, 0)>
module attributes {stable_mosaic.version = 14 : i64} {
  func.func @body(%arg0: i32, %arg1: i32, %arg2: memref<40000x64xf32, #tpu.memory_space<hbm>>, %arg3: memref<640000xi32, #tpu.memory_space<hbm>>, %arg4: memref<2x16x25x400xi32, #tpu.memory_space<hbm>>, %arg5: memref<400x8xf32, #tpu.memory_space<hbm>>, %arg6: memref<640x64xf32, #tpu.memory_space<hbm>>, %arg7: memref<640x8xf32, #tpu.memory_space<hbm>>, %arg8: memref<2x10240x64xf32, #tpu.memory_space<hbm>>, %arg9: memref<10000xi32, #tpu.memory_space<vmem>>, %arg10: memref<25x400xi32, #tpu.memory_space<vmem>>, %arg11: memref<400x64xf32, #tpu.memory_space<vmem>>, %arg12: memref<400x64xf32, #tpu.memory_space<vmem>>, %arg13: memref<10240x64xf32, #tpu.memory_space<vmem_shared>>, %arg14: memref<!tpu.dma_semaphore, #tpu.memory_space<semaphore_mem>>, %arg15: memref<!tpu.dma_semaphore, #tpu.memory_space<semaphore_mem>>) attributes {dimension_semantics = [#tpu.dimension_semantics<core_parallel>, #tpu.dimension_semantics<subcore_parallel>], iteration_bounds = array<i64: 2, 16>, scalar_prefetch = 0 : i64, scratch_operands = 7 : i64, tpu.core_type = #tpu.core_type<sc_vector_subcore>, window_params = [{transform_indices = #map}, {transform_indices = #map1}, {transform_indices = #map2}, {transform_indices = #map}, {transform_indices = #map}, {transform_indices = #map}, {transform_indices = #map3}]} {
    %run_scoped3A = arith.constant 1 : i32
    "tpu.region"() ({
      %run_scoped3A_285 = tpu.sem_alloc : memref<!tpu.dma_semaphore, #tpu.memory_space<semaphore_mem>>
      %dma_start3A_286 = arith.constant 0 : i32
      %dma_start3A_287 = arith.constant 0 : i32
      %dma_start3A_288 = tpu.memref_slice %arg4[%run_scoped3A, %arg1, %dma_start3A_286, %dma_start3A_287] : memref<2x16x25x400xi32, #tpu.memory_space<hbm>> -> memref<1x1x25x400xi32, #tpu.memory_space<hbm>>
      %dma_start3A_289 = tpu.memref_squeeze %dma_start3A_288 : memref<1x1x25x400xi32, #tpu.memory_space<hbm>> -> memref<25x400xi32, #tpu.memory_space<hbm>>
      %dma_start3A_290 = arith.constant 0 : i32
      %dma_start3A_291 = arith.constant 0 : i32
      %dma_start3A_292 = tpu.memref_slice %arg4[%run_scoped3A, %arg1, %dma_start3A_290, %dma_start3A_291] : memref<2x16x25x400xi32, #tpu.memory_space<hbm>> -> memref<1x1x25x400xi32, #tpu.memory_space<hbm>>
      %dma_start3A_293 = tpu.memref_squeeze %dma_start3A_292 : memref<1x1x25x400xi32, #tpu.memory_space<hbm>> -> memref<25x400xi32, #tpu.memory_space<hbm>>
      tpu.enqueue_dma source(%dma_start3A_293 : memref<25x400xi32, #tpu.memory_space<hbm>>) target(%arg10 : memref<25x400xi32, #tpu.memory_space<vmem>>) target_semaphore(%run_scoped3A_285 : memref<!tpu.dma_semaphore, #tpu.memory_space<semaphore_mem>>)
      %dma_wait3A_294 = arith.constant 0 : i32
      %dma_wait3A_295 = arith.constant 0 : i32
      %dma_wait3A_296 = tpu.memref_slice %arg4[%run_scoped3A, %arg1, %dma_wait3A_294, %dma_wait3A_295] : memref<2x16x25x400xi32, #tpu.memory_space<hbm>> -> memref<1x1x25x400xi32, #tpu.memory_space<hbm>>
      %dma_wait3A_297 = tpu.memref_squeeze %dma_wait3A_296 : memref<1x1x25x400xi32, #tpu.memory_space<hbm>> -> memref<25x400xi32, #tpu.memory_space<hbm>>
      %dma_wait3A_298 = arith.constant 0 : i32
      %dma_wait3A_299 = arith.constant 0 : i32
      %dma_wait3A_300 = tpu.memref_slice %arg4[%run_scoped3A, %arg1, %dma_wait3A_298, %dma_wait3A_299] : memref<2x16x25x400xi32, #tpu.memory_space<hbm>> -> memref<1x1x25x400xi32, #tpu.memory_space<hbm>>
      %dma_wait3A_301 = tpu.memref_squeeze %dma_wait3A_300 : memref<1x1x25x400xi32, #tpu.memory_space<hbm>> -> memref<25x400xi32, #tpu.memory_space<hbm>>
      tpu.wait_dma2 semaphore(%run_scoped3A_285 : memref<!tpu.dma_semaphore, #tpu.memory_space<semaphore_mem>>) src(%dma_wait3A_301 : memref<25x400xi32, #tpu.memory_space<hbm>>) dst(%arg10 : memref<25x400xi32, #tpu.memory_space<vmem>>)
      tpu.yield
    }) : () -> ()
    %mul3A = arith.constant 640 : i32
    %mul3A_0 = arith.muli %arg1, %mul3A : i32
    "tpu.region"() ({
      %run_scoped3A_285 = tpu.sem_alloc : memref<!tpu.dma_semaphore, #tpu.memory_space<semaphore_mem>>
      %dma_start3A_286 = arith.constant 0 : i32
      %dma_start3A_287 = tpu.memref_slice %arg13[%mul3A_0, %dma_start3A_286] : memref<10240x64xf32, #tpu.memory_space<vmem_shared>> -> memref<640x64xf32, #tpu.memory_space<vmem_shared>>
      tpu.enqueue_dma source(%arg6 : memref<640x64xf32, #tpu.memory_space<hbm>>) target(%dma_start3A_287 : memref<640x64xf32, #tpu.memory_space<vmem_shared>>) target_semaphore(%run_scoped3A_285 : memref<!tpu.dma_semaphore, #tpu.memory_space<semaphore_mem>>)
      %dma_wait3A_288 = arith.constant 0 : i32
      %dma_wait3A_289 = tpu.memref_slice %arg13[%mul3A_0, %dma_wait3A_288] : memref<10240x64xf32, #tpu.memory_space<vmem_shared>> -> memref<640x64xf32, #tpu.memory_space<vmem_shared>>
      tpu.wait_dma2 semaphore(%run_scoped3A_285 : memref<!tpu.dma_semaphore, #tpu.memory_space<semaphore_mem>>) src(%arg6 : memref<640x64xf32, #tpu.memory_space<hbm>>) dst(%dma_wait3A_289 : memref<640x64xf32, #tpu.memory_space<vmem_shared>>)
      tpu.yield
    }) : () -> ()
    %barrier3A = arith.constant 0 : index
    tpu.barrier barrier_id(%barrier3A)
    %add3A = arith.constant 2 : i32
    %add3A_1 = arith.addi %add3A, %arg0 : i32
    %mul3A_2 = arith.constant 160000 : i32
    %mul3A_3 = arith.muli %add3A_1, %mul3A_2 : i32
    %mul3A_4 = arith.constant 10000 : i32
    %mul3A_5 = arith.muli %arg1, %mul3A_4 : i32
    %add3A_6 = arith.addi %mul3A_3, %mul3A_5 : i32
    "tpu.region"() ({
      %run_scoped3A_285 = tpu.sem_alloc : memref<!tpu.dma_semaphore, #tpu.memory_space<semaphore_mem>>
      %dma_start3A_286 = tpu.memref_slice %arg3[%add3A_6] : memref<640000xi32, #tpu.memory_space<hbm>> -> memref<10000xi32, #tpu.memory_space<hbm>>
      %dma_start3A_287 = tpu.memref_slice %arg3[%add3A_6] : memref<640000xi32, #tpu.memory_space<hbm>> -> memref<10000xi32, #tpu.memory_space<hbm>>
      tpu.enqueue_dma source(%dma_start3A_287 : memref<10000xi32, #tpu.memory_space<hbm>>) target(%arg9 : memref<10000xi32, #tpu.memory_space<vmem>>) target_semaphore(%run_scoped3A_285 : memref<!tpu.dma_semaphore, #tpu.memory_space<semaphore_mem>>)
      %dma_wait3A_288 = tpu.memref_slice %arg3[%add3A_6] : memref<640000xi32, #tpu.memory_space<hbm>> -> memref<10000xi32, #tpu.memory_space<hbm>>
      %dma_wait3A_289 = tpu.memref_slice %arg3[%add3A_6] : memref<640000xi32, #tpu.memory_space<hbm>> -> memref<10000xi32, #tpu.memory_space<hbm>>
      tpu.wait_dma2 semaphore(%run_scoped3A_285 : memref<!tpu.dma_semaphore, #tpu.memory_space<semaphore_mem>>) src(%dma_wait3A_289 : memref<10000xi32, #tpu.memory_space<hbm>>) dst(%arg9 : memref<10000xi32, #tpu.memory_space<vmem>>)
      tpu.yield
    }) : () -> ()
    %dma_start3A = arith.constant 0 : i32
    %dma_start3A_7 = tpu.memref_slice %arg9[%dma_start3A] : memref<10000xi32, #tpu.memory_space<vmem>> -> memref<400xi32, #tpu.memory_space<vmem>>
    %dma_start3A_8 = arith.constant 0 : i32
    %dma_start3A_9 = arith.constant 0 : i32
    %dma_start3A_10 = tpu.memref_slice %arg2[%dma_start3A_8, %dma_start3A_9] : memref<40000x64xf32, #tpu.memory_space<hbm>> -> memref<40000x64xf32, #tpu.memory_space<hbm>>
    tpu.enqueue_indirect_dma source(%dma_start3A_10 : memref<40000x64xf32, #tpu.memory_space<hbm>>) target(%arg11 : memref<400x64xf32, #tpu.memory_space<vmem>>) offsets(%dma_start3A_7 : memref<400xi32, #tpu.memory_space<vmem>>) semaphore(%arg14 : memref<!tpu.dma_semaphore, #tpu.memory_space<semaphore_mem>>)
    %dma_start3A_11 = arith.constant 400 : i32
    %dma_start3A_12 = tpu.memref_slice %arg9[%dma_start3A_11] : memref<10000xi32, #tpu.memory_space<vmem>> -> memref<400xi32, #tpu.memory_space<vmem>>
    %dma_start3A_13 = arith.constant 0 : i32
    %dma_start3A_14 = arith.constant 0 : i32
    %dma_start3A_15 = tpu.memref_slice %arg2[%dma_start3A_13, %dma_start3A_14] : memref<40000x64xf32, #tpu.memory_space<hbm>> -> memref<40000x64xf32, #tpu.memory_space<hbm>>
    tpu.enqueue_indirect_dma source(%dma_start3A_15 : memref<40000x64xf32, #tpu.memory_space<hbm>>) target(%arg12 : memref<400x64xf32, #tpu.memory_space<vmem>>) offsets(%dma_start3A_12 : memref<400xi32, #tpu.memory_space<vmem>>) semaphore(%arg15 : memref<!tpu.dma_semaphore, #tpu.memory_space<semaphore_mem>>)
    %dma_wait3A = arith.constant 0 : i32
    %dma_wait3A_16 = tpu.memref_slice %arg9[%dma_wait3A] : memref<10000xi32, #tpu.memory_space<vmem>> -> memref<400xi32, #tpu.memory_space<vmem>>
    %dma_wait3A_17 = arith.constant 0 : i32
    %dma_wait3A_18 = arith.constant 0 : i32
    %dma_wait3A_19 = tpu.memref_slice %arg2[%dma_wait3A_17, %dma_wait3A_18] : memref<40000x64xf32, #tpu.memory_space<hbm>> -> memref<40000x64xf32, #tpu.memory_space<hbm>>
    tpu.wait_indirect_dma semaphore(%arg14 : memref<!tpu.dma_semaphore, #tpu.memory_space<semaphore_mem>>) src(%dma_wait3A_19 : memref<40000x64xf32, #tpu.memory_space<hbm>>) dst(%arg11 : memref<400x64xf32, #tpu.memory_space<vmem>>)
    %run_scoped3A_20 = arith.constant 0 : i32
    "tpu.region"() ({
      %run_scoped3A_285 = tpu.sem_alloc : memref<!tpu.dma_semaphore, #tpu.memory_space<semaphore_mem>>
      %dma_start3A_286 = arith.constant 0 : i32
      %dma_start3A_287 = tpu.memref_slice %arg10[%run_scoped3A_20, %dma_start3A_286] : memref<25x400xi32, #tpu.memory_space<vmem>> -> memref<1x400xi32, #tpu.memory_space<vmem>>
      %dma_start3A_288 = tpu.memref_squeeze %dma_start3A_287 : memref<1x400xi32, #tpu.memory_space<vmem>> -> memref<400xi32, #tpu.memory_space<vmem>>
      %dma_start3A_289 = arith.constant 0 : i32
      %dma_start3A_290 = arith.constant 0 : i32
      %dma_start3A_291 = tpu.memref_slice %arg13[%dma_start3A_289, %dma_start3A_290] : memref<10240x64xf32, #tpu.memory_space<vmem_shared>> -> memref<10240x64xf32, #tpu.memory_space<vmem_shared>>
      tpu.enqueue_indirect_dma source(%arg11 : memref<400x64xf32, #tpu.memory_space<vmem>>) target(%dma_start3A_291 : memref<10240x64xf32, #tpu.memory_space<vmem_shared>>) offsets(%dma_start3A_288 : memref<400xi32, #tpu.memory_space<vmem>>) semaphore(%run_scoped3A_285 : memref<!tpu.dma_semaphore, #tpu.memory_space<semaphore_mem>>) {add = true}
      %dma_wait3A_292 = arith.constant 0 : i32
      %dma_wait3A_293 = tpu.memref_slice %arg10[%run_scoped3A_20, %dma_wait3A_292] : memref<25x400xi32, #tpu.memory_space<vmem>> -> memref<1x400xi32, #tpu.memory_space<vmem>>
      %dma_wait3A_294 = tpu.memref_squeeze %dma_wait3A_293 : memref<1x400xi32, #tpu.memory_space<vmem>> -> memref<400xi32, #tpu.memory_space<vmem>>
      %dma_wait3A_295 = arith.constant 0 : i32
      %dma_wait3A_296 = arith.constant 0 : i32
      %dma_wait3A_297 = tpu.memref_slice %arg13[%dma_wait3A_295, %dma_wait3A_296] : memref<10240x64xf32, #tpu.memory_space<vmem_shared>> -> memref<10240x64xf32, #tpu.memory_space<vmem_shared>>
      tpu.wait_indirect_dma semaphore(%run_scoped3A_285 : memref<!tpu.dma_semaphore, #tpu.memory_space<semaphore_mem>>) src(%arg11 : memref<400x64xf32, #tpu.memory_space<vmem>>) dst(%dma_wait3A_297 : memref<10240x64xf32, #tpu.memory_space<vmem_shared>>)
      tpu.yield
    }) : () -> ()
    %dma_start3A_21 = arith.constant 800 : i32
    %dma_start3A_22 = tpu.memref_slice %arg9[%dma_start3A_21] : memref<10000xi32, #tpu.memory_space<vmem>> -> memref<400xi32, #tpu.memory_space<vmem>>
    %dma_start3A_23 = arith.constant 0 : i32
    %dma_start3A_24 = arith.constant 0 : i32
    %dma_start3A_25 = tpu.memref_slice %arg2[%dma_start3A_23, %dma_start3A_24] : memref<40000x64xf32, #tpu.memory_space<hbm>> -> memref<40000x64xf32, #tpu.memory_space<hbm>>
    tpu.enqueue_indirect_dma source(%dma_start3A_25 : memref<40000x64xf32, #tpu.memory_space<hbm>>) target(%arg11 : memref<400x64xf32, #tpu.memory_space<vmem>>) offsets(%dma_start3A_22 : memref<400xi32, #tpu.memory_space<vmem>>) semaphore(%arg14 : memref<!tpu.dma_semaphore, #tpu.memory_space<semaphore_mem>>)
    %dma_wait3A_26 = arith.constant 400 : i32
    %dma_wait3A_27 = tpu.memref_slice %arg9[%dma_wait3A_26] : memref<10000xi32, #tpu.memory_space<vmem>> -> memref<400xi32, #tpu.memory_space<vmem>>
    %dma_wait3A_28 = arith.constant 0 : i32
    %dma_wait3A_29 = arith.constant 0 : i32
    %dma_wait3A_30 = tpu.memref_slice %arg2[%dma_wait3A_28, %dma_wait3A_29] : memref<40000x64xf32, #tpu.memory_space<hbm>> -> memref<40000x64xf32, #tpu.memory_space<hbm>>
    tpu.wait_indirect_dma semaphore(%arg15 : memref<!tpu.dma_semaphore, #tpu.memory_space<semaphore_mem>>) src(%dma_wait3A_30 : memref<40000x64xf32, #tpu.memory_space<hbm>>) dst(%arg12 : memref<400x64xf32, #tpu.memory_space<vmem>>)
    %run_scoped3A_31 = arith.constant 1 : i32
    "tpu.region"() ({
      %run_scoped3A_285 = tpu.sem_alloc : memref<!tpu.dma_semaphore, #tpu.memory_space<semaphore_mem>>
      %dma_start3A_286 = arith.constant 0 : i32
      %dma_start3A_287 = tpu.memref_slice %arg10[%run_scoped3A_31, %dma_start3A_286] : memref<25x400xi32, #tpu.memory_space<vmem>> -> memref<1x400xi32, #tpu.memory_space<vmem>>
      %dma_start3A_288 = tpu.memref_squeeze %dma_start3A_287 : memref<1x400xi32, #tpu.memory_space<vmem>> -> memref<400xi32, #tpu.memory_space<vmem>>
      %dma_start3A_289 = arith.constant 0 : i32
      %dma_start3A_290 = arith.constant 0 : i32
      %dma_start3A_291 = tpu.memref_slice %arg13[%dma_start3A_289, %dma_start3A_290] : memref<10240x64xf32, #tpu.memory_space<vmem_shared>> -> memref<10240x64xf32, #tpu.memory_space<vmem_shared>>
      tpu.enqueue_indirect_dma source(%arg12 : memref<400x64xf32, #tpu.memory_space<vmem>>) target(%dma_start3A_291 : memref<10240x64xf32, #tpu.memory_space<vmem_shared>>) offsets(%dma_start3A_288 : memref<400xi32, #tpu.memory_space<vmem>>) semaphore(%run_scoped3A_285 : memref<!tpu.dma_semaphore, #tpu.memory_space<semaphore_mem>>) {add = true}
      %dma_wait3A_292 = arith.constant 0 : i32
      %dma_wait3A_293 = tpu.memref_slice %arg10[%run_scoped3A_31, %dma_wait3A_292] : memref<25x400xi32, #tpu.memory_space<vmem>> -> memref<1x400xi32, #tpu.memory_space<vmem>>
      %dma_wait3A_294 = tpu.memref_squeeze %dma_wait3A_293 : memref<1x400xi32, #tpu.memory_space<vmem>> -> memref<400xi32, #tpu.memory_space<vmem>>
      %dma_wait3A_295 = arith.constant 0 : i32
      %dma_wait3A_296 = arith.constant 0 : i32
      %dma_wait3A_297 = tpu.memref_slice %arg13[%dma_wait3A_295, %dma_wait3A_296] : memref<10240x64xf32, #tpu.memory_space<vmem_shared>> -> memref<10240x64xf32, #tpu.memory_space<vmem_shared>>
      tpu.wait_indirect_dma semaphore(%run_scoped3A_285 : memref<!tpu.dma_semaphore, #tpu.memory_space<semaphore_mem>>) src(%arg12 : memref<400x64xf32, #tpu.memory_space<vmem>>) dst(%dma_wait3A_297 : memref<10240x64xf32, #tpu.memory_space<vmem_shared>>)
      tpu.yield
    }) : () -> ()
    %dma_start3A_32 = arith.constant 1200 : i32
    %dma_start3A_33 = tpu.memref_slice %arg9[%dma_start3A_32] : memref<10000xi32, #tpu.memory_space<vmem>> -> memref<400xi32, #tpu.memory_space<vmem>>
    %dma_start3A_34 = arith.constant 0 : i32
    %dma_start3A_35 = arith.constant 0 : i32
    %dma_start3A_36 = tpu.memref_slice %arg2[%dma_start3A_34, %dma_start3A_35] : memref<40000x64xf32, #tpu.memory_space<hbm>> -> memref<40000x64xf32, #tpu.memory_space<hbm>>
    tpu.enqueue_indirect_dma source(%dma_start3A_36 : memref<40000x64xf32, #tpu.memory_space<hbm>>) target(%arg12 : memref<400x64xf32, #tpu.memory_space<vmem>>) offsets(%dma_start3A_33 : memref<400xi32, #tpu.memory_space<vmem>>) semaphore(%arg15 : memref<!tpu.dma_semaphore, #tpu.memory_space<semaphore_mem>>)
    %dma_wait3A_37 = arith.constant 800 : i32
    %dma_wait3A_38 = tpu.memref_slice %arg9[%dma_wait3A_37] : memref<10000xi32, #tpu.memory_space<vmem>> -> memref<400xi32, #tpu.memory_space<vmem>>
    %dma_wait3A_39 = arith.constant 0 : i32
    %dma_wait3A_40 = arith.constant 0 : i32
    %dma_wait3A_41 = tpu.memref_slice %arg2[%dma_wait3A_39, %dma_wait3A_40] : memref<40000x64xf32, #tpu.memory_space<hbm>> -> memref<40000x64xf32, #tpu.memory_space<hbm>>
    tpu.wait_indirect_dma semaphore(%arg14 : memref<!tpu.dma_semaphore, #tpu.memory_space<semaphore_mem>>) src(%dma_wait3A_41 : memref<40000x64xf32, #tpu.memory_space<hbm>>) dst(%arg11 : memref<400x64xf32, #tpu.memory_space<vmem>>)
    %run_scoped3A_42 = arith.constant 2 : i32
    "tpu.region"() ({
      %run_scoped3A_285 = tpu.sem_alloc : memref<!tpu.dma_semaphore, #tpu.memory_space<semaphore_mem>>
      %dma_start3A_286 = arith.constant 0 : i32
      %dma_start3A_287 = tpu.memref_slice %arg10[%run_scoped3A_42, %dma_start3A_286] : memref<25x400xi32, #tpu.memory_space<vmem>> -> memref<1x400xi32, #tpu.memory_space<vmem>>
      %dma_start3A_288 = tpu.memref_squeeze %dma_start3A_287 : memref<1x400xi32, #tpu.memory_space<vmem>> -> memref<400xi32, #tpu.memory_space<vmem>>
      %dma_start3A_289 = arith.constant 0 : i32
      %dma_start3A_290 = arith.constant 0 : i32
      %dma_start3A_291 = tpu.memref_slice %arg13[%dma_start3A_289, %dma_start3A_290] : memref<10240x64xf32, #tpu.memory_space<vmem_shared>> -> memref<10240x64xf32, #tpu.memory_space<vmem_shared>>
      tpu.enqueue_indirect_dma source(%arg11 : memref<400x64xf32, #tpu.memory_space<vmem>>) target(%dma_start3A_291 : memref<10240x64xf32, #tpu.memory_space<vmem_shared>>) offsets(%dma_start3A_288 : memref<400xi32, #tpu.memory_space<vmem>>) semaphore(%run_scoped3A_285 : memref<!tpu.dma_semaphore, #tpu.memory_space<semaphore_mem>>) {add = true}
      %dma_wait3A_292 = arith.constant 0 : i32
      %dma_wait3A_293 = tpu.memref_slice %arg10[%run_scoped3A_42, %dma_wait3A_292] : memref<25x400xi32, #tpu.memory_space<vmem>> -> memref<1x400xi32, #tpu.memory_space<vmem>>
      %dma_wait3A_294 = tpu.memref_squeeze %dma_wait3A_293 : memref<1x400xi32, #tpu.memory_space<vmem>> -> memref<400xi32, #tpu.memory_space<vmem>>
      %dma_wait3A_295 = arith.constant 0 : i32
      %dma_wait3A_296 = arith.constant 0 : i32
      %dma_wait3A_297 = tpu.memref_slice %arg13[%dma_wait3A_295, %dma_wait3A_296] : memref<10240x64xf32, #tpu.memory_space<vmem_shared>> -> memref<10240x64xf32, #tpu.memory_space<vmem_shared>>
      tpu.wait_indirect_dma semaphore(%run_scoped3A_285 : memref<!tpu.dma_semaphore, #tpu.memory_space<semaphore_mem>>) src(%arg11 : memref<400x64xf32, #tpu.memory_space<vmem>>) dst(%dma_wait3A_297 : memref<10240x64xf32, #tpu.memory_space<vmem_shared>>)
      tpu.yield
    }) : () -> ()
    %dma_start3A_43 = arith.constant 1600 : i32
    %dma_start3A_44 = tpu.memref_slice %arg9[%dma_start3A_43] : memref<10000xi32, #tpu.memory_space<vmem>> -> memref<400xi32, #tpu.memory_space<vmem>>
    %dma_start3A_45 = arith.constant 0 : i32
    %dma_start3A_46 = arith.constant 0 : i32
    %dma_start3A_47 = tpu.memref_slice %arg2[%dma_start3A_45, %dma_start3A_46] : memref<40000x64xf32, #tpu.memory_space<hbm>> -> memref<40000x64xf32, #tpu.memory_space<hbm>>
    tpu.enqueue_indirect_dma source(%dma_start3A_47 : memref<40000x64xf32, #tpu.memory_space<hbm>>) target(%arg11 : memref<400x64xf32, #tpu.memory_space<vmem>>) offsets(%dma_start3A_44 : memref<400xi32, #tpu.memory_space<vmem>>) semaphore(%arg14 : memref<!tpu.dma_semaphore, #tpu.memory_space<semaphore_mem>>)
    %dma_wait3A_48 = arith.constant 1200 : i32
    %dma_wait3A_49 = tpu.memref_slice %arg9[%dma_wait3A_48] : memref<10000xi32, #tpu.memory_space<vmem>> -> memref<400xi32, #tpu.memory_space<vmem>>
    %dma_wait3A_50 = arith.constant 0 : i32
    %dma_wait3A_51 = arith.constant 0 : i32
    %dma_wait3A_52 = tpu.memref_slice %arg2[%dma_wait3A_50, %dma_wait3A_51] : memref<40000x64xf32, #tpu.memory_space<hbm>> -> memref<40000x64xf32, #tpu.memory_space<hbm>>
    tpu.wait_indirect_dma semaphore(%arg15 : memref<!tpu.dma_semaphore, #tpu.memory_space<semaphore_mem>>) src(%dma_wait3A_52 : memref<40000x64xf32, #tpu.memory_space<hbm>>) dst(%arg12 : memref<400x64xf32, #tpu.memory_space<vmem>>)
    %run_scoped3A_53 = arith.constant 3 : i32
    "tpu.region"() ({
      %run_scoped3A_285 = tpu.sem_alloc : memref<!tpu.dma_semaphore, #tpu.memory_space<semaphore_mem>>
      %dma_start3A_286 = arith.constant 0 : i32
      %dma_start3A_287 = tpu.memref_slice %arg10[%run_scoped3A_53, %dma_start3A_286] : memref<25x400xi32, #tpu.memory_space<vmem>> -> memref<1x400xi32, #tpu.memory_space<vmem>>
      %dma_start3A_288 = tpu.memref_squeeze %dma_start3A_287 : memref<1x400xi32, #tpu.memory_space<vmem>> -> memref<400xi32, #tpu.memory_space<vmem>>
      %dma_start3A_289 = arith.constant 0 : i32
      %dma_start3A_290 = arith.constant 0 : i32
      %dma_start3A_291 = tpu.memref_slice %arg13[%dma_start3A_289, %dma_start3A_290] : memref<10240x64xf32, #tpu.memory_space<vmem_shared>> -> memref<10240x64xf32, #tpu.memory_space<vmem_shared>>
      tpu.enqueue_indirect_dma source(%arg12 : memref<400x64xf32, #tpu.memory_space<vmem>>) target(%dma_start3A_291 : memref<10240x64xf32, #tpu.memory_space<vmem_shared>>) offsets(%dma_start3A_288 : memref<400xi32, #tpu.memory_space<vmem>>) semaphore(%run_scoped3A_285 : memref<!tpu.dma_semaphore, #tpu.memory_space<semaphore_mem>>) {add = true}
      %dma_wait3A_292 = arith.constant 0 : i32
      %dma_wait3A_293 = tpu.memref_slice %arg10[%run_scoped3A_53, %dma_wait3A_292] : memref<25x400xi32, #tpu.memory_space<vmem>> -> memref<1x400xi32, #tpu.memory_space<vmem>>
      %dma_wait3A_294 = tpu.memref_squeeze %dma_wait3A_293 : memref<1x400xi32, #tpu.memory_space<vmem>> -> memref<400xi32, #tpu.memory_space<vmem>>
      %dma_wait3A_295 = arith.constant 0 : i32
      %dma_wait3A_296 = arith.constant 0 : i32
      %dma_wait3A_297 = tpu.memref_slice %arg13[%dma_wait3A_295, %dma_wait3A_296] : memref<10240x64xf32, #tpu.memory_space<vmem_shared>> -> memref<10240x64xf32, #tpu.memory_space<vmem_shared>>
      tpu.wait_indirect_dma semaphore(%run_scoped3A_285 : memref<!tpu.dma_semaphore, #tpu.memory_space<semaphore_mem>>) src(%arg12 : memref<400x64xf32, #tpu.memory_space<vmem>>) dst(%dma_wait3A_297 : memref<10240x64xf32, #tpu.memory_space<vmem_shared>>)
      tpu.yield
    }) : () -> ()
    %dma_start3A_54 = arith.constant 2000 : i32
    %dma_start3A_55 = tpu.memref_slice %arg9[%dma_start3A_54] : memref<10000xi32, #tpu.memory_space<vmem>> -> memref<400xi32, #tpu.memory_space<vmem>>
    %dma_start3A_56 = arith.constant 0 : i32
    %dma_start3A_57 = arith.constant 0 : i32
    %dma_start3A_58 = tpu.memref_slice %arg2[%dma_start3A_56, %dma_start3A_57] : memref<40000x64xf32, #tpu.memory_space<hbm>> -> memref<40000x64xf32, #tpu.memory_space<hbm>>
    tpu.enqueue_indirect_dma source(%dma_start3A_58 : memref<40000x64xf32, #tpu.memory_space<hbm>>) target(%arg12 : memref<400x64xf32, #tpu.memory_space<vmem>>) offsets(%dma_start3A_55 : memref<400xi32, #tpu.memory_space<vmem>>) semaphore(%arg15 : memref<!tpu.dma_semaphore, #tpu.memory_space<semaphore_mem>>)
    %dma_wait3A_59 = arith.constant 1600 : i32
    %dma_wait3A_60 = tpu.memref_slice %arg9[%dma_wait3A_59] : memref<10000xi32, #tpu.memory_space<vmem>> -> memref<400xi32, #tpu.memory_space<vmem>>
    %dma_wait3A_61 = arith.constant 0 : i32
    %dma_wait3A_62 = arith.constant 0 : i32
    %dma_wait3A_63 = tpu.memref_slice %arg2[%dma_wait3A_61, %dma_wait3A_62] : memref<40000x64xf32, #tpu.memory_space<hbm>> -> memref<40000x64xf32, #tpu.memory_space<hbm>>
    tpu.wait_indirect_dma semaphore(%arg14 : memref<!tpu.dma_semaphore, #tpu.memory_space<semaphore_mem>>) src(%dma_wait3A_63 : memref<40000x64xf32, #tpu.memory_space<hbm>>) dst(%arg11 : memref<400x64xf32, #tpu.memory_space<vmem>>)
    %run_scoped3A_64 = arith.constant 4 : i32
    "tpu.region"() ({
      %run_scoped3A_285 = tpu.sem_alloc : memref<!tpu.dma_semaphore, #tpu.memory_space<semaphore_mem>>
      %dma_start3A_286 = arith.constant 0 : i32
      %dma_start3A_287 = tpu.memref_slice %arg10[%run_scoped3A_64, %dma_start3A_286] : memref<25x400xi32, #tpu.memory_space<vmem>> -> memref<1x400xi32, #tpu.memory_space<vmem>>
      %dma_start3A_288 = tpu.memref_squeeze %dma_start3A_287 : memref<1x400xi32, #tpu.memory_space<vmem>> -> memref<400xi32, #tpu.memory_space<vmem>>
      %dma_start3A_289 = arith.constant 0 : i32
      %dma_start3A_290 = arith.constant 0 : i32
      %dma_start3A_291 = tpu.memref_slice %arg13[%dma_start3A_289, %dma_start3A_290] : memref<10240x64xf32, #tpu.memory_space<vmem_shared>> -> memref<10240x64xf32, #tpu.memory_space<vmem_shared>>
      tpu.enqueue_indirect_dma source(%arg11 : memref<400x64xf32, #tpu.memory_space<vmem>>) target(%dma_start3A_291 : memref<10240x64xf32, #tpu.memory_space<vmem_shared>>) offsets(%dma_start3A_288 : memref<400xi32, #tpu.memory_space<vmem>>) semaphore(%run_scoped3A_285 : memref<!tpu.dma_semaphore, #tpu.memory_space<semaphore_mem>>) {add = true}
      %dma_wait3A_292 = arith.constant 0 : i32
      %dma_wait3A_293 = tpu.memref_slice %arg10[%run_scoped3A_64, %dma_wait3A_292] : memref<25x400xi32, #tpu.memory_space<vmem>> -> memref<1x400xi32, #tpu.memory_space<vmem>>
      %dma_wait3A_294 = tpu.memref_squeeze %dma_wait3A_293 : memref<1x400xi32, #tpu.memory_space<vmem>> -> memref<400xi32, #tpu.memory_space<vmem>>
      %dma_wait3A_295 = arith.constant 0 : i32
      %dma_wait3A_296 = arith.constant 0 : i32
      %dma_wait3A_297 = tpu.memref_slice %arg13[%dma_wait3A_295, %dma_wait3A_296] : memref<10240x64xf32, #tpu.memory_space<vmem_shared>> -> memref<10240x64xf32, #tpu.memory_space<vmem_shared>>
      tpu.wait_indirect_dma semaphore(%run_scoped3A_285 : memref<!tpu.dma_semaphore, #tpu.memory_space<semaphore_mem>>) src(%arg11 : memref<400x64xf32, #tpu.memory_space<vmem>>) dst(%dma_wait3A_297 : memref<10240x64xf32, #tpu.memory_space<vmem_shared>>)
      tpu.yield
    }) : () -> ()
    %dma_start3A_65 = arith.constant 2400 : i32
    %dma_start3A_66 = tpu.memref_slice %arg9[%dma_start3A_65] : memref<10000xi32, #tpu.memory_space<vmem>> -> memref<400xi32, #tpu.memory_space<vmem>>
    %dma_start3A_67 = arith.constant 0 : i32
    %dma_start3A_68 = arith.constant 0 : i32
    %dma_start3A_69 = tpu.memref_slice %arg2[%dma_start3A_67, %dma_start3A_68] : memref<40000x64xf32, #tpu.memory_space<hbm>> -> memref<40000x64xf32, #tpu.memory_space<hbm>>
    tpu.enqueue_indirect_dma source(%dma_start3A_69 : memref<40000x64xf32, #tpu.memory_space<hbm>>) target(%arg11 : memref<400x64xf32, #tpu.memory_space<vmem>>) offsets(%dma_start3A_66 : memref<400xi32, #tpu.memory_space<vmem>>) semaphore(%arg14 : memref<!tpu.dma_semaphore, #tpu.memory_space<semaphore_mem>>)
    %dma_wait3A_70 = arith.constant 2000 : i32
    %dma_wait3A_71 = tpu.memref_slice %arg9[%dma_wait3A_70] : memref<10000xi32, #tpu.memory_space<vmem>> -> memref<400xi32, #tpu.memory_space<vmem>>
    %dma_wait3A_72 = arith.constant 0 : i32
    %dma_wait3A_73 = arith.constant 0 : i32
    %dma_wait3A_74 = tpu.memref_slice %arg2[%dma_wait3A_72, %dma_wait3A_73] : memref<40000x64xf32, #tpu.memory_space<hbm>> -> memref<40000x64xf32, #tpu.memory_space<hbm>>
    tpu.wait_indirect_dma semaphore(%arg15 : memref<!tpu.dma_semaphore, #tpu.memory_space<semaphore_mem>>) src(%dma_wait3A_74 : memref<40000x64xf32, #tpu.memory_space<hbm>>) dst(%arg12 : memref<400x64xf32, #tpu.memory_space<vmem>>)
    %run_scoped3A_75 = arith.constant 5 : i32
    "tpu.region"() ({
      %run_scoped3A_285 = tpu.sem_alloc : memref<!tpu.dma_semaphore, #tpu.memory_space<semaphore_mem>>
      %dma_start3A_286 = arith.constant 0 : i32
      %dma_start3A_287 = tpu.memref_slice %arg10[%run_scoped3A_75, %dma_start3A_286] : memref<25x400xi32, #tpu.memory_space<vmem>> -> memref<1x400xi32, #tpu.memory_space<vmem>>
      %dma_start3A_288 = tpu.memref_squeeze %dma_start3A_287 : memref<1x400xi32, #tpu.memory_space<vmem>> -> memref<400xi32, #tpu.memory_space<vmem>>
      %dma_start3A_289 = arith.constant 0 : i32
      %dma_start3A_290 = arith.constant 0 : i32
      %dma_start3A_291 = tpu.memref_slice %arg13[%dma_start3A_289, %dma_start3A_290] : memref<10240x64xf32, #tpu.memory_space<vmem_shared>> -> memref<10240x64xf32, #tpu.memory_space<vmem_shared>>
      tpu.enqueue_indirect_dma source(%arg12 : memref<400x64xf32, #tpu.memory_space<vmem>>) target(%dma_start3A_291 : memref<10240x64xf32, #tpu.memory_space<vmem_shared>>) offsets(%dma_start3A_288 : memref<400xi32, #tpu.memory_space<vmem>>) semaphore(%run_scoped3A_285 : memref<!tpu.dma_semaphore, #tpu.memory_space<semaphore_mem>>) {add = true}
      %dma_wait3A_292 = arith.constant 0 : i32
      %dma_wait3A_293 = tpu.memref_slice %arg10[%run_scoped3A_75, %dma_wait3A_292] : memref<25x400xi32, #tpu.memory_space<vmem>> -> memref<1x400xi32, #tpu.memory_space<vmem>>
      %dma_wait3A_294 = tpu.memref_squeeze %dma_wait3A_293 : memref<1x400xi32, #tpu.memory_space<vmem>> -> memref<400xi32, #tpu.memory_space<vmem>>
      %dma_wait3A_295 = arith.constant 0 : i32
      %dma_wait3A_296 = arith.constant 0 : i32
      %dma_wait3A_297 = tpu.memref_slice %arg13[%dma_wait3A_295, %dma_wait3A_296] : memref<10240x64xf32, #tpu.memory_space<vmem_shared>> -> memref<10240x64xf32, #tpu.memory_space<vmem_shared>>
      tpu.wait_indirect_dma semaphore(%run_scoped3A_285 : memref<!tpu.dma_semaphore, #tpu.memory_space<semaphore_mem>>) src(%arg12 : memref<400x64xf32, #tpu.memory_space<vmem>>) dst(%dma_wait3A_297 : memref<10240x64xf32, #tpu.memory_space<vmem_shared>>)
      tpu.yield
    }) : () -> ()
    %dma_start3A_76 = arith.constant 2800 : i32
    %dma_start3A_77 = tpu.memref_slice %arg9[%dma_start3A_76] : memref<10000xi32, #tpu.memory_space<vmem>> -> memref<400xi32, #tpu.memory_space<vmem>>
    %dma_start3A_78 = arith.constant 0 : i32
    %dma_start3A_79 = arith.constant 0 : i32
    %dma_start3A_80 = tpu.memref_slice %arg2[%dma_start3A_78, %dma_start3A_79] : memref<40000x64xf32, #tpu.memory_space<hbm>> -> memref<40000x64xf32, #tpu.memory_space<hbm>>
    tpu.enqueue_indirect_dma source(%dma_start3A_80 : memref<40000x64xf32, #tpu.memory_space<hbm>>) target(%arg12 : memref<400x64xf32, #tpu.memory_space<vmem>>) offsets(%dma_start3A_77 : memref<400xi32, #tpu.memory_space<vmem>>) semaphore(%arg15 : memref<!tpu.dma_semaphore, #tpu.memory_space<semaphore_mem>>)
    %dma_wait3A_81 = arith.constant 2400 : i32
    %dma_wait3A_82 = tpu.memref_slice %arg9[%dma_wait3A_81] : memref<10000xi32, #tpu.memory_space<vmem>> -> memref<400xi32, #tpu.memory_space<vmem>>
    %dma_wait3A_83 = arith.constant 0 : i32
    %dma_wait3A_84 = arith.constant 0 : i32
    %dma_wait3A_85 = tpu.memref_slice %arg2[%dma_wait3A_83, %dma_wait3A_84] : memref<40000x64xf32, #tpu.memory_space<hbm>> -> memref<40000x64xf32, #tpu.memory_space<hbm>>
    tpu.wait_indirect_dma semaphore(%arg14 : memref<!tpu.dma_semaphore, #tpu.memory_space<semaphore_mem>>) src(%dma_wait3A_85 : memref<40000x64xf32, #tpu.memory_space<hbm>>) dst(%arg11 : memref<400x64xf32, #tpu.memory_space<vmem>>)
    %run_scoped3A_86 = arith.constant 6 : i32
    "tpu.region"() ({
      %run_scoped3A_285 = tpu.sem_alloc : memref<!tpu.dma_semaphore, #tpu.memory_space<semaphore_mem>>
      %dma_start3A_286 = arith.constant 0 : i32
      %dma_start3A_287 = tpu.memref_slice %arg10[%run_scoped3A_86, %dma_start3A_286] : memref<25x400xi32, #tpu.memory_space<vmem>> -> memref<1x400xi32, #tpu.memory_space<vmem>>
      %dma_start3A_288 = tpu.memref_squeeze %dma_start3A_287 : memref<1x400xi32, #tpu.memory_space<vmem>> -> memref<400xi32, #tpu.memory_space<vmem>>
      %dma_start3A_289 = arith.constant 0 : i32
      %dma_start3A_290 = arith.constant 0 : i32
      %dma_start3A_291 = tpu.memref_slice %arg13[%dma_start3A_289, %dma_start3A_290] : memref<10240x64xf32, #tpu.memory_space<vmem_shared>> -> memref<10240x64xf32, #tpu.memory_space<vmem_shared>>
      tpu.enqueue_indirect_dma source(%arg11 : memref<400x64xf32, #tpu.memory_space<vmem>>) target(%dma_start3A_291 : memref<10240x64xf32, #tpu.memory_space<vmem_shared>>) offsets(%dma_start3A_288 : memref<400xi32, #tpu.memory_space<vmem>>) semaphore(%run_scoped3A_285 : memref<!tpu.dma_semaphore, #tpu.memory_space<semaphore_mem>>) {add = true}
      %dma_wait3A_292 = arith.constant 0 : i32
      %dma_wait3A_293 = tpu.memref_slice %arg10[%run_scoped3A_86, %dma_wait3A_292] : memref<25x400xi32, #tpu.memory_space<vmem>> -> memref<1x400xi32, #tpu.memory_space<vmem>>
      %dma_wait3A_294 = tpu.memref_squeeze %dma_wait3A_293 : memref<1x400xi32, #tpu.memory_space<vmem>> -> memref<400xi32, #tpu.memory_space<vmem>>
      %dma_wait3A_295 = arith.constant 0 : i32
      %dma_wait3A_296 = arith.constant 0 : i32
      %dma_wait3A_297 = tpu.memref_slice %arg13[%dma_wait3A_295, %dma_wait3A_296] : memref<10240x64xf32, #tpu.memory_space<vmem_shared>> -> memref<10240x64xf32, #tpu.memory_space<vmem_shared>>
      tpu.wait_indirect_dma semaphore(%run_scoped3A_285 : memref<!tpu.dma_semaphore, #tpu.memory_space<semaphore_mem>>) src(%arg11 : memref<400x64xf32, #tpu.memory_space<vmem>>) dst(%dma_wait3A_297 : memref<10240x64xf32, #tpu.memory_space<vmem_shared>>)
      tpu.yield
    }) : () -> ()
    %dma_start3A_87 = arith.constant 3200 : i32
    %dma_start3A_88 = tpu.memref_slice %arg9[%dma_start3A_87] : memref<10000xi32, #tpu.memory_space<vmem>> -> memref<400xi32, #tpu.memory_space<vmem>>
    %dma_start3A_89 = arith.constant 0 : i32
    %dma_start3A_90 = arith.constant 0 : i32
    %dma_start3A_91 = tpu.memref_slice %arg2[%dma_start3A_89, %dma_start3A_90] : memref<40000x64xf32, #tpu.memory_space<hbm>> -> memref<40000x64xf32, #tpu.memory_space<hbm>>
    tpu.enqueue_indirect_dma source(%dma_start3A_91 : memref<40000x64xf32, #tpu.memory_space<hbm>>) target(%arg11 : memref<400x64xf32, #tpu.memory_space<vmem>>) offsets(%dma_start3A_88 : memref<400xi32, #tpu.memory_space<vmem>>) semaphore(%arg14 : memref<!tpu.dma_semaphore, #tpu.memory_space<semaphore_mem>>)
    %dma_wait3A_92 = arith.constant 2800 : i32
    %dma_wait3A_93 = tpu.memref_slice %arg9[%dma_wait3A_92] : memref<10000xi32, #tpu.memory_space<vmem>> -> memref<400xi32, #tpu.memory_space<vmem>>
    %dma_wait3A_94 = arith.constant 0 : i32
    %dma_wait3A_95 = arith.constant 0 : i32
    %dma_wait3A_96 = tpu.memref_slice %arg2[%dma_wait3A_94, %dma_wait3A_95] : memref<40000x64xf32, #tpu.memory_space<hbm>> -> memref<40000x64xf32, #tpu.memory_space<hbm>>
    tpu.wait_indirect_dma semaphore(%arg15 : memref<!tpu.dma_semaphore, #tpu.memory_space<semaphore_mem>>) src(%dma_wait3A_96 : memref<40000x64xf32, #tpu.memory_space<hbm>>) dst(%arg12 : memref<400x64xf32, #tpu.memory_space<vmem>>)
    %run_scoped3A_97 = arith.constant 7 : i32
    "tpu.region"() ({
      %run_scoped3A_285 = tpu.sem_alloc : memref<!tpu.dma_semaphore, #tpu.memory_space<semaphore_mem>>
      %dma_start3A_286 = arith.constant 0 : i32
      %dma_start3A_287 = tpu.memref_slice %arg10[%run_scoped3A_97, %dma_start3A_286] : memref<25x400xi32, #tpu.memory_space<vmem>> -> memref<1x400xi32, #tpu.memory_space<vmem>>
      %dma_start3A_288 = tpu.memref_squeeze %dma_start3A_287 : memref<1x400xi32, #tpu.memory_space<vmem>> -> memref<400xi32, #tpu.memory_space<vmem>>
      %dma_start3A_289 = arith.constant 0 : i32
      %dma_start3A_290 = arith.constant 0 : i32
      %dma_start3A_291 = tpu.memref_slice %arg13[%dma_start3A_289, %dma_start3A_290] : memref<10240x64xf32, #tpu.memory_space<vmem_shared>> -> memref<10240x64xf32, #tpu.memory_space<vmem_shared>>
      tpu.enqueue_indirect_dma source(%arg12 : memref<400x64xf32, #tpu.memory_space<vmem>>) target(%dma_start3A_291 : memref<10240x64xf32, #tpu.memory_space<vmem_shared>>) offsets(%dma_start3A_288 : memref<400xi32, #tpu.memory_space<vmem>>) semaphore(%run_scoped3A_285 : memref<!tpu.dma_semaphore, #tpu.memory_space<semaphore_mem>>) {add = true}
      %dma_wait3A_292 = arith.constant 0 : i32
      %dma_wait3A_293 = tpu.memref_slice %arg10[%run_scoped3A_97, %dma_wait3A_292] : memref<25x400xi32, #tpu.memory_space<vmem>> -> memref<1x400xi32, #tpu.memory_space<vmem>>
      %dma_wait3A_294 = tpu.memref_squeeze %dma_wait3A_293 : memref<1x400xi32, #tpu.memory_space<vmem>> -> memref<400xi32, #tpu.memory_space<vmem>>
      %dma_wait3A_295 = arith.constant 0 : i32
      %dma_wait3A_296 = arith.constant 0 : i32
      %dma_wait3A_297 = tpu.memref_slice %arg13[%dma_wait3A_295, %dma_wait3A_296] : memref<10240x64xf32, #tpu.memory_space<vmem_shared>> -> memref<10240x64xf32, #tpu.memory_space<vmem_shared>>
      tpu.wait_indirect_dma semaphore(%run_scoped3A_285 : memref<!tpu.dma_semaphore, #tpu.memory_space<semaphore_mem>>) src(%arg12 : memref<400x64xf32, #tpu.memory_space<vmem>>) dst(%dma_wait3A_297 : memref<10240x64xf32, #tpu.memory_space<vmem_shared>>)
      tpu.yield
    }) : () -> ()
    %dma_start3A_98 = arith.constant 3600 : i32
    %dma_start3A_99 = tpu.memref_slice %arg9[%dma_start3A_98] : memref<10000xi32, #tpu.memory_space<vmem>> -> memref<400xi32, #tpu.memory_space<vmem>>
    %dma_start3A_100 = arith.constant 0 : i32
    %dma_start3A_101 = arith.constant 0 : i32
    %dma_start3A_102 = tpu.memref_slice %arg2[%dma_start3A_100, %dma_start3A_101] : memref<40000x64xf32, #tpu.memory_space<hbm>> -> memref<40000x64xf32, #tpu.memory_space<hbm>>
    tpu.enqueue_indirect_dma source(%dma_start3A_102 : memref<40000x64xf32, #tpu.memory_space<hbm>>) target(%arg12 : memref<400x64xf32, #tpu.memory_space<vmem>>) offsets(%dma_start3A_99 : memref<400xi32, #tpu.memory_space<vmem>>) semaphore(%arg15 : memref<!tpu.dma_semaphore, #tpu.memory_space<semaphore_mem>>)
    %dma_wait3A_103 = arith.constant 3200 : i32
    %dma_wait3A_104 = tpu.memref_slice %arg9[%dma_wait3A_103] : memref<10000xi32, #tpu.memory_space<vmem>> -> memref<400xi32, #tpu.memory_space<vmem>>
    %dma_wait3A_105 = arith.constant 0 : i32
    %dma_wait3A_106 = arith.constant 0 : i32
    %dma_wait3A_107 = tpu.memref_slice %arg2[%dma_wait3A_105, %dma_wait3A_106] : memref<40000x64xf32, #tpu.memory_space<hbm>> -> memref<40000x64xf32, #tpu.memory_space<hbm>>
    tpu.wait_indirect_dma semaphore(%arg14 : memref<!tpu.dma_semaphore, #tpu.memory_space<semaphore_mem>>) src(%dma_wait3A_107 : memref<40000x64xf32, #tpu.memory_space<hbm>>) dst(%arg11 : memref<400x64xf32, #tpu.memory_space<vmem>>)
    %run_scoped3A_108 = arith.constant 8 : i32
    "tpu.region"() ({
      %run_scoped3A_285 = tpu.sem_alloc : memref<!tpu.dma_semaphore, #tpu.memory_space<semaphore_mem>>
      %dma_start3A_286 = arith.constant 0 : i32
      %dma_start3A_287 = tpu.memref_slice %arg10[%run_scoped3A_108, %dma_start3A_286] : memref<25x400xi32, #tpu.memory_space<vmem>> -> memref<1x400xi32, #tpu.memory_space<vmem>>
      %dma_start3A_288 = tpu.memref_squeeze %dma_start3A_287 : memref<1x400xi32, #tpu.memory_space<vmem>> -> memref<400xi32, #tpu.memory_space<vmem>>
      %dma_start3A_289 = arith.constant 0 : i32
      %dma_start3A_290 = arith.constant 0 : i32
      %dma_start3A_291 = tpu.memref_slice %arg13[%dma_start3A_289, %dma_start3A_290] : memref<10240x64xf32, #tpu.memory_space<vmem_shared>> -> memref<10240x64xf32, #tpu.memory_space<vmem_shared>>
      tpu.enqueue_indirect_dma source(%arg11 : memref<400x64xf32, #tpu.memory_space<vmem>>) target(%dma_start3A_291 : memref<10240x64xf32, #tpu.memory_space<vmem_shared>>) offsets(%dma_start3A_288 : memref<400xi32, #tpu.memory_space<vmem>>) semaphore(%run_scoped3A_285 : memref<!tpu.dma_semaphore, #tpu.memory_space<semaphore_mem>>) {add = true}
      %dma_wait3A_292 = arith.constant 0 : i32
      %dma_wait3A_293 = tpu.memref_slice %arg10[%run_scoped3A_108, %dma_wait3A_292] : memref<25x400xi32, #tpu.memory_space<vmem>> -> memref<1x400xi32, #tpu.memory_space<vmem>>
      %dma_wait3A_294 = tpu.memref_squeeze %dma_wait3A_293 : memref<1x400xi32, #tpu.memory_space<vmem>> -> memref<400xi32, #tpu.memory_space<vmem>>
      %dma_wait3A_295 = arith.constant 0 : i32
      %dma_wait3A_296 = arith.constant 0 : i32
      %dma_wait3A_297 = tpu.memref_slice %arg13[%dma_wait3A_295, %dma_wait3A_296] : memref<10240x64xf32, #tpu.memory_space<vmem_shared>> -> memref<10240x64xf32, #tpu.memory_space<vmem_shared>>
      tpu.wait_indirect_dma semaphore(%run_scoped3A_285 : memref<!tpu.dma_semaphore, #tpu.memory_space<semaphore_mem>>) src(%arg11 : memref<400x64xf32, #tpu.memory_space<vmem>>) dst(%dma_wait3A_297 : memref<10240x64xf32, #tpu.memory_space<vmem_shared>>)
      tpu.yield
    }) : () -> ()
    %dma_start3A_109 = arith.constant 4000 : i32
    %dma_start3A_110 = tpu.memref_slice %arg9[%dma_start3A_109] : memref<10000xi32, #tpu.memory_space<vmem>> -> memref<400xi32, #tpu.memory_space<vmem>>
    %dma_start3A_111 = arith.constant 0 : i32
    %dma_start3A_112 = arith.constant 0 : i32
    %dma_start3A_113 = tpu.memref_slice %arg2[%dma_start3A_111, %dma_start3A_112] : memref<40000x64xf32, #tpu.memory_space<hbm>> -> memref<40000x64xf32, #tpu.memory_space<hbm>>
    tpu.enqueue_indirect_dma source(%dma_start3A_113 : memref<40000x64xf32, #tpu.memory_space<hbm>>) target(%arg11 : memref<400x64xf32, #tpu.memory_space<vmem>>) offsets(%dma_start3A_110 : memref<400xi32, #tpu.memory_space<vmem>>) semaphore(%arg14 : memref<!tpu.dma_semaphore, #tpu.memory_space<semaphore_mem>>)
    %dma_wait3A_114 = arith.constant 3600 : i32
    %dma_wait3A_115 = tpu.memref_slice %arg9[%dma_wait3A_114] : memref<10000xi32, #tpu.memory_space<vmem>> -> memref<400xi32, #tpu.memory_space<vmem>>
    %dma_wait3A_116 = arith.constant 0 : i32
    %dma_wait3A_117 = arith.constant 0 : i32
    %dma_wait3A_118 = tpu.memref_slice %arg2[%dma_wait3A_116, %dma_wait3A_117] : memref<40000x64xf32, #tpu.memory_space<hbm>> -> memref<40000x64xf32, #tpu.memory_space<hbm>>
    tpu.wait_indirect_dma semaphore(%arg15 : memref<!tpu.dma_semaphore, #tpu.memory_space<semaphore_mem>>) src(%dma_wait3A_118 : memref<40000x64xf32, #tpu.memory_space<hbm>>) dst(%arg12 : memref<400x64xf32, #tpu.memory_space<vmem>>)
    %run_scoped3A_119 = arith.constant 9 : i32
    "tpu.region"() ({
      %run_scoped3A_285 = tpu.sem_alloc : memref<!tpu.dma_semaphore, #tpu.memory_space<semaphore_mem>>
      %dma_start3A_286 = arith.constant 0 : i32
      %dma_start3A_287 = tpu.memref_slice %arg10[%run_scoped3A_119, %dma_start3A_286] : memref<25x400xi32, #tpu.memory_space<vmem>> -> memref<1x400xi32, #tpu.memory_space<vmem>>
      %dma_start3A_288 = tpu.memref_squeeze %dma_start3A_287 : memref<1x400xi32, #tpu.memory_space<vmem>> -> memref<400xi32, #tpu.memory_space<vmem>>
      %dma_start3A_289 = arith.constant 0 : i32
      %dma_start3A_290 = arith.constant 0 : i32
      %dma_start3A_291 = tpu.memref_slice %arg13[%dma_start3A_289, %dma_start3A_290] : memref<10240x64xf32, #tpu.memory_space<vmem_shared>> -> memref<10240x64xf32, #tpu.memory_space<vmem_shared>>
      tpu.enqueue_indirect_dma source(%arg12 : memref<400x64xf32, #tpu.memory_space<vmem>>) target(%dma_start3A_291 : memref<10240x64xf32, #tpu.memory_space<vmem_shared>>) offsets(%dma_start3A_288 : memref<400xi32, #tpu.memory_space<vmem>>) semaphore(%run_scoped3A_285 : memref<!tpu.dma_semaphore, #tpu.memory_space<semaphore_mem>>) {add = true}
      %dma_wait3A_292 = arith.constant 0 : i32
      %dma_wait3A_293 = tpu.memref_slice %arg10[%run_scoped3A_119, %dma_wait3A_292] : memref<25x400xi32, #tpu.memory_space<vmem>> -> memref<1x400xi32, #tpu.memory_space<vmem>>
      %dma_wait3A_294 = tpu.memref_squeeze %dma_wait3A_293 : memref<1x400xi32, #tpu.memory_space<vmem>> -> memref<400xi32, #tpu.memory_space<vmem>>
      %dma_wait3A_295 = arith.constant 0 : i32
      %dma_wait3A_296 = arith.constant 0 : i32
      %dma_wait3A_297 = tpu.memref_slice %arg13[%dma_wait3A_295, %dma_wait3A_296] : memref<10240x64xf32, #tpu.memory_space<vmem_shared>> -> memref<10240x64xf32, #tpu.memory_space<vmem_shared>>
      tpu.wait_indirect_dma semaphore(%run_scoped3A_285 : memref<!tpu.dma_semaphore, #tpu.memory_space<semaphore_mem>>) src(%arg12 : memref<400x64xf32, #tpu.memory_space<vmem>>) dst(%dma_wait3A_297 : memref<10240x64xf32, #tpu.memory_space<vmem_shared>>)
      tpu.yield
    }) : () -> ()
    %dma_start3A_120 = arith.constant 4400 : i32
    %dma_start3A_121 = tpu.memref_slice %arg9[%dma_start3A_120] : memref<10000xi32, #tpu.memory_space<vmem>> -> memref<400xi32, #tpu.memory_space<vmem>>
    %dma_start3A_122 = arith.constant 0 : i32
    %dma_start3A_123 = arith.constant 0 : i32
    %dma_start3A_124 = tpu.memref_slice %arg2[%dma_start3A_122, %dma_start3A_123] : memref<40000x64xf32, #tpu.memory_space<hbm>> -> memref<40000x64xf32, #tpu.memory_space<hbm>>
    tpu.enqueue_indirect_dma source(%dma_start3A_124 : memref<40000x64xf32, #tpu.memory_space<hbm>>) target(%arg12 : memref<400x64xf32, #tpu.memory_space<vmem>>) offsets(%dma_start3A_121 : memref<400xi32, #tpu.memory_space<vmem>>) semaphore(%arg15 : memref<!tpu.dma_semaphore, #tpu.memory_space<semaphore_mem>>)
    %dma_wait3A_125 = arith.constant 4000 : i32
    %dma_wait3A_126 = tpu.memref_slice %arg9[%dma_wait3A_125] : memref<10000xi32, #tpu.memory_space<vmem>> -> memref<400xi32, #tpu.memory_space<vmem>>
    %dma_wait3A_127 = arith.constant 0 : i32
    %dma_wait3A_128 = arith.constant 0 : i32
    %dma_wait3A_129 = tpu.memref_slice %arg2[%dma_wait3A_127, %dma_wait3A_128] : memref<40000x64xf32, #tpu.memory_space<hbm>> -> memref<40000x64xf32, #tpu.memory_space<hbm>>
    tpu.wait_indirect_dma semaphore(%arg14 : memref<!tpu.dma_semaphore, #tpu.memory_space<semaphore_mem>>) src(%dma_wait3A_129 : memref<40000x64xf32, #tpu.memory_space<hbm>>) dst(%arg11 : memref<400x64xf32, #tpu.memory_space<vmem>>)
    %run_scoped3A_130 = arith.constant 10 : i32
    "tpu.region"() ({
      %run_scoped3A_285 = tpu.sem_alloc : memref<!tpu.dma_semaphore, #tpu.memory_space<semaphore_mem>>
      %dma_start3A_286 = arith.constant 0 : i32
      %dma_start3A_287 = tpu.memref_slice %arg10[%run_scoped3A_130, %dma_start3A_286] : memref<25x400xi32, #tpu.memory_space<vmem>> -> memref<1x400xi32, #tpu.memory_space<vmem>>
      %dma_start3A_288 = tpu.memref_squeeze %dma_start3A_287 : memref<1x400xi32, #tpu.memory_space<vmem>> -> memref<400xi32, #tpu.memory_space<vmem>>
      %dma_start3A_289 = arith.constant 0 : i32
      %dma_start3A_290 = arith.constant 0 : i32
      %dma_start3A_291 = tpu.memref_slice %arg13[%dma_start3A_289, %dma_start3A_290] : memref<10240x64xf32, #tpu.memory_space<vmem_shared>> -> memref<10240x64xf32, #tpu.memory_space<vmem_shared>>
      tpu.enqueue_indirect_dma source(%arg11 : memref<400x64xf32, #tpu.memory_space<vmem>>) target(%dma_start3A_291 : memref<10240x64xf32, #tpu.memory_space<vmem_shared>>) offsets(%dma_start3A_288 : memref<400xi32, #tpu.memory_space<vmem>>) semaphore(%run_scoped3A_285 : memref<!tpu.dma_semaphore, #tpu.memory_space<semaphore_mem>>) {add = true}
      %dma_wait3A_292 = arith.constant 0 : i32
      %dma_wait3A_293 = tpu.memref_slice %arg10[%run_scoped3A_130, %dma_wait3A_292] : memref<25x400xi32, #tpu.memory_space<vmem>> -> memref<1x400xi32, #tpu.memory_space<vmem>>
      %dma_wait3A_294 = tpu.memref_squeeze %dma_wait3A_293 : memref<1x400xi32, #tpu.memory_space<vmem>> -> memref<400xi32, #tpu.memory_space<vmem>>
      %dma_wait3A_295 = arith.constant 0 : i32
      %dma_wait3A_296 = arith.constant 0 : i32
      %dma_wait3A_297 = tpu.memref_slice %arg13[%dma_wait3A_295, %dma_wait3A_296] : memref<10240x64xf32, #tpu.memory_space<vmem_shared>> -> memref<10240x64xf32, #tpu.memory_space<vmem_shared>>
      tpu.wait_indirect_dma semaphore(%run_scoped3A_285 : memref<!tpu.dma_semaphore, #tpu.memory_space<semaphore_mem>>) src(%arg11 : memref<400x64xf32, #tpu.memory_space<vmem>>) dst(%dma_wait3A_297 : memref<10240x64xf32, #tpu.memory_space<vmem_shared>>)
      tpu.yield
    }) : () -> ()
    %dma_start3A_131 = arith.constant 4800 : i32
    %dma_start3A_132 = tpu.memref_slice %arg9[%dma_start3A_131] : memref<10000xi32, #tpu.memory_space<vmem>> -> memref<400xi32, #tpu.memory_space<vmem>>
    %dma_start3A_133 = arith.constant 0 : i32
    %dma_start3A_134 = arith.constant 0 : i32
    %dma_start3A_135 = tpu.memref_slice %arg2[%dma_start3A_133, %dma_start3A_134] : memref<40000x64xf32, #tpu.memory_space<hbm>> -> memref<40000x64xf32, #tpu.memory_space<hbm>>
    tpu.enqueue_indirect_dma source(%dma_start3A_135 : memref<40000x64xf32, #tpu.memory_space<hbm>>) target(%arg11 : memref<400x64xf32, #tpu.memory_space<vmem>>) offsets(%dma_start3A_132 : memref<400xi32, #tpu.memory_space<vmem>>) semaphore(%arg14 : memref<!tpu.dma_semaphore, #tpu.memory_space<semaphore_mem>>)
    %dma_wait3A_136 = arith.constant 4400 : i32
    %dma_wait3A_137 = tpu.memref_slice %arg9[%dma_wait3A_136] : memref<10000xi32, #tpu.memory_space<vmem>> -> memref<400xi32, #tpu.memory_space<vmem>>
    %dma_wait3A_138 = arith.constant 0 : i32
    %dma_wait3A_139 = arith.constant 0 : i32
    %dma_wait3A_140 = tpu.memref_slice %arg2[%dma_wait3A_138, %dma_wait3A_139] : memref<40000x64xf32, #tpu.memory_space<hbm>> -> memref<40000x64xf32, #tpu.memory_space<hbm>>
    tpu.wait_indirect_dma semaphore(%arg15 : memref<!tpu.dma_semaphore, #tpu.memory_space<semaphore_mem>>) src(%dma_wait3A_140 : memref<40000x64xf32, #tpu.memory_space<hbm>>) dst(%arg12 : memref<400x64xf32, #tpu.memory_space<vmem>>)
    %run_scoped3A_141 = arith.constant 11 : i32
    "tpu.region"() ({
      %run_scoped3A_285 = tpu.sem_alloc : memref<!tpu.dma_semaphore, #tpu.memory_space<semaphore_mem>>
      %dma_start3A_286 = arith.constant 0 : i32
      %dma_start3A_287 = tpu.memref_slice %arg10[%run_scoped3A_141, %dma_start3A_286] : memref<25x400xi32, #tpu.memory_space<vmem>> -> memref<1x400xi32, #tpu.memory_space<vmem>>
      %dma_start3A_288 = tpu.memref_squeeze %dma_start3A_287 : memref<1x400xi32, #tpu.memory_space<vmem>> -> memref<400xi32, #tpu.memory_space<vmem>>
      %dma_start3A_289 = arith.constant 0 : i32
      %dma_start3A_290 = arith.constant 0 : i32
      %dma_start3A_291 = tpu.memref_slice %arg13[%dma_start3A_289, %dma_start3A_290] : memref<10240x64xf32, #tpu.memory_space<vmem_shared>> -> memref<10240x64xf32, #tpu.memory_space<vmem_shared>>
      tpu.enqueue_indirect_dma source(%arg12 : memref<400x64xf32, #tpu.memory_space<vmem>>) target(%dma_start3A_291 : memref<10240x64xf32, #tpu.memory_space<vmem_shared>>) offsets(%dma_start3A_288 : memref<400xi32, #tpu.memory_space<vmem>>) semaphore(%run_scoped3A_285 : memref<!tpu.dma_semaphore, #tpu.memory_space<semaphore_mem>>) {add = true}
      %dma_wait3A_292 = arith.constant 0 : i32
      %dma_wait3A_293 = tpu.memref_slice %arg10[%run_scoped3A_141, %dma_wait3A_292] : memref<25x400xi32, #tpu.memory_space<vmem>> -> memref<1x400xi32, #tpu.memory_space<vmem>>
      %dma_wait3A_294 = tpu.memref_squeeze %dma_wait3A_293 : memref<1x400xi32, #tpu.memory_space<vmem>> -> memref<400xi32, #tpu.memory_space<vmem>>
      %dma_wait3A_295 = arith.constant 0 : i32
      %dma_wait3A_296 = arith.constant 0 : i32
      %dma_wait3A_297 = tpu.memref_slice %arg13[%dma_wait3A_295, %dma_wait3A_296] : memref<10240x64xf32, #tpu.memory_space<vmem_shared>> -> memref<10240x64xf32, #tpu.memory_space<vmem_shared>>
      tpu.wait_indirect_dma semaphore(%run_scoped3A_285 : memref<!tpu.dma_semaphore, #tpu.memory_space<semaphore_mem>>) src(%arg12 : memref<400x64xf32, #tpu.memory_space<vmem>>) dst(%dma_wait3A_297 : memref<10240x64xf32, #tpu.memory_space<vmem_shared>>)
      tpu.yield
    }) : () -> ()
    %dma_start3A_142 = arith.constant 5200 : i32
    %dma_start3A_143 = tpu.memref_slice %arg9[%dma_start3A_142] : memref<10000xi32, #tpu.memory_space<vmem>> -> memref<400xi32, #tpu.memory_space<vmem>>
    %dma_start3A_144 = arith.constant 0 : i32
    %dma_start3A_145 = arith.constant 0 : i32
    %dma_start3A_146 = tpu.memref_slice %arg2[%dma_start3A_144, %dma_start3A_145] : memref<40000x64xf32, #tpu.memory_space<hbm>> -> memref<40000x64xf32, #tpu.memory_space<hbm>>
    tpu.enqueue_indirect_dma source(%dma_start3A_146 : memref<40000x64xf32, #tpu.memory_space<hbm>>) target(%arg12 : memref<400x64xf32, #tpu.memory_space<vmem>>) offsets(%dma_start3A_143 : memref<400xi32, #tpu.memory_space<vmem>>) semaphore(%arg15 : memref<!tpu.dma_semaphore, #tpu.memory_space<semaphore_mem>>)
    %dma_wait3A_147 = arith.constant 4800 : i32
    %dma_wait3A_148 = tpu.memref_slice %arg9[%dma_wait3A_147] : memref<10000xi32, #tpu.memory_space<vmem>> -> memref<400xi32, #tpu.memory_space<vmem>>
    %dma_wait3A_149 = arith.constant 0 : i32
    %dma_wait3A_150 = arith.constant 0 : i32
    %dma_wait3A_151 = tpu.memref_slice %arg2[%dma_wait3A_149, %dma_wait3A_150] : memref<40000x64xf32, #tpu.memory_space<hbm>> -> memref<40000x64xf32, #tpu.memory_space<hbm>>
    tpu.wait_indirect_dma semaphore(%arg14 : memref<!tpu.dma_semaphore, #tpu.memory_space<semaphore_mem>>) src(%dma_wait3A_151 : memref<40000x64xf32, #tpu.memory_space<hbm>>) dst(%arg11 : memref<400x64xf32, #tpu.memory_space<vmem>>)
    %run_scoped3A_152 = arith.constant 12 : i32
    "tpu.region"() ({
      %run_scoped3A_285 = tpu.sem_alloc : memref<!tpu.dma_semaphore, #tpu.memory_space<semaphore_mem>>
      %dma_start3A_286 = arith.constant 0 : i32
      %dma_start3A_287 = tpu.memref_slice %arg10[%run_scoped3A_152, %dma_start3A_286] : memref<25x400xi32, #tpu.memory_space<vmem>> -> memref<1x400xi32, #tpu.memory_space<vmem>>
      %dma_start3A_288 = tpu.memref_squeeze %dma_start3A_287 : memref<1x400xi32, #tpu.memory_space<vmem>> -> memref<400xi32, #tpu.memory_space<vmem>>
      %dma_start3A_289 = arith.constant 0 : i32
      %dma_start3A_290 = arith.constant 0 : i32
      %dma_start3A_291 = tpu.memref_slice %arg13[%dma_start3A_289, %dma_start3A_290] : memref<10240x64xf32, #tpu.memory_space<vmem_shared>> -> memref<10240x64xf32, #tpu.memory_space<vmem_shared>>
      tpu.enqueue_indirect_dma source(%arg11 : memref<400x64xf32, #tpu.memory_space<vmem>>) target(%dma_start3A_291 : memref<10240x64xf32, #tpu.memory_space<vmem_shared>>) offsets(%dma_start3A_288 : memref<400xi32, #tpu.memory_space<vmem>>) semaphore(%run_scoped3A_285 : memref<!tpu.dma_semaphore, #tpu.memory_space<semaphore_mem>>) {add = true}
      %dma_wait3A_292 = arith.constant 0 : i32
      %dma_wait3A_293 = tpu.memref_slice %arg10[%run_scoped3A_152, %dma_wait3A_292] : memref<25x400xi32, #tpu.memory_space<vmem>> -> memref<1x400xi32, #tpu.memory_space<vmem>>
      %dma_wait3A_294 = tpu.memref_squeeze %dma_wait3A_293 : memref<1x400xi32, #tpu.memory_space<vmem>> -> memref<400xi32, #tpu.memory_space<vmem>>
      %dma_wait3A_295 = arith.constant 0 : i32
      %dma_wait3A_296 = arith.constant 0 : i32
      %dma_wait3A_297 = tpu.memref_slice %arg13[%dma_wait3A_295, %dma_wait3A_296] : memref<10240x64xf32, #tpu.memory_space<vmem_shared>> -> memref<10240x64xf32, #tpu.memory_space<vmem_shared>>
      tpu.wait_indirect_dma semaphore(%run_scoped3A_285 : memref<!tpu.dma_semaphore, #tpu.memory_space<semaphore_mem>>) src(%arg11 : memref<400x64xf32, #tpu.memory_space<vmem>>) dst(%dma_wait3A_297 : memref<10240x64xf32, #tpu.memory_space<vmem_shared>>)
      tpu.yield
    }) : () -> ()
    %dma_start3A_153 = arith.constant 5600 : i32
    %dma_start3A_154 = tpu.memref_slice %arg9[%dma_start3A_153] : memref<10000xi32, #tpu.memory_space<vmem>> -> memref<400xi32, #tpu.memory_space<vmem>>
    %dma_start3A_155 = arith.constant 0 : i32
    %dma_start3A_156 = arith.constant 0 : i32
    %dma_start3A_157 = tpu.memref_slice %arg2[%dma_start3A_155, %dma_start3A_156] : memref<40000x64xf32, #tpu.memory_space<hbm>> -> memref<40000x64xf32, #tpu.memory_space<hbm>>
    tpu.enqueue_indirect_dma source(%dma_start3A_157 : memref<40000x64xf32, #tpu.memory_space<hbm>>) target(%arg11 : memref<400x64xf32, #tpu.memory_space<vmem>>) offsets(%dma_start3A_154 : memref<400xi32, #tpu.memory_space<vmem>>) semaphore(%arg14 : memref<!tpu.dma_semaphore, #tpu.memory_space<semaphore_mem>>)
    %dma_wait3A_158 = arith.constant 5200 : i32
    %dma_wait3A_159 = tpu.memref_slice %arg9[%dma_wait3A_158] : memref<10000xi32, #tpu.memory_space<vmem>> -> memref<400xi32, #tpu.memory_space<vmem>>
    %dma_wait3A_160 = arith.constant 0 : i32
    %dma_wait3A_161 = arith.constant 0 : i32
    %dma_wait3A_162 = tpu.memref_slice %arg2[%dma_wait3A_160, %dma_wait3A_161] : memref<40000x64xf32, #tpu.memory_space<hbm>> -> memref<40000x64xf32, #tpu.memory_space<hbm>>
    tpu.wait_indirect_dma semaphore(%arg15 : memref<!tpu.dma_semaphore, #tpu.memory_space<semaphore_mem>>) src(%dma_wait3A_162 : memref<40000x64xf32, #tpu.memory_space<hbm>>) dst(%arg12 : memref<400x64xf32, #tpu.memory_space<vmem>>)
    %run_scoped3A_163 = arith.constant 13 : i32
    "tpu.region"() ({
      %run_scoped3A_285 = tpu.sem_alloc : memref<!tpu.dma_semaphore, #tpu.memory_space<semaphore_mem>>
      %dma_start3A_286 = arith.constant 0 : i32
      %dma_start3A_287 = tpu.memref_slice %arg10[%run_scoped3A_163, %dma_start3A_286] : memref<25x400xi32, #tpu.memory_space<vmem>> -> memref<1x400xi32, #tpu.memory_space<vmem>>
      %dma_start3A_288 = tpu.memref_squeeze %dma_start3A_287 : memref<1x400xi32, #tpu.memory_space<vmem>> -> memref<400xi32, #tpu.memory_space<vmem>>
      %dma_start3A_289 = arith.constant 0 : i32
      %dma_start3A_290 = arith.constant 0 : i32
      %dma_start3A_291 = tpu.memref_slice %arg13[%dma_start3A_289, %dma_start3A_290] : memref<10240x64xf32, #tpu.memory_space<vmem_shared>> -> memref<10240x64xf32, #tpu.memory_space<vmem_shared>>
      tpu.enqueue_indirect_dma source(%arg12 : memref<400x64xf32, #tpu.memory_space<vmem>>) target(%dma_start3A_291 : memref<10240x64xf32, #tpu.memory_space<vmem_shared>>) offsets(%dma_start3A_288 : memref<400xi32, #tpu.memory_space<vmem>>) semaphore(%run_scoped3A_285 : memref<!tpu.dma_semaphore, #tpu.memory_space<semaphore_mem>>) {add = true}
      %dma_wait3A_292 = arith.constant 0 : i32
      %dma_wait3A_293 = tpu.memref_slice %arg10[%run_scoped3A_163, %dma_wait3A_292] : memref<25x400xi32, #tpu.memory_space<vmem>> -> memref<1x400xi32, #tpu.memory_space<vmem>>
      %dma_wait3A_294 = tpu.memref_squeeze %dma_wait3A_293 : memref<1x400xi32, #tpu.memory_space<vmem>> -> memref<400xi32, #tpu.memory_space<vmem>>
      %dma_wait3A_295 = arith.constant 0 : i32
      %dma_wait3A_296 = arith.constant 0 : i32
      %dma_wait3A_297 = tpu.memref_slice %arg13[%dma_wait3A_295, %dma_wait3A_296] : memref<10240x64xf32, #tpu.memory_space<vmem_shared>> -> memref<10240x64xf32, #tpu.memory_space<vmem_shared>>
      tpu.wait_indirect_dma semaphore(%run_scoped3A_285 : memref<!tpu.dma_semaphore, #tpu.memory_space<semaphore_mem>>) src(%arg12 : memref<400x64xf32, #tpu.memory_space<vmem>>) dst(%dma_wait3A_297 : memref<10240x64xf32, #tpu.memory_space<vmem_shared>>)
      tpu.yield
    }) : () -> ()
    %dma_start3A_164 = arith.constant 6000 : i32
    %dma_start3A_165 = tpu.memref_slice %arg9[%dma_start3A_164] : memref<10000xi32, #tpu.memory_space<vmem>> -> memref<400xi32, #tpu.memory_space<vmem>>
    %dma_start3A_166 = arith.constant 0 : i32
    %dma_start3A_167 = arith.constant 0 : i32
    %dma_start3A_168 = tpu.memref_slice %arg2[%dma_start3A_166, %dma_start3A_167] : memref<40000x64xf32, #tpu.memory_space<hbm>> -> memref<40000x64xf32, #tpu.memory_space<hbm>>
    tpu.enqueue_indirect_dma source(%dma_start3A_168 : memref<40000x64xf32, #tpu.memory_space<hbm>>) target(%arg12 : memref<400x64xf32, #tpu.memory_space<vmem>>) offsets(%dma_start3A_165 : memref<400xi32, #tpu.memory_space<vmem>>) semaphore(%arg15 : memref<!tpu.dma_semaphore, #tpu.memory_space<semaphore_mem>>)
    %dma_wait3A_169 = arith.constant 5600 : i32
    %dma_wait3A_170 = tpu.memref_slice %arg9[%dma_wait3A_169] : memref<10000xi32, #tpu.memory_space<vmem>> -> memref<400xi32, #tpu.memory_space<vmem>>
    %dma_wait3A_171 = arith.constant 0 : i32
    %dma_wait3A_172 = arith.constant 0 : i32
    %dma_wait3A_173 = tpu.memref_slice %arg2[%dma_wait3A_171, %dma_wait3A_172] : memref<40000x64xf32, #tpu.memory_space<hbm>> -> memref<40000x64xf32, #tpu.memory_space<hbm>>
    tpu.wait_indirect_dma semaphore(%arg14 : memref<!tpu.dma_semaphore, #tpu.memory_space<semaphore_mem>>) src(%dma_wait3A_173 : memref<40000x64xf32, #tpu.memory_space<hbm>>) dst(%arg11 : memref<400x64xf32, #tpu.memory_space<vmem>>)
    %run_scoped3A_174 = arith.constant 14 : i32
    "tpu.region"() ({
      %run_scoped3A_285 = tpu.sem_alloc : memref<!tpu.dma_semaphore, #tpu.memory_space<semaphore_mem>>
      %dma_start3A_286 = arith.constant 0 : i32
      %dma_start3A_287 = tpu.memref_slice %arg10[%run_scoped3A_174, %dma_start3A_286] : memref<25x400xi32, #tpu.memory_space<vmem>> -> memref<1x400xi32, #tpu.memory_space<vmem>>
      %dma_start3A_288 = tpu.memref_squeeze %dma_start3A_287 : memref<1x400xi32, #tpu.memory_space<vmem>> -> memref<400xi32, #tpu.memory_space<vmem>>
      %dma_start3A_289 = arith.constant 0 : i32
      %dma_start3A_290 = arith.constant 0 : i32
      %dma_start3A_291 = tpu.memref_slice %arg13[%dma_start3A_289, %dma_start3A_290] : memref<10240x64xf32, #tpu.memory_space<vmem_shared>> -> memref<10240x64xf32, #tpu.memory_space<vmem_shared>>
      tpu.enqueue_indirect_dma source(%arg11 : memref<400x64xf32, #tpu.memory_space<vmem>>) target(%dma_start3A_291 : memref<10240x64xf32, #tpu.memory_space<vmem_shared>>) offsets(%dma_start3A_288 : memref<400xi32, #tpu.memory_space<vmem>>) semaphore(%run_scoped3A_285 : memref<!tpu.dma_semaphore, #tpu.memory_space<semaphore_mem>>) {add = true}
      %dma_wait3A_292 = arith.constant 0 : i32
      %dma_wait3A_293 = tpu.memref_slice %arg10[%run_scoped3A_174, %dma_wait3A_292] : memref<25x400xi32, #tpu.memory_space<vmem>> -> memref<1x400xi32, #tpu.memory_space<vmem>>
      %dma_wait3A_294 = tpu.memref_squeeze %dma_wait3A_293 : memref<1x400xi32, #tpu.memory_space<vmem>> -> memref<400xi32, #tpu.memory_space<vmem>>
      %dma_wait3A_295 = arith.constant 0 : i32
      %dma_wait3A_296 = arith.constant 0 : i32
      %dma_wait3A_297 = tpu.memref_slice %arg13[%dma_wait3A_295, %dma_wait3A_296] : memref<10240x64xf32, #tpu.memory_space<vmem_shared>> -> memref<10240x64xf32, #tpu.memory_space<vmem_shared>>
      tpu.wait_indirect_dma semaphore(%run_scoped3A_285 : memref<!tpu.dma_semaphore, #tpu.memory_space<semaphore_mem>>) src(%arg11 : memref<400x64xf32, #tpu.memory_space<vmem>>) dst(%dma_wait3A_297 : memref<10240x64xf32, #tpu.memory_space<vmem_shared>>)
      tpu.yield
    }) : () -> ()
    %dma_start3A_175 = arith.constant 6400 : i32
    %dma_start3A_176 = tpu.memref_slice %arg9[%dma_start3A_175] : memref<10000xi32, #tpu.memory_space<vmem>> -> memref<400xi32, #tpu.memory_space<vmem>>
    %dma_start3A_177 = arith.constant 0 : i32
    %dma_start3A_178 = arith.constant 0 : i32
    %dma_start3A_179 = tpu.memref_slice %arg2[%dma_start3A_177, %dma_start3A_178] : memref<40000x64xf32, #tpu.memory_space<hbm>> -> memref<40000x64xf32, #tpu.memory_space<hbm>>
    tpu.enqueue_indirect_dma source(%dma_start3A_179 : memref<40000x64xf32, #tpu.memory_space<hbm>>) target(%arg11 : memref<400x64xf32, #tpu.memory_space<vmem>>) offsets(%dma_start3A_176 : memref<400xi32, #tpu.memory_space<vmem>>) semaphore(%arg14 : memref<!tpu.dma_semaphore, #tpu.memory_space<semaphore_mem>>)
    %dma_wait3A_180 = arith.constant 6000 : i32
    %dma_wait3A_181 = tpu.memref_slice %arg9[%dma_wait3A_180] : memref<10000xi32, #tpu.memory_space<vmem>> -> memref<400xi32, #tpu.memory_space<vmem>>
    %dma_wait3A_182 = arith.constant 0 : i32
    %dma_wait3A_183 = arith.constant 0 : i32
    %dma_wait3A_184 = tpu.memref_slice %arg2[%dma_wait3A_182, %dma_wait3A_183] : memref<40000x64xf32, #tpu.memory_space<hbm>> -> memref<40000x64xf32, #tpu.memory_space<hbm>>
    tpu.wait_indirect_dma semaphore(%arg15 : memref<!tpu.dma_semaphore, #tpu.memory_space<semaphore_mem>>) src(%dma_wait3A_184 : memref<40000x64xf32, #tpu.memory_space<hbm>>) dst(%arg12 : memref<400x64xf32, #tpu.memory_space<vmem>>)
    %run_scoped3A_185 = arith.constant 15 : i32
    "tpu.region"() ({
      %run_scoped3A_285 = tpu.sem_alloc : memref<!tpu.dma_semaphore, #tpu.memory_space<semaphore_mem>>
      %dma_start3A_286 = arith.constant 0 : i32
      %dma_start3A_287 = tpu.memref_slice %arg10[%run_scoped3A_185, %dma_start3A_286] : memref<25x400xi32, #tpu.memory_space<vmem>> -> memref<1x400xi32, #tpu.memory_space<vmem>>
      %dma_start3A_288 = tpu.memref_squeeze %dma_start3A_287 : memref<1x400xi32, #tpu.memory_space<vmem>> -> memref<400xi32, #tpu.memory_space<vmem>>
      %dma_start3A_289 = arith.constant 0 : i32
      %dma_start3A_290 = arith.constant 0 : i32
      %dma_start3A_291 = tpu.memref_slice %arg13[%dma_start3A_289, %dma_start3A_290] : memref<10240x64xf32, #tpu.memory_space<vmem_shared>> -> memref<10240x64xf32, #tpu.memory_space<vmem_shared>>
      tpu.enqueue_indirect_dma source(%arg12 : memref<400x64xf32, #tpu.memory_space<vmem>>) target(%dma_start3A_291 : memref<10240x64xf32, #tpu.memory_space<vmem_shared>>) offsets(%dma_start3A_288 : memref<400xi32, #tpu.memory_space<vmem>>) semaphore(%run_scoped3A_285 : memref<!tpu.dma_semaphore, #tpu.memory_space<semaphore_mem>>) {add = true}
      %dma_wait3A_292 = arith.constant 0 : i32
      %dma_wait3A_293 = tpu.memref_slice %arg10[%run_scoped3A_185, %dma_wait3A_292] : memref<25x400xi32, #tpu.memory_space<vmem>> -> memref<1x400xi32, #tpu.memory_space<vmem>>
      %dma_wait3A_294 = tpu.memref_squeeze %dma_wait3A_293 : memref<1x400xi32, #tpu.memory_space<vmem>> -> memref<400xi32, #tpu.memory_space<vmem>>
      %dma_wait3A_295 = arith.constant 0 : i32
      %dma_wait3A_296 = arith.constant 0 : i32
      %dma_wait3A_297 = tpu.memref_slice %arg13[%dma_wait3A_295, %dma_wait3A_296] : memref<10240x64xf32, #tpu.memory_space<vmem_shared>> -> memref<10240x64xf32, #tpu.memory_space<vmem_shared>>
      tpu.wait_indirect_dma semaphore(%run_scoped3A_285 : memref<!tpu.dma_semaphore, #tpu.memory_space<semaphore_mem>>) src(%arg12 : memref<400x64xf32, #tpu.memory_space<vmem>>) dst(%dma_wait3A_297 : memref<10240x64xf32, #tpu.memory_space<vmem_shared>>)
      tpu.yield
    }) : () -> ()
    %dma_start3A_186 = arith.constant 6800 : i32
    %dma_start3A_187 = tpu.memref_slice %arg9[%dma_start3A_186] : memref<10000xi32, #tpu.memory_space<vmem>> -> memref<400xi32, #tpu.memory_space<vmem>>
    %dma_start3A_188 = arith.constant 0 : i32
    %dma_start3A_189 = arith.constant 0 : i32
    %dma_start3A_190 = tpu.memref_slice %arg2[%dma_start3A_188, %dma_start3A_189] : memref<40000x64xf32, #tpu.memory_space<hbm>> -> memref<40000x64xf32, #tpu.memory_space<hbm>>
    tpu.enqueue_indirect_dma source(%dma_start3A_190 : memref<40000x64xf32, #tpu.memory_space<hbm>>) target(%arg12 : memref<400x64xf32, #tpu.memory_space<vmem>>) offsets(%dma_start3A_187 : memref<400xi32, #tpu.memory_space<vmem>>) semaphore(%arg15 : memref<!tpu.dma_semaphore, #tpu.memory_space<semaphore_mem>>)
    %dma_wait3A_191 = arith.constant 6400 : i32
    %dma_wait3A_192 = tpu.memref_slice %arg9[%dma_wait3A_191] : memref<10000xi32, #tpu.memory_space<vmem>> -> memref<400xi32, #tpu.memory_space<vmem>>
    %dma_wait3A_193 = arith.constant 0 : i32
    %dma_wait3A_194 = arith.constant 0 : i32
    %dma_wait3A_195 = tpu.memref_slice %arg2[%dma_wait3A_193, %dma_wait3A_194] : memref<40000x64xf32, #tpu.memory_space<hbm>> -> memref<40000x64xf32, #tpu.memory_space<hbm>>
    tpu.wait_indirect_dma semaphore(%arg14 : memref<!tpu.dma_semaphore, #tpu.memory_space<semaphore_mem>>) src(%dma_wait3A_195 : memref<40000x64xf32, #tpu.memory_space<hbm>>) dst(%arg11 : memref<400x64xf32, #tpu.memory_space<vmem>>)
    %run_scoped3A_196 = arith.constant 16 : i32
    "tpu.region"() ({
      %run_scoped3A_285 = tpu.sem_alloc : memref<!tpu.dma_semaphore, #tpu.memory_space<semaphore_mem>>
      %dma_start3A_286 = arith.constant 0 : i32
      %dma_start3A_287 = tpu.memref_slice %arg10[%run_scoped3A_196, %dma_start3A_286] : memref<25x400xi32, #tpu.memory_space<vmem>> -> memref<1x400xi32, #tpu.memory_space<vmem>>
      %dma_start3A_288 = tpu.memref_squeeze %dma_start3A_287 : memref<1x400xi32, #tpu.memory_space<vmem>> -> memref<400xi32, #tpu.memory_space<vmem>>
      %dma_start3A_289 = arith.constant 0 : i32
      %dma_start3A_290 = arith.constant 0 : i32
      %dma_start3A_291 = tpu.memref_slice %arg13[%dma_start3A_289, %dma_start3A_290] : memref<10240x64xf32, #tpu.memory_space<vmem_shared>> -> memref<10240x64xf32, #tpu.memory_space<vmem_shared>>
      tpu.enqueue_indirect_dma source(%arg11 : memref<400x64xf32, #tpu.memory_space<vmem>>) target(%dma_start3A_291 : memref<10240x64xf32, #tpu.memory_space<vmem_shared>>) offsets(%dma_start3A_288 : memref<400xi32, #tpu.memory_space<vmem>>) semaphore(%run_scoped3A_285 : memref<!tpu.dma_semaphore, #tpu.memory_space<semaphore_mem>>) {add = true}
      %dma_wait3A_292 = arith.constant 0 : i32
      %dma_wait3A_293 = tpu.memref_slice %arg10[%run_scoped3A_196, %dma_wait3A_292] : memref<25x400xi32, #tpu.memory_space<vmem>> -> memref<1x400xi32, #tpu.memory_space<vmem>>
      %dma_wait3A_294 = tpu.memref_squeeze %dma_wait3A_293 : memref<1x400xi32, #tpu.memory_space<vmem>> -> memref<400xi32, #tpu.memory_space<vmem>>
      %dma_wait3A_295 = arith.constant 0 : i32
      %dma_wait3A_296 = arith.constant 0 : i32
      %dma_wait3A_297 = tpu.memref_slice %arg13[%dma_wait3A_295, %dma_wait3A_296] : memref<10240x64xf32, #tpu.memory_space<vmem_shared>> -> memref<10240x64xf32, #tpu.memory_space<vmem_shared>>
      tpu.wait_indirect_dma semaphore(%run_scoped3A_285 : memref<!tpu.dma_semaphore, #tpu.memory_space<semaphore_mem>>) src(%arg11 : memref<400x64xf32, #tpu.memory_space<vmem>>) dst(%dma_wait3A_297 : memref<10240x64xf32, #tpu.memory_space<vmem_shared>>)
      tpu.yield
    }) : () -> ()
    %dma_start3A_197 = arith.constant 7200 : i32
    %dma_start3A_198 = tpu.memref_slice %arg9[%dma_start3A_197] : memref<10000xi32, #tpu.memory_space<vmem>> -> memref<400xi32, #tpu.memory_space<vmem>>
    %dma_start3A_199 = arith.constant 0 : i32
    %dma_start3A_200 = arith.constant 0 : i32
    %dma_start3A_201 = tpu.memref_slice %arg2[%dma_start3A_199, %dma_start3A_200] : memref<40000x64xf32, #tpu.memory_space<hbm>> -> memref<40000x64xf32, #tpu.memory_space<hbm>>
    tpu.enqueue_indirect_dma source(%dma_start3A_201 : memref<40000x64xf32, #tpu.memory_space<hbm>>) target(%arg11 : memref<400x64xf32, #tpu.memory_space<vmem>>) offsets(%dma_start3A_198 : memref<400xi32, #tpu.memory_space<vmem>>) semaphore(%arg14 : memref<!tpu.dma_semaphore, #tpu.memory_space<semaphore_mem>>)
    %dma_wait3A_202 = arith.constant 6800 : i32
    %dma_wait3A_203 = tpu.memref_slice %arg9[%dma_wait3A_202] : memref<10000xi32, #tpu.memory_space<vmem>> -> memref<400xi32, #tpu.memory_space<vmem>>
    %dma_wait3A_204 = arith.constant 0 : i32
    %dma_wait3A_205 = arith.constant 0 : i32
    %dma_wait3A_206 = tpu.memref_slice %arg2[%dma_wait3A_204, %dma_wait3A_205] : memref<40000x64xf32, #tpu.memory_space<hbm>> -> memref<40000x64xf32, #tpu.memory_space<hbm>>
    tpu.wait_indirect_dma semaphore(%arg15 : memref<!tpu.dma_semaphore, #tpu.memory_space<semaphore_mem>>) src(%dma_wait3A_206 : memref<40000x64xf32, #tpu.memory_space<hbm>>) dst(%arg12 : memref<400x64xf32, #tpu.memory_space<vmem>>)
    %run_scoped3A_207 = arith.constant 17 : i32
    "tpu.region"() ({
      %run_scoped3A_285 = tpu.sem_alloc : memref<!tpu.dma_semaphore, #tpu.memory_space<semaphore_mem>>
      %dma_start3A_286 = arith.constant 0 : i32
      %dma_start3A_287 = tpu.memref_slice %arg10[%run_scoped3A_207, %dma_start3A_286] : memref<25x400xi32, #tpu.memory_space<vmem>> -> memref<1x400xi32, #tpu.memory_space<vmem>>
      %dma_start3A_288 = tpu.memref_squeeze %dma_start3A_287 : memref<1x400xi32, #tpu.memory_space<vmem>> -> memref<400xi32, #tpu.memory_space<vmem>>
      %dma_start3A_289 = arith.constant 0 : i32
      %dma_start3A_290 = arith.constant 0 : i32
      %dma_start3A_291 = tpu.memref_slice %arg13[%dma_start3A_289, %dma_start3A_290] : memref<10240x64xf32, #tpu.memory_space<vmem_shared>> -> memref<10240x64xf32, #tpu.memory_space<vmem_shared>>
      tpu.enqueue_indirect_dma source(%arg12 : memref<400x64xf32, #tpu.memory_space<vmem>>) target(%dma_start3A_291 : memref<10240x64xf32, #tpu.memory_space<vmem_shared>>) offsets(%dma_start3A_288 : memref<400xi32, #tpu.memory_space<vmem>>) semaphore(%run_scoped3A_285 : memref<!tpu.dma_semaphore, #tpu.memory_space<semaphore_mem>>) {add = true}
      %dma_wait3A_292 = arith.constant 0 : i32
      %dma_wait3A_293 = tpu.memref_slice %arg10[%run_scoped3A_207, %dma_wait3A_292] : memref<25x400xi32, #tpu.memory_space<vmem>> -> memref<1x400xi32, #tpu.memory_space<vmem>>
      %dma_wait3A_294 = tpu.memref_squeeze %dma_wait3A_293 : memref<1x400xi32, #tpu.memory_space<vmem>> -> memref<400xi32, #tpu.memory_space<vmem>>
      %dma_wait3A_295 = arith.constant 0 : i32
      %dma_wait3A_296 = arith.constant 0 : i32
      %dma_wait3A_297 = tpu.memref_slice %arg13[%dma_wait3A_295, %dma_wait3A_296] : memref<10240x64xf32, #tpu.memory_space<vmem_shared>> -> memref<10240x64xf32, #tpu.memory_space<vmem_shared>>
      tpu.wait_indirect_dma semaphore(%run_scoped3A_285 : memref<!tpu.dma_semaphore, #tpu.memory_space<semaphore_mem>>) src(%arg12 : memref<400x64xf32, #tpu.memory_space<vmem>>) dst(%dma_wait3A_297 : memref<10240x64xf32, #tpu.memory_space<vmem_shared>>)
      tpu.yield
    }) : () -> ()
    %dma_start3A_208 = arith.constant 7600 : i32
    %dma_start3A_209 = tpu.memref_slice %arg9[%dma_start3A_208] : memref<10000xi32, #tpu.memory_space<vmem>> -> memref<400xi32, #tpu.memory_space<vmem>>
    %dma_start3A_210 = arith.constant 0 : i32
    %dma_start3A_211 = arith.constant 0 : i32
    %dma_start3A_212 = tpu.memref_slice %arg2[%dma_start3A_210, %dma_start3A_211] : memref<40000x64xf32, #tpu.memory_space<hbm>> -> memref<40000x64xf32, #tpu.memory_space<hbm>>
    tpu.enqueue_indirect_dma source(%dma_start3A_212 : memref<40000x64xf32, #tpu.memory_space<hbm>>) target(%arg12 : memref<400x64xf32, #tpu.memory_space<vmem>>) offsets(%dma_start3A_209 : memref<400xi32, #tpu.memory_space<vmem>>) semaphore(%arg15 : memref<!tpu.dma_semaphore, #tpu.memory_space<semaphore_mem>>)
    %dma_wait3A_213 = arith.constant 7200 : i32
    %dma_wait3A_214 = tpu.memref_slice %arg9[%dma_wait3A_213] : memref<10000xi32, #tpu.memory_space<vmem>> -> memref<400xi32, #tpu.memory_space<vmem>>
    %dma_wait3A_215 = arith.constant 0 : i32
    %dma_wait3A_216 = arith.constant 0 : i32
    %dma_wait3A_217 = tpu.memref_slice %arg2[%dma_wait3A_215, %dma_wait3A_216] : memref<40000x64xf32, #tpu.memory_space<hbm>> -> memref<40000x64xf32, #tpu.memory_space<hbm>>
    tpu.wait_indirect_dma semaphore(%arg14 : memref<!tpu.dma_semaphore, #tpu.memory_space<semaphore_mem>>) src(%dma_wait3A_217 : memref<40000x64xf32, #tpu.memory_space<hbm>>) dst(%arg11 : memref<400x64xf32, #tpu.memory_space<vmem>>)
    %run_scoped3A_218 = arith.constant 18 : i32
    "tpu.region"() ({
      %run_scoped3A_285 = tpu.sem_alloc : memref<!tpu.dma_semaphore, #tpu.memory_space<semaphore_mem>>
      %dma_start3A_286 = arith.constant 0 : i32
      %dma_start3A_287 = tpu.memref_slice %arg10[%run_scoped3A_218, %dma_start3A_286] : memref<25x400xi32, #tpu.memory_space<vmem>> -> memref<1x400xi32, #tpu.memory_space<vmem>>
      %dma_start3A_288 = tpu.memref_squeeze %dma_start3A_287 : memref<1x400xi32, #tpu.memory_space<vmem>> -> memref<400xi32, #tpu.memory_space<vmem>>
      %dma_start3A_289 = arith.constant 0 : i32
      %dma_start3A_290 = arith.constant 0 : i32
      %dma_start3A_291 = tpu.memref_slice %arg13[%dma_start3A_289, %dma_start3A_290] : memref<10240x64xf32, #tpu.memory_space<vmem_shared>> -> memref<10240x64xf32, #tpu.memory_space<vmem_shared>>
      tpu.enqueue_indirect_dma source(%arg11 : memref<400x64xf32, #tpu.memory_space<vmem>>) target(%dma_start3A_291 : memref<10240x64xf32, #tpu.memory_space<vmem_shared>>) offsets(%dma_start3A_288 : memref<400xi32, #tpu.memory_space<vmem>>) semaphore(%run_scoped3A_285 : memref<!tpu.dma_semaphore, #tpu.memory_space<semaphore_mem>>) {add = true}
      %dma_wait3A_292 = arith.constant 0 : i32
      %dma_wait3A_293 = tpu.memref_slice %arg10[%run_scoped3A_218, %dma_wait3A_292] : memref<25x400xi32, #tpu.memory_space<vmem>> -> memref<1x400xi32, #tpu.memory_space<vmem>>
      %dma_wait3A_294 = tpu.memref_squeeze %dma_wait3A_293 : memref<1x400xi32, #tpu.memory_space<vmem>> -> memref<400xi32, #tpu.memory_space<vmem>>
      %dma_wait3A_295 = arith.constant 0 : i32
      %dma_wait3A_296 = arith.constant 0 : i32
      %dma_wait3A_297 = tpu.memref_slice %arg13[%dma_wait3A_295, %dma_wait3A_296] : memref<10240x64xf32, #tpu.memory_space<vmem_shared>> -> memref<10240x64xf32, #tpu.memory_space<vmem_shared>>
      tpu.wait_indirect_dma semaphore(%run_scoped3A_285 : memref<!tpu.dma_semaphore, #tpu.memory_space<semaphore_mem>>) src(%arg11 : memref<400x64xf32, #tpu.memory_space<vmem>>) dst(%dma_wait3A_297 : memref<10240x64xf32, #tpu.memory_space<vmem_shared>>)
      tpu.yield
    }) : () -> ()
    %dma_start3A_219 = arith.constant 8000 : i32
    %dma_start3A_220 = tpu.memref_slice %arg9[%dma_start3A_219] : memref<10000xi32, #tpu.memory_space<vmem>> -> memref<400xi32, #tpu.memory_space<vmem>>
    %dma_start3A_221 = arith.constant 0 : i32
    %dma_start3A_222 = arith.constant 0 : i32
    %dma_start3A_223 = tpu.memref_slice %arg2[%dma_start3A_221, %dma_start3A_222] : memref<40000x64xf32, #tpu.memory_space<hbm>> -> memref<40000x64xf32, #tpu.memory_space<hbm>>
    tpu.enqueue_indirect_dma source(%dma_start3A_223 : memref<40000x64xf32, #tpu.memory_space<hbm>>) target(%arg11 : memref<400x64xf32, #tpu.memory_space<vmem>>) offsets(%dma_start3A_220 : memref<400xi32, #tpu.memory_space<vmem>>) semaphore(%arg14 : memref<!tpu.dma_semaphore, #tpu.memory_space<semaphore_mem>>)
    %dma_wait3A_224 = arith.constant 7600 : i32
    %dma_wait3A_225 = tpu.memref_slice %arg9[%dma_wait3A_224] : memref<10000xi32, #tpu.memory_space<vmem>> -> memref<400xi32, #tpu.memory_space<vmem>>
    %dma_wait3A_226 = arith.constant 0 : i32
    %dma_wait3A_227 = arith.constant 0 : i32
    %dma_wait3A_228 = tpu.memref_slice %arg2[%dma_wait3A_226, %dma_wait3A_227] : memref<40000x64xf32, #tpu.memory_space<hbm>> -> memref<40000x64xf32, #tpu.memory_space<hbm>>
    tpu.wait_indirect_dma semaphore(%arg15 : memref<!tpu.dma_semaphore, #tpu.memory_space<semaphore_mem>>) src(%dma_wait3A_228 : memref<40000x64xf32, #tpu.memory_space<hbm>>) dst(%arg12 : memref<400x64xf32, #tpu.memory_space<vmem>>)
    %run_scoped3A_229 = arith.constant 19 : i32
    "tpu.region"() ({
      %run_scoped3A_285 = tpu.sem_alloc : memref<!tpu.dma_semaphore, #tpu.memory_space<semaphore_mem>>
      %dma_start3A_286 = arith.constant 0 : i32
      %dma_start3A_287 = tpu.memref_slice %arg10[%run_scoped3A_229, %dma_start3A_286] : memref<25x400xi32, #tpu.memory_space<vmem>> -> memref<1x400xi32, #tpu.memory_space<vmem>>
      %dma_start3A_288 = tpu.memref_squeeze %dma_start3A_287 : memref<1x400xi32, #tpu.memory_space<vmem>> -> memref<400xi32, #tpu.memory_space<vmem>>
      %dma_start3A_289 = arith.constant 0 : i32
      %dma_start3A_290 = arith.constant 0 : i32
      %dma_start3A_291 = tpu.memref_slice %arg13[%dma_start3A_289, %dma_start3A_290] : memref<10240x64xf32, #tpu.memory_space<vmem_shared>> -> memref<10240x64xf32, #tpu.memory_space<vmem_shared>>
      tpu.enqueue_indirect_dma source(%arg12 : memref<400x64xf32, #tpu.memory_space<vmem>>) target(%dma_start3A_291 : memref<10240x64xf32, #tpu.memory_space<vmem_shared>>) offsets(%dma_start3A_288 : memref<400xi32, #tpu.memory_space<vmem>>) semaphore(%run_scoped3A_285 : memref<!tpu.dma_semaphore, #tpu.memory_space<semaphore_mem>>) {add = true}
      %dma_wait3A_292 = arith.constant 0 : i32
      %dma_wait3A_293 = tpu.memref_slice %arg10[%run_scoped3A_229, %dma_wait3A_292] : memref<25x400xi32, #tpu.memory_space<vmem>> -> memref<1x400xi32, #tpu.memory_space<vmem>>
      %dma_wait3A_294 = tpu.memref_squeeze %dma_wait3A_293 : memref<1x400xi32, #tpu.memory_space<vmem>> -> memref<400xi32, #tpu.memory_space<vmem>>
      %dma_wait3A_295 = arith.constant 0 : i32
      %dma_wait3A_296 = arith.constant 0 : i32
      %dma_wait3A_297 = tpu.memref_slice %arg13[%dma_wait3A_295, %dma_wait3A_296] : memref<10240x64xf32, #tpu.memory_space<vmem_shared>> -> memref<10240x64xf32, #tpu.memory_space<vmem_shared>>
      tpu.wait_indirect_dma semaphore(%run_scoped3A_285 : memref<!tpu.dma_semaphore, #tpu.memory_space<semaphore_mem>>) src(%arg12 : memref<400x64xf32, #tpu.memory_space<vmem>>) dst(%dma_wait3A_297 : memref<10240x64xf32, #tpu.memory_space<vmem_shared>>)
      tpu.yield
    }) : () -> ()
    %dma_start3A_230 = arith.constant 8400 : i32
    %dma_start3A_231 = tpu.memref_slice %arg9[%dma_start3A_230] : memref<10000xi32, #tpu.memory_space<vmem>> -> memref<400xi32, #tpu.memory_space<vmem>>
    %dma_start3A_232 = arith.constant 0 : i32
    %dma_start3A_233 = arith.constant 0 : i32
    %dma_start3A_234 = tpu.memref_slice %arg2[%dma_start3A_232, %dma_start3A_233] : memref<40000x64xf32, #tpu.memory_space<hbm>> -> memref<40000x64xf32, #tpu.memory_space<hbm>>
    tpu.enqueue_indirect_dma source(%dma_start3A_234 : memref<40000x64xf32, #tpu.memory_space<hbm>>) target(%arg12 : memref<400x64xf32, #tpu.memory_space<vmem>>) offsets(%dma_start3A_231 : memref<400xi32, #tpu.memory_space<vmem>>) semaphore(%arg15 : memref<!tpu.dma_semaphore, #tpu.memory_space<semaphore_mem>>)
    %dma_wait3A_235 = arith.constant 8000 : i32
    %dma_wait3A_236 = tpu.memref_slice %arg9[%dma_wait3A_235] : memref<10000xi32, #tpu.memory_space<vmem>> -> memref<400xi32, #tpu.memory_space<vmem>>
    %dma_wait3A_237 = arith.constant 0 : i32
    %dma_wait3A_238 = arith.constant 0 : i32
    %dma_wait3A_239 = tpu.memref_slice %arg2[%dma_wait3A_237, %dma_wait3A_238] : memref<40000x64xf32, #tpu.memory_space<hbm>> -> memref<40000x64xf32, #tpu.memory_space<hbm>>
    tpu.wait_indirect_dma semaphore(%arg14 : memref<!tpu.dma_semaphore, #tpu.memory_space<semaphore_mem>>) src(%dma_wait3A_239 : memref<40000x64xf32, #tpu.memory_space<hbm>>) dst(%arg11 : memref<400x64xf32, #tpu.memory_space<vmem>>)
    %run_scoped3A_240 = arith.constant 20 : i32
    "tpu.region"() ({
      %run_scoped3A_285 = tpu.sem_alloc : memref<!tpu.dma_semaphore, #tpu.memory_space<semaphore_mem>>
      %dma_start3A_286 = arith.constant 0 : i32
      %dma_start3A_287 = tpu.memref_slice %arg10[%run_scoped3A_240, %dma_start3A_286] : memref<25x400xi32, #tpu.memory_space<vmem>> -> memref<1x400xi32, #tpu.memory_space<vmem>>
      %dma_start3A_288 = tpu.memref_squeeze %dma_start3A_287 : memref<1x400xi32, #tpu.memory_space<vmem>> -> memref<400xi32, #tpu.memory_space<vmem>>
      %dma_start3A_289 = arith.constant 0 : i32
      %dma_start3A_290 = arith.constant 0 : i32
      %dma_start3A_291 = tpu.memref_slice %arg13[%dma_start3A_289, %dma_start3A_290] : memref<10240x64xf32, #tpu.memory_space<vmem_shared>> -> memref<10240x64xf32, #tpu.memory_space<vmem_shared>>
      tpu.enqueue_indirect_dma source(%arg11 : memref<400x64xf32, #tpu.memory_space<vmem>>) target(%dma_start3A_291 : memref<10240x64xf32, #tpu.memory_space<vmem_shared>>) offsets(%dma_start3A_288 : memref<400xi32, #tpu.memory_space<vmem>>) semaphore(%run_scoped3A_285 : memref<!tpu.dma_semaphore, #tpu.memory_space<semaphore_mem>>) {add = true}
      %dma_wait3A_292 = arith.constant 0 : i32
      %dma_wait3A_293 = tpu.memref_slice %arg10[%run_scoped3A_240, %dma_wait3A_292] : memref<25x400xi32, #tpu.memory_space<vmem>> -> memref<1x400xi32, #tpu.memory_space<vmem>>
      %dma_wait3A_294 = tpu.memref_squeeze %dma_wait3A_293 : memref<1x400xi32, #tpu.memory_space<vmem>> -> memref<400xi32, #tpu.memory_space<vmem>>
      %dma_wait3A_295 = arith.constant 0 : i32
      %dma_wait3A_296 = arith.constant 0 : i32
      %dma_wait3A_297 = tpu.memref_slice %arg13[%dma_wait3A_295, %dma_wait3A_296] : memref<10240x64xf32, #tpu.memory_space<vmem_shared>> -> memref<10240x64xf32, #tpu.memory_space<vmem_shared>>
      tpu.wait_indirect_dma semaphore(%run_scoped3A_285 : memref<!tpu.dma_semaphore, #tpu.memory_space<semaphore_mem>>) src(%arg11 : memref<400x64xf32, #tpu.memory_space<vmem>>) dst(%dma_wait3A_297 : memref<10240x64xf32, #tpu.memory_space<vmem_shared>>)
      tpu.yield
    }) : () -> ()
    %dma_start3A_241 = arith.constant 8800 : i32
    %dma_start3A_242 = tpu.memref_slice %arg9[%dma_start3A_241] : memref<10000xi32, #tpu.memory_space<vmem>> -> memref<400xi32, #tpu.memory_space<vmem>>
    %dma_start3A_243 = arith.constant 0 : i32
    %dma_start3A_244 = arith.constant 0 : i32
    %dma_start3A_245 = tpu.memref_slice %arg2[%dma_start3A_243, %dma_start3A_244] : memref<40000x64xf32, #tpu.memory_space<hbm>> -> memref<40000x64xf32, #tpu.memory_space<hbm>>
    tpu.enqueue_indirect_dma source(%dma_start3A_245 : memref<40000x64xf32, #tpu.memory_space<hbm>>) target(%arg11 : memref<400x64xf32, #tpu.memory_space<vmem>>) offsets(%dma_start3A_242 : memref<400xi32, #tpu.memory_space<vmem>>) semaphore(%arg14 : memref<!tpu.dma_semaphore, #tpu.memory_space<semaphore_mem>>)
    %dma_wait3A_246 = arith.constant 8400 : i32
    %dma_wait3A_247 = tpu.memref_slice %arg9[%dma_wait3A_246] : memref<10000xi32, #tpu.memory_space<vmem>> -> memref<400xi32, #tpu.memory_space<vmem>>
    %dma_wait3A_248 = arith.constant 0 : i32
    %dma_wait3A_249 = arith.constant 0 : i32
    %dma_wait3A_250 = tpu.memref_slice %arg2[%dma_wait3A_248, %dma_wait3A_249] : memref<40000x64xf32, #tpu.memory_space<hbm>> -> memref<40000x64xf32, #tpu.memory_space<hbm>>
    tpu.wait_indirect_dma semaphore(%arg15 : memref<!tpu.dma_semaphore, #tpu.memory_space<semaphore_mem>>) src(%dma_wait3A_250 : memref<40000x64xf32, #tpu.memory_space<hbm>>) dst(%arg12 : memref<400x64xf32, #tpu.memory_space<vmem>>)
    %run_scoped3A_251 = arith.constant 21 : i32
    "tpu.region"() ({
      %run_scoped3A_285 = tpu.sem_alloc : memref<!tpu.dma_semaphore, #tpu.memory_space<semaphore_mem>>
      %dma_start3A_286 = arith.constant 0 : i32
      %dma_start3A_287 = tpu.memref_slice %arg10[%run_scoped3A_251, %dma_start3A_286] : memref<25x400xi32, #tpu.memory_space<vmem>> -> memref<1x400xi32, #tpu.memory_space<vmem>>
      %dma_start3A_288 = tpu.memref_squeeze %dma_start3A_287 : memref<1x400xi32, #tpu.memory_space<vmem>> -> memref<400xi32, #tpu.memory_space<vmem>>
      %dma_start3A_289 = arith.constant 0 : i32
      %dma_start3A_290 = arith.constant 0 : i32
      %dma_start3A_291 = tpu.memref_slice %arg13[%dma_start3A_289, %dma_start3A_290] : memref<10240x64xf32, #tpu.memory_space<vmem_shared>> -> memref<10240x64xf32, #tpu.memory_space<vmem_shared>>
      tpu.enqueue_indirect_dma source(%arg12 : memref<400x64xf32, #tpu.memory_space<vmem>>) target(%dma_start3A_291 : memref<10240x64xf32, #tpu.memory_space<vmem_shared>>) offsets(%dma_start3A_288 : memref<400xi32, #tpu.memory_space<vmem>>) semaphore(%run_scoped3A_285 : memref<!tpu.dma_semaphore, #tpu.memory_space<semaphore_mem>>) {add = true}
      %dma_wait3A_292 = arith.constant 0 : i32
      %dma_wait3A_293 = tpu.memref_slice %arg10[%run_scoped3A_251, %dma_wait3A_292] : memref<25x400xi32, #tpu.memory_space<vmem>> -> memref<1x400xi32, #tpu.memory_space<vmem>>
      %dma_wait3A_294 = tpu.memref_squeeze %dma_wait3A_293 : memref<1x400xi32, #tpu.memory_space<vmem>> -> memref<400xi32, #tpu.memory_space<vmem>>
      %dma_wait3A_295 = arith.constant 0 : i32
      %dma_wait3A_296 = arith.constant 0 : i32
      %dma_wait3A_297 = tpu.memref_slice %arg13[%dma_wait3A_295, %dma_wait3A_296] : memref<10240x64xf32, #tpu.memory_space<vmem_shared>> -> memref<10240x64xf32, #tpu.memory_space<vmem_shared>>
      tpu.wait_indirect_dma semaphore(%run_scoped3A_285 : memref<!tpu.dma_semaphore, #tpu.memory_space<semaphore_mem>>) src(%arg12 : memref<400x64xf32, #tpu.memory_space<vmem>>) dst(%dma_wait3A_297 : memref<10240x64xf32, #tpu.memory_space<vmem_shared>>)
      tpu.yield
    }) : () -> ()
    %dma_start3A_252 = arith.constant 9200 : i32
    %dma_start3A_253 = tpu.memref_slice %arg9[%dma_start3A_252] : memref<10000xi32, #tpu.memory_space<vmem>> -> memref<400xi32, #tpu.memory_space<vmem>>
    %dma_start3A_254 = arith.constant 0 : i32
    %dma_start3A_255 = arith.constant 0 : i32
    %dma_start3A_256 = tpu.memref_slice %arg2[%dma_start3A_254, %dma_start3A_255] : memref<40000x64xf32, #tpu.memory_space<hbm>> -> memref<40000x64xf32, #tpu.memory_space<hbm>>
    tpu.enqueue_indirect_dma source(%dma_start3A_256 : memref<40000x64xf32, #tpu.memory_space<hbm>>) target(%arg12 : memref<400x64xf32, #tpu.memory_space<vmem>>) offsets(%dma_start3A_253 : memref<400xi32, #tpu.memory_space<vmem>>) semaphore(%arg15 : memref<!tpu.dma_semaphore, #tpu.memory_space<semaphore_mem>>)
    %dma_wait3A_257 = arith.constant 8800 : i32
    %dma_wait3A_258 = tpu.memref_slice %arg9[%dma_wait3A_257] : memref<10000xi32, #tpu.memory_space<vmem>> -> memref<400xi32, #tpu.memory_space<vmem>>
    %dma_wait3A_259 = arith.constant 0 : i32
    %dma_wait3A_260 = arith.constant 0 : i32
    %dma_wait3A_261 = tpu.memref_slice %arg2[%dma_wait3A_259, %dma_wait3A_260] : memref<40000x64xf32, #tpu.memory_space<hbm>> -> memref<40000x64xf32, #tpu.memory_space<hbm>>
    tpu.wait_indirect_dma semaphore(%arg14 : memref<!tpu.dma_semaphore, #tpu.memory_space<semaphore_mem>>) src(%dma_wait3A_261 : memref<40000x64xf32, #tpu.memory_space<hbm>>) dst(%arg11 : memref<400x64xf32, #tpu.memory_space<vmem>>)
    %run_scoped3A_262 = arith.constant 22 : i32
    "tpu.region"() ({
      %run_scoped3A_285 = tpu.sem_alloc : memref<!tpu.dma_semaphore, #tpu.memory_space<semaphore_mem>>
      %dma_start3A_286 = arith.constant 0 : i32
      %dma_start3A_287 = tpu.memref_slice %arg10[%run_scoped3A_262, %dma_start3A_286] : memref<25x400xi32, #tpu.memory_space<vmem>> -> memref<1x400xi32, #tpu.memory_space<vmem>>
      %dma_start3A_288 = tpu.memref_squeeze %dma_start3A_287 : memref<1x400xi32, #tpu.memory_space<vmem>> -> memref<400xi32, #tpu.memory_space<vmem>>
      %dma_start3A_289 = arith.constant 0 : i32
      %dma_start3A_290 = arith.constant 0 : i32
      %dma_start3A_291 = tpu.memref_slice %arg13[%dma_start3A_289, %dma_start3A_290] : memref<10240x64xf32, #tpu.memory_space<vmem_shared>> -> memref<10240x64xf32, #tpu.memory_space<vmem_shared>>
      tpu.enqueue_indirect_dma source(%arg11 : memref<400x64xf32, #tpu.memory_space<vmem>>) target(%dma_start3A_291 : memref<10240x64xf32, #tpu.memory_space<vmem_shared>>) offsets(%dma_start3A_288 : memref<400xi32, #tpu.memory_space<vmem>>) semaphore(%run_scoped3A_285 : memref<!tpu.dma_semaphore, #tpu.memory_space<semaphore_mem>>) {add = true}
      %dma_wait3A_292 = arith.constant 0 : i32
      %dma_wait3A_293 = tpu.memref_slice %arg10[%run_scoped3A_262, %dma_wait3A_292] : memref<25x400xi32, #tpu.memory_space<vmem>> -> memref<1x400xi32, #tpu.memory_space<vmem>>
      %dma_wait3A_294 = tpu.memref_squeeze %dma_wait3A_293 : memref<1x400xi32, #tpu.memory_space<vmem>> -> memref<400xi32, #tpu.memory_space<vmem>>
      %dma_wait3A_295 = arith.constant 0 : i32
      %dma_wait3A_296 = arith.constant 0 : i32
      %dma_wait3A_297 = tpu.memref_slice %arg13[%dma_wait3A_295, %dma_wait3A_296] : memref<10240x64xf32, #tpu.memory_space<vmem_shared>> -> memref<10240x64xf32, #tpu.memory_space<vmem_shared>>
      tpu.wait_indirect_dma semaphore(%run_scoped3A_285 : memref<!tpu.dma_semaphore, #tpu.memory_space<semaphore_mem>>) src(%arg11 : memref<400x64xf32, #tpu.memory_space<vmem>>) dst(%dma_wait3A_297 : memref<10240x64xf32, #tpu.memory_space<vmem_shared>>)
      tpu.yield
    }) : () -> ()
    %dma_start3A_263 = arith.constant 9600 : i32
    %dma_start3A_264 = tpu.memref_slice %arg9[%dma_start3A_263] : memref<10000xi32, #tpu.memory_space<vmem>> -> memref<400xi32, #tpu.memory_space<vmem>>
    %dma_start3A_265 = arith.constant 0 : i32
    %dma_start3A_266 = arith.constant 0 : i32
    %dma_start3A_267 = tpu.memref_slice %arg2[%dma_start3A_265, %dma_start3A_266] : memref<40000x64xf32, #tpu.memory_space<hbm>> -> memref<40000x64xf32, #tpu.memory_space<hbm>>
    tpu.enqueue_indirect_dma source(%dma_start3A_267 : memref<40000x64xf32, #tpu.memory_space<hbm>>) target(%arg11 : memref<400x64xf32, #tpu.memory_space<vmem>>) offsets(%dma_start3A_264 : memref<400xi32, #tpu.memory_space<vmem>>) semaphore(%arg14 : memref<!tpu.dma_semaphore, #tpu.memory_space<semaphore_mem>>)
    %dma_wait3A_268 = arith.constant 9200 : i32
    %dma_wait3A_269 = tpu.memref_slice %arg9[%dma_wait3A_268] : memref<10000xi32, #tpu.memory_space<vmem>> -> memref<400xi32, #tpu.memory_space<vmem>>
    %dma_wait3A_270 = arith.constant 0 : i32
    %dma_wait3A_271 = arith.constant 0 : i32
    %dma_wait3A_272 = tpu.memref_slice %arg2[%dma_wait3A_270, %dma_wait3A_271] : memref<40000x64xf32, #tpu.memory_space<hbm>> -> memref<40000x64xf32, #tpu.memory_space<hbm>>
    tpu.wait_indirect_dma semaphore(%arg15 : memref<!tpu.dma_semaphore, #tpu.memory_space<semaphore_mem>>) src(%dma_wait3A_272 : memref<40000x64xf32, #tpu.memory_space<hbm>>) dst(%arg12 : memref<400x64xf32, #tpu.memory_space<vmem>>)
    %run_scoped3A_273 = arith.constant 23 : i32
    "tpu.region"() ({
      %run_scoped3A_285 = tpu.sem_alloc : memref<!tpu.dma_semaphore, #tpu.memory_space<semaphore_mem>>
      %dma_start3A_286 = arith.constant 0 : i32
      %dma_start3A_287 = tpu.memref_slice %arg10[%run_scoped3A_273, %dma_start3A_286] : memref<25x400xi32, #tpu.memory_space<vmem>> -> memref<1x400xi32, #tpu.memory_space<vmem>>
      %dma_start3A_288 = tpu.memref_squeeze %dma_start3A_287 : memref<1x400xi32, #tpu.memory_space<vmem>> -> memref<400xi32, #tpu.memory_space<vmem>>
      %dma_start3A_289 = arith.constant 0 : i32
      %dma_start3A_290 = arith.constant 0 : i32
      %dma_start3A_291 = tpu.memref_slice %arg13[%dma_start3A_289, %dma_start3A_290] : memref<10240x64xf32, #tpu.memory_space<vmem_shared>> -> memref<10240x64xf32, #tpu.memory_space<vmem_shared>>
      tpu.enqueue_indirect_dma source(%arg12 : memref<400x64xf32, #tpu.memory_space<vmem>>) target(%dma_start3A_291 : memref<10240x64xf32, #tpu.memory_space<vmem_shared>>) offsets(%dma_start3A_288 : memref<400xi32, #tpu.memory_space<vmem>>) semaphore(%run_scoped3A_285 : memref<!tpu.dma_semaphore, #tpu.memory_space<semaphore_mem>>) {add = true}
      %dma_wait3A_292 = arith.constant 0 : i32
      %dma_wait3A_293 = tpu.memref_slice %arg10[%run_scoped3A_273, %dma_wait3A_292] : memref<25x400xi32, #tpu.memory_space<vmem>> -> memref<1x400xi32, #tpu.memory_space<vmem>>
      %dma_wait3A_294 = tpu.memref_squeeze %dma_wait3A_293 : memref<1x400xi32, #tpu.memory_space<vmem>> -> memref<400xi32, #tpu.memory_space<vmem>>
      %dma_wait3A_295 = arith.constant 0 : i32
      %dma_wait3A_296 = arith.constant 0 : i32
      %dma_wait3A_297 = tpu.memref_slice %arg13[%dma_wait3A_295, %dma_wait3A_296] : memref<10240x64xf32, #tpu.memory_space<vmem_shared>> -> memref<10240x64xf32, #tpu.memory_space<vmem_shared>>
      tpu.wait_indirect_dma semaphore(%run_scoped3A_285 : memref<!tpu.dma_semaphore, #tpu.memory_space<semaphore_mem>>) src(%arg12 : memref<400x64xf32, #tpu.memory_space<vmem>>) dst(%dma_wait3A_297 : memref<10240x64xf32, #tpu.memory_space<vmem_shared>>)
      tpu.yield
    }) : () -> ()
    %dma_wait3A_274 = arith.constant 9600 : i32
    %dma_wait3A_275 = tpu.memref_slice %arg9[%dma_wait3A_274] : memref<10000xi32, #tpu.memory_space<vmem>> -> memref<400xi32, #tpu.memory_space<vmem>>
    %dma_wait3A_276 = arith.constant 0 : i32
    %dma_wait3A_277 = arith.constant 0 : i32
    %dma_wait3A_278 = tpu.memref_slice %arg2[%dma_wait3A_276, %dma_wait3A_277] : memref<40000x64xf32, #tpu.memory_space<hbm>> -> memref<40000x64xf32, #tpu.memory_space<hbm>>
    tpu.wait_indirect_dma semaphore(%arg14 : memref<!tpu.dma_semaphore, #tpu.memory_space<semaphore_mem>>) src(%dma_wait3A_278 : memref<40000x64xf32, #tpu.memory_space<hbm>>) dst(%arg11 : memref<400x64xf32, #tpu.memory_space<vmem>>)
    %run_scoped3A_279 = arith.constant 24 : i32
    "tpu.region"() ({
      %run_scoped3A_285 = tpu.sem_alloc : memref<!tpu.dma_semaphore, #tpu.memory_space<semaphore_mem>>
      %dma_start3A_286 = arith.constant 0 : i32
      %dma_start3A_287 = tpu.memref_slice %arg10[%run_scoped3A_279, %dma_start3A_286] : memref<25x400xi32, #tpu.memory_space<vmem>> -> memref<1x400xi32, #tpu.memory_space<vmem>>
      %dma_start3A_288 = tpu.memref_squeeze %dma_start3A_287 : memref<1x400xi32, #tpu.memory_space<vmem>> -> memref<400xi32, #tpu.memory_space<vmem>>
      %dma_start3A_289 = arith.constant 0 : i32
      %dma_start3A_290 = arith.constant 0 : i32
      %dma_start3A_291 = tpu.memref_slice %arg13[%dma_start3A_289, %dma_start3A_290] : memref<10240x64xf32, #tpu.memory_space<vmem_shared>> -> memref<10240x64xf32, #tpu.memory_space<vmem_shared>>
      tpu.enqueue_indirect_dma source(%arg11 : memref<400x64xf32, #tpu.memory_space<vmem>>) target(%dma_start3A_291 : memref<10240x64xf32, #tpu.memory_space<vmem_shared>>) offsets(%dma_start3A_288 : memref<400xi32, #tpu.memory_space<vmem>>) semaphore(%run_scoped3A_285 : memref<!tpu.dma_semaphore, #tpu.memory_space<semaphore_mem>>) {add = true}
      %dma_wait3A_292 = arith.constant 0 : i32
      %dma_wait3A_293 = tpu.memref_slice %arg10[%run_scoped3A_279, %dma_wait3A_292] : memref<25x400xi32, #tpu.memory_space<vmem>> -> memref<1x400xi32, #tpu.memory_space<vmem>>
      %dma_wait3A_294 = tpu.memref_squeeze %dma_wait3A_293 : memref<1x400xi32, #tpu.memory_space<vmem>> -> memref<400xi32, #tpu.memory_space<vmem>>
      %dma_wait3A_295 = arith.constant 0 : i32
      %dma_wait3A_296 = arith.constant 0 : i32
      %dma_wait3A_297 = tpu.memref_slice %arg13[%dma_wait3A_295, %dma_wait3A_296] : memref<10240x64xf32, #tpu.memory_space<vmem_shared>> -> memref<10240x64xf32, #tpu.memory_space<vmem_shared>>
      tpu.wait_indirect_dma semaphore(%run_scoped3A_285 : memref<!tpu.dma_semaphore, #tpu.memory_space<semaphore_mem>>) src(%arg11 : memref<400x64xf32, #tpu.memory_space<vmem>>) dst(%dma_wait3A_297 : memref<10240x64xf32, #tpu.memory_space<vmem_shared>>)
      tpu.yield
    }) : () -> ()
    %barrier3A_280 = arith.constant 0 : index
    tpu.barrier barrier_id(%barrier3A_280)
    %mul3A_281 = arith.constant 640 : i32
    %mul3A_282 = arith.muli %arg1, %mul3A_281 : i32
    %mul3A_283 = arith.constant 640 : i32
    %mul3A_284 = arith.muli %arg1, %mul3A_283 : i32
    "tpu.region"() ({
      %run_scoped3A_285 = tpu.sem_alloc : memref<!tpu.dma_semaphore, #tpu.memory_space<semaphore_mem>>
      %dma_start3A_286 = arith.constant 0 : i32
      %dma_start3A_287 = tpu.memref_slice %arg8[%arg0, %mul3A_284, %dma_start3A_286] : memref<2x10240x64xf32, #tpu.memory_space<hbm>> -> memref<1x640x64xf32, #tpu.memory_space<hbm>>
      %dma_start3A_288 = tpu.memref_squeeze %dma_start3A_287 : memref<1x640x64xf32, #tpu.memory_space<hbm>> -> memref<640x64xf32, #tpu.memory_space<hbm>>
      %dma_start3A_289 = arith.constant 0 : i32
      %dma_start3A_290 = tpu.memref_slice %arg13[%mul3A_282, %dma_start3A_289] : memref<10240x64xf32, #tpu.memory_space<vmem_shared>> -> memref<640x64xf32, #tpu.memory_space<vmem_shared>>
      tpu.enqueue_dma source(%dma_start3A_290 : memref<640x64xf32, #tpu.memory_space<vmem_shared>>) target(%dma_start3A_288 : memref<640x64xf32, #tpu.memory_space<hbm>>) target_semaphore(%run_scoped3A_285 : memref<!tpu.dma_semaphore, #tpu.memory_space<semaphore_mem>>)
      %dma_wait3A_291 = arith.constant 0 : i32
      %dma_wait3A_292 = tpu.memref_slice %arg8[%arg0, %mul3A_284, %dma_wait3A_291] : memref<2x10240x64xf32, #tpu.memory_space<hbm>> -> memref<1x640x64xf32, #tpu.memory_space<hbm>>
      %dma_wait3A_293 = tpu.memref_squeeze %dma_wait3A_292 : memref<1x640x64xf32, #tpu.memory_space<hbm>> -> memref<640x64xf32, #tpu.memory_space<hbm>>
      %dma_wait3A_294 = arith.constant 0 : i32
      %dma_wait3A_295 = tpu.memref_slice %arg13[%mul3A_282, %dma_wait3A_294] : memref<10240x64xf32, #tpu.memory_space<vmem_shared>> -> memref<640x64xf32, #tpu.memory_space<vmem_shared>>
      tpu.wait_dma2 semaphore(%run_scoped3A_285 : memref<!tpu.dma_semaphore, #tpu.memory_space<semaphore_mem>>) src(%dma_wait3A_295 : memref<640x64xf32, #tpu.memory_space<vmem_shared>>) dst(%dma_wait3A_293 : memref<640x64xf32, #tpu.memory_space<hbm>>)
      tpu.yield
    }) : () -> ()
    return
  }
}

#map = affine_map<(d0, d1) -> (0, 0)>
#map1 = affine_map<(d0, d1) -> (0, 0, 0, 0)>
#map2 = affine_map<(d0, d1) -> (0, 0, 0)>
module attributes {stable_mosaic.version = 14 : i64} {
  func.func @_sc_layer2(%arg0: i32, %arg1: i32, %arg2: memref<10240x16xf32, #tpu.memory_space<hbm>>, %arg3: memref<2x32x5x1000xi32, #tpu.memory_space<hbm>>, %arg4: memref<640x16xf32, #tpu.memory_space<hbm>>, %arg5: memref<2x10240x16xf32, #tpu.memory_space<hbm>>, %arg6: memref<5x1000xi32, #tpu.memory_space<vmem>>, %arg7: memref<5x1000xi32, #tpu.memory_space<vmem>>, %arg8: memref<1000x16xf32, #tpu.memory_space<vmem>>, %arg9: memref<1000x16xf32, #tpu.memory_space<vmem>>, %arg10: memref<10240x16xf32, #tpu.memory_space<vmem_shared>>, %arg11: memref<!tpu.dma_semaphore, #tpu.memory_space<semaphore_mem>>, %arg12: memref<!tpu.dma_semaphore, #tpu.memory_space<semaphore_mem>>) attributes {dimension_semantics = [#tpu.dimension_semantics<core_parallel>, #tpu.dimension_semantics<subcore_parallel>], iteration_bounds = array<i64: 2, 16>, scalar_prefetch = 0 : i64, scratch_operands = 7 : i64, tpu.core_type = #tpu.core_type<sc_vector_subcore>, window_params = [{transform_indices = #map}, {transform_indices = #map1}, {transform_indices = #map}, {transform_indices = #map2}]} {
    %mul3A = arith.constant 16 : i32
    %mul3A_0 = arith.muli %arg0, %mul3A : i32
    %add3A = arith.addi %mul3A_0, %arg1 : i32
    %run_scoped3A = arith.constant 0 : i32
    "tpu.region"() ({
      %run_scoped3A_82 = tpu.sem_alloc : memref<!tpu.dma_semaphore, #tpu.memory_space<semaphore_mem>>
      %dma_start3A_83 = arith.constant 0 : i32
      %dma_start3A_84 = arith.constant 0 : i32
      %dma_start3A_85 = tpu.memref_slice %arg3[%run_scoped3A, %add3A, %dma_start3A_83, %dma_start3A_84] : memref<2x32x5x1000xi32, #tpu.memory_space<hbm>> -> memref<1x1x5x1000xi32, #tpu.memory_space<hbm>>
      %dma_start3A_86 = tpu.memref_squeeze %dma_start3A_85 : memref<1x1x5x1000xi32, #tpu.memory_space<hbm>> -> memref<5x1000xi32, #tpu.memory_space<hbm>>
      %dma_start3A_87 = arith.constant 0 : i32
      %dma_start3A_88 = arith.constant 0 : i32
      %dma_start3A_89 = tpu.memref_slice %arg3[%run_scoped3A, %add3A, %dma_start3A_87, %dma_start3A_88] : memref<2x32x5x1000xi32, #tpu.memory_space<hbm>> -> memref<1x1x5x1000xi32, #tpu.memory_space<hbm>>
      %dma_start3A_90 = tpu.memref_squeeze %dma_start3A_89 : memref<1x1x5x1000xi32, #tpu.memory_space<hbm>> -> memref<5x1000xi32, #tpu.memory_space<hbm>>
      tpu.enqueue_dma source(%dma_start3A_90 : memref<5x1000xi32, #tpu.memory_space<hbm>>) target(%arg6 : memref<5x1000xi32, #tpu.memory_space<vmem>>) target_semaphore(%run_scoped3A_82 : memref<!tpu.dma_semaphore, #tpu.memory_space<semaphore_mem>>)
      %dma_wait3A_91 = arith.constant 0 : i32
      %dma_wait3A_92 = arith.constant 0 : i32
      %dma_wait3A_93 = tpu.memref_slice %arg3[%run_scoped3A, %add3A, %dma_wait3A_91, %dma_wait3A_92] : memref<2x32x5x1000xi32, #tpu.memory_space<hbm>> -> memref<1x1x5x1000xi32, #tpu.memory_space<hbm>>
      %dma_wait3A_94 = tpu.memref_squeeze %dma_wait3A_93 : memref<1x1x5x1000xi32, #tpu.memory_space<hbm>> -> memref<5x1000xi32, #tpu.memory_space<hbm>>
      %dma_wait3A_95 = arith.constant 0 : i32
      %dma_wait3A_96 = arith.constant 0 : i32
      %dma_wait3A_97 = tpu.memref_slice %arg3[%run_scoped3A, %add3A, %dma_wait3A_95, %dma_wait3A_96] : memref<2x32x5x1000xi32, #tpu.memory_space<hbm>> -> memref<1x1x5x1000xi32, #tpu.memory_space<hbm>>
      %dma_wait3A_98 = tpu.memref_squeeze %dma_wait3A_97 : memref<1x1x5x1000xi32, #tpu.memory_space<hbm>> -> memref<5x1000xi32, #tpu.memory_space<hbm>>
      tpu.wait_dma2 semaphore(%run_scoped3A_82 : memref<!tpu.dma_semaphore, #tpu.memory_space<semaphore_mem>>) src(%dma_wait3A_98 : memref<5x1000xi32, #tpu.memory_space<hbm>>) dst(%arg6 : memref<5x1000xi32, #tpu.memory_space<vmem>>)
      tpu.yield
    }) : () -> ()
    %run_scoped3A_1 = arith.constant 1 : i32
    "tpu.region"() ({
      %run_scoped3A_82 = tpu.sem_alloc : memref<!tpu.dma_semaphore, #tpu.memory_space<semaphore_mem>>
      %dma_start3A_83 = arith.constant 0 : i32
      %dma_start3A_84 = arith.constant 0 : i32
      %dma_start3A_85 = tpu.memref_slice %arg3[%run_scoped3A_1, %add3A, %dma_start3A_83, %dma_start3A_84] : memref<2x32x5x1000xi32, #tpu.memory_space<hbm>> -> memref<1x1x5x1000xi32, #tpu.memory_space<hbm>>
      %dma_start3A_86 = tpu.memref_squeeze %dma_start3A_85 : memref<1x1x5x1000xi32, #tpu.memory_space<hbm>> -> memref<5x1000xi32, #tpu.memory_space<hbm>>
      %dma_start3A_87 = arith.constant 0 : i32
      %dma_start3A_88 = arith.constant 0 : i32
      %dma_start3A_89 = tpu.memref_slice %arg3[%run_scoped3A_1, %add3A, %dma_start3A_87, %dma_start3A_88] : memref<2x32x5x1000xi32, #tpu.memory_space<hbm>> -> memref<1x1x5x1000xi32, #tpu.memory_space<hbm>>
      %dma_start3A_90 = tpu.memref_squeeze %dma_start3A_89 : memref<1x1x5x1000xi32, #tpu.memory_space<hbm>> -> memref<5x1000xi32, #tpu.memory_space<hbm>>
      tpu.enqueue_dma source(%dma_start3A_90 : memref<5x1000xi32, #tpu.memory_space<hbm>>) target(%arg7 : memref<5x1000xi32, #tpu.memory_space<vmem>>) target_semaphore(%run_scoped3A_82 : memref<!tpu.dma_semaphore, #tpu.memory_space<semaphore_mem>>)
      %dma_wait3A_91 = arith.constant 0 : i32
      %dma_wait3A_92 = arith.constant 0 : i32
      %dma_wait3A_93 = tpu.memref_slice %arg3[%run_scoped3A_1, %add3A, %dma_wait3A_91, %dma_wait3A_92] : memref<2x32x5x1000xi32, #tpu.memory_space<hbm>> -> memref<1x1x5x1000xi32, #tpu.memory_space<hbm>>
      %dma_wait3A_94 = tpu.memref_squeeze %dma_wait3A_93 : memref<1x1x5x1000xi32, #tpu.memory_space<hbm>> -> memref<5x1000xi32, #tpu.memory_space<hbm>>
      %dma_wait3A_95 = arith.constant 0 : i32
      %dma_wait3A_96 = arith.constant 0 : i32
      %dma_wait3A_97 = tpu.memref_slice %arg3[%run_scoped3A_1, %add3A, %dma_wait3A_95, %dma_wait3A_96] : memref<2x32x5x1000xi32, #tpu.memory_space<hbm>> -> memref<1x1x5x1000xi32, #tpu.memory_space<hbm>>
      %dma_wait3A_98 = tpu.memref_squeeze %dma_wait3A_97 : memref<1x1x5x1000xi32, #tpu.memory_space<hbm>> -> memref<5x1000xi32, #tpu.memory_space<hbm>>
      tpu.wait_dma2 semaphore(%run_scoped3A_82 : memref<!tpu.dma_semaphore, #tpu.memory_space<semaphore_mem>>) src(%dma_wait3A_98 : memref<5x1000xi32, #tpu.memory_space<hbm>>) dst(%arg7 : memref<5x1000xi32, #tpu.memory_space<vmem>>)
      tpu.yield
    }) : () -> ()
    %mul3A_2 = arith.constant 640 : i32
    %mul3A_3 = arith.muli %arg1, %mul3A_2 : i32
    "tpu.region"() ({
      %run_scoped3A_82 = tpu.sem_alloc : memref<!tpu.dma_semaphore, #tpu.memory_space<semaphore_mem>>
      %dma_start3A_83 = arith.constant 0 : i32
      %dma_start3A_84 = tpu.memref_slice %arg10[%mul3A_3, %dma_start3A_83] : memref<10240x16xf32, #tpu.memory_space<vmem_shared>> -> memref<640x16xf32, #tpu.memory_space<vmem_shared>>
      tpu.enqueue_dma source(%arg4 : memref<640x16xf32, #tpu.memory_space<hbm>>) target(%dma_start3A_84 : memref<640x16xf32, #tpu.memory_space<vmem_shared>>) target_semaphore(%run_scoped3A_82 : memref<!tpu.dma_semaphore, #tpu.memory_space<semaphore_mem>>)
      %dma_wait3A_85 = arith.constant 0 : i32
      %dma_wait3A_86 = tpu.memref_slice %arg10[%mul3A_3, %dma_wait3A_85] : memref<10240x16xf32, #tpu.memory_space<vmem_shared>> -> memref<640x16xf32, #tpu.memory_space<vmem_shared>>
      tpu.wait_dma2 semaphore(%run_scoped3A_82 : memref<!tpu.dma_semaphore, #tpu.memory_space<semaphore_mem>>) src(%arg4 : memref<640x16xf32, #tpu.memory_space<hbm>>) dst(%dma_wait3A_86 : memref<640x16xf32, #tpu.memory_space<vmem_shared>>)
      tpu.yield
    }) : () -> ()
    %barrier3A = arith.constant 0 : index
    tpu.barrier barrier_id(%barrier3A)
    %dma_start3A = arith.constant 0 : i32
    %dma_start3A_4 = arith.constant 0 : i32
    %dma_start3A_5 = tpu.memref_slice %arg6[%dma_start3A, %dma_start3A_4] : memref<5x1000xi32, #tpu.memory_space<vmem>> -> memref<1x1000xi32, #tpu.memory_space<vmem>>
    %dma_start3A_6 = tpu.memref_squeeze %dma_start3A_5 : memref<1x1000xi32, #tpu.memory_space<vmem>> -> memref<1000xi32, #tpu.memory_space<vmem>>
    %dma_start3A_7 = arith.constant 0 : i32
    %dma_start3A_8 = arith.constant 0 : i32
    %dma_start3A_9 = tpu.memref_slice %arg2[%dma_start3A_7, %dma_start3A_8] : memref<10240x16xf32, #tpu.memory_space<hbm>> -> memref<10240x16xf32, #tpu.memory_space<hbm>>
    tpu.enqueue_indirect_dma source(%dma_start3A_9 : memref<10240x16xf32, #tpu.memory_space<hbm>>) target(%arg8 : memref<1000x16xf32, #tpu.memory_space<vmem>>) offsets(%dma_start3A_6 : memref<1000xi32, #tpu.memory_space<vmem>>) semaphore(%arg11 : memref<!tpu.dma_semaphore, #tpu.memory_space<semaphore_mem>>)
    %dma_start3A_10 = arith.constant 1 : i32
    %dma_start3A_11 = arith.constant 0 : i32
    %dma_start3A_12 = tpu.memref_slice %arg6[%dma_start3A_10, %dma_start3A_11] : memref<5x1000xi32, #tpu.memory_space<vmem>> -> memref<1x1000xi32, #tpu.memory_space<vmem>>
    %dma_start3A_13 = tpu.memref_squeeze %dma_start3A_12 : memref<1x1000xi32, #tpu.memory_space<vmem>> -> memref<1000xi32, #tpu.memory_space<vmem>>
    %dma_start3A_14 = arith.constant 0 : i32
    %dma_start3A_15 = arith.constant 0 : i32
    %dma_start3A_16 = tpu.memref_slice %arg2[%dma_start3A_14, %dma_start3A_15] : memref<10240x16xf32, #tpu.memory_space<hbm>> -> memref<10240x16xf32, #tpu.memory_space<hbm>>
    tpu.enqueue_indirect_dma source(%dma_start3A_16 : memref<10240x16xf32, #tpu.memory_space<hbm>>) target(%arg9 : memref<1000x16xf32, #tpu.memory_space<vmem>>) offsets(%dma_start3A_13 : memref<1000xi32, #tpu.memory_space<vmem>>) semaphore(%arg12 : memref<!tpu.dma_semaphore, #tpu.memory_space<semaphore_mem>>)
    %dma_wait3A = arith.constant 0 : i32
    %dma_wait3A_17 = arith.constant 0 : i32
    %dma_wait3A_18 = tpu.memref_slice %arg6[%dma_wait3A, %dma_wait3A_17] : memref<5x1000xi32, #tpu.memory_space<vmem>> -> memref<1x1000xi32, #tpu.memory_space<vmem>>
    %dma_wait3A_19 = tpu.memref_squeeze %dma_wait3A_18 : memref<1x1000xi32, #tpu.memory_space<vmem>> -> memref<1000xi32, #tpu.memory_space<vmem>>
    %dma_wait3A_20 = arith.constant 0 : i32
    %dma_wait3A_21 = arith.constant 0 : i32
    %dma_wait3A_22 = tpu.memref_slice %arg2[%dma_wait3A_20, %dma_wait3A_21] : memref<10240x16xf32, #tpu.memory_space<hbm>> -> memref<10240x16xf32, #tpu.memory_space<hbm>>
    tpu.wait_indirect_dma semaphore(%arg11 : memref<!tpu.dma_semaphore, #tpu.memory_space<semaphore_mem>>) src(%dma_wait3A_22 : memref<10240x16xf32, #tpu.memory_space<hbm>>) dst(%arg8 : memref<1000x16xf32, #tpu.memory_space<vmem>>)
    %run_scoped3A_23 = arith.constant 0 : i32
    "tpu.region"() ({
      %run_scoped3A_82 = tpu.sem_alloc : memref<!tpu.dma_semaphore, #tpu.memory_space<semaphore_mem>>
      %dma_start3A_83 = arith.constant 0 : i32
      %dma_start3A_84 = tpu.memref_slice %arg7[%run_scoped3A_23, %dma_start3A_83] : memref<5x1000xi32, #tpu.memory_space<vmem>> -> memref<1x1000xi32, #tpu.memory_space<vmem>>
      %dma_start3A_85 = tpu.memref_squeeze %dma_start3A_84 : memref<1x1000xi32, #tpu.memory_space<vmem>> -> memref<1000xi32, #tpu.memory_space<vmem>>
      %dma_start3A_86 = arith.constant 0 : i32
      %dma_start3A_87 = arith.constant 0 : i32
      %dma_start3A_88 = tpu.memref_slice %arg10[%dma_start3A_86, %dma_start3A_87] : memref<10240x16xf32, #tpu.memory_space<vmem_shared>> -> memref<10240x16xf32, #tpu.memory_space<vmem_shared>>
      tpu.enqueue_indirect_dma source(%arg8 : memref<1000x16xf32, #tpu.memory_space<vmem>>) target(%dma_start3A_88 : memref<10240x16xf32, #tpu.memory_space<vmem_shared>>) offsets(%dma_start3A_85 : memref<1000xi32, #tpu.memory_space<vmem>>) semaphore(%run_scoped3A_82 : memref<!tpu.dma_semaphore, #tpu.memory_space<semaphore_mem>>) {add = true}
      %dma_wait3A_89 = arith.constant 0 : i32
      %dma_wait3A_90 = tpu.memref_slice %arg7[%run_scoped3A_23, %dma_wait3A_89] : memref<5x1000xi32, #tpu.memory_space<vmem>> -> memref<1x1000xi32, #tpu.memory_space<vmem>>
      %dma_wait3A_91 = tpu.memref_squeeze %dma_wait3A_90 : memref<1x1000xi32, #tpu.memory_space<vmem>> -> memref<1000xi32, #tpu.memory_space<vmem>>
      %dma_wait3A_92 = arith.constant 0 : i32
      %dma_wait3A_93 = arith.constant 0 : i32
      %dma_wait3A_94 = tpu.memref_slice %arg10[%dma_wait3A_92, %dma_wait3A_93] : memref<10240x16xf32, #tpu.memory_space<vmem_shared>> -> memref<10240x16xf32, #tpu.memory_space<vmem_shared>>
      tpu.wait_indirect_dma semaphore(%run_scoped3A_82 : memref<!tpu.dma_semaphore, #tpu.memory_space<semaphore_mem>>) src(%arg8 : memref<1000x16xf32, #tpu.memory_space<vmem>>) dst(%dma_wait3A_94 : memref<10240x16xf32, #tpu.memory_space<vmem_shared>>)
      tpu.yield
    }) : () -> ()
    %dma_start3A_24 = arith.constant 2 : i32
    %dma_start3A_25 = arith.constant 0 : i32
    %dma_start3A_26 = tpu.memref_slice %arg6[%dma_start3A_24, %dma_start3A_25] : memref<5x1000xi32, #tpu.memory_space<vmem>> -> memref<1x1000xi32, #tpu.memory_space<vmem>>
    %dma_start3A_27 = tpu.memref_squeeze %dma_start3A_26 : memref<1x1000xi32, #tpu.memory_space<vmem>> -> memref<1000xi32, #tpu.memory_space<vmem>>
    %dma_start3A_28 = arith.constant 0 : i32
    %dma_start3A_29 = arith.constant 0 : i32
    %dma_start3A_30 = tpu.memref_slice %arg2[%dma_start3A_28, %dma_start3A_29] : memref<10240x16xf32, #tpu.memory_space<hbm>> -> memref<10240x16xf32, #tpu.memory_space<hbm>>
    tpu.enqueue_indirect_dma source(%dma_start3A_30 : memref<10240x16xf32, #tpu.memory_space<hbm>>) target(%arg8 : memref<1000x16xf32, #tpu.memory_space<vmem>>) offsets(%dma_start3A_27 : memref<1000xi32, #tpu.memory_space<vmem>>) semaphore(%arg11 : memref<!tpu.dma_semaphore, #tpu.memory_space<semaphore_mem>>)
    %dma_wait3A_31 = arith.constant 1 : i32
    %dma_wait3A_32 = arith.constant 0 : i32
    %dma_wait3A_33 = tpu.memref_slice %arg6[%dma_wait3A_31, %dma_wait3A_32] : memref<5x1000xi32, #tpu.memory_space<vmem>> -> memref<1x1000xi32, #tpu.memory_space<vmem>>
    %dma_wait3A_34 = tpu.memref_squeeze %dma_wait3A_33 : memref<1x1000xi32, #tpu.memory_space<vmem>> -> memref<1000xi32, #tpu.memory_space<vmem>>
    %dma_wait3A_35 = arith.constant 0 : i32
    %dma_wait3A_36 = arith.constant 0 : i32
    %dma_wait3A_37 = tpu.memref_slice %arg2[%dma_wait3A_35, %dma_wait3A_36] : memref<10240x16xf32, #tpu.memory_space<hbm>> -> memref<10240x16xf32, #tpu.memory_space<hbm>>
    tpu.wait_indirect_dma semaphore(%arg12 : memref<!tpu.dma_semaphore, #tpu.memory_space<semaphore_mem>>) src(%dma_wait3A_37 : memref<10240x16xf32, #tpu.memory_space<hbm>>) dst(%arg9 : memref<1000x16xf32, #tpu.memory_space<vmem>>)
    %run_scoped3A_38 = arith.constant 1 : i32
    "tpu.region"() ({
      %run_scoped3A_82 = tpu.sem_alloc : memref<!tpu.dma_semaphore, #tpu.memory_space<semaphore_mem>>
      %dma_start3A_83 = arith.constant 0 : i32
      %dma_start3A_84 = tpu.memref_slice %arg7[%run_scoped3A_38, %dma_start3A_83] : memref<5x1000xi32, #tpu.memory_space<vmem>> -> memref<1x1000xi32, #tpu.memory_space<vmem>>
      %dma_start3A_85 = tpu.memref_squeeze %dma_start3A_84 : memref<1x1000xi32, #tpu.memory_space<vmem>> -> memref<1000xi32, #tpu.memory_space<vmem>>
      %dma_start3A_86 = arith.constant 0 : i32
      %dma_start3A_87 = arith.constant 0 : i32
      %dma_start3A_88 = tpu.memref_slice %arg10[%dma_start3A_86, %dma_start3A_87] : memref<10240x16xf32, #tpu.memory_space<vmem_shared>> -> memref<10240x16xf32, #tpu.memory_space<vmem_shared>>
      tpu.enqueue_indirect_dma source(%arg9 : memref<1000x16xf32, #tpu.memory_space<vmem>>) target(%dma_start3A_88 : memref<10240x16xf32, #tpu.memory_space<vmem_shared>>) offsets(%dma_start3A_85 : memref<1000xi32, #tpu.memory_space<vmem>>) semaphore(%run_scoped3A_82 : memref<!tpu.dma_semaphore, #tpu.memory_space<semaphore_mem>>) {add = true}
      %dma_wait3A_89 = arith.constant 0 : i32
      %dma_wait3A_90 = tpu.memref_slice %arg7[%run_scoped3A_38, %dma_wait3A_89] : memref<5x1000xi32, #tpu.memory_space<vmem>> -> memref<1x1000xi32, #tpu.memory_space<vmem>>
      %dma_wait3A_91 = tpu.memref_squeeze %dma_wait3A_90 : memref<1x1000xi32, #tpu.memory_space<vmem>> -> memref<1000xi32, #tpu.memory_space<vmem>>
      %dma_wait3A_92 = arith.constant 0 : i32
      %dma_wait3A_93 = arith.constant 0 : i32
      %dma_wait3A_94 = tpu.memref_slice %arg10[%dma_wait3A_92, %dma_wait3A_93] : memref<10240x16xf32, #tpu.memory_space<vmem_shared>> -> memref<10240x16xf32, #tpu.memory_space<vmem_shared>>
      tpu.wait_indirect_dma semaphore(%run_scoped3A_82 : memref<!tpu.dma_semaphore, #tpu.memory_space<semaphore_mem>>) src(%arg9 : memref<1000x16xf32, #tpu.memory_space<vmem>>) dst(%dma_wait3A_94 : memref<10240x16xf32, #tpu.memory_space<vmem_shared>>)
      tpu.yield
    }) : () -> ()
    %dma_start3A_39 = arith.constant 3 : i32
    %dma_start3A_40 = arith.constant 0 : i32
    %dma_start3A_41 = tpu.memref_slice %arg6[%dma_start3A_39, %dma_start3A_40] : memref<5x1000xi32, #tpu.memory_space<vmem>> -> memref<1x1000xi32, #tpu.memory_space<vmem>>
    %dma_start3A_42 = tpu.memref_squeeze %dma_start3A_41 : memref<1x1000xi32, #tpu.memory_space<vmem>> -> memref<1000xi32, #tpu.memory_space<vmem>>
    %dma_start3A_43 = arith.constant 0 : i32
    %dma_start3A_44 = arith.constant 0 : i32
    %dma_start3A_45 = tpu.memref_slice %arg2[%dma_start3A_43, %dma_start3A_44] : memref<10240x16xf32, #tpu.memory_space<hbm>> -> memref<10240x16xf32, #tpu.memory_space<hbm>>
    tpu.enqueue_indirect_dma source(%dma_start3A_45 : memref<10240x16xf32, #tpu.memory_space<hbm>>) target(%arg9 : memref<1000x16xf32, #tpu.memory_space<vmem>>) offsets(%dma_start3A_42 : memref<1000xi32, #tpu.memory_space<vmem>>) semaphore(%arg12 : memref<!tpu.dma_semaphore, #tpu.memory_space<semaphore_mem>>)
    %dma_wait3A_46 = arith.constant 2 : i32
    %dma_wait3A_47 = arith.constant 0 : i32
    %dma_wait3A_48 = tpu.memref_slice %arg6[%dma_wait3A_46, %dma_wait3A_47] : memref<5x1000xi32, #tpu.memory_space<vmem>> -> memref<1x1000xi32, #tpu.memory_space<vmem>>
    %dma_wait3A_49 = tpu.memref_squeeze %dma_wait3A_48 : memref<1x1000xi32, #tpu.memory_space<vmem>> -> memref<1000xi32, #tpu.memory_space<vmem>>
    %dma_wait3A_50 = arith.constant 0 : i32
    %dma_wait3A_51 = arith.constant 0 : i32
    %dma_wait3A_52 = tpu.memref_slice %arg2[%dma_wait3A_50, %dma_wait3A_51] : memref<10240x16xf32, #tpu.memory_space<hbm>> -> memref<10240x16xf32, #tpu.memory_space<hbm>>
    tpu.wait_indirect_dma semaphore(%arg11 : memref<!tpu.dma_semaphore, #tpu.memory_space<semaphore_mem>>) src(%dma_wait3A_52 : memref<10240x16xf32, #tpu.memory_space<hbm>>) dst(%arg8 : memref<1000x16xf32, #tpu.memory_space<vmem>>)
    %run_scoped3A_53 = arith.constant 2 : i32
    "tpu.region"() ({
      %run_scoped3A_82 = tpu.sem_alloc : memref<!tpu.dma_semaphore, #tpu.memory_space<semaphore_mem>>
      %dma_start3A_83 = arith.constant 0 : i32
      %dma_start3A_84 = tpu.memref_slice %arg7[%run_scoped3A_53, %dma_start3A_83] : memref<5x1000xi32, #tpu.memory_space<vmem>> -> memref<1x1000xi32, #tpu.memory_space<vmem>>
      %dma_start3A_85 = tpu.memref_squeeze %dma_start3A_84 : memref<1x1000xi32, #tpu.memory_space<vmem>> -> memref<1000xi32, #tpu.memory_space<vmem>>
      %dma_start3A_86 = arith.constant 0 : i32
      %dma_start3A_87 = arith.constant 0 : i32
      %dma_start3A_88 = tpu.memref_slice %arg10[%dma_start3A_86, %dma_start3A_87] : memref<10240x16xf32, #tpu.memory_space<vmem_shared>> -> memref<10240x16xf32, #tpu.memory_space<vmem_shared>>
      tpu.enqueue_indirect_dma source(%arg8 : memref<1000x16xf32, #tpu.memory_space<vmem>>) target(%dma_start3A_88 : memref<10240x16xf32, #tpu.memory_space<vmem_shared>>) offsets(%dma_start3A_85 : memref<1000xi32, #tpu.memory_space<vmem>>) semaphore(%run_scoped3A_82 : memref<!tpu.dma_semaphore, #tpu.memory_space<semaphore_mem>>) {add = true}
      %dma_wait3A_89 = arith.constant 0 : i32
      %dma_wait3A_90 = tpu.memref_slice %arg7[%run_scoped3A_53, %dma_wait3A_89] : memref<5x1000xi32, #tpu.memory_space<vmem>> -> memref<1x1000xi32, #tpu.memory_space<vmem>>
      %dma_wait3A_91 = tpu.memref_squeeze %dma_wait3A_90 : memref<1x1000xi32, #tpu.memory_space<vmem>> -> memref<1000xi32, #tpu.memory_space<vmem>>
      %dma_wait3A_92 = arith.constant 0 : i32
      %dma_wait3A_93 = arith.constant 0 : i32
      %dma_wait3A_94 = tpu.memref_slice %arg10[%dma_wait3A_92, %dma_wait3A_93] : memref<10240x16xf32, #tpu.memory_space<vmem_shared>> -> memref<10240x16xf32, #tpu.memory_space<vmem_shared>>
      tpu.wait_indirect_dma semaphore(%run_scoped3A_82 : memref<!tpu.dma_semaphore, #tpu.memory_space<semaphore_mem>>) src(%arg8 : memref<1000x16xf32, #tpu.memory_space<vmem>>) dst(%dma_wait3A_94 : memref<10240x16xf32, #tpu.memory_space<vmem_shared>>)
      tpu.yield
    }) : () -> ()
    %dma_start3A_54 = arith.constant 4 : i32
    %dma_start3A_55 = arith.constant 0 : i32
    %dma_start3A_56 = tpu.memref_slice %arg6[%dma_start3A_54, %dma_start3A_55] : memref<5x1000xi32, #tpu.memory_space<vmem>> -> memref<1x1000xi32, #tpu.memory_space<vmem>>
    %dma_start3A_57 = tpu.memref_squeeze %dma_start3A_56 : memref<1x1000xi32, #tpu.memory_space<vmem>> -> memref<1000xi32, #tpu.memory_space<vmem>>
    %dma_start3A_58 = arith.constant 0 : i32
    %dma_start3A_59 = arith.constant 0 : i32
    %dma_start3A_60 = tpu.memref_slice %arg2[%dma_start3A_58, %dma_start3A_59] : memref<10240x16xf32, #tpu.memory_space<hbm>> -> memref<10240x16xf32, #tpu.memory_space<hbm>>
    tpu.enqueue_indirect_dma source(%dma_start3A_60 : memref<10240x16xf32, #tpu.memory_space<hbm>>) target(%arg8 : memref<1000x16xf32, #tpu.memory_space<vmem>>) offsets(%dma_start3A_57 : memref<1000xi32, #tpu.memory_space<vmem>>) semaphore(%arg11 : memref<!tpu.dma_semaphore, #tpu.memory_space<semaphore_mem>>)
    %dma_wait3A_61 = arith.constant 3 : i32
    %dma_wait3A_62 = arith.constant 0 : i32
    %dma_wait3A_63 = tpu.memref_slice %arg6[%dma_wait3A_61, %dma_wait3A_62] : memref<5x1000xi32, #tpu.memory_space<vmem>> -> memref<1x1000xi32, #tpu.memory_space<vmem>>
    %dma_wait3A_64 = tpu.memref_squeeze %dma_wait3A_63 : memref<1x1000xi32, #tpu.memory_space<vmem>> -> memref<1000xi32, #tpu.memory_space<vmem>>
    %dma_wait3A_65 = arith.constant 0 : i32
    %dma_wait3A_66 = arith.constant 0 : i32
    %dma_wait3A_67 = tpu.memref_slice %arg2[%dma_wait3A_65, %dma_wait3A_66] : memref<10240x16xf32, #tpu.memory_space<hbm>> -> memref<10240x16xf32, #tpu.memory_space<hbm>>
    tpu.wait_indirect_dma semaphore(%arg12 : memref<!tpu.dma_semaphore, #tpu.memory_space<semaphore_mem>>) src(%dma_wait3A_67 : memref<10240x16xf32, #tpu.memory_space<hbm>>) dst(%arg9 : memref<1000x16xf32, #tpu.memory_space<vmem>>)
    %run_scoped3A_68 = arith.constant 3 : i32
    "tpu.region"() ({
      %run_scoped3A_82 = tpu.sem_alloc : memref<!tpu.dma_semaphore, #tpu.memory_space<semaphore_mem>>
      %dma_start3A_83 = arith.constant 0 : i32
      %dma_start3A_84 = tpu.memref_slice %arg7[%run_scoped3A_68, %dma_start3A_83] : memref<5x1000xi32, #tpu.memory_space<vmem>> -> memref<1x1000xi32, #tpu.memory_space<vmem>>
      %dma_start3A_85 = tpu.memref_squeeze %dma_start3A_84 : memref<1x1000xi32, #tpu.memory_space<vmem>> -> memref<1000xi32, #tpu.memory_space<vmem>>
      %dma_start3A_86 = arith.constant 0 : i32
      %dma_start3A_87 = arith.constant 0 : i32
      %dma_start3A_88 = tpu.memref_slice %arg10[%dma_start3A_86, %dma_start3A_87] : memref<10240x16xf32, #tpu.memory_space<vmem_shared>> -> memref<10240x16xf32, #tpu.memory_space<vmem_shared>>
      tpu.enqueue_indirect_dma source(%arg9 : memref<1000x16xf32, #tpu.memory_space<vmem>>) target(%dma_start3A_88 : memref<10240x16xf32, #tpu.memory_space<vmem_shared>>) offsets(%dma_start3A_85 : memref<1000xi32, #tpu.memory_space<vmem>>) semaphore(%run_scoped3A_82 : memref<!tpu.dma_semaphore, #tpu.memory_space<semaphore_mem>>) {add = true}
      %dma_wait3A_89 = arith.constant 0 : i32
      %dma_wait3A_90 = tpu.memref_slice %arg7[%run_scoped3A_68, %dma_wait3A_89] : memref<5x1000xi32, #tpu.memory_space<vmem>> -> memref<1x1000xi32, #tpu.memory_space<vmem>>
      %dma_wait3A_91 = tpu.memref_squeeze %dma_wait3A_90 : memref<1x1000xi32, #tpu.memory_space<vmem>> -> memref<1000xi32, #tpu.memory_space<vmem>>
      %dma_wait3A_92 = arith.constant 0 : i32
      %dma_wait3A_93 = arith.constant 0 : i32
      %dma_wait3A_94 = tpu.memref_slice %arg10[%dma_wait3A_92, %dma_wait3A_93] : memref<10240x16xf32, #tpu.memory_space<vmem_shared>> -> memref<10240x16xf32, #tpu.memory_space<vmem_shared>>
      tpu.wait_indirect_dma semaphore(%run_scoped3A_82 : memref<!tpu.dma_semaphore, #tpu.memory_space<semaphore_mem>>) src(%arg9 : memref<1000x16xf32, #tpu.memory_space<vmem>>) dst(%dma_wait3A_94 : memref<10240x16xf32, #tpu.memory_space<vmem_shared>>)
      tpu.yield
    }) : () -> ()
    %dma_wait3A_69 = arith.constant 4 : i32
    %dma_wait3A_70 = arith.constant 0 : i32
    %dma_wait3A_71 = tpu.memref_slice %arg6[%dma_wait3A_69, %dma_wait3A_70] : memref<5x1000xi32, #tpu.memory_space<vmem>> -> memref<1x1000xi32, #tpu.memory_space<vmem>>
    %dma_wait3A_72 = tpu.memref_squeeze %dma_wait3A_71 : memref<1x1000xi32, #tpu.memory_space<vmem>> -> memref<1000xi32, #tpu.memory_space<vmem>>
    %dma_wait3A_73 = arith.constant 0 : i32
    %dma_wait3A_74 = arith.constant 0 : i32
    %dma_wait3A_75 = tpu.memref_slice %arg2[%dma_wait3A_73, %dma_wait3A_74] : memref<10240x16xf32, #tpu.memory_space<hbm>> -> memref<10240x16xf32, #tpu.memory_space<hbm>>
    tpu.wait_indirect_dma semaphore(%arg11 : memref<!tpu.dma_semaphore, #tpu.memory_space<semaphore_mem>>) src(%dma_wait3A_75 : memref<10240x16xf32, #tpu.memory_space<hbm>>) dst(%arg8 : memref<1000x16xf32, #tpu.memory_space<vmem>>)
    %run_scoped3A_76 = arith.constant 4 : i32
    "tpu.region"() ({
      %run_scoped3A_82 = tpu.sem_alloc : memref<!tpu.dma_semaphore, #tpu.memory_space<semaphore_mem>>
      %dma_start3A_83 = arith.constant 0 : i32
      %dma_start3A_84 = tpu.memref_slice %arg7[%run_scoped3A_76, %dma_start3A_83] : memref<5x1000xi32, #tpu.memory_space<vmem>> -> memref<1x1000xi32, #tpu.memory_space<vmem>>
      %dma_start3A_85 = tpu.memref_squeeze %dma_start3A_84 : memref<1x1000xi32, #tpu.memory_space<vmem>> -> memref<1000xi32, #tpu.memory_space<vmem>>
      %dma_start3A_86 = arith.constant 0 : i32
      %dma_start3A_87 = arith.constant 0 : i32
      %dma_start3A_88 = tpu.memref_slice %arg10[%dma_start3A_86, %dma_start3A_87] : memref<10240x16xf32, #tpu.memory_space<vmem_shared>> -> memref<10240x16xf32, #tpu.memory_space<vmem_shared>>
      tpu.enqueue_indirect_dma source(%arg8 : memref<1000x16xf32, #tpu.memory_space<vmem>>) target(%dma_start3A_88 : memref<10240x16xf32, #tpu.memory_space<vmem_shared>>) offsets(%dma_start3A_85 : memref<1000xi32, #tpu.memory_space<vmem>>) semaphore(%run_scoped3A_82 : memref<!tpu.dma_semaphore, #tpu.memory_space<semaphore_mem>>) {add = true}
      %dma_wait3A_89 = arith.constant 0 : i32
      %dma_wait3A_90 = tpu.memref_slice %arg7[%run_scoped3A_76, %dma_wait3A_89] : memref<5x1000xi32, #tpu.memory_space<vmem>> -> memref<1x1000xi32, #tpu.memory_space<vmem>>
      %dma_wait3A_91 = tpu.memref_squeeze %dma_wait3A_90 : memref<1x1000xi32, #tpu.memory_space<vmem>> -> memref<1000xi32, #tpu.memory_space<vmem>>
      %dma_wait3A_92 = arith.constant 0 : i32
      %dma_wait3A_93 = arith.constant 0 : i32
      %dma_wait3A_94 = tpu.memref_slice %arg10[%dma_wait3A_92, %dma_wait3A_93] : memref<10240x16xf32, #tpu.memory_space<vmem_shared>> -> memref<10240x16xf32, #tpu.memory_space<vmem_shared>>
      tpu.wait_indirect_dma semaphore(%run_scoped3A_82 : memref<!tpu.dma_semaphore, #tpu.memory_space<semaphore_mem>>) src(%arg8 : memref<1000x16xf32, #tpu.memory_space<vmem>>) dst(%dma_wait3A_94 : memref<10240x16xf32, #tpu.memory_space<vmem_shared>>)
      tpu.yield
    }) : () -> ()
    %barrier3A_77 = arith.constant 0 : index
    tpu.barrier barrier_id(%barrier3A_77)
    %mul3A_78 = arith.constant 640 : i32
    %mul3A_79 = arith.muli %arg1, %mul3A_78 : i32
    %mul3A_80 = arith.constant 640 : i32
    %mul3A_81 = arith.muli %arg1, %mul3A_80 : i32
    "tpu.region"() ({
      %run_scoped3A_82 = tpu.sem_alloc : memref<!tpu.dma_semaphore, #tpu.memory_space<semaphore_mem>>
      %dma_start3A_83 = arith.constant 0 : i32
      %dma_start3A_84 = tpu.memref_slice %arg5[%arg0, %mul3A_81, %dma_start3A_83] : memref<2x10240x16xf32, #tpu.memory_space<hbm>> -> memref<1x640x16xf32, #tpu.memory_space<hbm>>
      %dma_start3A_85 = tpu.memref_squeeze %dma_start3A_84 : memref<1x640x16xf32, #tpu.memory_space<hbm>> -> memref<640x16xf32, #tpu.memory_space<hbm>>
      %dma_start3A_86 = arith.constant 0 : i32
      %dma_start3A_87 = tpu.memref_slice %arg10[%mul3A_79, %dma_start3A_86] : memref<10240x16xf32, #tpu.memory_space<vmem_shared>> -> memref<640x16xf32, #tpu.memory_space<vmem_shared>>
      tpu.enqueue_dma source(%dma_start3A_87 : memref<640x16xf32, #tpu.memory_space<vmem_shared>>) target(%dma_start3A_85 : memref<640x16xf32, #tpu.memory_space<hbm>>) target_semaphore(%run_scoped3A_82 : memref<!tpu.dma_semaphore, #tpu.memory_space<semaphore_mem>>)
      %dma_wait3A_88 = arith.constant 0 : i32
      %dma_wait3A_89 = tpu.memref_slice %arg5[%arg0, %mul3A_81, %dma_wait3A_88] : memref<2x10240x16xf32, #tpu.memory_space<hbm>> -> memref<1x640x16xf32, #tpu.memory_space<hbm>>
      %dma_wait3A_90 = tpu.memref_squeeze %dma_wait3A_89 : memref<1x640x16xf32, #tpu.memory_space<hbm>> -> memref<640x16xf32, #tpu.memory_space<hbm>>
      %dma_wait3A_91 = arith.constant 0 : i32
      %dma_wait3A_92 = tpu.memref_slice %arg10[%mul3A_79, %dma_wait3A_91] : memref<10240x16xf32, #tpu.memory_space<vmem_shared>> -> memref<640x16xf32, #tpu.memory_space<vmem_shared>>
      tpu.wait_dma2 semaphore(%run_scoped3A_82 : memref<!tpu.dma_semaphore, #tpu.memory_space<semaphore_mem>>) src(%dma_wait3A_92 : memref<640x16xf32, #tpu.memory_space<vmem_shared>>) dst(%dma_wait3A_90 : memref<640x16xf32, #tpu.memory_space<hbm>>)
      tpu.yield
    }) : () -> ()
    return
  }
}

module attributes {stable_mosaic.version = 14 : i64} {
  func.func @_tc_root(%arg0: i32, %arg1: memref<2048x256xbf16, #tpu.memory_space<vmem>>, %arg2: memref<256x512xbf16, #tpu.memory_space<vmem>>, %arg3: memref<1x512xf32, #tpu.memory_space<vmem>>, %arg4: memref<2048x512xbf16, #tpu.memory_space<vmem>>) attributes {dimension_semantics = [#tpu.dimension_semantics<arbitrary>], iteration_bounds = array<i64: 5>, scalar_prefetch = 0 : i64, scratch_operands = 0 : i64, tpu.core_type = #tpu.core_type<tc>, window_params = [{transform_indices = @transform_0, window_bounds = array<i64: 2048, 256>}, {pipeline_mode = #tpu.pipeline_mode<synchronous>, transform_indices = @transform_1, window_bounds = array<i64: 256, 512>}, {pipeline_mode = #tpu.pipeline_mode<synchronous>, transform_indices = @transform_2, window_bounds = array<i64: 1, 512>}, {transform_indices = @transform_3, window_bounds = array<i64: 2048, 512>}]} {
    %get3A = arith.constant 0 : index
    %get3A_0 = arith.constant 0 : index
    %get3A_1 = vector.load %arg1[%get3A, %get3A_0] : memref<2048x256xbf16, #tpu.memory_space<vmem>>, vector<2048x256xbf16>
    %get3A_2 = arith.constant 0 : index
    %get3A_3 = arith.constant 0 : index
    %get3A_4 = vector.load %arg2[%get3A_2, %get3A_3] : memref<256x512xbf16, #tpu.memory_space<vmem>>, vector<256x512xbf16>
    %dot_general3A = arith.constant dense<0.000000e+00> : vector<2048x512xf32>
    %dot_general3A_5 = tpu.matmul %get3A_1, %get3A_4, %dot_general3A {dimension_numbers = #tpu.dot_dimension_numbers<[1], [0], [0], [1], [0, 0, 1, 1], [], []>, transpose_lhs_hint = false} : vector<2048x256xbf16>, vector<256x512xbf16>, vector<2048x512xf32> -> vector<2048x512xf32>
    %get3A_6 = arith.constant 0 : index
    %get3A_7 = arith.constant 0 : index
    %get3A_8 = vector.load %arg3[%get3A_6, %get3A_7] : memref<1x512xf32, #tpu.memory_space<vmem>>, vector<1x512xf32>
    %add3A = vector.broadcast %get3A_8 : vector<1x512xf32> to vector<2048x512xf32>
    %add3A_9 = arith.addf %dot_general3A_5, %add3A : vector<2048x512xf32>
    %convert_element_type3A = arith.truncf %add3A_9 : vector<2048x512xf32> to vector<2048x512xbf16>
    %swap3A = arith.constant 0 : index
    %swap3A_10 = arith.constant 0 : index
    %swap3A_11 = vector.load %arg4[%swap3A, %swap3A_10] : memref<2048x512xbf16, #tpu.memory_space<vmem>>, vector<2048x512xbf16>
    tpu.vector_store %arg4[%swap3A, %swap3A_10], %convert_element_type3A {strides = array<i32>} : memref<2048x512xbf16, #tpu.memory_space<vmem>>, vector<2048x512xbf16>,
    return
  }
  func.func @transform_0(%arg0: i32) -> (i32, i32) {
    %c0_i32 = arith.constant 0 : i32
    %c0_i32_0 = arith.constant 0 : i32
    return %arg0, %c0_i32 : i32, i32
  }
  func.func @transform_1(%arg0: i32) -> (i32, i32) {
    %c0_i32 = arith.constant 0 : i32
    %c0_i32_0 = arith.constant 0 : i32
    %c0_i32_1 = arith.constant 0 : i32
    return %c0_i32, %c0_i32_0 : i32, i32
  }
  func.func @transform_2(%arg0: i32) -> (i32, i32) {
    %c0_i32 = arith.constant 0 : i32
    %c0_i32_0 = arith.constant 0 : i32
    %c0_i32_1 = arith.constant 0 : i32
    return %c0_i32, %c0_i32_0 : i32, i32
  }
  func.func @transform_3(%arg0: i32) -> (i32, i32) {
    %c0_i32 = arith.constant 0 : i32
    %c0_i32_0 = arith.constant 0 : i32
    return %arg0, %c0_i32 : i32, i32
  }
}

module attributes {stable_mosaic.version = 14 : i64} {
  func.func @_tc_hidden(%arg0: i32, %arg1: memref<1x2048x64xbf16, #tpu.memory_space<vmem>>, %arg2: memref<1x2048x64xbf16, #tpu.memory_space<vmem>>, %arg3: memref<1x2048x64xbf16, #tpu.memory_space<vmem>>, %arg4: memref<1x2048x64xbf16, #tpu.memory_space<vmem>>, %arg5: memref<1x2048x8xf32, #tpu.memory_space<vmem>>, %arg6: memref<1x2048x8xf32, #tpu.memory_space<vmem>>, %arg7: memref<2048x512xbf16, #tpu.memory_space<vmem>>, %arg8: memref<256x512xbf16, #tpu.memory_space<vmem>>, %arg9: memref<512x16xf32, #tpu.memory_space<vmem>>, %arg10: memref<1x16xf32, #tpu.memory_space<vmem>>, %arg11: memref<2048x16xf32, #tpu.memory_space<vmem>>) attributes {dimension_semantics = [#tpu.dimension_semantics<arbitrary>], iteration_bounds = array<i64: 5>, scalar_prefetch = 0 : i64, scratch_operands = 0 : i64, tpu.core_type = #tpu.core_type<tc>, window_params = [{transform_indices = @transform_0, window_bounds = array<i64: 1, 2048, 64>}, {transform_indices = @transform_1, window_bounds = array<i64: 1, 2048, 64>}, {transform_indices = @transform_2, window_bounds = array<i64: 1, 2048, 64>}, {transform_indices = @transform_3, window_bounds = array<i64: 1, 2048, 64>}, {transform_indices = @transform_4, window_bounds = array<i64: 1, 2048, 8>}, {transform_indices = @transform_5, window_bounds = array<i64: 1, 2048, 8>}, {transform_indices = @transform_6, window_bounds = array<i64: 2048, 512>}, {pipeline_mode = #tpu.pipeline_mode<synchronous>, transform_indices = @transform_7, window_bounds = array<i64: 256, 512>}, {pipeline_mode = #tpu.pipeline_mode<synchronous>, transform_indices = @transform_8, window_bounds = array<i64: 512, 16>}, {pipeline_mode = #tpu.pipeline_mode<synchronous>, transform_indices = @transform_9, window_bounds = array<i64: 1, 16>}, {transform_indices = @transform_10, window_bounds = array<i64: 2048, 16>}]} {
    %get3A = arith.constant 0 : index
    %get3A_0 = arith.constant 0 : index
    %get3A_1 = arith.constant 0 : index
    %get3A_2 = vector.load %arg5[%get3A, %get3A_0, %get3A_1] : memref<1x2048x8xf32, #tpu.memory_space<vmem>>, vector<1x2048x8xf32>
    %get3A_3 = vector.shape_cast %get3A_2 : vector<1x2048x8xf32> to vector<2048x8xf32>
    %slice3A = vector.extract_strided_slice %get3A_3 {offsets = [0, 0], sizes = [2048, 1], strides = [1, 1]} : vector<2048x8xf32> to vector<2048x1xf32>
    %get3A_4 = arith.constant 0 : index
    %get3A_5 = arith.constant 0 : index
    %get3A_6 = arith.constant 0 : index
    %get3A_7 = vector.load %arg6[%get3A_4, %get3A_5, %get3A_6] : memref<1x2048x8xf32, #tpu.memory_space<vmem>>, vector<1x2048x8xf32>
    %get3A_8 = vector.shape_cast %get3A_7 : vector<1x2048x8xf32> to vector<2048x8xf32>
    %slice3A_9 = vector.extract_strided_slice %get3A_8 {offsets = [0, 0], sizes = [2048, 1], strides = [1, 1]} : vector<2048x8xf32> to vector<2048x1xf32>
    %add3A = arith.addf %slice3A, %slice3A_9 : vector<2048x1xf32>
    %max3A = arith.constant 1.000000e+00 : f32
    %max3A_10 = vector.broadcast %max3A : f32 to vector<2048x1xf32>
    %max3A_11 = arith.maximumf %add3A, %max3A_10 : vector<2048x1xf32>
    %div3A = arith.constant 1.000000e+00 : f32
    %div3A_12 = vector.broadcast %div3A : f32 to vector<2048x1xf32>
    %div3A_13 = arith.divf %div3A_12, %max3A_11 : vector<2048x1xf32>
    %get3A_14 = arith.constant 0 : index
    %get3A_15 = arith.constant 0 : index
    %get3A_16 = arith.constant 0 : index
    %get3A_17 = vector.load %arg1[%get3A_14, %get3A_15, %get3A_16] : memref<1x2048x64xbf16, #tpu.memory_space<vmem>>, vector<1x2048x64xbf16>
    %get3A_18 = vector.shape_cast %get3A_17 : vector<1x2048x64xbf16> to vector<2048x64xbf16>
    %get3A_19 = arith.constant 0 : index
    %get3A_20 = arith.constant 0 : index
    %get3A_21 = arith.constant 0 : index
    %get3A_22 = vector.load %arg2[%get3A_19, %get3A_20, %get3A_21] : memref<1x2048x64xbf16, #tpu.memory_space<vmem>>, vector<1x2048x64xbf16>
    %get3A_23 = vector.shape_cast %get3A_22 : vector<1x2048x64xbf16> to vector<2048x64xbf16>
    %get3A_24 = arith.constant 0 : index
    %get3A_25 = arith.constant 0 : index
    %get3A_26 = arith.constant 0 : index
    %get3A_27 = vector.load %arg3[%get3A_24, %get3A_25, %get3A_26] : memref<1x2048x64xbf16, #tpu.memory_space<vmem>>, vector<1x2048x64xbf16>
    %get3A_28 = vector.shape_cast %get3A_27 : vector<1x2048x64xbf16> to vector<2048x64xbf16>
    %get3A_29 = arith.constant 0 : index
    %get3A_30 = arith.constant 0 : index
    %get3A_31 = arith.constant 0 : index
    %get3A_32 = vector.load %arg4[%get3A_29, %get3A_30, %get3A_31] : memref<1x2048x64xbf16, #tpu.memory_space<vmem>>, vector<1x2048x64xbf16>
    %get3A_33 = vector.shape_cast %get3A_32 : vector<1x2048x64xbf16> to vector<2048x64xbf16>
    %concatenate3A = tpu.concatenate %get3A_18, %get3A_23, %get3A_28, %get3A_33 in 1 : vector<2048x64xbf16>, vector<2048x64xbf16>, vector<2048x64xbf16>, vector<2048x64xbf16> -> vector<2048x256xbf16>
    %get3A_34 = arith.constant 0 : index
    %get3A_35 = arith.constant 0 : index
    %get3A_36 = vector.load %arg8[%get3A_34, %get3A_35] : memref<256x512xbf16, #tpu.memory_space<vmem>>, vector<256x512xbf16>
    %dot_general3A = arith.constant dense<0.000000e+00> : vector<2048x512xf32>
    %dot_general3A_37 = tpu.matmul %concatenate3A, %get3A_36, %dot_general3A {dimension_numbers = #tpu.dot_dimension_numbers<[1], [0], [0], [1], [0, 0, 1, 1], [], []>, transpose_lhs_hint = false} : vector<2048x256xbf16>, vector<256x512xbf16>, vector<2048x512xf32> -> vector<2048x512xf32>
    %mul3A = vector.broadcast %div3A_13 : vector<2048x1xf32> to vector<2048x512xf32>
    %mul3A_38 = arith.mulf %dot_general3A_37, %mul3A : vector<2048x512xf32>
    %get3A_39 = arith.constant 0 : index
    %get3A_40 = arith.constant 0 : index
    %get3A_41 = vector.load %arg7[%get3A_39, %get3A_40] : memref<2048x512xbf16, #tpu.memory_space<vmem>>, vector<2048x512xbf16>
    %convert_element_type3A = arith.extf %get3A_41 : vector<2048x512xbf16> to vector<2048x512xf32>
    %add3A_42 = arith.addf %mul3A_38, %convert_element_type3A : vector<2048x512xf32>
    %max3A_43 = arith.constant 0.000000e+00 : f32
    %max3A_44 = vector.broadcast %max3A_43 : f32 to vector<2048x512xf32>
    %max3A_45 = arith.maximumf %add3A_42, %max3A_44 : vector<2048x512xf32>
    %get3A_46 = arith.constant 0 : index
    %get3A_47 = arith.constant 0 : index
    %get3A_48 = vector.load %arg9[%get3A_46, %get3A_47] : memref<512x16xf32, #tpu.memory_space<vmem>>, vector<512x16xf32>
    %dot_general3A_49 = arith.constant dense<0.000000e+00> : vector<2048x16xf32>
    %dot_general3A_50 = tpu.matmul %max3A_45, %get3A_48, %dot_general3A_49 {dimension_numbers = #tpu.dot_dimension_numbers<[1], [0], [0], [1], [0, 0, 1, 1], [], []>, transpose_lhs_hint = false} : vector<2048x512xf32>, vector<512x16xf32>, vector<2048x16xf32> -> vector<2048x16xf32>
    %iota3A = tpu.iota {dimensions = array<i32: 1>} : vector<2048x16xi32>
    %eq3A = arith.constant 4 : i32
    %eq3A_51 = vector.broadcast %eq3A : i32 to vector<2048x16xi32>
    %eq3A_52 = arith.cmpi eq, %iota3A, %eq3A_51 : vector<2048x16xi32>
    %jit3A = arith.constant 0.000000e+00 : f32
    %broadcast_in_dim3A = vector.shape_cast %div3A_13 : vector<2048x1xf32> to vector<2048x1xf32>
    %broadcast_in_dim3A_53 = vector.broadcast %broadcast_in_dim3A : vector<2048x1xf32> to vector<2048x16xf32>
    %broadcast_in_dim3A_54 = vector.broadcast %jit3A : f32 to vector<2048x16xf32>
    %select_n3A = arith.select %eq3A_52, %broadcast_in_dim3A_53, %broadcast_in_dim3A_54 : vector<2048x16xi1>, vector<2048x16xf32>
    %get3A_55 = arith.constant 0 : index
    %get3A_56 = arith.constant 0 : index
    %get3A_57 = vector.load %arg10[%get3A_55, %get3A_56] : memref<1x16xf32, #tpu.memory_space<vmem>>, vector<1x16xf32>
    %add3A_58 = vector.broadcast %get3A_57 : vector<1x16xf32> to vector<2048x16xf32>
    %add3A_59 = arith.addf %dot_general3A_50, %add3A_58 : vector<2048x16xf32>
    %add3A_60 = arith.addf %add3A_59, %select_n3A : vector<2048x16xf32>
    %swap3A = arith.constant 0 : index
    %swap3A_61 = arith.constant 0 : index
    %swap3A_62 = vector.load %arg11[%swap3A, %swap3A_61] : memref<2048x16xf32, #tpu.memory_space<vmem>>, vector<2048x16xf32>
    tpu.vector_store %arg11[%swap3A, %swap3A_61], %add3A_60 {strides = array<i32>} : memref<2048x16xf32, #tpu.memory_space<vmem>>, vector<2048x16xf32>,
    return
  }
  func.func @transform_0(%arg0: i32) -> (i32, i32, i32) {
    %c0_i32 = arith.constant 0 : i32
    %c0_i32_0 = arith.constant 0 : i32
    %c0_i32_1 = arith.constant 0 : i32
    return %c0_i32, %arg0, %c0_i32_0 : i32, i32, i32
  }
  func.func @transform_1(%arg0: i32) -> (i32, i32, i32) {
    %c1_i32 = arith.constant 1 : i32
    %c0_i32 = arith.constant 0 : i32
    %c0_i32_0 = arith.constant 0 : i32
    return %c1_i32, %arg0, %c0_i32 : i32, i32, i32
  }
  func.func @transform_2(%arg0: i32) -> (i32, i32, i32) {
    %c0_i32 = arith.constant 0 : i32
    %c0_i32_0 = arith.constant 0 : i32
    %c0_i32_1 = arith.constant 0 : i32
    return %c0_i32, %arg0, %c0_i32_0 : i32, i32, i32
  }
  func.func @transform_3(%arg0: i32) -> (i32, i32, i32) {
    %c1_i32 = arith.constant 1 : i32
    %c0_i32 = arith.constant 0 : i32
    %c0_i32_0 = arith.constant 0 : i32
    return %c1_i32, %arg0, %c0_i32 : i32, i32, i32
  }
  func.func @transform_4(%arg0: i32) -> (i32, i32, i32) {
    %c0_i32 = arith.constant 0 : i32
    %c0_i32_0 = arith.constant 0 : i32
    %c0_i32_1 = arith.constant 0 : i32
    return %c0_i32, %arg0, %c0_i32_0 : i32, i32, i32
  }
  func.func @transform_5(%arg0: i32) -> (i32, i32, i32) {
    %c1_i32 = arith.constant 1 : i32
    %c0_i32 = arith.constant 0 : i32
    %c0_i32_0 = arith.constant 0 : i32
    return %c1_i32, %arg0, %c0_i32 : i32, i32, i32
  }
  func.func @transform_6(%arg0: i32) -> (i32, i32) {
    %c0_i32 = arith.constant 0 : i32
    %c0_i32_0 = arith.constant 0 : i32
    return %arg0, %c0_i32 : i32, i32
  }
  func.func @transform_7(%arg0: i32) -> (i32, i32) {
    %c0_i32 = arith.constant 0 : i32
    %c0_i32_0 = arith.constant 0 : i32
    %c0_i32_1 = arith.constant 0 : i32
    return %c0_i32, %c0_i32_0 : i32, i32
  }
  func.func @transform_8(%arg0: i32) -> (i32, i32) {
    %c0_i32 = arith.constant 0 : i32
    %c0_i32_0 = arith.constant 0 : i32
    %c0_i32_1 = arith.constant 0 : i32
    return %c0_i32, %c0_i32_0 : i32, i32
  }
  func.func @transform_9(%arg0: i32) -> (i32, i32) {
    %c0_i32 = arith.constant 0 : i32
    %c0_i32_0 = arith.constant 0 : i32
    %c0_i32_1 = arith.constant 0 : i32
    return %c0_i32, %c0_i32_0 : i32, i32
  }
  func.func @transform_10(%arg0: i32) -> (i32, i32) {
    %c0_i32 = arith.constant 0 : i32
    %c0_i32_0 = arith.constant 0 : i32
    return %arg0, %c0_i32 : i32, i32
  }
}

</mosaic_0001>

<sc_bundles>
// kernel: kernel.11.cloned.1.call-start
scs
__scs_entry_jumppad:
0x0: {  	(pc) =	sbr.rel $0x88, $3  }
0x1: {  	(tag) =	ssettag $0x0;
	lr =	simm.s32 $0x1  }
0x2: {  	[smem:$0x3F99] =	sst lr;
	_ =	strace $0xD0000000  }
0x3: {  	_ = 	snop  }
0x4: {  	_ = 	snop  }
0x5: {  	_ = 	snop  }
0x6: {  	_ = 	snop  }
0x7: {  	_ = 	snop  }
__scs_overlays_trampoline_lowered:
0x8: {  	[smem:$0x3FA8] =	sst s0  }
0x9: {  	[smem:$0x3FA9] =	sst s1  }
0xa: {  	[smem:$0x3FAA] =	sst s2  }
0xb: {  	[smem:$0x3FAB] =	sst s3  }
0xc: {  	[smem:$0x3FAC] =	sst s4  }
0xd: {  	[smem:$0x3FAD] =	sst s5  }
0xe: {  	[smem:$0x3FAE] =	sst s6  }
0xf: {  	[smem:$0x3FAF] =	sst s7  }
0x10: {  	[smem:$0x3FB0] =	sst s8  }
0x11: {  	[smem:$0x3FB1] =	sst s9;
	s0 =	simm.s32 @!p0 $0x0  }
0x12: {  	s1 =	sld [smem:$0x3F97];
	s0 =	simm.s32 @p0 $0x1  }
0x13: {  	[smem:$0x3FB2] =	sst s0;
	s0 =	simm.s32 @!p1 $0x0  }
0x14: {  	s2 =	sld [smem:$0x3F96];
	s0 =	simm.s32 @p1 $0x1  }
0x15: {  	[smem:$0x3FB3] =	sst s0;
	s0 =	simm.s32 @!p2 $0x0  }
0x16: {  	s3 =	sld [smem:$0x3FDB];
	s0 =	simm.s32 @p2 $0x1  }
0x17: {  	s4 =	simm.s32 $0x1BF5;
	[smem:$0x3FB5] =	sst s0  }
0x18: {  	s0 =	sld [smem:$0x3F98];
	_ =	swait.ge [sflag:s4], $0x0  }
0x19: {  	s7 =	sld [smem:$0x3F99]  }
0x1a: {  	s8 =	sadd.s32 $0xFFFFE003, lr  }
0x1b: {  	s9 =	sadd.s32 $0xFFFFFEF7, lr;
	s5 =	simm.s32 $0xFFFFFFFF;
	p2 =	slt.u32 s8, $0xFFFFF086  }
0x1c: {  	p1 =	slt.u32 s9, $0xF7A;
	s5 =	simm.s32 @!p2 $0x0  }
0x1d: {  	s5 =	simm.s32 @p1 $0x1;
	p0 =	seq.s32 s7, s2  }
0x1e: {  	s7 =	smul.u32 @!p0 $0xF7A, s2;
	p2 =	seq.s32 @!p0 s5, $0x0  }
0x1f: {  	s9 =	smul.u32 $0xF7A, s1;
	s8 =	simm.s32 @!p0 $0x1BF5;
	p2 =	por !p2, p0  }
0x20: {  	[sflag:s8] =	ssyncset.s32 @!p0 $0xFFFFF086;
	s6 =	sadd.s32 @!p0 s3, s7;
	s7 =	simm.s32 @!p0 $0x108  }
0x21: {  	s3 =	sadd.s32 s3, s9;
	s6 =	sadd.s32 @!p0 $0x88, s6;
	s7 =	simm.s32 @p2 $0x1082  }
0x22: {  	[simem:s7], [sflag:s8] =	dma.local @!p0 [hbm:s6], $0xF7A  }
0x23: {  	s9 =	sor.u32 $0xD0000000, s2;
	s6 =	simm.s32 $0x108;
	_ =	swait.ge @!p0 [sflag:s8], $0x0  }
0x24: {  	s3 =	sadd.s32 $0x88, s3;
	s6 =	simm.s32 @!p1 $0x1082;
	[sflag:s4] =	ssyncset.s32 $0xFFFFF086  }
0x25: {  	[simem:s6], [sflag:s4] =	dma.local [hbm:s3], $0xF7A  }
0x26: {  	[smem:$0x3F99] =	sst s1;
	(tag) =	ssettag s2;
	_ =	strace s9  }
0x27: {  	s1 =	sld [smem:$0x3FA9]  }
0x28: {  	s2 =	sld [smem:$0x3FAA]  }
0x29: {  	s4 =	sld [smem:$0x3FAC]  }
0x2a: {  	p0 =	seq.s32 s5, $0x0;
	s5 =	sld [smem:$0x3FAD]  }
0x2b: {  	s6 =	sld [smem:$0x3FAE]  }
0x2c: {  	s7 =	sld [smem:$0x3FAF]  }
0x2d: {  	s3 =	simm.s32 $0x108;
	s8 =	sld [smem:$0x3FB0]  }
0x2e: {  	s3 =	simm.s32 @!p0 $0x1082;
	s9 =	sld [smem:$0x3FB1]  }
0x2f: {  	lr =	sadd.s32 s0, s3;
	s0 =	sld [smem:$0x3FA8]  }
0x30: {  	s3 =	sld [smem:$0x3FAB]  }
0x31: {  	[smem:$0x3FB4] =	sst s10  }
0x32: {  	s10 =	sld [smem:$0x3FB2];
	_ =	sdelay $0x3  }
0x33: {  	p0 =	seq.s32 s10, $0x1;
	s10 =	sld [smem:$0x3FB4];
	_ =	sdelay $0x3  }
0x34: {  	[smem:$0x3FB4] =	sst s10  }
0x35: {  	s10 =	sld [smem:$0x3FB3];
	_ =	sdelay $0x3  }
0x36: {  	p1 =	seq.s32 s10, $0x1;
	s10 =	sld [smem:$0x3FB4];
	_ =	sdelay $0x3  }
0x37: {  	[smem:$0x3FB4] =	sst s10  }
0x38: {  	s10 =	sld [smem:$0x3FB5]  }
0x39: {  	_ = 	snop;
	(pc) =	sbr.ind lr, $3  }
0x3a: {  	_ = 	snop  }
0x3b: {  	_ = 	snop  }
0x3c: {  	p2 =	seq.s32 s10, $0x1;
	s10 =	sld [smem:$0x3FB4]  }
0x3d: {  	_ =	shalt  }
0x3e: {  	_ =	shalt  }
0x3f: {  	_ =	shalt  }
0x40: {  	_ =	shalt  }
0x41: {  	_ =	shalt  }
0x42: {  	_ =	shalt  }
0x43: {  	_ =	shalt  }
0x44: {  	_ =	shalt  }
0x45: {  	_ =	shalt  }
0x46: {  	_ =	shalt  }
0x47: {  	_ =	shalt  }
0x48: {  	_ =	shalt  }
0x49: {  	_ =	shalt  }
0x4a: {  	_ =	shalt  }
0x4b: {  	_ =	shalt  }
0x4c: {  	_ =	shalt  }
0x4d: {  	_ =	shalt  }
0x4e: {  	_ =	shalt  }
0x4f: {  	_ =	shalt  }
0x50: {  	_ =	shalt  }
0x51: {  	_ =	shalt  }
0x52: {  	_ =	shalt  }
0x53: {  	_ =	shalt  }
0x54: {  	_ =	shalt  }
0x55: {  	_ =	shalt  }
0x56: {  	_ =	shalt  }
0x57: {  	_ =	shalt  }
0x58: {  	_ =	shalt  }
0x59: {  	_ =	shalt  }
0x5a: {  	_ =	shalt  }
0x5b: {  	_ =	shalt  }
0x5c: {  	_ =	shalt  }
0x5d: {  	_ =	shalt  }
0x5e: {  	_ =	shalt  }
0x5f: {  	_ =	shalt  }
0x60: {  	_ =	shalt  }
0x61: {  	_ =	shalt  }
0x62: {  	_ =	shalt  }
0x63: {  	_ =	shalt  }
0x64: {  	_ =	shalt  }
0x65: {  	_ =	shalt  }
0x66: {  	_ =	shalt  }
0x67: {  	_ =	shalt  }
0x68: {  	_ =	shalt  }
0x69: {  	_ =	shalt  }
0x6a: {  	_ =	shalt  }
0x6b: {  	_ =	shalt  }
0x6c: {  	_ =	shalt  }
0x6d: {  	_ =	shalt  }
0x6e: {  	_ =	shalt  }
0x6f: {  	_ =	shalt  }
0x70: {  	_ =	shalt  }
0x71: {  	_ =	shalt  }
0x72: {  	_ =	shalt  }
0x73: {  	_ =	shalt  }
0x74: {  	_ =	shalt  }
0x75: {  	_ =	shalt  }
0x76: {  	_ =	shalt  }
0x77: {  	_ =	shalt  }
0x78: {  	_ =	shalt  }
0x79: {  	_ =	shalt  }
0x7a: {  	_ =	shalt  }
0x7b: {  	_ =	shalt  }
0x7c: {  	_ =	shalt  }
0x7d: {  	_ =	shalt  }
0x7e: {  	_ =	shalt  }
0x7f: {  	_ =	shalt  }
0x80: {  	_ =	shalt  }
0x81: {  	_ =	shalt  }
0x82: {  	_ =	shalt  }
0x83: {  	_ =	shalt  }
0x84: {  	_ =	shalt  }
0x85: {  	_ =	shalt  }
0x86: {  	_ =	shalt  }
0x87: {  	_ =	shalt  }
.Lfunc_end0:
.L_simem_size_0:
called_computation.1_lowered:
.L_overlay_start_0:
0x88: {  	s2 =	sld [smem:$0x3FD9]  }
0x89: {  	s3 =	sld [smem:$0x3FFE];
	_ =	sdelay $0x1  }
0x8a: {  	s1 =	srdreg.scid  }
0x8b: {  	s0 =	sand.u32 $0x1, s1  }
0x8c: {  	s17 =	sshll.u32 s0, $0xA;
	s2 =	sadd.s32 s3, s2  }
0x8d: {  	s2 =	sadd.s32 s2, s17  }
0x8e: {  	[smem:$0x3FC0] =	sst s2  }
0x8f: {  	_ = 	snop  }
0x90: {  	(tm) =	ssettm $0x1  }
0x91: {  	s18 =	sld [smem:$0x3FFB];
	_ =	sdelay $0x3  }
0x92: {  	_ =	strace s18  }
0x93: {  	s2 =	sld [smem:$0x3FFC];
	_ =	sdelay $0x3  }
0x94: {  	_ =	strace s2  }
0x95: {  	s2 =	sld [smem:$0x3FFD];
	_ =	sdelay $0x3  }
0x96: {  	_ =	strace s2  }
0x97: {  	_ =	strace $0x8FFFFFFF  }
0x98: {  	s19 =	sld [smem:$0x3FDB];
	_ =	sdelay $0x1  }
0x99: {  	s20 =	simm.s32 $_scs_section_size  }
0x9a: {  	s4 =	simm.s32 $_size__tile_overlayer_lowered;
	s5 =	simm.s32 $_tile_overlayer_lowered  }
0x9b: {  	s6 =	simm.s32 $0x1BFF;
	s21 =	sshll.u32 s5, $0x1;
	s3 =	sadd.s32 s20, s19  }
0x9c: {  	s22 =	simm.s32 $0x0;
	s4 =	sshll.u32 s4, $0x1;
	s5 =	sadd.s32 s21, s3  }
0x9d: {  	[timem:s22], [sflag:s6] =	dma.local [hbm:s5], s4  }
0x9e: {  	_ =	swait.ge [sflag:s6], s4  }
0x9f: {  	s4 =	ssub.s32 $0x0, s4;
	[sflag:s6] =	ssyncset.done $0x0  }
0xa0: {  	[sflag:s6] =	ssyncadd.s32 s4;
	_ =	sdelay $0x1  }
0xa1: {  	s23 =	simm.s32 $0x1B8B  }
0xa2: {  	_ =	swait.ge [sflag:s23], $0x1  }
0xa3: {  	[sflag:s23] =	ssyncset.done $0x0  }
0xa4: {  	[sflag:s23] =	ssyncadd.s32 $0xFFFFFFFF  }
0xa5: {  	s4 =	sld [smem:$0x0]  }
0xa6: {  	s5 =	sand.u32 $0xFFFFFFFE, s1  }
0xa7: {  	p0 =	sne.s32 s1, s5  }
0xa8: {  	s5 =	sshll.u32 @p0 s5, $0xE  }
0xa9: {  	s5 =	sadd.s32 @p0 $0x11B8D, s5;
	s6 =	sshll.u32 @p0 s4, $0x11  }
0xaa: {  	s5 =	sor.u32 @p0 s6, s5  }
0xab: {  	[sflag:s5] =	ssyncadd.remote.s32 @p0 $0x1;
	_ =	sdelay $0x1  }
0xac: {  	s5 =	simm.s32 @p0 $0x1B8D  }
0xad: {  	_ =	swait.eq @p0 [sflag:s5], $0x1  }
0xae: {  	[sflag:s5] =	ssyncadd.s32 @p0 $0xFFFFFFFF  }
0xaf: {  	s6 =	sshll.u32 @!p0 s1, $0xE  }
0xb0: {  	s6 =	sor.u32 @!p0 $0x4000, s6;
	s5 =	simm.s32 @!p0 $0x1B8D  }
0xb1: {  	s4 =	sshll.u32 @!p0 s4, $0x11;
	s6 =	sadd.s32 @!p0 $0x11B8D, s6;
	_ =	swait.eq @!p0 [sflag:s5], $0x1  }
0xb2: {  	s4 =	sor.u32 @!p0 s4, s6;
	[sflag:s5] =	ssyncadd.s32 @!p0 $0xFFFFFFFF  }
0xb3: {  	s25 =	simm.s32 $0x1B8E;
	s24 =	sld [smem:$0x3FFE];
	[sflag:s4] =	ssyncadd.remote.s32 @!p0 $0x1  }
0xb4: {  	s26 =	simm.s32 $execute0_lowered;
	[smem:$0x3FD2] =	sst s25  }
0xb5: {  	s5 =	sshll.u32 s26, $0x1;
	_ =	strace $0x80000049;
	[dreg:$0x1] =	wrdreg $0xFFFFFFFF  }
0xb6: {  	s28 =	simm.s32 $_size_execute0_lowered;
	s3 =	sadd.s32 s3, s5;
	[dreg:$0x0] =	wrdreg $0x0  }
0xb7: {  	s5 =	sshll.u32 s28, $0x1;
	[dreg:$0x2] =	wrdreg s3  }
0xb8: {  	[dreg:$0x3] =	wrdreg s5  }
0xb9: {  	[dreg:$0x4] =	wrdreg $0xC0  }
0xba: {  	_ =	task [dreg:s22], $0x5FFFF  }
0xbb: {  	[dreg:$0x1] =	wrdreg $0xFFFFFFFF  }
0xbc: {  	[dreg:$0x0] =	wrdreg $0x60  }
0xbd: {  	[dreg:$0x2] =	wrdreg s24  }
0xbe: {  	[dreg:$0x3] =	wrdreg $0x116200  }
0xbf: {  	[dreg:$0x4] =	wrdreg $0xA  }
0xc0: {  	_ =	task.clear_ibuf [dreg:s22], $0x5FFFF;
	_ =	strace $0x90000049  }
0xc1: {  	s29 =	simm.s32 $0xA;
	_ =	strace $0x8000004B  }
0xc2: {  	_ =	swait.ge [sflag:s29], $0x1  }
0xc3: {  	[sflag:s29] =	ssyncadd.s32 $0xFFFFFFFF  }
0xc4: {  	_ =	strace $0x9000004B  }
0xc5: {  	_ =	sfence  }
0xc6: {  	s30 =	sld [smem:$0x0];
	_ =	sdelay $0x2  }
0xc7: {  	s31 =	sshll.u32 s1, $0xD;
	s1 =	sshrl.u32 s1, $0x2  }
0xc8: {  	s4 =	sand.u32 $0x4000, s31;
	s1 =	sadd.s32 s1, s30  }
0xc9: {  	s0 =	sor.u32 s4, s0;
	s1 =	sshll.u32 s1, $0x11  }
0xca: {  	s0 =	sor.u32 s1, s0  }
0xcb: {  	s0 =	sadd.s32 $0x8F2B, s0  }
0xcc: {  	[sflag:s0] =	ssyncadd.remote.s32 $0x1  }
0xcd: {  	_ =	sfence.sel $0xFFFF  }
0xce: {  	[dreg:$0x0] =	wrdreg $0xFFFFFFFF;
	(pc) =	sbr.abs _section_cstart, $3  }
0xcf: {  	[dreg:$0x1] =	wrdreg $0xFFFFFFFF  }
0xd0: {  	_ =	task.clear_ibuf [dreg:s22], $0x2FFFF;
	_ =	strace $0x9FFFFFFF  }
0xd1: {  	(tm) =	ssettm $0x7FFFFFFF  }
tec
execute0_lowered:
.L_overlay_start_1:
0x0: {  	(tag) =	ssettag $0x1  }
0x1: {  	s1 =	rddreg [dreg:$0x0]  }
0x2: {  	s2 =	rddreg [dreg:$0x1];
	s30 =	simm.s32 $0x0  }
0x3: {  	[smem:$0x7FF] =	sst s30;
	s6 =	sadd.s32 $0x6E800, s1  }
0x4: {  	s16 =	simm.s32 $0x320;
	_ =	strace $0x8000004A;
	[dreg:$0x3] =	wrdreg s6  }
0x5: {  	s17 =	simm.s32 $0x28A0;
	[dreg:$0x7] =	wrdreg s16  }
0x6: {  	s18 =	simm.s32 $0x4B0;
	[dreg:$0x8] =	wrdreg s17  }
0x7: {  	s19 =	simm.s32 $0x2A30;
	[dreg:$0x9] =	wrdreg s18  }
0x8: {  	s20 =	simm.s32 $0x640;
	[dreg:$0xa] =	wrdreg s19  }
0x9: {  	s21 =	simm.s32 $0x2BC0;
	[dreg:$0xb] =	wrdreg s20  }
0xa: {  	s8 =	stileid.u32;
	s22 =	simm.s32 $0x7D0;
	[dreg:$0xc] =	wrdreg s21  }
0xb: {  	s3 =	srdreg.scid;
	s23 =	simm.s32 $0x2D50;
	[dreg:$0xd] =	wrdreg s22  }
0xc: {  	s24 =	simm.s32 $0x960;
	s25 =	simm.s32 $0x2EE0;
	[dreg:$0xe] =	wrdreg s23  }
0xd: {  	s26 =	simm.s32 $0xAF0;
	s9 =	simm.s32 $0xE10;
	[dreg:$0xf] =	wrdreg s24  }
0xe: {  	s10 =	simm.s32 $0x3390;
	s11 =	simm.s32 $0xFA0;
	[dreg:$0x10] =	wrdreg s25  }
0xf: {  	s31 =	simm.s32 $0x2710;
	s29 =	simm.s32 $0x1A90;
	[dreg:$0x11] =	wrdreg s26  }
0x10: {  	s28 =	simm.s32 $0x4010;
	p0 =	por $0x0, $0x0;
	[dreg:$0x15] =	wrdreg s9  }
0x11: {  	s0 =	smul.u32 $0xA000, s8;
	s4 =	sand.u32 $0x1, s3;
	[dreg:$0x16] =	wrdreg s10  }
0x12: {  	s12 =	smul.u32 $0x2710, s8;
	[dreg:$0x17] =	wrdreg s11;
	s16 =	simm.s32 $0x12C0  }
0x13: {  	s5 =	smul.u32 $0x27100, s4;
	s17 =	simm.s32 $0x3840;
	[dreg:$0x1b] =	wrdreg s16  }
0x14: {  	s7 =	smul.u32 $0xA0000, s4;
	s18 =	simm.s32 $0x1450;
	[dreg:$0x1c] =	wrdreg s17  }
0x15: {  	s4 =	ssub.s32 $0x2, s4;
	s19 =	simm.s32 $0x39D0;
	[dreg:$0x1d] =	wrdreg s18  }
0x16: {  	s20 =	sshll.u32 s8, $0x6;
	s21 =	simm.s32 $0x15E0;
	[dreg:$0x1e] =	wrdreg s19  }
0x17: {  	s22 =	simm.s32 $0x3B60;
	s23 =	simm.s32 $0x1770;
	[dreg:$0x1f] =	wrdreg s21  }
0x18: {  	s24 =	simm.s32 $0x3CF0;
	s8 =	simm.s32 $0x4E20;
	[smem:$0x7F9] =	sst s22  }
0x19: {  	s25 =	simm.s32 $0x1900;
	s10 =	simm.s32 $0xB220;
	[smem:$0x7FA] =	sst s23  }
0x1a: {  	s26 =	simm.s32 $0x3E80;
	s9 =	simm.s32 $0x1;
	[smem:$0x7FB] =	sst s24  }
0x1b: {  	s11 =	simm.s32 $0x2;
	s13 =	sshrl.u32 s12, $0x3;
	[smem:$0x7FC] =	sst s25  }
0x1c: {  	[smem:$0x7FD] =	sst s26;
	s26 =	simm.s32 $0x1C20;
	s25 =	simm.s32 $0x41A0  }
0x1d: {  	s24 =	simm.s32 $0x1DB0;
	s23 =	simm.s32 $0x4330;
	s22 =	simm.s32 $0x1F40  }
0x1e: {  	s21 =	simm.s32 $0x44C0;
	s19 =	simm.s32 $0x4650;
	s17 =	simm.s32 $0x2260  }
0x1f: {  	s18 =	simm.s32 $0x47E0;
	s16 =	simm.s32 $0x23F0;
	s3 =	sadd.s32 s12, s5  }
0x20: {  	s14 =	sadd.s32 s0, s7;
	s6 =	sadd.s32 s1, s13;
	s7 =	simm.s32 $0x3200  }
0x21: {  	s12 =	simm.s32 $0x3520;
	s13 =	sshrl.u32 s4, $0x1;
	s0 =	sadd.s32 s0, s2  }
0x22: {  	s3 =	sshrl.u32 s3, $0x3;
	s5 =	sshrl.u32 s14, $0x3;
	[dreg:$0x14] =	wrdreg s7  }
0x23: {  	s6 =	sadd.s32 $0x7C20, s6;
	[dreg:$0x18] =	wrdreg s12;
	s14 =	simm.s32 $0x1130  }
0x24: {  	s4 =	ssub.s32 s4, s13;
	s7 =	simm.s32 $0x190;
	s13 =	simm.s32 $0x4B00  }
0x25: {  	s3 =	sadd.s32 s1, s3;
	s5 =	sadd.s32 s5, s1;
	[dreg:$0x4] =	wrdreg s6  }
0x26: {  	s6 =	simm.s32 $0xC80;
	[dreg:$0x19] =	wrdreg s14;
	s12 =	smax.u32 s4, $0x1  }
0x27: {  	s4 =	simm.s32 $0x3;
	s14 =	simm.s32 $0x2580;
	s3 =	sadd.s32 $0x64A40, s3  }
0x28: {  	s15 =	sadd.s32 $0x9CE00, s5;
	[dreg:$0x13] =	wrdreg s6;
	p1 =	sne.s32 s12, $0x1  }
.Ltmp0:
0x29: {  	s5 =	simm.s32 $0x3070;
	[dreg:$0x5] =	wrdreg s3;
	(pc) =	sbr.rel @!p1 .LBB2_3-.Ltmp0, $4  }
0x2a: {  	s6 =	sshrl.u32 s0, $0x3;
	s0 =	sadd.s32 $0xFFFFFFFF, s12;
	[dreg:$0x6] =	wrdreg s15  }
0x2b: {  	s12 =	simm.s32 $0x4C90;
	[dreg:$0x12] =	wrdreg s5;
	s3 =	sadd.s32 $0xCC00, s1  }
0x2c: {  	s15 =	simm.s32 $0x36B0;
	s5 =	sor.u32 $0x1C03, s20;
	s1 =	rddreg [dreg:$0x4]  }
0x2d: {  	s20 =	simm.s32 $0x20D0;
	[dreg:$0x1a] =	wrdreg s15;
	s15 =	simm.s32 $0x4970  }
0x2e: {  	[tilespmem:s31], [sflag:$0x3] =	stream.linear.gather [hbm4b:s1+s30], $0x2710, $0x38;
	[tilespmem:$0x1B620] =	vst v63  }
0x2f: {  	_ =	swait.ge [sflag:s4], $0x2710  }
0x30: {  	[sflag:s4] =	ssyncset.done $0x0  }
0x31: {  	s1 =	rddreg [dreg:$0x3];
	[sflag:s4] =	ssyncadd.s32 $0xFFFFD8F0  }
0x32: {  	[spmem:s6], [sflag:s5] =	dma.local [hbm:s1], $0x1400  }
0x33: {  	_ =	swait.ge [sflag:s4], $0x1400  }
0x34: {  	[sflag:s4] =	ssyncset.done $0x0  }
0x35: {  	[sflag:s4] =	ssyncadd.s32 $0xFFFFEC00  }
0x36: {  	[bflag:$0x0] =	sbarrier.arrive $0xFFFF  }
0x37: {  	s1 =	rddreg [dreg:$0x5]  }
0x38: {  	[tilespmem:s30], [sflag:$0x3] =	stream.linear.gather [hbm4b:s1+s30], $0x2710, $0x38;
	[tilespmem:$0x1B620] =	vst v63  }
0x39: {  	_ =	swait.ge [sflag:s4], $0x2710  }
0x3a: {  	[sflag:s4] =	ssyncset.done $0x0  }
0x3b: {  	[sflag:s4] =	ssyncadd.s32 $0xFFFFD8F0  }
0x3c: {  	[tilespmem:s8], [sflag:$0x1] =	stream.indirect.gather [hbm4b:s3+s7], $0x40, s30, s7, $0xb8;
	[tilespmem:$0x1B620] =	vst v63  }
0x3d: {  	_ = 	snop  }
0x3e: {  	[tilespmem:s10], [sflag:$0x2] =	stream.indirect.gather [hbm4b:s3+s7], $0x40, s7, s7, $0xb8;
	[tilespmem:$0x1B620] =	vst v63  }
0x3f: {  	_ =	swait.ge [sflag:s9], $0x6400  }
0x40: {  	[sflag:s9] =	ssyncset.done $0x0  }
0x41: {  	[sflag:s9] =	ssyncadd.s32 $0xFFFF9C00  }
0x42: {  	[spmem:s2] =	stream.indirect.scatter.add.f32 [tilespmem:s8], [sflag:$0x3], $0x40, s31, s7, $0xb8;
	[tilespmem:$0x1B620] =	vst v63  }
0x43: {  	_ =	swait.ge [sflag:s4], $0x6400  }
0x44: {  	[sflag:s4] =	ssyncset.done $0x0  }
0x45: {  	s1 =	rddreg [dreg:$0x7];
	[sflag:s4] =	ssyncadd.s32 $0xFFFF9C00  }
0x46: {  	[tilespmem:s8], [sflag:$0x1] =	stream.indirect.gather [hbm4b:s3+s7], $0x40, s1, s7, $0xb8;
	[tilespmem:$0x1B620] =	vst v63  }
0x47: {  	_ =	swait.ge [sflag:s11], $0x6400  }
0x48: {  	[sflag:s11] =	ssyncset.done $0x0  }
0x49: {  	s1 =	rddreg [dreg:$0x8];
	[sflag:s11] =	ssyncadd.s32 $0xFFFF9C00  }
0x4a: {  	[spmem:s2] =	stream.indirect.scatter.add.f32 [tilespmem:s10], [sflag:$0x3], $0x40, s1, s7, $0xb8;
	[tilespmem:$0x1B620] =	vst v63  }
0x4b: {  	_ =	swait.ge [sflag:s4], $0x6400  }
0x4c: {  	[sflag:s4] =	ssyncset.done $0x0  }
0x4d: {  	s1 =	rddreg [dreg:$0x9];
	[sflag:s4] =	ssyncadd.s32 $0xFFFF9C00  }
0x4e: {  	[tilespmem:s10], [sflag:$0x2] =	stream.indirect.gather [hbm4b:s3+s7], $0x40, s1, s7, $0xb8;
	[tilespmem:$0x1B620] =	vst v63  }
0x4f: {  	_ =	swait.ge [sflag:s9], $0x6400  }
0x50: {  	[sflag:s9] =	ssyncset.done $0x0  }
0x51: {  	s1 =	rddreg [dreg:$0xa];
	[sflag:s9] =	ssyncadd.s32 $0xFFFF9C00  }
0x52: {  	[spmem:s2] =	stream.indirect.scatter.add.f32 [tilespmem:s8], [sflag:$0x3], $0x40, s1, s7, $0xb8;
	[tilespmem:$0x1B620] =	vst v63  }
0x53: {  	_ =	swait.ge [sflag:s4], $0x6400  }
0x54: {  	[sflag:s4] =	ssyncset.done $0x0  }
0x55: {  	s1 =	rddreg [dreg:$0xb];
	[sflag:s4] =	ssyncadd.s32 $0xFFFF9C00  }
0x56: {  	[tilespmem:s8], [sflag:$0x1] =	stream.indirect.gather [hbm4b:s3+s7], $0x40, s1, s7, $0xb8;
	[tilespmem:$0x1B620] =	vst v63  }
0x57: {  	_ =	swait.ge [sflag:s11], $0x6400  }
0x58: {  	[sflag:s11] =	ssyncset.done $0x0  }
0x59: {  	s1 =	rddreg [dreg:$0xc];
	[sflag:s11] =	ssyncadd.s32 $0xFFFF9C00  }
0x5a: {  	[spmem:s2] =	stream.indirect.scatter.add.f32 [tilespmem:s10], [sflag:$0x3], $0x40, s1, s7, $0xb8;
	[tilespmem:$0x1B620] =	vst v63  }
0x5b: {  	_ =	swait.ge [sflag:s4], $0x6400  }
0x5c: {  	[sflag:s4] =	ssyncset.done $0x0  }
0x5d: {  	s1 =	rddreg [dreg:$0xd];
	[sflag:s4] =	ssyncadd.s32 $0xFFFF9C00  }
0x5e: {  	[tilespmem:s10], [sflag:$0x2] =	stream.indirect.gather [hbm4b:s3+s7], $0x40, s1, s7, $0xb8;
	[tilespmem:$0x1B620] =	vst v63  }
0x5f: {  	_ =	swait.ge [sflag:s9], $0x6400  }
0x60: {  	[sflag:s9] =	ssyncset.done $0x0  }
0x61: {  	s1 =	rddreg [dreg:$0xe];
	[sflag:s9] =	ssyncadd.s32 $0xFFFF9C00  }
0x62: {  	[spmem:s2] =	stream.indirect.scatter.add.f32 [tilespmem:s8], [sflag:$0x3], $0x40, s1, s7, $0xb8;
	[tilespmem:$0x1B620] =	vst v63  }
0x63: {  	_ =	swait.ge [sflag:s4], $0x6400  }
0x64: {  	[sflag:s4] =	ssyncset.done $0x0  }
0x65: {  	s1 =	rddreg [dreg:$0xf];
	[sflag:s4] =	ssyncadd.s32 $0xFFFF9C00  }
0x66: {  	[tilespmem:s8], [sflag:$0x1] =	stream.indirect.gather [hbm4b:s3+s7], $0x40, s1, s7, $0xb8;
	[tilespmem:$0x1B620] =	vst v63  }
0x67: {  	_ =	swait.ge [sflag:s11], $0x6400  }
0x68: {  	[sflag:s11] =	ssyncset.done $0x0  }
0x69: {  	s1 =	rddreg [dreg:$0x10];
	[sflag:s11] =	ssyncadd.s32 $0xFFFF9C00  }
0x6a: {  	[spmem:s2] =	stream.indirect.scatter.add.f32 [tilespmem:s10], [sflag:$0x3], $0x40, s1, s7, $0xb8;
	[tilespmem:$0x1B620] =	vst v63  }
0x6b: {  	_ =	swait.ge [sflag:s4], $0x6400  }
0x6c: {  	[sflag:s4] =	ssyncset.done $0x0  }
0x6d: {  	s1 =	rddreg [dreg:$0x11];
	[sflag:s4] =	ssyncadd.s32 $0xFFFF9C00  }
0x6e: {  	[tilespmem:s10], [sflag:$0x2] =	stream.indirect.gather [hbm4b:s3+s7], $0x40, s1, s7, $0xb8;
	[tilespmem:$0x1B620] =	vst v63  }
0x6f: {  	_ =	swait.ge [sflag:s9], $0x6400  }
0x70: {  	[sflag:s9] =	ssyncset.done $0x0  }
0x71: {  	s1 =	rddreg [dreg:$0x12];
	[sflag:s9] =	ssyncadd.s32 $0xFFFF9C00  }
0x72: {  	[spmem:s2] =	stream.indirect.scatter.add.f32 [tilespmem:s8], [sflag:$0x3], $0x40, s1, s7, $0xb8;
	[tilespmem:$0x1B620] =	vst v63  }
0x73: {  	_ =	swait.ge [sflag:s4], $0x6400  }
0x74: {  	[sflag:s4] =	ssyncset.done $0x0  }
0x75: {  	s1 =	rddreg [dreg:$0x13];
	[sflag:s4] =	ssyncadd.s32 $0xFFFF9C00  }
0x76: {  	[tilespmem:s8], [sflag:$0x1] =	stream.indirect.gather [hbm4b:s3+s7], $0x40, s1, s7, $0xb8;
	[tilespmem:$0x1B620] =	vst v63  }
0x77: {  	_ =	swait.ge [sflag:s11], $0x6400  }
0x78: {  	[sflag:s11] =	ssyncset.done $0x0  }
0x79: {  	s1 =	rddreg [dreg:$0x14];
	[sflag:s11] =	ssyncadd.s32 $0xFFFF9C00  }
0x7a: {  	[spmem:s2] =	stream.indirect.scatter.add.f32 [tilespmem:s10], [sflag:$0x3], $0x40, s1, s7, $0xb8;
	[tilespmem:$0x1B620] =	vst v63  }
0x7b: {  	_ =	swait.ge [sflag:s4], $0x6400  }
0x7c: {  	[sflag:s4] =	ssyncset.done $0x0  }
0x7d: {  	s1 =	rddreg [dreg:$0x15];
	[sflag:s4] =	ssyncadd.s32 $0xFFFF9C00  }
0x7e: {  	[tilespmem:s10], [sflag:$0x2] =	stream.indirect.gather [hbm4b:s3+s7], $0x40, s1, s7, $0xb8;
	[tilespmem:$0x1B620] =	vst v63  }
0x7f: {  	_ =	swait.ge [sflag:s9], $0x6400  }
0x80: {  	[sflag:s9] =	ssyncset.done $0x0  }
0x81: {  	s1 =	rddreg [dreg:$0x16];
	[sflag:s9] =	ssyncadd.s32 $0xFFFF9C00  }
0x82: {  	[spmem:s2] =	stream.indirect.scatter.add.f32 [tilespmem:s8], [sflag:$0x3], $0x40, s1, s7, $0xb8;
	[tilespmem:$0x1B620] =	vst v63  }
0x83: {  	_ =	swait.ge [sflag:s4], $0x6400  }
0x84: {  	[sflag:s4] =	ssyncset.done $0x0  }
0x85: {  	s1 =	rddreg [dreg:$0x17];
	[sflag:s4] =	ssyncadd.s32 $0xFFFF9C00  }
0x86: {  	[tilespmem:s8], [sflag:$0x1] =	stream.indirect.gather [hbm4b:s3+s7], $0x40, s1, s7, $0xb8;
	[tilespmem:$0x1B620] =	vst v63  }
0x87: {  	_ =	swait.ge [sflag:s11], $0x6400  }
0x88: {  	[sflag:s11] =	ssyncset.done $0x0  }
0x89: {  	s1 =	rddreg [dreg:$0x18];
	[sflag:s11] =	ssyncadd.s32 $0xFFFF9C00  }
0x8a: {  	[spmem:s2] =	stream.indirect.scatter.add.f32 [tilespmem:s10], [sflag:$0x3], $0x40, s1, s7, $0xb8;
	[tilespmem:$0x1B620] =	vst v63  }
0x8b: {  	_ =	swait.ge [sflag:s4], $0x6400  }
0x8c: {  	[sflag:s4] =	ssyncset.done $0x0  }
0x8d: {  	s1 =	rddreg [dreg:$0x19];
	[sflag:s4] =	ssyncadd.s32 $0xFFFF9C00  }
0x8e: {  	[tilespmem:s10], [sflag:$0x2] =	stream.indirect.gather [hbm4b:s3+s7], $0x40, s1, s7, $0xb8;
	[tilespmem:$0x1B620] =	vst v63  }
0x8f: {  	_ =	swait.ge [sflag:s9], $0x6400  }
0x90: {  	[sflag:s9] =	ssyncset.done $0x0  }
0x91: {  	s1 =	rddreg [dreg:$0x1a];
	[sflag:s9] =	ssyncadd.s32 $0xFFFF9C00  }
0x92: {  	[spmem:s2] =	stream.indirect.scatter.add.f32 [tilespmem:s8], [sflag:$0x3], $0x40, s1, s7, $0xb8;
	[tilespmem:$0x1B620] =	vst v63  }
0x93: {  	_ =	swait.ge [sflag:s4], $0x6400  }
0x94: {  	[sflag:s4] =	ssyncset.done $0x0  }
0x95: {  	s1 =	rddreg [dreg:$0x1b];
	[sflag:s4] =	ssyncadd.s32 $0xFFFF9C00  }
0x96: {  	[tilespmem:s8], [sflag:$0x1] =	stream.indirect.gather [hbm4b:s3+s7], $0x40, s1, s7, $0xb8;
	[tilespmem:$0x1B620] =	vst v63  }
0x97: {  	_ =	swait.ge [sflag:s11], $0x6400  }
0x98: {  	[sflag:s11] =	ssyncset.done $0x0  }
0x99: {  	s1 =	rddreg [dreg:$0x1c];
	[sflag:s11] =	ssyncadd.s32 $0xFFFF9C00  }
0x9a: {  	[spmem:s2] =	stream.indirect.scatter.add.f32 [tilespmem:s10], [sflag:$0x3], $0x40, s1, s7, $0xb8;
	[tilespmem:$0x1B620] =	vst v63  }
0x9b: {  	_ =	swait.ge [sflag:s4], $0x6400  }
0x9c: {  	[sflag:s4] =	ssyncset.done $0x0  }
0x9d: {  	s1 =	rddreg [dreg:$0x1d];
	[sflag:s4] =	ssyncadd.s32 $0xFFFF9C00  }
0x9e: {  	[tilespmem:s10], [sflag:$0x2] =	stream.indirect.gather [hbm4b:s3+s7], $0x40, s1, s7, $0xb8;
	[tilespmem:$0x1B620] =	vst v63  }
0x9f: {  	_ =	swait.ge [sflag:s9], $0x6400  }
0xa0: {  	[sflag:s9] =	ssyncset.done $0x0  }
0xa1: {  	s1 =	rddreg [dreg:$0x1e];
	[sflag:s9] =	ssyncadd.s32 $0xFFFF9C00  }
0xa2: {  	[spmem:s2] =	stream.indirect.scatter.add.f32 [tilespmem:s8], [sflag:$0x3], $0x40, s1, s7, $0xb8;
	[tilespmem:$0x1B620] =	vst v63  }
0xa3: {  	_ =	swait.ge [sflag:s4], $0x6400  }
0xa4: {  	[sflag:s4] =	ssyncset.done $0x0  }
0xa5: {  	s1 =	rddreg [dreg:$0x1f];
	[sflag:s4] =	ssyncadd.s32 $0xFFFF9C00  }
0xa6: {  	[tilespmem:s8], [sflag:$0x1] =	stream.indirect.gather [hbm4b:s3+s7], $0x40, s1, s7, $0xb8;
	[tilespmem:$0x1B620] =	vst v63  }
0xa7: {  	_ =	swait.ge [sflag:s11], $0x6400  }
0xa8: {  	s1 =	sld [smem:$0x7F9]  }
0xa9: {  	[sflag:s11] =	ssyncset.done $0x0  }
0xaa: {  	[sflag:s11] =	ssyncadd.s32 $0xFFFF9C00  }
0xab: {  	[spmem:s2] =	stream.indirect.scatter.add.f32 [tilespmem:s10], [sflag:$0x3], $0x40, s1, s7, $0xb8;
	[tilespmem:$0x1B620] =	vst v63  }
0xac: {  	_ =	swait.ge [sflag:s4], $0x6400  }
0xad: {  	s1 =	sld [smem:$0x7FA]  }
0xae: {  	[sflag:s4] =	ssyncset.done $0x0  }
0xaf: {  	[sflag:s4] =	ssyncadd.s32 $0xFFFF9C00  }
0xb0: {  	[tilespmem:s10], [sflag:$0x2] =	stream.indirect.gather [hbm4b:s3+s7], $0x40, s1, s7, $0xb8;
	[tilespmem:$0x1B620] =	vst v63  }
0xb1: {  	_ =	swait.ge [sflag:s9], $0x6400  }
0xb2: {  	s1 =	sld [smem:$0x7FB]  }
0xb3: {  	[sflag:s9] =	ssyncset.done $0x0  }
0xb4: {  	[sflag:s9] =	ssyncadd.s32 $0xFFFF9C00  }
0xb5: {  	[spmem:s2] =	stream.indirect.scatter.add.f32 [tilespmem:s8], [sflag:$0x3], $0x40, s1, s7, $0xb8;
	[tilespmem:$0x1B620] =	vst v63  }
0xb6: {  	_ =	swait.ge [sflag:s4], $0x6400  }
0xb7: {  	s1 =	sld [smem:$0x7FC]  }
0xb8: {  	[sflag:s4] =	ssyncset.done $0x0  }
0xb9: {  	[sflag:s4] =	ssyncadd.s32 $0xFFFF9C00  }
0xba: {  	[tilespmem:s8], [sflag:$0x1] =	stream.indirect.gather [hbm4b:s3+s7], $0x40, s1, s7, $0xb8;
	[tilespmem:$0x1B620] =	vst v63  }
0xbb: {  	_ =	swait.ge [sflag:s11], $0x6400  }
0xbc: {  	s1 =	sld [smem:$0x7FD]  }
0xbd: {  	[sflag:s11] =	ssyncset.done $0x0  }
0xbe: {  	[sflag:s11] =	ssyncadd.s32 $0xFFFF9C00  }
0xbf: {  	[spmem:s2] =	stream.indirect.scatter.add.f32 [tilespmem:s10], [sflag:$0x3], $0x40, s1, s7, $0xb8;
	[tilespmem:$0x1B620] =	vst v63  }
0xc0: {  	_ =	swait.ge [sflag:s4], $0x6400  }
0xc1: {  	[sflag:s4] =	ssyncset.done $0x0  }
0xc2: {  	[sflag:s4] =	ssyncadd.s32 $0xFFFF9C00  }
0xc3: {  	[tilespmem:s10], [sflag:$0x2] =	stream.indirect.gather [hbm4b:s3+s7], $0x40, s29, s7, $0xb8;
	[tilespmem:$0x1B620] =	vst v63  }
0xc4: {  	_ =	swait.ge [sflag:s9], $0x6400  }
0xc5: {  	[sflag:s9] =	ssyncset.done $0x0  }
0xc6: {  	[sflag:s9] =	ssyncadd.s32 $0xFFFF9C00  }
0xc7: {  	[spmem:s2] =	stream.indirect.scatter.add.f32 [tilespmem:s8], [sflag:$0x3], $0x40, s28, s7, $0xb8;
	[tilespmem:$0x1B620] =	vst v63  }
0xc8: {  	_ =	swait.ge [sflag:s4], $0x6400  }
0xc9: {  	[sflag:s4] =	ssyncset.done $0x0  }
0xca: {  	[sflag:s4] =	ssyncadd.s32 $0xFFFF9C00  }
0xcb: {  	[tilespmem:s8], [sflag:$0x1] =	stream.indirect.gather [hbm4b:s3+s7], $0x40, s26, s7, $0xb8;
	[tilespmem:$0x1B620] =	vst v63  }
0xcc: {  	_ =	swait.ge [sflag:s11], $0x6400  }
0xcd: {  	[sflag:s11] =	ssyncset.done $0x0  }
0xce: {  	[sflag:s11] =	ssyncadd.s32 $0xFFFF9C00  }
0xcf: {  	[spmem:s2] =	stream.indirect.scatter.add.f32 [tilespmem:s10], [sflag:$0x3], $0x40, s25, s7, $0xb8;
	[tilespmem:$0x1B620] =	vst v63  }
0xd0: {  	_ =	swait.ge [sflag:s4], $0x6400  }
0xd1: {  	[sflag:s4] =	ssyncset.done $0x0  }
0xd2: {  	[sflag:s4] =	ssyncadd.s32 $0xFFFF9C00  }
0xd3: {  	[tilespmem:s10], [sflag:$0x2] =	stream.indirect.gather [hbm4b:s3+s7], $0x40, s24, s7, $0xb8;
	[tilespmem:$0x1B620] =	vst v63  }
0xd4: {  	_ =	swait.ge [sflag:s9], $0x6400  }
0xd5: {  	[sflag:s9] =	ssyncset.done $0x0  }
0xd6: {  	[sflag:s9] =	ssyncadd.s32 $0xFFFF9C00  }
0xd7: {  	[spmem:s2] =	stream.indirect.scatter.add.f32 [tilespmem:s8], [sflag:$0x3], $0x40, s23, s7, $0xb8;
	[tilespmem:$0x1B620] =	vst v63  }
0xd8: {  	_ =	swait.ge [sflag:s4], $0x6400  }
0xd9: {  	[sflag:s4] =	ssyncset.done $0x0  }
0xda: {  	[sflag:s4] =	ssyncadd.s32 $0xFFFF9C00  }
0xdb: {  	[tilespmem:s8], [sflag:$0x1] =	stream.indirect.gather [hbm4b:s3+s7], $0x40, s22, s7, $0xb8;
	[tilespmem:$0x1B620] =	vst v63  }
0xdc: {  	_ =	swait.ge [sflag:s11], $0x6400  }
0xdd: {  	[sflag:s11] =	ssyncset.done $0x0  }
0xde: {  	[sflag:s11] =	ssyncadd.s32 $0xFFFF9C00  }
0xdf: {  	[spmem:s2] =	stream.indirect.scatter.add.f32 [tilespmem:s10], [sflag:$0x3], $0x40, s21, s7, $0xb8;
	[tilespmem:$0x1B620] =	vst v63  }
0xe0: {  	_ =	swait.ge [sflag:s4], $0x6400  }
0xe1: {  	[sflag:s4] =	ssyncset.done $0x0  }
0xe2: {  	[sflag:s4] =	ssyncadd.s32 $0xFFFF9C00  }
0xe3: {  	[tilespmem:s10], [sflag:$0x2] =	stream.indirect.gather [hbm4b:s3+s7], $0x40, s20, s7, $0xb8;
	[tilespmem:$0x1B620] =	vst v63  }
0xe4: {  	_ =	swait.ge [sflag:s9], $0x6400  }
0xe5: {  	[sflag:s9] =	ssyncset.done $0x0  }
0xe6: {  	[sflag:s9] =	ssyncadd.s32 $0xFFFF9C00  }
0xe7: {  	[spmem:s2] =	stream.indirect.scatter.add.f32 [tilespmem:s8], [sflag:$0x3], $0x40, s19, s7, $0xb8;
	[tilespmem:$0x1B620] =	vst v63  }
0xe8: {  	_ =	swait.ge [sflag:s4], $0x6400  }
0xe9: {  	[sflag:s4] =	ssyncset.done $0x0  }
0xea: {  	[sflag:s4] =	ssyncadd.s32 $0xFFFF9C00  }
0xeb: {  	[tilespmem:s8], [sflag:$0x1] =	stream.indirect.gather [hbm4b:s3+s7], $0x40, s17, s7, $0xb8;
	[tilespmem:$0x1B620] =	vst v63  }
0xec: {  	_ =	swait.ge [sflag:s11], $0x6400  }
0xed: {  	[sflag:s11] =	ssyncset.done $0x0  }
0xee: {  	[sflag:s11] =	ssyncadd.s32 $0xFFFF9C00  }
0xef: {  	[spmem:s2] =	stream.indirect.scatter.add.f32 [tilespmem:s10], [sflag:$0x3], $0x40, s18, s7, $0xb8;
	[tilespmem:$0x1B620] =	vst v63  }
0xf0: {  	_ =	swait.ge [sflag:s4], $0x6400  }
0xf1: {  	[sflag:s4] =	ssyncset.done $0x0  }
0xf2: {  	[sflag:s4] =	ssyncadd.s32 $0xFFFF9C00  }
0xf3: {  	[tilespmem:s10], [sflag:$0x2] =	stream.indirect.gather [hbm4b:s3+s7], $0x40, s16, s7, $0xb8;
	[tilespmem:$0x1B620] =	vst v63  }
0xf4: {  	_ =	swait.ge [sflag:s9], $0x6400  }
0xf5: {  	[sflag:s9] =	ssyncset.done $0x0  }
0xf6: {  	[sflag:s9] =	ssyncadd.s32 $0xFFFF9C00  }
0xf7: {  	[spmem:s2] =	stream.indirect.scatter.add.f32 [tilespmem:s8], [sflag:$0x3], $0x40, s15, s7, $0xb8;
	[tilespmem:$0x1B620] =	vst v63  }
0xf8: {  	_ =	swait.ge [sflag:s4], $0x6400  }
0xf9: {  	[sflag:s4] =	ssyncset.done $0x0  }
0xfa: {  	[sflag:s4] =	ssyncadd.s32 $0xFFFF9C00  }
0xfb: {  	[tilespmem:s8], [sflag:$0x1] =	stream.indirect.gather [hbm4b:s3+s7], $0x40, s14, s7, $0xb8;
	[tilespmem:$0x1B620] =	vst v63  }
0xfc: {  	_ =	swait.ge [sflag:s11], $0x6400  }
0xfd: {  	[sflag:s11] =	ssyncset.done $0x0  }
0xfe: {  	[sflag:s11] =	ssyncadd.s32 $0xFFFF9C00  }
0xff: {  	[spmem:s2] =	stream.indirect.scatter.add.f32 [tilespmem:s10], [sflag:$0x3], $0x40, s13, s7, $0xb8;
	[tilespmem:$0x1B620] =	vst v63  }
0x100: {  	_ =	swait.ge [sflag:s4], $0x6400  }
0x101: {  	[sflag:s4] =	ssyncset.done $0x0  }
0x102: {  	[sflag:s4] =	ssyncadd.s32 $0xFFFF9C00  }
0x103: {  	_ =	swait.ge [sflag:s9], $0x6400  }
0x104: {  	[sflag:s9] =	ssyncset.done $0x0  }
0x105: {  	[sflag:s9] =	ssyncadd.s32 $0xFFFF9C00  }
0x106: {  	[spmem:s2] =	stream.indirect.scatter.add.f32 [tilespmem:s8], [sflag:$0x3], $0x40, s12, s7, $0xb8;
	[tilespmem:$0x1B620] =	vst v63  }
0x107: {  	_ =	swait.ge [sflag:s4], $0x6400  }
0x108: {  	[sflag:s4] =	ssyncset.done $0x0  }
0x109: {  	p1 =	sne.s32 s0, $0x1;
	[sflag:s4] =	ssyncadd.s32 $0xFFFF9C00  }
.Ltmp1:
0x10a: {  	[bflag:$0x0] =	sbarrier.arrive $0xFFFF;
	(pc) =	sbr.rel @!p1 .LBB2_3-.Ltmp1, $4  }
0x10b: {  	s1 =	rddreg [dreg:$0x6]  }
0x10c: {  	[hbm:s1], [sflag:s5] =	dma.local [spmem:s6], $0x1400  }
0x10d: {  	s0 =	sadd.s32 $0xFFFFFFFF, s0;
	_ =	swait.ge [sflag:s4], $0x1400  }
0x10e: {  	p0 =	por $0x1, $0x1;
	s1 =	rddreg [dreg:$0x4];
	[sflag:s4] =	ssyncset.done $0x0  }
.LBB2_2:
0x10f: {  	[sflag:s4] =	ssyncadd.s32 $0xFFFFEC00  }
0x110: {  	[tilespmem:s31], [sflag:$0x3] =	stream.linear.gather [hbm4b:s1+s30], $0x2710, $0x38;
	[tilespmem:$0x1B620] =	vst v63  }
0x111: {  	_ =	swait.ge [sflag:s4], $0x2710  }
0x112: {  	[sflag:s4] =	ssyncset.done $0x0  }
0x113: {  	s1 =	rddreg [dreg:$0x3];
	[sflag:s4] =	ssyncadd.s32 $0xFFFFD8F0  }
0x114: {  	[spmem:s6], [sflag:s5] =	dma.local [hbm:s1], $0x1400  }
0x115: {  	_ =	swait.ge [sflag:s4], $0x1400  }
0x116: {  	[sflag:s4] =	ssyncset.done $0x0  }
0x117: {  	[sflag:s4] =	ssyncadd.s32 $0xFFFFEC00  }
0x118: {  	[bflag:$0x0] =	sbarrier.arrive $0xFFFF  }
0x119: {  	s1 =	rddreg [dreg:$0x5]  }
0x11a: {  	[tilespmem:s30], [sflag:$0x3] =	stream.linear.gather [hbm4b:s1+s30], $0x2710, $0x38;
	[tilespmem:$0x1B620] =	vst v63  }
0x11b: {  	_ =	swait.ge [sflag:s4], $0x2710  }
0x11c: {  	[sflag:s4] =	ssyncset.done $0x0  }
0x11d: {  	[sflag:s4] =	ssyncadd.s32 $0xFFFFD8F0  }
0x11e: {  	[tilespmem:s8], [sflag:$0x1] =	stream.indirect.gather [hbm4b:s3+s7], $0x40, s30, s7, $0xb8;
	[tilespmem:$0x1B620] =	vst v63  }
0x11f: {  	_ = 	snop  }
0x120: {  	[tilespmem:s10], [sflag:$0x2] =	stream.indirect.gather [hbm4b:s3+s7], $0x40, s7, s7, $0xb8;
	[tilespmem:$0x1B620] =	vst v63  }
0x121: {  	_ =	swait.ge [sflag:s9], $0x6400  }
0x122: {  	[sflag:s9] =	ssyncset.done $0x0  }
0x123: {  	[sflag:s9] =	ssyncadd.s32 $0xFFFF9C00  }
0x124: {  	[spmem:s2] =	stream.indirect.scatter.add.f32 [tilespmem:s8], [sflag:$0x3], $0x40, s31, s7, $0xb8;
	[tilespmem:$0x1B620] =	vst v63  }
0x125: {  	_ =	swait.ge [sflag:s4], $0x6400  }
0x126: {  	[sflag:s4] =	ssyncset.done $0x0  }
0x127: {  	s1 =	rddreg [dreg:$0x7];
	[sflag:s4] =	ssyncadd.s32 $0xFFFF9C00  }
0x128: {  	[tilespmem:s8], [sflag:$0x1] =	stream.indirect.gather [hbm4b:s3+s7], $0x40, s1, s7, $0xb8;
	[tilespmem:$0x1B620] =	vst v63  }
0x129: {  	_ =	swait.ge [sflag:s11], $0x6400  }
0x12a: {  	[sflag:s11] =	ssyncset.done $0x0  }
0x12b: {  	s1 =	rddreg [dreg:$0x8];
	[sflag:s11] =	ssyncadd.s32 $0xFFFF9C00  }
0x12c: {  	[spmem:s2] =	stream.indirect.scatter.add.f32 [tilespmem:s10], [sflag:$0x3], $0x40, s1, s7, $0xb8;
	[tilespmem:$0x1B620] =	vst v63  }
0x12d: {  	_ =	swait.ge [sflag:s4], $0x6400  }
0x12e: {  	[sflag:s4] =	ssyncset.done $0x0  }
0x12f: {  	s1 =	rddreg [dreg:$0x9];
	[sflag:s4] =	ssyncadd.s32 $0xFFFF9C00  }
0x130: {  	[tilespmem:s10], [sflag:$0x2] =	stream.indirect.gather [hbm4b:s3+s7], $0x40, s1, s7, $0xb8;
	[tilespmem:$0x1B620] =	vst v63  }
0x131: {  	_ =	swait.ge [sflag:s9], $0x6400  }
0x132: {  	[sflag:s9] =	ssyncset.done $0x0  }
0x133: {  	s1 =	rddreg [dreg:$0xa];
	[sflag:s9] =	ssyncadd.s32 $0xFFFF9C00  }
0x134: {  	[spmem:s2] =	stream.indirect.scatter.add.f32 [tilespmem:s8], [sflag:$0x3], $0x40, s1, s7, $0xb8;
	[tilespmem:$0x1B620] =	vst v63  }
0x135: {  	_ =	swait.ge [sflag:s4], $0x6400  }
0x136: {  	[sflag:s4] =	ssyncset.done $0x0  }
0x137: {  	s1 =	rddreg [dreg:$0xb];
	[sflag:s4] =	ssyncadd.s32 $0xFFFF9C00  }
0x138: {  	[tilespmem:s8], [sflag:$0x1] =	stream.indirect.gather [hbm4b:s3+s7], $0x40, s1, s7, $0xb8;
	[tilespmem:$0x1B620] =	vst v63  }
0x139: {  	_ =	swait.ge [sflag:s11], $0x6400  }
0x13a: {  	[sflag:s11] =	ssyncset.done $0x0  }
0x13b: {  	s1 =	rddreg [dreg:$0xc];
	[sflag:s11] =	ssyncadd.s32 $0xFFFF9C00  }
0x13c: {  	[spmem:s2] =	stream.indirect.scatter.add.f32 [tilespmem:s10], [sflag:$0x3], $0x40, s1, s7, $0xb8;
	[tilespmem:$0x1B620] =	vst v63  }
0x13d: {  	_ =	swait.ge [sflag:s4], $0x6400  }
0x13e: {  	[sflag:s4] =	ssyncset.done $0x0  }
0x13f: {  	s1 =	rddreg [dreg:$0xd];
	[sflag:s4] =	ssyncadd.s32 $0xFFFF9C00  }
0x140: {  	[tilespmem:s10], [sflag:$0x2] =	stream.indirect.gather [hbm4b:s3+s7], $0x40, s1, s7, $0xb8;
	[tilespmem:$0x1B620] =	vst v63  }
0x141: {  	_ =	swait.ge [sflag:s9], $0x6400  }
0x142: {  	[sflag:s9] =	ssyncset.done $0x0  }
0x143: {  	s1 =	rddreg [dreg:$0xe];
	[sflag:s9] =	ssyncadd.s32 $0xFFFF9C00  }
0x144: {  	[spmem:s2] =	stream.indirect.scatter.add.f32 [tilespmem:s8], [sflag:$0x3], $0x40, s1, s7, $0xb8;
	[tilespmem:$0x1B620] =	vst v63  }
0x145: {  	_ =	swait.ge [sflag:s4], $0x6400  }
0x146: {  	[sflag:s4] =	ssyncset.done $0x0  }
0x147: {  	s1 =	rddreg [dreg:$0xf];
	[sflag:s4] =	ssyncadd.s32 $0xFFFF9C00  }
0x148: {  	[tilespmem:s8], [sflag:$0x1] =	stream.indirect.gather [hbm4b:s3+s7], $0x40, s1, s7, $0xb8;
	[tilespmem:$0x1B620] =	vst v63  }
0x149: {  	_ =	swait.ge [sflag:s11], $0x6400  }
0x14a: {  	[sflag:s11] =	ssyncset.done $0x0  }
0x14b: {  	s1 =	rddreg [dreg:$0x10];
	[sflag:s11] =	ssyncadd.s32 $0xFFFF9C00  }
0x14c: {  	[spmem:s2] =	stream.indirect.scatter.add.f32 [tilespmem:s10], [sflag:$0x3], $0x40, s1, s7, $0xb8;
	[tilespmem:$0x1B620] =	vst v63  }
0x14d: {  	_ =	swait.ge [sflag:s4], $0x6400  }
0x14e: {  	[sflag:s4] =	ssyncset.done $0x0  }
0x14f: {  	s1 =	rddreg [dreg:$0x11];
	[sflag:s4] =	ssyncadd.s32 $0xFFFF9C00  }
0x150: {  	[tilespmem:s10], [sflag:$0x2] =	stream.indirect.gather [hbm4b:s3+s7], $0x40, s1, s7, $0xb8;
	[tilespmem:$0x1B620] =	vst v63  }
0x151: {  	_ =	swait.ge [sflag:s9], $0x6400  }
0x152: {  	[sflag:s9] =	ssyncset.done $0x0  }
0x153: {  	s1 =	rddreg [dreg:$0x12];
	[sflag:s9] =	ssyncadd.s32 $0xFFFF9C00  }
0x154: {  	[spmem:s2] =	stream.indirect.scatter.add.f32 [tilespmem:s8], [sflag:$0x3], $0x40, s1, s7, $0xb8;
	[tilespmem:$0x1B620] =	vst v63  }
0x155: {  	_ =	swait.ge [sflag:s4], $0x6400  }
0x156: {  	[sflag:s4] =	ssyncset.done $0x0  }
0x157: {  	s1 =	rddreg [dreg:$0x13];
	[sflag:s4] =	ssyncadd.s32 $0xFFFF9C00  }
0x158: {  	[tilespmem:s8], [sflag:$0x1] =	stream.indirect.gather [hbm4b:s3+s7], $0x40, s1, s7, $0xb8;
	[tilespmem:$0x1B620] =	vst v63  }
0x159: {  	_ =	swait.ge [sflag:s11], $0x6400  }
0x15a: {  	[sflag:s11] =	ssyncset.done $0x0  }
0x15b: {  	s1 =	rddreg [dreg:$0x14];
	[sflag:s11] =	ssyncadd.s32 $0xFFFF9C00  }
0x15c: {  	[spmem:s2] =	stream.indirect.scatter.add.f32 [tilespmem:s10], [sflag:$0x3], $0x40, s1, s7, $0xb8;
	[tilespmem:$0x1B620] =	vst v63  }
0x15d: {  	_ =	swait.ge [sflag:s4], $0x6400  }
0x15e: {  	[sflag:s4] =	ssyncset.done $0x0  }
0x15f: {  	s1 =	rddreg [dreg:$0x15];
	[sflag:s4] =	ssyncadd.s32 $0xFFFF9C00  }
0x160: {  	[tilespmem:s10], [sflag:$0x2] =	stream.indirect.gather [hbm4b:s3+s7], $0x40, s1, s7, $0xb8;
	[tilespmem:$0x1B620] =	vst v63  }
0x161: {  	_ =	swait.ge [sflag:s9], $0x6400  }
0x162: {  	[sflag:s9] =	ssyncset.done $0x0  }
0x163: {  	s1 =	rddreg [dreg:$0x16];
	[sflag:s9] =	ssyncadd.s32 $0xFFFF9C00  }
0x164: {  	[spmem:s2] =	stream.indirect.scatter.add.f32 [tilespmem:s8], [sflag:$0x3], $0x40, s1, s7, $0xb8;
	[tilespmem:$0x1B620] =	vst v63  }
0x165: {  	_ =	swait.ge [sflag:s4], $0x6400  }
0x166: {  	[sflag:s4] =	ssyncset.done $0x0  }
0x167: {  	s1 =	rddreg [dreg:$0x17];
	[sflag:s4] =	ssyncadd.s32 $0xFFFF9C00  }
0x168: {  	[tilespmem:s8], [sflag:$0x1] =	stream.indirect.gather [hbm4b:s3+s7], $0x40, s1, s7, $0xb8;
	[tilespmem:$0x1B620] =	vst v63  }
0x169: {  	_ =	swait.ge [sflag:s11], $0x6400  }
0x16a: {  	[sflag:s11] =	ssyncset.done $0x0  }
0x16b: {  	s1 =	rddreg [dreg:$0x18];
	[sflag:s11] =	ssyncadd.s32 $0xFFFF9C00  }
0x16c: {  	[spmem:s2] =	stream.indirect.scatter.add.f32 [tilespmem:s10], [sflag:$0x3], $0x40, s1, s7, $0xb8;
	[tilespmem:$0x1B620] =	vst v63  }
0x16d: {  	_ =	swait.ge [sflag:s4], $0x6400  }
0x16e: {  	[sflag:s4] =	ssyncset.done $0x0  }
0x16f: {  	s1 =	rddreg [dreg:$0x19];
	[sflag:s4] =	ssyncadd.s32 $0xFFFF9C00  }
0x170: {  	[tilespmem:s10], [sflag:$0x2] =	stream.indirect.gather [hbm4b:s3+s7], $0x40, s1, s7, $0xb8;
	[tilespmem:$0x1B620] =	vst v63  }
0x171: {  	_ =	swait.ge [sflag:s9], $0x6400  }
0x172: {  	[sflag:s9] =	ssyncset.done $0x0  }
0x173: {  	s1 =	rddreg [dreg:$0x1a];
	[sflag:s9] =	ssyncadd.s32 $0xFFFF9C00  }
0x174: {  	[spmem:s2] =	stream.indirect.scatter.add.f32 [tilespmem:s8], [sflag:$0x3], $0x40, s1, s7, $0xb8;
	[tilespmem:$0x1B620] =	vst v63  }
0x175: {  	_ =	swait.ge [sflag:s4], $0x6400  }
0x176: {  	[sflag:s4] =	ssyncset.done $0x0  }
0x177: {  	s1 =	rddreg [dreg:$0x1b];
	[sflag:s4] =	ssyncadd.s32 $0xFFFF9C00  }
0x178: {  	[tilespmem:s8], [sflag:$0x1] =	stream.indirect.gather [hbm4b:s3+s7], $0x40, s1, s7, $0xb8;
	[tilespmem:$0x1B620] =	vst v63  }
0x179: {  	_ =	swait.ge [sflag:s11], $0x6400  }
0x17a: {  	[sflag:s11] =	ssyncset.done $0x0  }
0x17b: {  	s1 =	rddreg [dreg:$0x1c];
	[sflag:s11] =	ssyncadd.s32 $0xFFFF9C00  }
0x17c: {  	[spmem:s2] =	stream.indirect.scatter.add.f32 [tilespmem:s10], [sflag:$0x3], $0x40, s1, s7, $0xb8;
	[tilespmem:$0x1B620] =	vst v63  }
0x17d: {  	_ =	swait.ge [sflag:s4], $0x6400  }
0x17e: {  	[sflag:s4] =	ssyncset.done $0x0  }
0x17f: {  	s1 =	rddreg [dreg:$0x1d];
	[sflag:s4] =	ssyncadd.s32 $0xFFFF9C00  }
0x180: {  	[tilespmem:s10], [sflag:$0x2] =	stream.indirect.gather [hbm4b:s3+s7], $0x40, s1, s7, $0xb8;
	[tilespmem:$0x1B620] =	vst v63  }
0x181: {  	_ =	swait.ge [sflag:s9], $0x6400  }
0x182: {  	[sflag:s9] =	ssyncset.done $0x0  }
0x183: {  	s1 =	rddreg [dreg:$0x1e];
	[sflag:s9] =	ssyncadd.s32 $0xFFFF9C00  }
0x184: {  	[spmem:s2] =	stream.indirect.scatter.add.f32 [tilespmem:s8], [sflag:$0x3], $0x40, s1, s7, $0xb8;
	[tilespmem:$0x1B620] =	vst v63  }
0x185: {  	_ =	swait.ge [sflag:s4], $0x6400  }
0x186: {  	[sflag:s4] =	ssyncset.done $0x0  }
0x187: {  	s1 =	rddreg [dreg:$0x1f];
	[sflag:s4] =	ssyncadd.s32 $0xFFFF9C00  }
0x188: {  	[tilespmem:s8], [sflag:$0x1] =	stream.indirect.gather [hbm4b:s3+s7], $0x40, s1, s7, $0xb8;
	[tilespmem:$0x1B620] =	vst v63  }
0x189: {  	_ =	swait.ge [sflag:s11], $0x6400  }
0x18a: {  	s1 =	sld [smem:$0x7F9]  }
0x18b: {  	[sflag:s11] =	ssyncset.done $0x0  }
0x18c: {  	[sflag:s11] =	ssyncadd.s32 $0xFFFF9C00  }
0x18d: {  	[spmem:s2] =	stream.indirect.scatter.add.f32 [tilespmem:s10], [sflag:$0x3], $0x40, s1, s7, $0xb8;
	[tilespmem:$0x1B620] =	vst v63  }
0x18e: {  	_ =	swait.ge [sflag:s4], $0x6400  }
0x18f: {  	s1 =	sld [smem:$0x7FA]  }
0x190: {  	[sflag:s4] =	ssyncset.done $0x0  }
0x191: {  	[sflag:s4] =	ssyncadd.s32 $0xFFFF9C00  }
0x192: {  	[tilespmem:s10], [sflag:$0x2] =	stream.indirect.gather [hbm4b:s3+s7], $0x40, s1, s7, $0xb8;
	[tilespmem:$0x1B620] =	vst v63  }
0x193: {  	_ =	swait.ge [sflag:s9], $0x6400  }
0x194: {  	s1 =	sld [smem:$0x7FB]  }
0x195: {  	[sflag:s9] =	ssyncset.done $0x0  }
0x196: {  	[sflag:s9] =	ssyncadd.s32 $0xFFFF9C00  }
0x197: {  	[spmem:s2] =	stream.indirect.scatter.add.f32 [tilespmem:s8], [sflag:$0x3], $0x40, s1, s7, $0xb8;
	[tilespmem:$0x1B620] =	vst v63  }
0x198: {  	_ =	swait.ge [sflag:s4], $0x6400  }
0x199: {  	s1 =	sld [smem:$0x7FC]  }
0x19a: {  	[sflag:s4] =	ssyncset.done $0x0  }
0x19b: {  	[sflag:s4] =	ssyncadd.s32 $0xFFFF9C00  }
0x19c: {  	[tilespmem:s8], [sflag:$0x1] =	stream.indirect.gather [hbm4b:s3+s7], $0x40, s1, s7, $0xb8;
	[tilespmem:$0x1B620] =	vst v63  }
0x19d: {  	_ =	swait.ge [sflag:s11], $0x6400  }
0x19e: {  	s1 =	sld [smem:$0x7FD]  }
0x19f: {  	[sflag:s11] =	ssyncset.done $0x0  }
0x1a0: {  	[sflag:s11] =	ssyncadd.s32 $0xFFFF9C00  }
0x1a1: {  	[spmem:s2] =	stream.indirect.scatter.add.f32 [tilespmem:s10], [sflag:$0x3], $0x40, s1, s7, $0xb8;
	[tilespmem:$0x1B620] =	vst v63  }
0x1a2: {  	_ =	swait.ge [sflag:s4], $0x6400  }
0x1a3: {  	[sflag:s4] =	ssyncset.done $0x0  }
0x1a4: {  	[sflag:s4] =	ssyncadd.s32 $0xFFFF9C00  }
0x1a5: {  	[tilespmem:s10], [sflag:$0x2] =	stream.indirect.gather [hbm4b:s3+s7], $0x40, s29, s7, $0xb8;
	[tilespmem:$0x1B620] =	vst v63  }
0x1a6: {  	_ =	swait.ge [sflag:s9], $0x6400  }
0x1a7: {  	[sflag:s9] =	ssyncset.done $0x0  }
0x1a8: {  	[sflag:s9] =	ssyncadd.s32 $0xFFFF9C00  }
0x1a9: {  	[spmem:s2] =	stream.indirect.scatter.add.f32 [tilespmem:s8], [sflag:$0x3], $0x40, s28, s7, $0xb8;
	[tilespmem:$0x1B620] =	vst v63  }
0x1aa: {  	_ =	swait.ge [sflag:s4], $0x6400  }
0x1ab: {  	[sflag:s4] =	ssyncset.done $0x0  }
0x1ac: {  	[sflag:s4] =	ssyncadd.s32 $0xFFFF9C00  }
0x1ad: {  	[tilespmem:s8], [sflag:$0x1] =	stream.indirect.gather [hbm4b:s3+s7], $0x40, s26, s7, $0xb8;
	[tilespmem:$0x1B620] =	vst v63  }
0x1ae: {  	_ =	swait.ge [sflag:s11], $0x6400  }
0x1af: {  	[sflag:s11] =	ssyncset.done $0x0  }
0x1b0: {  	[sflag:s11] =	ssyncadd.s32 $0xFFFF9C00  }
0x1b1: {  	[spmem:s2] =	stream.indirect.scatter.add.f32 [tilespmem:s10], [sflag:$0x3], $0x40, s25, s7, $0xb8;
	[tilespmem:$0x1B620] =	vst v63  }
0x1b2: {  	_ =	swait.ge [sflag:s4], $0x6400  }
0x1b3: {  	[sflag:s4] =	ssyncset.done $0x0  }
0x1b4: {  	[sflag:s4] =	ssyncadd.s32 $0xFFFF9C00  }
0x1b5: {  	[tilespmem:s10], [sflag:$0x2] =	stream.indirect.gather [hbm4b:s3+s7], $0x40, s24, s7, $0xb8;
	[tilespmem:$0x1B620] =	vst v63  }
0x1b6: {  	_ =	swait.ge [sflag:s9], $0x6400  }
0x1b7: {  	[sflag:s9] =	ssyncset.done $0x0  }
0x1b8: {  	[sflag:s9] =	ssyncadd.s32 $0xFFFF9C00  }
0x1b9: {  	[spmem:s2] =	stream.indirect.scatter.add.f32 [tilespmem:s8], [sflag:$0x3], $0x40, s23, s7, $0xb8;
	[tilespmem:$0x1B620] =	vst v63  }
0x1ba: {  	_ =	swait.ge [sflag:s4], $0x6400  }
0x1bb: {  	[sflag:s4] =	ssyncset.done $0x0  }
0x1bc: {  	[sflag:s4] =	ssyncadd.s32 $0xFFFF9C00  }
0x1bd: {  	[tilespmem:s8], [sflag:$0x1] =	stream.indirect.gather [hbm4b:s3+s7], $0x40, s22, s7, $0xb8;
	[tilespmem:$0x1B620] =	vst v63  }
0x1be: {  	_ =	swait.ge [sflag:s11], $0x6400  }
0x1bf: {  	[sflag:s11] =	ssyncset.done $0x0  }
0x1c0: {  	[sflag:s11] =	ssyncadd.s32 $0xFFFF9C00  }
0x1c1: {  	[spmem:s2] =	stream.indirect.scatter.add.f32 [tilespmem:s10], [sflag:$0x3], $0x40, s21, s7, $0xb8;
	[tilespmem:$0x1B620] =	vst v63  }
0x1c2: {  	_ =	swait.ge [sflag:s4], $0x6400  }
0x1c3: {  	[sflag:s4] =	ssyncset.done $0x0  }
0x1c4: {  	[sflag:s4] =	ssyncadd.s32 $0xFFFF9C00  }
0x1c5: {  	[tilespmem:s10], [sflag:$0x2] =	stream.indirect.gather [hbm4b:s3+s7], $0x40, s20, s7, $0xb8;
	[tilespmem:$0x1B620] =	vst v63  }
0x1c6: {  	_ =	swait.ge [sflag:s9], $0x6400  }
0x1c7: {  	[sflag:s9] =	ssyncset.done $0x0  }
0x1c8: {  	[sflag:s9] =	ssyncadd.s32 $0xFFFF9C00  }
0x1c9: {  	[spmem:s2] =	stream.indirect.scatter.add.f32 [tilespmem:s8], [sflag:$0x3], $0x40, s19, s7, $0xb8;
	[tilespmem:$0x1B620] =	vst v63  }
0x1ca: {  	_ =	swait.ge [sflag:s4], $0x6400  }
0x1cb: {  	[sflag:s4] =	ssyncset.done $0x0  }
0x1cc: {  	[sflag:s4] =	ssyncadd.s32 $0xFFFF9C00  }
0x1cd: {  	[tilespmem:s8], [sflag:$0x1] =	stream.indirect.gather [hbm4b:s3+s7], $0x40, s17, s7, $0xb8;
	[tilespmem:$0x1B620] =	vst v63  }
0x1ce: {  	_ =	swait.ge [sflag:s11], $0x6400  }
0x1cf: {  	[sflag:s11] =	ssyncset.done $0x0  }
0x1d0: {  	[sflag:s11] =	ssyncadd.s32 $0xFFFF9C00  }
0x1d1: {  	[spmem:s2] =	stream.indirect.scatter.add.f32 [tilespmem:s10], [sflag:$0x3], $0x40, s18, s7, $0xb8;
	[tilespmem:$0x1B620] =	vst v63  }
0x1d2: {  	_ =	swait.ge [sflag:s4], $0x6400  }
0x1d3: {  	[sflag:s4] =	ssyncset.done $0x0  }
0x1d4: {  	[sflag:s4] =	ssyncadd.s32 $0xFFFF9C00  }
0x1d5: {  	[tilespmem:s10], [sflag:$0x2] =	stream.indirect.gather [hbm4b:s3+s7], $0x40, s16, s7, $0xb8;
	[tilespmem:$0x1B620] =	vst v63  }
0x1d6: {  	_ =	swait.ge [sflag:s9], $0x6400  }
0x1d7: {  	[sflag:s9] =	ssyncset.done $0x0  }
0x1d8: {  	[sflag:s9] =	ssyncadd.s32 $0xFFFF9C00  }
0x1d9: {  	[spmem:s2] =	stream.indirect.scatter.add.f32 [tilespmem:s8], [sflag:$0x3], $0x40, s15, s7, $0xb8;
	[tilespmem:$0x1B620] =	vst v63  }
0x1da: {  	_ =	swait.ge [sflag:s4], $0x6400  }
0x1db: {  	[sflag:s4] =	ssyncset.done $0x0  }
0x1dc: {  	[sflag:s4] =	ssyncadd.s32 $0xFFFF9C00  }
0x1dd: {  	[tilespmem:s8], [sflag:$0x1] =	stream.indirect.gather [hbm4b:s3+s7], $0x40, s14, s7, $0xb8;
	[tilespmem:$0x1B620] =	vst v63  }
0x1de: {  	_ =	swait.ge [sflag:s11], $0x6400  }
0x1df: {  	[sflag:s11] =	ssyncset.done $0x0  }
0x1e0: {  	[sflag:s11] =	ssyncadd.s32 $0xFFFF9C00  }
0x1e1: {  	[spmem:s2] =	stream.indirect.scatter.add.f32 [tilespmem:s10], [sflag:$0x3], $0x40, s13, s7, $0xb8;
	[tilespmem:$0x1B620] =	vst v63  }
0x1e2: {  	_ =	swait.ge [sflag:s4], $0x6400  }
0x1e3: {  	[sflag:s4] =	ssyncset.done $0x0  }
0x1e4: {  	[sflag:s4] =	ssyncadd.s32 $0xFFFF9C00  }
0x1e5: {  	_ =	swait.ge [sflag:s9], $0x6400  }
0x1e6: {  	[sflag:s9] =	ssyncset.done $0x0  }
0x1e7: {  	[sflag:s9] =	ssyncadd.s32 $0xFFFF9C00  }
0x1e8: {  	[spmem:s2] =	stream.indirect.scatter.add.f32 [tilespmem:s8], [sflag:$0x3], $0x40, s12, s7, $0xb8;
	[tilespmem:$0x1B620] =	vst v63  }
0x1e9: {  	_ =	swait.ge [sflag:s4], $0x6400  }
0x1ea: {  	[sflag:s4] =	ssyncset.done $0x0  }
0x1eb: {  	p1 =	sne.s32 s0, $0x1;
	[sflag:s4] =	ssyncadd.s32 $0xFFFF9C00  }
.Ltmp2:
0x1ec: {  	[bflag:$0x0] =	sbarrier.arrive $0xFFFF;
	(pc) =	sbr.rel @p1 .LBB2_2-.Ltmp2, $4  }
0x1ed: {  	s1 =	rddreg [dreg:$0x6]  }
0x1ee: {  	[hbm:s1], [sflag:s5] =	dma.local [spmem:s6], $0x1400  }
0x1ef: {  	_ =	swait.ge [sflag:s4], $0x1400  }
0x1f0: {  	s0 =	sadd.s32 $0xFFFFFFFF, s0;
	s1 =	rddreg [dreg:$0x4];
	[sflag:s4] =	ssyncset.done $0x0  }
.LBB2_3:
0x1f1: {  	[sflag:s4] =	ssyncadd.s32 @p0 $0xFFFFEC00  }
0x1f2: {  	[tilespmem:s31], [sflag:$0x3] =	stream.linear.gather [hbm4b:s1+s30], $0x2710, $0x38;
	[tilespmem:$0x1B620] =	vst v63  }
0x1f3: {  	_ =	swait.ge [sflag:s4], $0x2710  }
0x1f4: {  	[sflag:s4] =	ssyncset.done $0x0  }
0x1f5: {  	s0 =	rddreg [dreg:$0x3];
	[sflag:s4] =	ssyncadd.s32 $0xFFFFD8F0  }
0x1f6: {  	[spmem:s6], [sflag:s5] =	dma.local [hbm:s0], $0x1400  }
0x1f7: {  	_ =	swait.ge [sflag:s4], $0x1400  }
0x1f8: {  	[sflag:s4] =	ssyncset.done $0x0  }
0x1f9: {  	[sflag:s4] =	ssyncadd.s32 $0xFFFFEC00  }
0x1fa: {  	[bflag:$0x0] =	sbarrier.arrive $0xFFFF  }
0x1fb: {  	s1 =	rddreg [dreg:$0x5]  }
0x1fc: {  	[tilespmem:s30], [sflag:$0x3] =	stream.linear.gather [hbm4b:s1+s30], $0x2710, $0x38;
	[tilespmem:$0x1B620] =	vst v63  }
0x1fd: {  	_ =	swait.ge [sflag:s4], $0x2710  }
0x1fe: {  	[sflag:s4] =	ssyncset.done $0x0  }
0x1ff: {  	[sflag:s4] =	ssyncadd.s32 $0xFFFFD8F0  }
0x200: {  	[tilespmem:s8], [sflag:$0x1] =	stream.indirect.gather [hbm4b:s3+s7], $0x40, s30, s7, $0xb8;
	[tilespmem:$0x1B620] =	vst v63  }
0x201: {  	_ = 	snop  }
0x202: {  	[tilespmem:s10], [sflag:$0x2] =	stream.indirect.gather [hbm4b:s3+s7], $0x40, s7, s7, $0xb8;
	[tilespmem:$0x1B620] =	vst v63  }
0x203: {  	_ =	swait.ge [sflag:s9], $0x6400  }
0x204: {  	[sflag:s9] =	ssyncset.done $0x0  }
0x205: {  	[sflag:s9] =	ssyncadd.s32 $0xFFFF9C00  }
0x206: {  	[spmem:s2] =	stream.indirect.scatter.add.f32 [tilespmem:s8], [sflag:$0x3], $0x40, s31, s7, $0xb8;
	[tilespmem:$0x1B620] =	vst v63  }
0x207: {  	_ =	swait.ge [sflag:s4], $0x6400  }
0x208: {  	[sflag:s4] =	ssyncset.done $0x0  }
0x209: {  	s30 =	rddreg [dreg:$0x7];
	[sflag:s4] =	ssyncadd.s32 $0xFFFF9C00  }
0x20a: {  	[tilespmem:s8], [sflag:$0x1] =	stream.indirect.gather [hbm4b:s3+s7], $0x40, s30, s7, $0xb8;
	[tilespmem:$0x1B620] =	vst v63  }
0x20b: {  	_ =	swait.ge [sflag:s11], $0x6400  }
0x20c: {  	[sflag:s11] =	ssyncset.done $0x0  }
0x20d: {  	s31 =	rddreg [dreg:$0x8];
	[sflag:s11] =	ssyncadd.s32 $0xFFFF9C00  }
0x20e: {  	[spmem:s2] =	stream.indirect.scatter.add.f32 [tilespmem:s10], [sflag:$0x3], $0x40, s31, s7, $0xb8;
	[tilespmem:$0x1B620] =	vst v63  }
0x20f: {  	_ =	swait.ge [sflag:s4], $0x6400  }
0x210: {  	[sflag:s4] =	ssyncset.done $0x0  }
0x211: {  	s1 =	rddreg [dreg:$0x9];
	[sflag:s4] =	ssyncadd.s32 $0xFFFF9C00  }
0x212: {  	[tilespmem:s10], [sflag:$0x2] =	stream.indirect.gather [hbm4b:s3+s7], $0x40, s1, s7, $0xb8;
	[tilespmem:$0x1B620] =	vst v63  }
0x213: {  	_ =	swait.ge [sflag:s9], $0x6400  }
0x214: {  	[sflag:s9] =	ssyncset.done $0x0  }
0x215: {  	s30 =	rddreg [dreg:$0xa];
	[sflag:s9] =	ssyncadd.s32 $0xFFFF9C00  }
0x216: {  	[spmem:s2] =	stream.indirect.scatter.add.f32 [tilespmem:s8], [sflag:$0x3], $0x40, s30, s7, $0xb8;
	[tilespmem:$0x1B620] =	vst v63  }
0x217: {  	_ =	swait.ge [sflag:s4], $0x6400  }
0x218: {  	[sflag:s4] =	ssyncset.done $0x0  }
0x219: {  	s31 =	rddreg [dreg:$0xb];
	[sflag:s4] =	ssyncadd.s32 $0xFFFF9C00  }
0x21a: {  	[tilespmem:s8], [sflag:$0x1] =	stream.indirect.gather [hbm4b:s3+s7], $0x40, s31, s7, $0xb8;
	[tilespmem:$0x1B620] =	vst v63  }
0x21b: {  	_ =	swait.ge [sflag:s11], $0x6400  }
0x21c: {  	[sflag:s11] =	ssyncset.done $0x0  }
0x21d: {  	s1 =	rddreg [dreg:$0xc];
	[sflag:s11] =	ssyncadd.s32 $0xFFFF9C00  }
0x21e: {  	[spmem:s2] =	stream.indirect.scatter.add.f32 [tilespmem:s10], [sflag:$0x3], $0x40, s1, s7, $0xb8;
	[tilespmem:$0x1B620] =	vst v63  }
0x21f: {  	_ =	swait.ge [sflag:s4], $0x6400  }
0x220: {  	[sflag:s4] =	ssyncset.done $0x0  }
0x221: {  	s30 =	rddreg [dreg:$0xd];
	[sflag:s4] =	ssyncadd.s32 $0xFFFF9C00  }
0x222: {  	[tilespmem:s10], [sflag:$0x2] =	stream.indirect.gather [hbm4b:s3+s7], $0x40, s30, s7, $0xb8;
	[tilespmem:$0x1B620] =	vst v63  }
0x223: {  	_ =	swait.ge [sflag:s9], $0x6400  }
0x224: {  	[sflag:s9] =	ssyncset.done $0x0  }
0x225: {  	s31 =	rddreg [dreg:$0xe];
	[sflag:s9] =	ssyncadd.s32 $0xFFFF9C00  }
0x226: {  	[spmem:s2] =	stream.indirect.scatter.add.f32 [tilespmem:s8], [sflag:$0x3], $0x40, s31, s7, $0xb8;
	[tilespmem:$0x1B620] =	vst v63  }
0x227: {  	_ =	swait.ge [sflag:s4], $0x6400  }
0x228: {  	[sflag:s4] =	ssyncset.done $0x0  }
0x229: {  	s1 =	rddreg [dreg:$0xf];
	[sflag:s4] =	ssyncadd.s32 $0xFFFF9C00  }
0x22a: {  	[tilespmem:s8], [sflag:$0x1] =	stream.indirect.gather [hbm4b:s3+s7], $0x40, s1, s7, $0xb8;
	[tilespmem:$0x1B620] =	vst v63  }
0x22b: {  	_ =	swait.ge [sflag:s11], $0x6400  }
0x22c: {  	[sflag:s11] =	ssyncset.done $0x0  }
0x22d: {  	s30 =	rddreg [dreg:$0x10];
	[sflag:s11] =	ssyncadd.s32 $0xFFFF9C00  }
0x22e: {  	[spmem:s2] =	stream.indirect.scatter.add.f32 [tilespmem:s10], [sflag:$0x3], $0x40, s30, s7, $0xb8;
	[tilespmem:$0x1B620] =	vst v63  }
0x22f: {  	_ =	swait.ge [sflag:s4], $0x6400  }
0x230: {  	[sflag:s4] =	ssyncset.done $0x0  }
0x231: {  	s31 =	rddreg [dreg:$0x11];
	[sflag:s4] =	ssyncadd.s32 $0xFFFF9C00  }
0x232: {  	[tilespmem:s10], [sflag:$0x2] =	stream.indirect.gather [hbm4b:s3+s7], $0x40, s31, s7, $0xb8;
	[tilespmem:$0x1B620] =	vst v63  }
0x233: {  	_ =	swait.ge [sflag:s9], $0x6400  }
0x234: {  	[sflag:s9] =	ssyncset.done $0x0  }
0x235: {  	s1 =	rddreg [dreg:$0x12];
	[sflag:s9] =	ssyncadd.s32 $0xFFFF9C00  }
0x236: {  	[spmem:s2] =	stream.indirect.scatter.add.f32 [tilespmem:s8], [sflag:$0x3], $0x40, s1, s7, $0xb8;
	[tilespmem:$0x1B620] =	vst v63  }
0x237: {  	_ =	swait.ge [sflag:s4], $0x6400  }
0x238: {  	[sflag:s4] =	ssyncset.done $0x0  }
0x239: {  	s30 =	rddreg [dreg:$0x13];
	[sflag:s4] =	ssyncadd.s32 $0xFFFF9C00  }
0x23a: {  	[tilespmem:s8], [sflag:$0x1] =	stream.indirect.gather [hbm4b:s3+s7], $0x40, s30, s7, $0xb8;
	[tilespmem:$0x1B620] =	vst v63  }
0x23b: {  	_ =	swait.ge [sflag:s11], $0x6400  }
0x23c: {  	[sflag:s11] =	ssyncset.done $0x0  }
0x23d: {  	s31 =	rddreg [dreg:$0x14];
	[sflag:s11] =	ssyncadd.s32 $0xFFFF9C00  }
0x23e: {  	[spmem:s2] =	stream.indirect.scatter.add.f32 [tilespmem:s10], [sflag:$0x3], $0x40, s31, s7, $0xb8;
	[tilespmem:$0x1B620] =	vst v63  }
0x23f: {  	_ =	swait.ge [sflag:s4], $0x6400  }
0x240: {  	[sflag:s4] =	ssyncset.done $0x0  }
0x241: {  	s1 =	rddreg [dreg:$0x15];
	[sflag:s4] =	ssyncadd.s32 $0xFFFF9C00  }
0x242: {  	[tilespmem:s10], [sflag:$0x2] =	stream.indirect.gather [hbm4b:s3+s7], $0x40, s1, s7, $0xb8;
	[tilespmem:$0x1B620] =	vst v63  }
0x243: {  	_ =	swait.ge [sflag:s9], $0x6400  }
0x244: {  	[sflag:s9] =	ssyncset.done $0x0  }
0x245: {  	s30 =	rddreg [dreg:$0x16];
	[sflag:s9] =	ssyncadd.s32 $0xFFFF9C00  }
0x246: {  	[spmem:s2] =	stream.indirect.scatter.add.f32 [tilespmem:s8], [sflag:$0x3], $0x40, s30, s7, $0xb8;
	[tilespmem:$0x1B620] =	vst v63  }
0x247: {  	_ =	swait.ge [sflag:s4], $0x6400  }
0x248: {  	[sflag:s4] =	ssyncset.done $0x0  }
0x249: {  	s31 =	rddreg [dreg:$0x17];
	[sflag:s4] =	ssyncadd.s32 $0xFFFF9C00  }
0x24a: {  	[tilespmem:s8], [sflag:$0x1] =	stream.indirect.gather [hbm4b:s3+s7], $0x40, s31, s7, $0xb8;
	[tilespmem:$0x1B620] =	vst v63  }
0x24b: {  	_ =	swait.ge [sflag:s11], $0x6400  }
0x24c: {  	[sflag:s11] =	ssyncset.done $0x0  }
0x24d: {  	s1 =	rddreg [dreg:$0x18];
	[sflag:s11] =	ssyncadd.s32 $0xFFFF9C00  }
0x24e: {  	[spmem:s2] =	stream.indirect.scatter.add.f32 [tilespmem:s10], [sflag:$0x3], $0x40, s1, s7, $0xb8;
	[tilespmem:$0x1B620] =	vst v63  }
0x24f: {  	_ =	swait.ge [sflag:s4], $0x6400  }
0x250: {  	[sflag:s4] =	ssyncset.done $0x0  }
0x251: {  	s30 =	rddreg [dreg:$0x19];
	[sflag:s4] =	ssyncadd.s32 $0xFFFF9C00  }
0x252: {  	[tilespmem:s10], [sflag:$0x2] =	stream.indirect.gather [hbm4b:s3+s7], $0x40, s30, s7, $0xb8;
	[tilespmem:$0x1B620] =	vst v63  }
0x253: {  	_ =	swait.ge [sflag:s9], $0x6400  }
0x254: {  	[sflag:s9] =	ssyncset.done $0x0  }
0x255: {  	s31 =	rddreg [dreg:$0x1a];
	[sflag:s9] =	ssyncadd.s32 $0xFFFF9C00  }
0x256: {  	[spmem:s2] =	stream.indirect.scatter.add.f32 [tilespmem:s8], [sflag:$0x3], $0x40, s31, s7, $0xb8;
	[tilespmem:$0x1B620] =	vst v63  }
0x257: {  	_ =	swait.ge [sflag:s4], $0x6400  }
0x258: {  	[sflag:s4] =	ssyncset.done $0x0  }
0x259: {  	s1 =	rddreg [dreg:$0x1b];
	[sflag:s4] =	ssyncadd.s32 $0xFFFF9C00  }
0x25a: {  	[tilespmem:s8], [sflag:$0x1] =	stream.indirect.gather [hbm4b:s3+s7], $0x40, s1, s7, $0xb8;
	[tilespmem:$0x1B620] =	vst v63  }
0x25b: {  	_ =	swait.ge [sflag:s11], $0x6400  }
0x25c: {  	[sflag:s11] =	ssyncset.done $0x0  }
0x25d: {  	s30 =	rddreg [dreg:$0x1c];
	[sflag:s11] =	ssyncadd.s32 $0xFFFF9C00  }
0x25e: {  	[spmem:s2] =	stream.indirect.scatter.add.f32 [tilespmem:s10], [sflag:$0x3], $0x40, s30, s7, $0xb8;
	[tilespmem:$0x1B620] =	vst v63  }
0x25f: {  	_ =	swait.ge [sflag:s4], $0x6400  }
0x260: {  	[sflag:s4] =	ssyncset.done $0x0  }
0x261: {  	s31 =	rddreg [dreg:$0x1d];
	[sflag:s4] =	ssyncadd.s32 $0xFFFF9C00  }
0x262: {  	[tilespmem:s10], [sflag:$0x2] =	stream.indirect.gather [hbm4b:s3+s7], $0x40, s31, s7, $0xb8;
	[tilespmem:$0x1B620] =	vst v63  }
0x263: {  	_ =	swait.ge [sflag:s9], $0x6400  }
0x264: {  	[sflag:s9] =	ssyncset.done $0x0  }
0x265: {  	s1 =	rddreg [dreg:$0x1e];
	[sflag:s9] =	ssyncadd.s32 $0xFFFF9C00  }
0x266: {  	[spmem:s2] =	stream.indirect.scatter.add.f32 [tilespmem:s8], [sflag:$0x3], $0x40, s1, s7, $0xb8;
	[tilespmem:$0x1B620] =	vst v63  }
0x267: {  	_ =	swait.ge [sflag:s4], $0x6400  }
0x268: {  	[sflag:s4] =	ssyncset.done $0x0  }
0x269: {  	s30 =	rddreg [dreg:$0x1f];
	[sflag:s4] =	ssyncadd.s32 $0xFFFF9C00  }
0x26a: {  	[tilespmem:s8], [sflag:$0x1] =	stream.indirect.gather [hbm4b:s3+s7], $0x40, s30, s7, $0xb8;
	[tilespmem:$0x1B620] =	vst v63  }
0x26b: {  	_ =	swait.ge [sflag:s11], $0x6400  }
0x26c: {  	s31 =	sld [smem:$0x7F9]  }
0x26d: {  	[sflag:s11] =	ssyncset.done $0x0  }
0x26e: {  	[sflag:s11] =	ssyncadd.s32 $0xFFFF9C00  }
0x26f: {  	[spmem:s2] =	stream.indirect.scatter.add.f32 [tilespmem:s10], [sflag:$0x3], $0x40, s31, s7, $0xb8;
	[tilespmem:$0x1B620] =	vst v63  }
0x270: {  	_ =	swait.ge [sflag:s4], $0x6400  }
0x271: {  	s1 =	sld [smem:$0x7FA]  }
0x272: {  	[sflag:s4] =	ssyncset.done $0x0  }
0x273: {  	[sflag:s4] =	ssyncadd.s32 $0xFFFF9C00  }
0x274: {  	[tilespmem:s10], [sflag:$0x2] =	stream.indirect.gather [hbm4b:s3+s7], $0x40, s1, s7, $0xb8;
	[tilespmem:$0x1B620] =	vst v63  }
0x275: {  	_ =	swait.ge [sflag:s9], $0x6400  }
0x276: {  	s30 =	sld [smem:$0x7FB]  }
0x277: {  	[sflag:s9] =	ssyncset.done $0x0  }
0x278: {  	[sflag:s9] =	ssyncadd.s32 $0xFFFF9C00  }
0x279: {  	[spmem:s2] =	stream.indirect.scatter.add.f32 [tilespmem:s8], [sflag:$0x3], $0x40, s30, s7, $0xb8;
	[tilespmem:$0x1B620] =	vst v63  }
0x27a: {  	_ =	swait.ge [sflag:s4], $0x6400  }
0x27b: {  	s31 =	sld [smem:$0x7FC]  }
0x27c: {  	[sflag:s4] =	ssyncset.done $0x0  }
0x27d: {  	[sflag:s4] =	ssyncadd.s32 $0xFFFF9C00  }
0x27e: {  	[tilespmem:s8], [sflag:$0x1] =	stream.indirect.gather [hbm4b:s3+s7], $0x40, s31, s7, $0xb8;
	[tilespmem:$0x1B620] =	vst v63  }
0x27f: {  	_ =	swait.ge [sflag:s11], $0x6400  }
0x280: {  	s1 =	sld [smem:$0x7FD]  }
0x281: {  	[sflag:s11] =	ssyncset.done $0x0  }
0x282: {  	[sflag:s11] =	ssyncadd.s32 $0xFFFF9C00  }
0x283: {  	[spmem:s2] =	stream.indirect.scatter.add.f32 [tilespmem:s10], [sflag:$0x3], $0x40, s1, s7, $0xb8;
	[tilespmem:$0x1B620] =	vst v63  }
0x284: {  	_ =	swait.ge [sflag:s4], $0x6400  }
0x285: {  	[sflag:s4] =	ssyncset.done $0x0  }
0x286: {  	[sflag:s4] =	ssyncadd.s32 $0xFFFF9C00  }
0x287: {  	[tilespmem:s10], [sflag:$0x2] =	stream.indirect.gather [hbm4b:s3+s7], $0x40, s29, s7, $0xb8;
	[tilespmem:$0x1B620] =	vst v63  }
0x288: {  	_ =	swait.ge [sflag:s9], $0x6400  }
0x289: {  	[sflag:s9] =	ssyncset.done $0x0  }
0x28a: {  	[sflag:s9] =	ssyncadd.s32 $0xFFFF9C00  }
0x28b: {  	[spmem:s2] =	stream.indirect.scatter.add.f32 [tilespmem:s8], [sflag:$0x3], $0x40, s28, s7, $0xb8;
	[tilespmem:$0x1B620] =	vst v63  }
0x28c: {  	_ =	swait.ge [sflag:s4], $0x6400  }
0x28d: {  	[sflag:s4] =	ssyncset.done $0x0  }
0x28e: {  	[sflag:s4] =	ssyncadd.s32 $0xFFFF9C00  }
0x28f: {  	[tilespmem:s8], [sflag:$0x1] =	stream.indirect.gather [hbm4b:s3+s7], $0x40, s26, s7, $0xb8;
	[tilespmem:$0x1B620] =	vst v63  }
0x290: {  	_ =	swait.ge [sflag:s11], $0x6400  }
0x291: {  	[sflag:s11] =	ssyncset.done $0x0  }
0x292: {  	[sflag:s11] =	ssyncadd.s32 $0xFFFF9C00  }
0x293: {  	[spmem:s2] =	stream.indirect.scatter.add.f32 [tilespmem:s10], [sflag:$0x3], $0x40, s25, s7, $0xb8;
	[tilespmem:$0x1B620] =	vst v63  }
0x294: {  	_ =	swait.ge [sflag:s4], $0x6400  }
0x295: {  	[sflag:s4] =	ssyncset.done $0x0  }
0x296: {  	[sflag:s4] =	ssyncadd.s32 $0xFFFF9C00  }
0x297: {  	[tilespmem:s10], [sflag:$0x2] =	stream.indirect.gather [hbm4b:s3+s7], $0x40, s24, s7, $0xb8;
	[tilespmem:$0x1B620] =	vst v63  }
0x298: {  	_ =	swait.ge [sflag:s9], $0x6400  }
0x299: {  	[sflag:s9] =	ssyncset.done $0x0  }
0x29a: {  	[sflag:s9] =	ssyncadd.s32 $0xFFFF9C00  }
0x29b: {  	[spmem:s2] =	stream.indirect.scatter.add.f32 [tilespmem:s8], [sflag:$0x3], $0x40, s23, s7, $0xb8;
	[tilespmem:$0x1B620] =	vst v63  }
0x29c: {  	_ =	swait.ge [sflag:s4], $0x6400  }
0x29d: {  	[sflag:s4] =	ssyncset.done $0x0  }
0x29e: {  	[sflag:s4] =	ssyncadd.s32 $0xFFFF9C00  }
0x29f: {  	[tilespmem:s8], [sflag:$0x1] =	stream.indirect.gather [hbm4b:s3+s7], $0x40, s22, s7, $0xb8;
	[tilespmem:$0x1B620] =	vst v63  }
0x2a0: {  	_ =	swait.ge [sflag:s11], $0x6400  }
0x2a1: {  	[sflag:s11] =	ssyncset.done $0x0  }
0x2a2: {  	[sflag:s11] =	ssyncadd.s32 $0xFFFF9C00  }
0x2a3: {  	[spmem:s2] =	stream.indirect.scatter.add.f32 [tilespmem:s10], [sflag:$0x3], $0x40, s21, s7, $0xb8;
	[tilespmem:$0x1B620] =	vst v63  }
0x2a4: {  	_ =	swait.ge [sflag:s4], $0x6400  }
0x2a5: {  	[sflag:s4] =	ssyncset.done $0x0  }
0x2a6: {  	[sflag:s4] =	ssyncadd.s32 $0xFFFF9C00  }
0x2a7: {  	[tilespmem:s10], [sflag:$0x2] =	stream.indirect.gather [hbm4b:s3+s7], $0x40, s20, s7, $0xb8;
	[tilespmem:$0x1B620] =	vst v63  }
0x2a8: {  	_ =	swait.ge [sflag:s9], $0x6400  }
0x2a9: {  	[sflag:s9] =	ssyncset.done $0x0  }
0x2aa: {  	[sflag:s9] =	ssyncadd.s32 $0xFFFF9C00  }
0x2ab: {  	[spmem:s2] =	stream.indirect.scatter.add.f32 [tilespmem:s8], [sflag:$0x3], $0x40, s19, s7, $0xb8;
	[tilespmem:$0x1B620] =	vst v63  }
0x2ac: {  	_ =	swait.ge [sflag:s4], $0x6400  }
0x2ad: {  	[sflag:s4] =	ssyncset.done $0x0  }
0x2ae: {  	[sflag:s4] =	ssyncadd.s32 $0xFFFF9C00  }
0x2af: {  	[tilespmem:s8], [sflag:$0x1] =	stream.indirect.gather [hbm4b:s3+s7], $0x40, s17, s7, $0xb8;
	[tilespmem:$0x1B620] =	vst v63  }
0x2b0: {  	_ =	swait.ge [sflag:s11], $0x6400  }
0x2b1: {  	[sflag:s11] =	ssyncset.done $0x0  }
0x2b2: {  	[sflag:s11] =	ssyncadd.s32 $0xFFFF9C00  }
0x2b3: {  	[spmem:s2] =	stream.indirect.scatter.add.f32 [tilespmem:s10], [sflag:$0x3], $0x40, s18, s7, $0xb8;
	[tilespmem:$0x1B620] =	vst v63  }
0x2b4: {  	_ =	swait.ge [sflag:s4], $0x6400  }
0x2b5: {  	[sflag:s4] =	ssyncset.done $0x0  }
0x2b6: {  	[sflag:s4] =	ssyncadd.s32 $0xFFFF9C00  }
0x2b7: {  	[tilespmem:s10], [sflag:$0x2] =	stream.indirect.gather [hbm4b:s3+s7], $0x40, s16, s7, $0xb8;
	[tilespmem:$0x1B620] =	vst v63  }
0x2b8: {  	_ =	swait.ge [sflag:s9], $0x6400  }
0x2b9: {  	[sflag:s9] =	ssyncset.done $0x0  }
0x2ba: {  	[sflag:s9] =	ssyncadd.s32 $0xFFFF9C00  }
0x2bb: {  	[spmem:s2] =	stream.indirect.scatter.add.f32 [tilespmem:s8], [sflag:$0x3], $0x40, s15, s7, $0xb8;
	[tilespmem:$0x1B620] =	vst v63  }
0x2bc: {  	_ =	swait.ge [sflag:s4], $0x6400  }
0x2bd: {  	[sflag:s4] =	ssyncset.done $0x0  }
0x2be: {  	[sflag:s4] =	ssyncadd.s32 $0xFFFF9C00  }
0x2bf: {  	[tilespmem:s8], [sflag:$0x1] =	stream.indirect.gather [hbm4b:s3+s7], $0x40, s14, s7, $0xb8;
	[tilespmem:$0x1B620] =	vst v63  }
0x2c0: {  	_ =	swait.ge [sflag:s11], $0x6400  }
0x2c1: {  	[sflag:s11] =	ssyncset.done $0x0  }
0x2c2: {  	[sflag:s11] =	ssyncadd.s32 $0xFFFF9C00  }
0x2c3: {  	[spmem:s2] =	stream.indirect.scatter.add.f32 [tilespmem:s10], [sflag:$0x3], $0x40, s13, s7, $0xb8;
	[tilespmem:$0x1B620] =	vst v63  }
0x2c4: {  	_ =	swait.ge [sflag:s4], $0x6400  }
0x2c5: {  	[sflag:s4] =	ssyncset.done $0x0  }
0x2c6: {  	[sflag:s4] =	ssyncadd.s32 $0xFFFF9C00  }
0x2c7: {  	_ =	swait.ge [sflag:s9], $0x6400  }
0x2c8: {  	[sflag:s9] =	ssyncset.done $0x0  }
0x2c9: {  	[sflag:s9] =	ssyncadd.s32 $0xFFFF9C00  }
0x2ca: {  	[spmem:s2] =	stream.indirect.scatter.add.f32 [tilespmem:s8], [sflag:$0x3], $0x40, s12, s7, $0xb8;
	[tilespmem:$0x1B620] =	vst v63  }
0x2cb: {  	_ =	swait.ge [sflag:s4], $0x6400  }
0x2cc: {  	[sflag:s4] =	ssyncset.done $0x0  }
0x2cd: {  	[sflag:s4] =	ssyncadd.s32 $0xFFFF9C00  }
0x2ce: {  	[bflag:$0x0] =	sbarrier.arrive $0xFFFF  }
0x2cf: {  	s30 =	rddreg [dreg:$0x6]  }
0x2d0: {  	[hbm:s30], [sflag:s5] =	dma.local [spmem:s6], $0x1400  }
0x2d1: {  	_ =	swait.ge [sflag:s4], $0x1400  }
0x2d2: {  	[sflag:s4] =	ssyncset.done $0x0  }
0x2d3: {  	[sflag:s4] =	ssyncadd.s32 $0xFFFFEC00  }
0x2d4: {  	_ =	sfence.sel $0x180000  }
0x2d5: {  	[bflag:$0x0] =	sbarrier.arrive $0xFFFF  }
0x2d6: {  	_ =	strace $0x9000004A  }
0x2d7: {  	s31 =	stileid.u32;
	[bflag:$0x2] =	sbarrier.arrive $0xFFFF  }
0x2d8: {  	p0 =	sne.s32 s31, $0x0;
	s0 =	rddreg [dreg:$0x2]  }
0x2d9: {  	s0 =	sadd.s32 @!p0 $0x100000, s0  }
0x2da: {  	[sflag:s0] =	ssyncadd.tile.s32 @!p0 $0x1;
	_ =	shalt  }
.Lfunc_end2:
_tile_overlayer_lowered:
.L_overlay_start_2:
0x2db: {  	(tag) =	ssettag $0x2  }
0x2dc: {  	s0 =	rddreg [dreg:$0x0];
	s2 =	stileid.u32  }
0x2dd: {  	s1 =	rddreg [dreg:$0x1];
	p0 =	sne.s32 s2, $0x0  }
0x2de: {  	s3 =	rddreg [dreg:$0x2];
	[bflag:$0x3] =	sbarrier.arrive $0xFFFF;
	s2 =	simm.s32 @!p0 $0x1C03  }
0x2df: {  	[timem:s3], [sflag:s2] =	dma.local @!p0 [hbm:s0], s1  }
0x2e0: {  	s0 =	simm.s32 @!p0 $0x3  }
0x2e1: {  	_ =	swait.ge @!p0 [sflag:s0], s1  }
0x2e2: {  	s1 =	ssub.s32 @!p0 $0x0, s1;
	[sflag:s0] =	ssyncset.done @!p0 $0x0  }
0x2e3: {  	[sflag:s0] =	ssyncadd.s32 @!p0 s1  }
0x2e4: {  	[bflag:$0x3] =	sbarrier.arrive $0xFFFF  }
0x2e5: {  	_ =	shalt  }

// kernel: kernel.14.cloned.1.call-start
scs
__scs_entry_jumppad:
0x0: {  	(pc) =	sbr.rel $0x88, $3  }
0x1: {  	(tag) =	ssettag $0x0;
	lr =	simm.s32 $0x1  }
0x2: {  	[smem:$0x3F99] =	sst lr;
	_ =	strace $0xD0000000  }
0x3: {  	_ = 	snop  }
0x4: {  	_ = 	snop  }
0x5: {  	_ = 	snop  }
0x6: {  	_ = 	snop  }
0x7: {  	_ = 	snop  }
__scs_overlays_trampoline_lowered:
0x8: {  	[smem:$0x3FA8] =	sst s0  }
0x9: {  	[smem:$0x3FA9] =	sst s1  }
0xa: {  	[smem:$0x3FAA] =	sst s2  }
0xb: {  	[smem:$0x3FAB] =	sst s3  }
0xc: {  	[smem:$0x3FAC] =	sst s4  }
0xd: {  	[smem:$0x3FAD] =	sst s5  }
0xe: {  	[smem:$0x3FAE] =	sst s6  }
0xf: {  	[smem:$0x3FAF] =	sst s7  }
0x10: {  	[smem:$0x3FB0] =	sst s8  }
0x11: {  	[smem:$0x3FB1] =	sst s9;
	s0 =	simm.s32 @!p0 $0x0  }
0x12: {  	s1 =	sld [smem:$0x3F97];
	s0 =	simm.s32 @p0 $0x1  }
0x13: {  	[smem:$0x3FB2] =	sst s0;
	s0 =	simm.s32 @!p1 $0x0  }
0x14: {  	s2 =	sld [smem:$0x3F96];
	s0 =	simm.s32 @p1 $0x1  }
0x15: {  	[smem:$0x3FB3] =	sst s0;
	s0 =	simm.s32 @!p2 $0x0  }
0x16: {  	s3 =	sld [smem:$0x3FDB];
	s0 =	simm.s32 @p2 $0x1  }
0x17: {  	s4 =	simm.s32 $0x1BF5;
	[smem:$0x3FB5] =	sst s0  }
0x18: {  	s0 =	sld [smem:$0x3F98];
	_ =	swait.ge [sflag:s4], $0x0  }
0x19: {  	s7 =	sld [smem:$0x3F99]  }
0x1a: {  	s8 =	sadd.s32 $0xFFFFE003, lr  }
0x1b: {  	s9 =	sadd.s32 $0xFFFFFEF7, lr;
	s5 =	simm.s32 $0xFFFFFFFF;
	p2 =	slt.u32 s8, $0xFFFFF086  }
0x1c: {  	p1 =	slt.u32 s9, $0xF7A;
	s5 =	simm.s32 @!p2 $0x0  }
0x1d: {  	s5 =	simm.s32 @p1 $0x1;
	p0 =	seq.s32 s7, s2  }
0x1e: {  	s7 =	smul.u32 @!p0 $0xF7A, s2;
	p2 =	seq.s32 @!p0 s5, $0x0  }
0x1f: {  	s9 =	smul.u32 $0xF7A, s1;
	s8 =	simm.s32 @!p0 $0x1BF5;
	p2 =	por !p2, p0  }
0x20: {  	[sflag:s8] =	ssyncset.s32 @!p0 $0xFFFFF086;
	s6 =	sadd.s32 @!p0 s3, s7;
	s7 =	simm.s32 @!p0 $0x108  }
0x21: {  	s3 =	sadd.s32 s3, s9;
	s6 =	sadd.s32 @!p0 $0x88, s6;
	s7 =	simm.s32 @p2 $0x1082  }
0x22: {  	[simem:s7], [sflag:s8] =	dma.local @!p0 [hbm:s6], $0xF7A  }
0x23: {  	s9 =	sor.u32 $0xD0000000, s2;
	s6 =	simm.s32 $0x108;
	_ =	swait.ge @!p0 [sflag:s8], $0x0  }
0x24: {  	s3 =	sadd.s32 $0x88, s3;
	s6 =	simm.s32 @!p1 $0x1082;
	[sflag:s4] =	ssyncset.s32 $0xFFFFF086  }
0x25: {  	[simem:s6], [sflag:s4] =	dma.local [hbm:s3], $0xF7A  }
0x26: {  	[smem:$0x3F99] =	sst s1;
	(tag) =	ssettag s2;
	_ =	strace s9  }
0x27: {  	s1 =	sld [smem:$0x3FA9]  }
0x28: {  	s2 =	sld [smem:$0x3FAA]  }
0x29: {  	s4 =	sld [smem:$0x3FAC]  }
0x2a: {  	p0 =	seq.s32 s5, $0x0;
	s5 =	sld [smem:$0x3FAD]  }
0x2b: {  	s6 =	sld [smem:$0x3FAE]  }
0x2c: {  	s7 =	sld [smem:$0x3FAF]  }
0x2d: {  	s3 =	simm.s32 $0x108;
	s8 =	sld [smem:$0x3FB0]  }
0x2e: {  	s3 =	simm.s32 @!p0 $0x1082;
	s9 =	sld [smem:$0x3FB1]  }
0x2f: {  	lr =	sadd.s32 s0, s3;
	s0 =	sld [smem:$0x3FA8]  }
0x30: {  	s3 =	sld [smem:$0x3FAB]  }
0x31: {  	[smem:$0x3FB4] =	sst s10  }
0x32: {  	s10 =	sld [smem:$0x3FB2];
	_ =	sdelay $0x3  }
0x33: {  	p0 =	seq.s32 s10, $0x1;
	s10 =	sld [smem:$0x3FB4];
	_ =	sdelay $0x3  }
0x34: {  	[smem:$0x3FB4] =	sst s10  }
0x35: {  	s10 =	sld [smem:$0x3FB3];
	_ =	sdelay $0x3  }
0x36: {  	p1 =	seq.s32 s10, $0x1;
	s10 =	sld [smem:$0x3FB4];
	_ =	sdelay $0x3  }
0x37: {  	[smem:$0x3FB4] =	sst s10  }
0x38: {  	s10 =	sld [smem:$0x3FB5]  }
0x39: {  	_ = 	snop;
	(pc) =	sbr.ind lr, $3  }
0x3a: {  	_ = 	snop  }
0x3b: {  	_ = 	snop  }
0x3c: {  	p2 =	seq.s32 s10, $0x1;
	s10 =	sld [smem:$0x3FB4]  }
0x3d: {  	_ =	shalt  }
0x3e: {  	_ =	shalt  }
0x3f: {  	_ =	shalt  }
0x40: {  	_ =	shalt  }
0x41: {  	_ =	shalt  }
0x42: {  	_ =	shalt  }
0x43: {  	_ =	shalt  }
0x44: {  	_ =	shalt  }
0x45: {  	_ =	shalt  }
0x46: {  	_ =	shalt  }
0x47: {  	_ =	shalt  }
0x48: {  	_ =	shalt  }
0x49: {  	_ =	shalt  }
0x4a: {  	_ =	shalt  }
0x4b: {  	_ =	shalt  }
0x4c: {  	_ =	shalt  }
0x4d: {  	_ =	shalt  }
0x4e: {  	_ =	shalt  }
0x4f: {  	_ =	shalt  }
0x50: {  	_ =	shalt  }
0x51: {  	_ =	shalt  }
0x52: {  	_ =	shalt  }
0x53: {  	_ =	shalt  }
0x54: {  	_ =	shalt  }
0x55: {  	_ =	shalt  }
0x56: {  	_ =	shalt  }
0x57: {  	_ =	shalt  }
0x58: {  	_ =	shalt  }
0x59: {  	_ =	shalt  }
0x5a: {  	_ =	shalt  }
0x5b: {  	_ =	shalt  }
0x5c: {  	_ =	shalt  }
0x5d: {  	_ =	shalt  }
0x5e: {  	_ =	shalt  }
0x5f: {  	_ =	shalt  }
0x60: {  	_ =	shalt  }
0x61: {  	_ =	shalt  }
0x62: {  	_ =	shalt  }
0x63: {  	_ =	shalt  }
0x64: {  	_ =	shalt  }
0x65: {  	_ =	shalt  }
0x66: {  	_ =	shalt  }
0x67: {  	_ =	shalt  }
0x68: {  	_ =	shalt  }
0x69: {  	_ =	shalt  }
0x6a: {  	_ =	shalt  }
0x6b: {  	_ =	shalt  }
0x6c: {  	_ =	shalt  }
0x6d: {  	_ =	shalt  }
0x6e: {  	_ =	shalt  }
0x6f: {  	_ =	shalt  }
0x70: {  	_ =	shalt  }
0x71: {  	_ =	shalt  }
0x72: {  	_ =	shalt  }
0x73: {  	_ =	shalt  }
0x74: {  	_ =	shalt  }
0x75: {  	_ =	shalt  }
0x76: {  	_ =	shalt  }
0x77: {  	_ =	shalt  }
0x78: {  	_ =	shalt  }
0x79: {  	_ =	shalt  }
0x7a: {  	_ =	shalt  }
0x7b: {  	_ =	shalt  }
0x7c: {  	_ =	shalt  }
0x7d: {  	_ =	shalt  }
0x7e: {  	_ =	shalt  }
0x7f: {  	_ =	shalt  }
0x80: {  	_ =	shalt  }
0x81: {  	_ =	shalt  }
0x82: {  	_ =	shalt  }
0x83: {  	_ =	shalt  }
0x84: {  	_ =	shalt  }
0x85: {  	_ =	shalt  }
0x86: {  	_ =	shalt  }
0x87: {  	_ =	shalt  }
.Lfunc_end0:
.L_simem_size_0:
called_computation.2_lowered:
.L_overlay_start_0:
0x88: {  	s2 =	sld [smem:$0x3FD9]  }
0x89: {  	s3 =	sld [smem:$0x3FFE];
	_ =	sdelay $0x1  }
0x8a: {  	s1 =	srdreg.scid  }
0x8b: {  	s0 =	sand.u32 $0x1, s1  }
0x8c: {  	s17 =	sshll.u32 s0, $0xA;
	s2 =	sadd.s32 s3, s2  }
0x8d: {  	s2 =	sadd.s32 s2, s17  }
0x8e: {  	[smem:$0x3FC0] =	sst s2  }
0x8f: {  	_ = 	snop  }
0x90: {  	s2 =	sld [smem:$0x3FD0];
	(tm) =	ssettm $0x1  }
0x91: {  	s18 =	sld [smem:$0x3FFB];
	_ =	sdelay $0x3  }
0x92: {  	_ =	strace s18  }
0x93: {  	s3 =	sld [smem:$0x3FFC];
	_ =	sdelay $0x3  }
0x94: {  	_ =	strace s3  }
0x95: {  	s3 =	sld [smem:$0x3FFD];
	_ =	sdelay $0x3  }
0x96: {  	_ =	strace s3  }
0x97: {  	_ =	strace $0x8FFFFFFF  }
0x98: {  	s19 =	sld [smem:$0x3FDB];
	_ =	sdelay $0x1  }
0x99: {  	s4 =	simm.s32 $_scs_section_size  }
0x9a: {  	s5 =	simm.s32 $_size__tile_overlayer_lowered;
	s6 =	simm.s32 $_tile_overlayer_lowered  }
0x9b: {  	s22 =	simm.s32 $0x1BFF;
	s21 =	sshll.u32 s6, $0x1;
	s3 =	sadd.s32 s4, s19  }
0x9c: {  	s7 =	simm.s32 $0x0;
	s20 =	sshll.u32 s5, $0x1;
	s5 =	sadd.s32 s21, s3  }
0x9d: {  	[timem:s7], [sflag:s22] =	dma.local [hbm:s5], s20  }
0x9e: {  	_ =	swait.ge [sflag:s22], s20  }
0x9f: {  	s4 =	ssub.s32 $0x0, s20;
	[sflag:s22] =	ssyncset.done $0x0  }
0xa0: {  	[sflag:s22] =	ssyncadd.s32 s4;
	_ =	sdelay $0x1  }
0xa1: {  	s23 =	simm.s32 $0x1B8B  }
0xa2: {  	_ =	swait.ge [sflag:s23], $0x1  }
0xa3: {  	[sflag:s23] =	ssyncset.done $0x0  }
0xa4: {  	s25 =	simm.s32 $0x1B8E;
	s24 =	sld [smem:$0x3FFE];
	[sflag:s23] =	ssyncadd.s32 $0xFFFFFFFF  }
0xa5: {  	s26 =	simm.s32 $execute0_lowered;
	[smem:$0x3FD2] =	sst s25  }
0xa6: {  	s5 =	sshll.u32 s26, $0x1;
	_ =	strace $0x8000004C;
	[dreg:$0x1] =	wrdreg $0xFFFFFFFF  }
0xa7: {  	s28 =	simm.s32 $_size_execute0_lowered;
	s3 =	sadd.s32 s3, s5;
	[dreg:$0x0] =	wrdreg $0x0  }
0xa8: {  	s5 =	sshll.u32 s28, $0x1;
	[dreg:$0x2] =	wrdreg s3  }
0xa9: {  	[dreg:$0x3] =	wrdreg s5  }
0xaa: {  	[dreg:$0x4] =	wrdreg $0xC0  }
0xab: {  	_ =	task [dreg:s7], $0x5FFFF  }
0xac: {  	[dreg:$0x1] =	wrdreg $0xFFFFFFFF  }
0xad: {  	[dreg:$0x0] =	wrdreg $0x60  }
0xae: {  	[dreg:$0x2] =	wrdreg s24  }
0xaf: {  	[dreg:$0x3] =	wrdreg s2  }
0xb0: {  	[dreg:$0x4] =	wrdreg $0xA4100  }
0xb1: {  	[dreg:$0x5] =	wrdreg $0x9  }
0xb2: {  	_ =	task.clear_ibuf [dreg:s7], $0x6FFFF;
	_ =	strace $0x9000004C  }
0xb3: {  	s29 =	simm.s32 $0x9;
	_ =	strace $0x8000004E  }
0xb4: {  	_ =	swait.ge [sflag:s29], $0x1  }
0xb5: {  	[sflag:s29] =	ssyncadd.s32 $0xFFFFFFFF  }
0xb6: {  	_ =	strace $0x9000004E  }
0xb7: {  	_ =	sfence  }
0xb8: {  	s30 =	sld [smem:$0x0];
	_ =	sdelay $0x2  }
0xb9: {  	s31 =	sshll.u32 s1, $0xD;
	s1 =	sshrl.u32 s1, $0x2  }
0xba: {  	s3 =	sand.u32 $0x4000, s31;
	s1 =	sadd.s32 s1, s30  }
0xbb: {  	s0 =	sor.u32 s3, s0;
	s1 =	sshll.u32 s1, $0x11  }
0xbc: {  	s0 =	sor.u32 s1, s0  }
0xbd: {  	s0 =	sadd.s32 $0x8F2B, s0  }
0xbe: {  	[sflag:s0] =	ssyncadd.remote.s32 $0x1  }
0xbf: {  	_ =	sfence.sel $0xFFFF  }
0xc0: {  	[dreg:$0x0] =	wrdreg $0xFFFFFFFF;
	(pc) =	sbr.abs _section_cstart, $3  }
0xc1: {  	[dreg:$0x1] =	wrdreg $0xFFFFFFFF  }
0xc2: {  	_ =	task.clear_ibuf [dreg:s7], $0x2FFFF;
	_ =	strace $0x9FFFFFFF  }
0xc3: {  	(tm) =	ssettm $0x7FFFFFFF  }
tec
execute0_lowered:
.L_overlay_start_1:
0x0: {  	(tag) =	ssettag $0x1  }
0x1: {  	s0 =	srdreg.scid  }
0x2: {  	s25 =	sand.u32 $0x1, s0  }
0x3: {  	s0 =	stileid.u32;
	s1 =	sshll.u32 s25, $0x4  }
0x4: {  	s24 =	rddreg [dreg:$0x0];
	s1 =	sor.u32 s0, s1  }
0x5: {  	s2 =	rddreg [dreg:$0x1];
	s5 =	smul.u32 $0x1388, s1  }
0x6: {  	s3 =	rddreg [dreg:$0x2];
	s4 =	simm.s32 $0x0  }
0x7: {  	[smem:$0x7FF] =	sst s4;
	s5 =	sshrl.u32 s5, $0x3  }
0x8: {  	s1 =	rddreg [dreg:$0x3];
	s7 =	sadd.s32 s5, s24  }
0x9: {  	_ =	strace $0x8000004D;
	s5 =	simm.s32 $0x3;
	s6 =	sadd.s32 $0x2E00, s7  }
0xa: {  	[tilespmem:s4], [sflag:$0x3] =	stream.linear.gather [hbm4b:s6+s4], $0x1388, $0x38;
	[tilespmem:$0xCC10] =	vst v63  }
0xb: {  	_ =	swait.ge [sflag:s5], $0x1388  }
0xc: {  	s8 =	simm.s32 $0x1388;
	[sflag:s5] =	ssyncset.done $0x0  }
0xd: {  	s26 =	smul.u32 $0x2800, s0;
	s7 =	sadd.s32 $0x7C20, s7;
	[sflag:s5] =	ssyncadd.s32 $0xFFFFEC78  }
0xe: {  	[tilespmem:s8], [sflag:$0x3] =	stream.linear.gather [hbm4b:s7+s4], $0x1388, $0x38;
	[tilespmem:$0xCC10] =	vst v63  }
0xf: {  	_ =	swait.ge [sflag:s5], $0x1388  }
0x10: {  	s9 =	sshll.u32 s0, $0x6;
	s10 =	sadd.s32 s26, s3;
	[sflag:s5] =	ssyncset.done $0x0  }
0x11: {  	s9 =	sor.u32 $0x1C03, s9;
	s10 =	sshrl.u32 s10, $0x3;
	[sflag:s5] =	ssyncadd.s32 $0xFFFFEC78  }
0x12: {  	[spmem:s10], [sflag:s9] =	dma.local [hbm:s2], $0x500  }
0x13: {  	_ =	swait.ge [sflag:s5], $0x500  }
0x14: {  	[sflag:s5] =	ssyncset.done $0x0  }
0x15: {  	s12 =	simm.s32 $0x3E8;
	[sflag:s5] =	ssyncadd.s32 $0xFFFFFB00  }
0x16: {  	s13 =	simm.s32 $0x2710;
	s11 =	sadd.s32 $0xCC00, s24;
	[bflag:$0x0] =	sbarrier.arrive $0xFFFF  }
0x17: {  	[tilespmem:s13], [sflag:$0x1] =	stream.indirect.gather [hbm4b:s11+s12], $0x10, s4, s12, $0xb8;
	[tilespmem:$0xCC10] =	vst v63  }
0x18: {  	s14 =	simm.s32 $0x6590;
	s15 =	simm.s32 $0x1  }
0x19: {  	[tilespmem:s14], [sflag:$0x2] =	stream.indirect.gather [hbm4b:s11+s12], $0x10, s12, s12, $0xb8;
	[tilespmem:$0xCC10] =	vst v63  }
0x1a: {  	_ =	swait.ge [sflag:s15], $0x3E80  }
0x1b: {  	[sflag:s15] =	ssyncset.done $0x0  }
0x1c: {  	[sflag:s15] =	ssyncadd.s32 $0xFFFFC180  }
0x1d: {  	[spmem:s3] =	stream.indirect.scatter.add.f32 [tilespmem:s13], [sflag:$0x3], $0x10, s8, s12, $0xb8;
	[tilespmem:$0xCC10] =	vst v63  }
0x1e: {  	_ =	swait.ge [sflag:s5], $0x3E80  }
0x1f: {  	[sflag:s5] =	ssyncset.done $0x0  }
0x20: {  	s16 =	simm.s32 $0x7D0;
	s17 =	simm.s32 $0x2;
	[sflag:s5] =	ssyncadd.s32 $0xFFFFC180  }
0x21: {  	[tilespmem:s13], [sflag:$0x1] =	stream.indirect.gather [hbm4b:s11+s12], $0x10, s16, s12, $0xb8;
	[tilespmem:$0xCC10] =	vst v63  }
0x22: {  	_ =	swait.ge [sflag:s17], $0x3E80  }
0x23: {  	[sflag:s17] =	ssyncset.done $0x0  }
0x24: {  	s18 =	simm.s32 $0x1770;
	[sflag:s17] =	ssyncadd.s32 $0xFFFFC180  }
0x25: {  	[spmem:s3] =	stream.indirect.scatter.add.f32 [tilespmem:s14], [sflag:$0x3], $0x10, s18, s12, $0xb8;
	[tilespmem:$0xCC10] =	vst v63  }
0x26: {  	_ =	swait.ge [sflag:s5], $0x3E80  }
0x27: {  	[sflag:s5] =	ssyncset.done $0x0  }
0x28: {  	s19 =	simm.s32 $0xBB8;
	[sflag:s5] =	ssyncadd.s32 $0xFFFFC180  }
0x29: {  	[tilespmem:s14], [sflag:$0x2] =	stream.indirect.gather [hbm4b:s11+s12], $0x10, s19, s12, $0xb8;
	[tilespmem:$0xCC10] =	vst v63  }
0x2a: {  	_ =	swait.ge [sflag:s15], $0x3E80  }
0x2b: {  	[sflag:s15] =	ssyncset.done $0x0  }
0x2c: {  	s20 =	simm.s32 $0x1B58;
	[sflag:s15] =	ssyncadd.s32 $0xFFFFC180  }
0x2d: {  	[spmem:s3] =	stream.indirect.scatter.add.f32 [tilespmem:s13], [sflag:$0x3], $0x10, s20, s12, $0xb8;
	[tilespmem:$0xCC10] =	vst v63  }
0x2e: {  	_ =	swait.ge [sflag:s5], $0x3E80  }
0x2f: {  	[sflag:s5] =	ssyncset.done $0x0  }
0x30: {  	s21 =	simm.s32 $0xFA0;
	[sflag:s5] =	ssyncadd.s32 $0xFFFFC180  }
0x31: {  	[tilespmem:s13], [sflag:$0x1] =	stream.indirect.gather [hbm4b:s11+s12], $0x10, s21, s12, $0xb8;
	[tilespmem:$0xCC10] =	vst v63  }
0x32: {  	_ =	swait.ge [sflag:s17], $0x3E80  }
0x33: {  	[sflag:s17] =	ssyncset.done $0x0  }
0x34: {  	s22 =	simm.s32 $0x1F40;
	[sflag:s17] =	ssyncadd.s32 $0xFFFFC180  }
0x35: {  	[spmem:s3] =	stream.indirect.scatter.add.f32 [tilespmem:s14], [sflag:$0x3], $0x10, s22, s12, $0xb8;
	[tilespmem:$0xCC10] =	vst v63  }
0x36: {  	_ =	swait.ge [sflag:s5], $0x3E80  }
0x37: {  	[sflag:s5] =	ssyncset.done $0x0  }
0x38: {  	[sflag:s5] =	ssyncadd.s32 $0xFFFFC180  }
0x39: {  	s28 =	smul.u32 $0x28000, s25;
	s25 =	ssub.s32 $0x2, s25;
	_ =	swait.ge [sflag:s15], $0x3E80  }
0x3a: {  	s31 =	sshrl.u32 s25, $0x1;
	[sflag:s15] =	ssyncset.done $0x0  }
0x3b: {  	s23 =	simm.s32 $0x2328;
	s25 =	ssub.s32 s25, s31;
	[sflag:s15] =	ssyncadd.s32 $0xFFFFC180  }
0x3c: {  	[spmem:s3] =	stream.indirect.scatter.add.f32 [tilespmem:s13], [sflag:$0x3], $0x10, s23, s12, $0xb8;
	[tilespmem:$0xCC10] =	vst v63  }
0x3d: {  	s26 =	sadd.s32 s26, s28;
	s25 =	smax.u32 s25, $0x1;
	_ =	swait.ge [sflag:s5], $0x3E80  }
0x3e: {  	s26 =	sshrl.u32 s26, $0x3;
	p0 =	sne.s32 s25, $0x1;
	[sflag:s5] =	ssyncset.done $0x0  }
.Ltmp0:
0x3f: {  	s24 =	sadd.s32 s26, s24;
	[sflag:s5] =	ssyncadd.s32 $0xFFFFC180;
	(pc) =	sbr.rel @!p0 .LBB2_2-.Ltmp0, $4  }
0x40: {  	s24 =	sadd.s32 $0x11C00, s24;
	[bflag:$0x0] =	sbarrier.arrive $0xFFFF  }
0x41: {  	[hbm:s24], [sflag:s9] =	dma.local [spmem:s10], $0x500  }
0x42: {  	_ =	swait.ge [sflag:s5], $0x500  }
0x43: {  	s25 =	sadd.s32 $0xFFFFFFFF, s25;
	[sflag:s5] =	ssyncset.done $0x0  }
.LBB2_1:
0x44: {  	p0 =	sne.s32 s25, $0x1;
	s25 =	sadd.s32 $0xFFFFFFFF, s25;
	[sflag:s5] =	ssyncadd.s32 $0xFFFFFB00  }
0x45: {  	[tilespmem:s4], [sflag:$0x3] =	stream.linear.gather [hbm4b:s6+s4], $0x1388, $0x38;
	[tilespmem:$0xCC10] =	vst v63  }
0x46: {  	_ =	swait.ge [sflag:s5], $0x1388  }
0x47: {  	[sflag:s5] =	ssyncset.done $0x0  }
0x48: {  	[sflag:s5] =	ssyncadd.s32 $0xFFFFEC78  }
0x49: {  	[tilespmem:s8], [sflag:$0x3] =	stream.linear.gather [hbm4b:s7+s4], $0x1388, $0x38;
	[tilespmem:$0xCC10] =	vst v63  }
0x4a: {  	_ =	swait.ge [sflag:s5], $0x1388  }
0x4b: {  	[sflag:s5] =	ssyncset.done $0x0  }
0x4c: {  	[sflag:s5] =	ssyncadd.s32 $0xFFFFEC78  }
0x4d: {  	[spmem:s10], [sflag:s9] =	dma.local [hbm:s2], $0x500  }
0x4e: {  	_ =	swait.ge [sflag:s5], $0x500  }
0x4f: {  	[sflag:s5] =	ssyncset.done $0x0  }
0x50: {  	[sflag:s5] =	ssyncadd.s32 $0xFFFFFB00  }
0x51: {  	[bflag:$0x0] =	sbarrier.arrive $0xFFFF  }
0x52: {  	[tilespmem:s13], [sflag:$0x1] =	stream.indirect.gather [hbm4b:s11+s12], $0x10, s4, s12, $0xb8;
	[tilespmem:$0xCC10] =	vst v63  }
0x53: {  	_ = 	snop  }
0x54: {  	[tilespmem:s14], [sflag:$0x2] =	stream.indirect.gather [hbm4b:s11+s12], $0x10, s12, s12, $0xb8;
	[tilespmem:$0xCC10] =	vst v63  }
0x55: {  	_ =	swait.ge [sflag:s15], $0x3E80  }
0x56: {  	[sflag:s15] =	ssyncset.done $0x0  }
0x57: {  	[sflag:s15] =	ssyncadd.s32 $0xFFFFC180  }
0x58: {  	[spmem:s3] =	stream.indirect.scatter.add.f32 [tilespmem:s13], [sflag:$0x3], $0x10, s8, s12, $0xb8;
	[tilespmem:$0xCC10] =	vst v63  }
0x59: {  	_ =	swait.ge [sflag:s5], $0x3E80  }
0x5a: {  	[sflag:s5] =	ssyncset.done $0x0  }
0x5b: {  	[sflag:s5] =	ssyncadd.s32 $0xFFFFC180  }
0x5c: {  	[tilespmem:s13], [sflag:$0x1] =	stream.indirect.gather [hbm4b:s11+s12], $0x10, s16, s12, $0xb8;
	[tilespmem:$0xCC10] =	vst v63  }
0x5d: {  	_ =	swait.ge [sflag:s17], $0x3E80  }
0x5e: {  	[sflag:s17] =	ssyncset.done $0x0  }
0x5f: {  	[sflag:s17] =	ssyncadd.s32 $0xFFFFC180  }
0x60: {  	[spmem:s3] =	stream.indirect.scatter.add.f32 [tilespmem:s14], [sflag:$0x3], $0x10, s18, s12, $0xb8;
	[tilespmem:$0xCC10] =	vst v63  }
0x61: {  	_ =	swait.ge [sflag:s5], $0x3E80  }
0x62: {  	[sflag:s5] =	ssyncset.done $0x0  }
0x63: {  	[sflag:s5] =	ssyncadd.s32 $0xFFFFC180  }
0x64: {  	[tilespmem:s14], [sflag:$0x2] =	stream.indirect.gather [hbm4b:s11+s12], $0x10, s19, s12, $0xb8;
	[tilespmem:$0xCC10] =	vst v63  }
0x65: {  	_ =	swait.ge [sflag:s15], $0x3E80  }
0x66: {  	[sflag:s15] =	ssyncset.done $0x0  }
0x67: {  	[sflag:s15] =	ssyncadd.s32 $0xFFFFC180  }
0x68: {  	[spmem:s3] =	stream.indirect.scatter.add.f32 [tilespmem:s13], [sflag:$0x3], $0x10, s20, s12, $0xb8;
	[tilespmem:$0xCC10] =	vst v63  }
0x69: {  	_ =	swait.ge [sflag:s5], $0x3E80  }
0x6a: {  	[sflag:s5] =	ssyncset.done $0x0  }
0x6b: {  	[sflag:s5] =	ssyncadd.s32 $0xFFFFC180  }
0x6c: {  	[tilespmem:s13], [sflag:$0x1] =	stream.indirect.gather [hbm4b:s11+s12], $0x10, s21, s12, $0xb8;
	[tilespmem:$0xCC10] =	vst v63  }
0x6d: {  	_ =	swait.ge [sflag:s17], $0x3E80  }
0x6e: {  	[sflag:s17] =	ssyncset.done $0x0  }
0x6f: {  	[sflag:s17] =	ssyncadd.s32 $0xFFFFC180  }
0x70: {  	[spmem:s3] =	stream.indirect.scatter.add.f32 [tilespmem:s14], [sflag:$0x3], $0x10, s22, s12, $0xb8;
	[tilespmem:$0xCC10] =	vst v63  }
0x71: {  	_ =	swait.ge [sflag:s5], $0x3E80  }
0x72: {  	[sflag:s5] =	ssyncset.done $0x0  }
0x73: {  	[sflag:s5] =	ssyncadd.s32 $0xFFFFC180  }
0x74: {  	_ =	swait.ge [sflag:s15], $0x3E80  }
0x75: {  	[sflag:s15] =	ssyncset.done $0x0  }
0x76: {  	[sflag:s15] =	ssyncadd.s32 $0xFFFFC180  }
0x77: {  	[spmem:s3] =	stream.indirect.scatter.add.f32 [tilespmem:s13], [sflag:$0x3], $0x10, s23, s12, $0xb8;
	[tilespmem:$0xCC10] =	vst v63  }
0x78: {  	_ =	swait.ge [sflag:s5], $0x3E80  }
0x79: {  	[sflag:s5] =	ssyncset.done $0x0  }
.Ltmp1:
0x7a: {  	[sflag:s5] =	ssyncadd.s32 $0xFFFFC180;
	(pc) =	sbr.rel @p0 .LBB2_1-.Ltmp1, $4  }
0x7b: {  	[bflag:$0x0] =	sbarrier.arrive $0xFFFF  }
0x7c: {  	[hbm:s24], [sflag:s9] =	dma.local [spmem:s10], $0x500  }
0x7d: {  	_ =	swait.ge [sflag:s5], $0x500  }
0x7e: {  	[sflag:s5] =	ssyncset.done $0x0  }
.LBB2_2:
0x7f: {  	[sflag:s5] =	ssyncadd.s32 $0xFFFFFB00  }
0x80: {  	_ =	sfence.sel $0x180000  }
0x81: {  	[bflag:$0x0] =	sbarrier.arrive $0xFFFF  }
0x82: {  	p0 =	sne.s32 s0, $0x0;
	_ =	strace $0x9000004D  }
0x83: {  	s0 =	sadd.s32 @!p0 $0x100000, s1;
	[bflag:$0x2] =	sbarrier.arrive $0xFFFF  }
0x84: {  	[sflag:s0] =	ssyncadd.tile.s32 @!p0 $0x1;
	_ =	shalt  }
.Lfunc_end2:
_tile_overlayer_lowered:
.L_overlay_start_2:
0x85: {  	(tag) =	ssettag $0x2  }
0x86: {  	s0 =	rddreg [dreg:$0x0];
	s2 =	stileid.u32  }
0x87: {  	s1 =	rddreg [dreg:$0x1];
	p0 =	sne.s32 s2, $0x0  }
0x88: {  	s3 =	rddreg [dreg:$0x2];
	[bflag:$0x3] =	sbarrier.arrive $0xFFFF;
	s2 =	simm.s32 @!p0 $0x1C03  }
0x89: {  	[timem:s3], [sflag:s2] =	dma.local @!p0 [hbm:s0], s1  }
0x8a: {  	s0 =	simm.s32 @!p0 $0x3  }
0x8b: {  	_ =	swait.ge @!p0 [sflag:s0], s1  }
0x8c: {  	s1 =	ssub.s32 @!p0 $0x0, s1;
	[sflag:s0] =	ssyncset.done @!p0 $0x0  }
0x8d: {  	[sflag:s0] =	ssyncadd.s32 @!p0 s1  }
0x8e: {  	[bflag:$0x3] =	sbarrier.arrive $0xFFFF  }
0x8f: {  	_ =	shalt  }

// kernel: kernel.17.cloned.1.call-start
scs
__scs_entry_jumppad:
0x0: {  	(pc) =	sbr.rel $0x88, $3  }
0x1: {  	(tag) =	ssettag $0x0;
	lr =	simm.s32 $0x1  }
0x2: {  	[smem:$0x3F99] =	sst lr;
	_ =	strace $0xD0000000  }
0x3: {  	_ = 	snop  }
0x4: {  	_ = 	snop  }
0x5: {  	_ = 	snop  }
0x6: {  	_ = 	snop  }
0x7: {  	_ = 	snop  }
__scs_overlays_trampoline_lowered:
0x8: {  	[smem:$0x3FA8] =	sst s0  }
0x9: {  	[smem:$0x3FA9] =	sst s1  }
0xa: {  	[smem:$0x3FAA] =	sst s2  }
0xb: {  	[smem:$0x3FAB] =	sst s3  }
0xc: {  	[smem:$0x3FAC] =	sst s4  }
0xd: {  	[smem:$0x3FAD] =	sst s5  }
0xe: {  	[smem:$0x3FAE] =	sst s6  }
0xf: {  	[smem:$0x3FAF] =	sst s7  }
0x10: {  	[smem:$0x3FB0] =	sst s8  }
0x11: {  	[smem:$0x3FB1] =	sst s9;
	s0 =	simm.s32 @!p0 $0x0  }
0x12: {  	s1 =	sld [smem:$0x3F97];
	s0 =	simm.s32 @p0 $0x1  }
0x13: {  	[smem:$0x3FB2] =	sst s0;
	s0 =	simm.s32 @!p1 $0x0  }
0x14: {  	s2 =	sld [smem:$0x3F96];
	s0 =	simm.s32 @p1 $0x1  }
0x15: {  	[smem:$0x3FB3] =	sst s0;
	s0 =	simm.s32 @!p2 $0x0  }
0x16: {  	s3 =	sld [smem:$0x3FDB];
	s0 =	simm.s32 @p2 $0x1  }
0x17: {  	s4 =	simm.s32 $0x1BF5;
	[smem:$0x3FB5] =	sst s0  }
0x18: {  	s0 =	sld [smem:$0x3F98];
	_ =	swait.ge [sflag:s4], $0x0  }
0x19: {  	s7 =	sld [smem:$0x3F99]  }
0x1a: {  	s8 =	sadd.s32 $0xFFFFE003, lr  }
0x1b: {  	s9 =	sadd.s32 $0xFFFFFEF7, lr;
	s5 =	simm.s32 $0xFFFFFFFF;
	p2 =	slt.u32 s8, $0xFFFFF086  }
0x1c: {  	p1 =	slt.u32 s9, $0xF7A;
	s5 =	simm.s32 @!p2 $0x0  }
0x1d: {  	s5 =	simm.s32 @p1 $0x1;
	p0 =	seq.s32 s7, s2  }
0x1e: {  	s7 =	smul.u32 @!p0 $0xF7A, s2;
	p2 =	seq.s32 @!p0 s5, $0x0  }
0x1f: {  	s9 =	smul.u32 $0xF7A, s1;
	s8 =	simm.s32 @!p0 $0x1BF5;
	p2 =	por !p2, p0  }
0x20: {  	[sflag:s8] =	ssyncset.s32 @!p0 $0xFFFFF086;
	s6 =	sadd.s32 @!p0 s3, s7;
	s7 =	simm.s32 @!p0 $0x108  }
0x21: {  	s3 =	sadd.s32 s3, s9;
	s6 =	sadd.s32 @!p0 $0x88, s6;
	s7 =	simm.s32 @p2 $0x1082  }
0x22: {  	[simem:s7], [sflag:s8] =	dma.local @!p0 [hbm:s6], $0xF7A  }
0x23: {  	s9 =	sor.u32 $0xD0000000, s2;
	s6 =	simm.s32 $0x108;
	_ =	swait.ge @!p0 [sflag:s8], $0x0  }
0x24: {  	s3 =	sadd.s32 $0x88, s3;
	s6 =	simm.s32 @!p1 $0x1082;
	[sflag:s4] =	ssyncset.s32 $0xFFFFF086  }
0x25: {  	[simem:s6], [sflag:s4] =	dma.local [hbm:s3], $0xF7A  }
0x26: {  	[smem:$0x3F99] =	sst s1;
	(tag) =	ssettag s2;
	_ =	strace s9  }
0x27: {  	s1 =	sld [smem:$0x3FA9]  }
0x28: {  	s2 =	sld [smem:$0x3FAA]  }
0x29: {  	s4 =	sld [smem:$0x3FAC]  }
0x2a: {  	p0 =	seq.s32 s5, $0x0;
	s5 =	sld [smem:$0x3FAD]  }
0x2b: {  	s6 =	sld [smem:$0x3FAE]  }
0x2c: {  	s7 =	sld [smem:$0x3FAF]  }
0x2d: {  	s3 =	simm.s32 $0x108;
	s8 =	sld [smem:$0x3FB0]  }
0x2e: {  	s3 =	simm.s32 @!p0 $0x1082;
	s9 =	sld [smem:$0x3FB1]  }
0x2f: {  	lr =	sadd.s32 s0, s3;
	s0 =	sld [smem:$0x3FA8]  }
0x30: {  	s3 =	sld [smem:$0x3FAB]  }
0x31: {  	[smem:$0x3FB4] =	sst s10  }
0x32: {  	s10 =	sld [smem:$0x3FB2];
	_ =	sdelay $0x3  }
0x33: {  	p0 =	seq.s32 s10, $0x1;
	s10 =	sld [smem:$0x3FB4];
	_ =	sdelay $0x3  }
0x34: {  	[smem:$0x3FB4] =	sst s10  }
0x35: {  	s10 =	sld [smem:$0x3FB3];
	_ =	sdelay $0x3  }
0x36: {  	p1 =	seq.s32 s10, $0x1;
	s10 =	sld [smem:$0x3FB4];
	_ =	sdelay $0x3  }
0x37: {  	[smem:$0x3FB4] =	sst s10  }
0x38: {  	s10 =	sld [smem:$0x3FB5]  }
0x39: {  	_ = 	snop;
	(pc) =	sbr.ind lr, $3  }
0x3a: {  	_ = 	snop  }
0x3b: {  	_ = 	snop  }
0x3c: {  	p2 =	seq.s32 s10, $0x1;
	s10 =	sld [smem:$0x3FB4]  }
0x3d: {  	_ =	shalt  }
0x3e: {  	_ =	shalt  }
0x3f: {  	_ =	shalt  }
0x40: {  	_ =	shalt  }
0x41: {  	_ =	shalt  }
0x42: {  	_ =	shalt  }
0x43: {  	_ =	shalt  }
0x44: {  	_ =	shalt  }
0x45: {  	_ =	shalt  }
0x46: {  	_ =	shalt  }
0x47: {  	_ =	shalt  }
0x48: {  	_ =	shalt  }
0x49: {  	_ =	shalt  }
0x4a: {  	_ =	shalt  }
0x4b: {  	_ =	shalt  }
0x4c: {  	_ =	shalt  }
0x4d: {  	_ =	shalt  }
0x4e: {  	_ =	shalt  }
0x4f: {  	_ =	shalt  }
0x50: {  	_ =	shalt  }
0x51: {  	_ =	shalt  }
0x52: {  	_ =	shalt  }
0x53: {  	_ =	shalt  }
0x54: {  	_ =	shalt  }
0x55: {  	_ =	shalt  }
0x56: {  	_ =	shalt  }
0x57: {  	_ =	shalt  }
0x58: {  	_ =	shalt  }
0x59: {  	_ =	shalt  }
0x5a: {  	_ =	shalt  }
0x5b: {  	_ =	shalt  }
0x5c: {  	_ =	shalt  }
0x5d: {  	_ =	shalt  }
0x5e: {  	_ =	shalt  }
0x5f: {  	_ =	shalt  }
0x60: {  	_ =	shalt  }
0x61: {  	_ =	shalt  }
0x62: {  	_ =	shalt  }
0x63: {  	_ =	shalt  }
0x64: {  	_ =	shalt  }
0x65: {  	_ =	shalt  }
0x66: {  	_ =	shalt  }
0x67: {  	_ =	shalt  }
0x68: {  	_ =	shalt  }
0x69: {  	_ =	shalt  }
0x6a: {  	_ =	shalt  }
0x6b: {  	_ =	shalt  }
0x6c: {  	_ =	shalt  }
0x6d: {  	_ =	shalt  }
0x6e: {  	_ =	shalt  }
0x6f: {  	_ =	shalt  }
0x70: {  	_ =	shalt  }
0x71: {  	_ =	shalt  }
0x72: {  	_ =	shalt  }
0x73: {  	_ =	shalt  }
0x74: {  	_ =	shalt  }
0x75: {  	_ =	shalt  }
0x76: {  	_ =	shalt  }
0x77: {  	_ =	shalt  }
0x78: {  	_ =	shalt  }
0x79: {  	_ =	shalt  }
0x7a: {  	_ =	shalt  }
0x7b: {  	_ =	shalt  }
0x7c: {  	_ =	shalt  }
0x7d: {  	_ =	shalt  }
0x7e: {  	_ =	shalt  }
0x7f: {  	_ =	shalt  }
0x80: {  	_ =	shalt  }
0x81: {  	_ =	shalt  }
0x82: {  	_ =	shalt  }
0x83: {  	_ =	shalt  }
0x84: {  	_ =	shalt  }
0x85: {  	_ =	shalt  }
0x86: {  	_ =	shalt  }
0x87: {  	_ =	shalt  }
.Lfunc_end0:
.L_simem_size_0:
called_computation.3_lowered:
.L_overlay_start_0:
0x88: {  	s2 =	sld [smem:$0x3FD9]  }
0x89: {  	s3 =	sld [smem:$0x3FFE];
	_ =	sdelay $0x1  }
0x8a: {  	s1 =	srdreg.scid  }
0x8b: {  	s0 =	sand.u32 $0x1, s1  }
0x8c: {  	s16 =	sshll.u32 s0, $0xA;
	s2 =	sadd.s32 s3, s2  }
0x8d: {  	s2 =	sadd.s32 s2, s16  }
0x8e: {  	[smem:$0x3FC0] =	sst s2  }
0x8f: {  	_ = 	snop  }
0x90: {  	(tm) =	ssettm $0x1  }
0x91: {  	s17 =	sld [smem:$0x3FFB];
	_ =	sdelay $0x3  }
0x92: {  	_ =	strace s17  }
0x93: {  	s2 =	sld [smem:$0x3FFC];
	_ =	sdelay $0x3  }
0x94: {  	_ =	strace s2  }
0x95: {  	s2 =	sld [smem:$0x3FFD];
	_ =	sdelay $0x3  }
0x96: {  	_ =	strace s2  }
0x97: {  	_ =	strace $0x8FFFFFFF  }
0x98: {  	s18 =	sld [smem:$0x3FDB];
	_ =	sdelay $0x1  }
0x99: {  	s19 =	simm.s32 $_scs_section_size  }
0x9a: {  	s4 =	simm.s32 $_size__tile_overlayer_lowered;
	s5 =	simm.s32 $_tile_overlayer_lowered  }
0x9b: {  	s22 =	simm.s32 $0x1BFF;
	s21 =	sshll.u32 s5, $0x1;
	s2 =	sadd.s32 s19, s18  }
0x9c: {  	s6 =	simm.s32 $0x0;
	s20 =	sshll.u32 s4, $0x1;
	s4 =	sadd.s32 s21, s2  }
0x9d: {  	[timem:s6], [sflag:s22] =	dma.local [hbm:s4], s20  }
0x9e: {  	_ =	swait.ge [sflag:s22], s20  }
0x9f: {  	s3 =	ssub.s32 $0x0, s20;
	[sflag:s22] =	ssyncset.done $0x0  }
0xa0: {  	[sflag:s22] =	ssyncadd.s32 s3;
	_ =	sdelay $0x1  }
0xa1: {  	s23 =	simm.s32 $0x1B8B  }
0xa2: {  	_ =	swait.ge [sflag:s23], $0x1  }
0xa3: {  	[sflag:s23] =	ssyncset.done $0x0  }
0xa4: {  	s25 =	simm.s32 $0x1B8E;
	s24 =	sld [smem:$0x3FFE];
	[sflag:s23] =	ssyncadd.s32 $0xFFFFFFFF  }
0xa5: {  	s26 =	simm.s32 $execute0_lowered;
	[smem:$0x3FD2] =	sst s25  }
0xa6: {  	s4 =	sshll.u32 s26, $0x1;
	_ =	strace $0x8000004F;
	[dreg:$0x1] =	wrdreg $0xFFFFFFFF  }
0xa7: {  	s28 =	simm.s32 $_size_execute0_lowered;
	s2 =	sadd.s32 s2, s4;
	[dreg:$0x0] =	wrdreg $0x0  }
0xa8: {  	s4 =	sshll.u32 s28, $0x1;
	[dreg:$0x2] =	wrdreg s2  }
0xa9: {  	[dreg:$0x3] =	wrdreg s4  }
0xaa: {  	[dreg:$0x4] =	wrdreg $0xC0  }
0xab: {  	_ =	task [dreg:s6], $0x5FFFF  }
0xac: {  	[dreg:$0x1] =	wrdreg $0xFFFFFFFF  }
0xad: {  	[dreg:$0x0] =	wrdreg $0x60  }
0xae: {  	[dreg:$0x2] =	wrdreg s24  }
0xaf: {  	[dreg:$0x3] =	wrdreg $0x9  }
0xb0: {  	_ =	task.clear_ibuf [dreg:s6], $0x4FFFF;
	_ =	strace $0x9000004F  }
0xb1: {  	s29 =	simm.s32 $0x9;
	_ =	strace $0x80000051  }
0xb2: {  	_ =	swait.ge [sflag:s29], $0x1  }
0xb3: {  	[sflag:s29] =	ssyncadd.s32 $0xFFFFFFFF  }
0xb4: {  	_ =	strace $0x90000051  }
0xb5: {  	_ =	sfence  }
0xb6: {  	s30 =	sld [smem:$0x0];
	_ =	sdelay $0x2  }
0xb7: {  	s31 =	sshll.u32 s1, $0xD;
	s1 =	sshrl.u32 s1, $0x2  }
0xb8: {  	s3 =	sand.u32 $0x4000, s31;
	s1 =	sadd.s32 s1, s30  }
0xb9: {  	s0 =	sor.u32 s3, s0;
	s1 =	sshll.u32 s1, $0x11  }
0xba: {  	s0 =	sor.u32 s1, s0  }
0xbb: {  	s0 =	sadd.s32 $0x8F2B, s0  }
0xbc: {  	[sflag:s0] =	ssyncadd.remote.s32 $0x1  }
0xbd: {  	_ =	sfence.sel $0xFFFF  }
0xbe: {  	[dreg:$0x0] =	wrdreg $0xFFFFFFFF;
	(pc) =	sbr.abs _section_cstart, $3  }
0xbf: {  	[dreg:$0x1] =	wrdreg $0xFFFFFFFF  }
0xc0: {  	_ =	task.clear_ibuf [dreg:s6], $0x2FFFF;
	_ =	strace $0x9FFFFFFF  }
0xc1: {  	(tm) =	ssettm $0x7FFFFFFF  }
tec
execute0_lowered:
.L_overlay_start_1:
0x0: {  	(tag) =	ssettag $0x1  }
0x1: {  	s0 =	srdreg.scid  }
0x2: {  	s3 =	sand.u32 $0x1, s0  }
0x3: {  	s4 =	rddreg [dreg:$0x0];
	s0 =	stileid.u32;
	s1 =	sshll.u32 s3, $0x4  }
0x4: {  	s2 =	simm.s32 $0x0;
	s8 =	simm.s32 $0x1;
	s1 =	sor.u32 s0, s1  }
0x5: {  	s9 =	simm.s32 $0x1400;
	s10 =	simm.s32 $0x2800;
	s5 =	smul.u32 $0x1400, s1  }
0x6: {  	s11 =	simm.s32 $0x3C00;
	s12 =	simm.s32 $0x0;
	s3 =	ssub.s32 $0x2, s3  }
0x7: {  	[smem:$0x7FF] =	sst s2;
	s31 =	sshrl.u32 s3, $0x1;
	s5 =	sshrl.u32 s5, $0x3  }
0x8: {  	s1 =	rddreg [dreg:$0x1];
	s7 =	ssub.s32 s3, s31;
	s6 =	sadd.s32 s5, s4  }
0x9: {  	_ =	strace $0x80000050;
	s7 =	smax.u32 s7, $0x1;
	s3 =	sadd.s32 $0x11C00, s6  }
0xa: {  	vm0 =	vcmask $0x300;
	vm1 =	vcmask $0x704;
	s4 =	sadd.s32 $0x16C00, s6;
	s5 =	sadd.s32 $0xCC00, s6;
	s6 =	sadd.s32 $0x2E00, s6  }
.LBB2_1:
0xb: {  	[tilespmem:s2], [sflag:$0x1] =	stream.linear.gather [hbm4b:s3+s2], $0x1400, $0x38;
	[tilespmem:$0x5000] =	vst v63  }
0xc: {  	_ =	swait.ge [sflag:s8], $0x1400  }
0xd: {  	[sflag:s8] =	ssyncset.done $0x0  }
0xe: {  	[sflag:s8] =	ssyncadd.s32 $0xFFFFEC00  }
0xf: {  	[tilespmem:s9], [sflag:$0x1] =	stream.linear.gather [hbm4b:s4+s2], $0x1400, $0x38;
	[tilespmem:$0x5000] =	vst v63  }
0x10: {  	_ =	swait.ge [sflag:s8], $0x1400  }
0x11: {  	[sflag:s8] =	ssyncset.done $0x0  }
0x12: {  	[sflag:s8] =	ssyncadd.s32 $0xFFFFEC00  }
0x13: {  	[tilespmem:s10], [sflag:$0x1] =	stream.linear.gather [hbm4b:s5+s2], $0x1400, $0x38;
	[tilespmem:$0x5000] =	vst v63  }
0x14: {  	_ =	swait.ge [sflag:s8], $0x1400  }
0x15: {  	[sflag:s8] =	ssyncset.done $0x0  }
0x16: {  	s13 =	simm.s32 $0x0;
	[sflag:s8] =	ssyncadd.s32 $0xFFFFEC00  }
0x17: {  	v0 =	vld [tilespmem:s13+$0x0]  }
0x18: {  	v1 =	vld [tilespmem:s13+$0x1400]  }
0x19: {  	v2 =	vld [tilespmem:s13+$0x2800];
	_ =	sdelay $0x3  }
0x1a: {  	v0 =	vadd.f32 v1, v0  }
0x1b: {  	(v2sf) =	vpush v2, $0x4  }
0x1c: {  	(v2sf) =	vpush v0, $0x0  }
0x1d: {  	s14 =	simm.s32 $0x10;
	(v2sf) =	vpush v2, $0x2  }
0x1e: {  	v1 =	vld [tilespmem:s14+$0x1400];
	(v2sf) =	vpush v0, $0x1  }
0x1f: {  	v0 =	vld [tilespmem:s14+$0x0]  }
0x20: {  	(v2sf) =	vpush v2, $0x3;
	v2 =	vld [tilespmem:s14+$0x2800];
	_ =	sdelay $0x1  }
0x21: {  	s15 =	simm.s32 $0x20  }
0x22: {  	v3 =	vld [tilespmem:s15+$0x0]  }
0x23: {  	v0 =	vadd.f32 v1, v0;
	v1 =	vld [tilespmem:s15+$0x1400]  }
0x24: {  	v4 =	vld [tilespmem:s15+$0x2800];
	(v2sf) =	vpush v2, $0x4  }
0x25: {  	(v2sf) =	vpush v0, $0x0  }
0x26: {  	(v2sf) =	vpush v2, $0x2  }
0x27: {  	(v2sf) =	vpush v0, $0x1  }
0x28: {  	s16 =	simm.s32 $0x30;
	(v2sf) =	vpush v2, $0x3;
	v2 =	vadd.f32 v1, v3  }
0x29: {  	v1 =	vld [tilespmem:s16+$0x2800];
	s17 =	spop (v2sf);
	(v2sf) =	vpush v4, $0x4  }
0x2a: {  	s18 =	spop (v2sf);
	(v2sf) =	vpush v2, $0x0  }
0x2b: {  	s19 =	spop (v2sf);
	(v2sf) =	vpush v4, $0x2  }
0x2c: {  	s20 =	spop (v2sf);
	(v2sf) =	vpush v2, $0x1  }
0x2d: {  	(v2sf) =	vpush v4, $0x3  }
0x2e: {  	v0 =	vld [tilespmem:s16+$0x0];
	s31 =	spop (v2sf);
	(v2sf) =	vpush v1, $0x4  }
0x2f: {  	v3 =	vld [tilespmem:s16+$0x1400];
	_ =	sdelay $0x1  }
0x30: {  	s18 =	smul.f32 s17, s18;
	_ =	sdelay $0x1  }
0x31: {  	s21 =	sadd.f32 s18, s19;
	s30 =	smul.f32 s17, s20  }
0x32: {  	v3 =	vadd.f32 v3, v0;
	s17 =	simm.s32 $0x40  }
0x33: {  	s19 =	simm.s32 $0x140;
	v2 =	vld [tilespmem:s17+$0x0];
	s18 =	sadd.f32 s30, s31;
	v0 =	vmov s21  }
.LBB2_2:
0x34: {  	p0 =	sne.s32 s19, $0x4FC0;
	v4 =	vld [tilespmem:s17+$0x1400];
	(v2sf) =	vpush v3, $0x0;
	s20 =	spop (v2sf);
	v0 =	vnsel vm0, $0x0, v0  }
0x35: {  	s21 =	spop (v2sf)  }
0x36: {  	v5 =	vld [tilespmem:s17+$0x2800];
	(v2sf) =	vpush v1, $0x2;
	v0 =	vsel vm1, s18, v0;
	s18 =	smul.f32 s20, s21  }
.Ltmp0:
0x37: {  	(v2sf) =	vpush v3, $0x1;
	s21 =	spop (v2sf);
	[tilespmem:s13+$0x3C00] =	vst v0;
	(pc) =	sbr.rel @p0 .LBB2_2-.Ltmp0, $4  }
0x38: {  	s13 =	smov.u32 s14;
	s14 =	smov.u32 s15;
	s22 =	spop (v2sf)  }
0x39: {  	s15 =	smov.u32 s16;
	(v2sf) =	vpush v1, $0x3;
	s21 =	sadd.f32 s18, s21;
	s18 =	smul.f32 s20, s22  }
0x3a: {  	s16 =	smov.u32 s17;
	s17 =	sshra.s32 s19, $0x2;
	v3 =	vadd.f32 v4, v2;
	s20 =	spop (v2sf)  }
0x3b: {  	s19 =	sadd.s32 $0x40, s19;
	v2 =	vld [tilespmem:s17+$0x0];
	(v2sf) =	vpush v5, $0x4;
	s18 =	sadd.f32 s18, s20;
	v0 =	vmov s21;
	v1 =	vmov v5  }
0x3c: {  	v4 =	vld [tilespmem:s17+$0x1400]  }
0x3d: {  	v5 =	vld [tilespmem:s17+$0x2800]  }
0x3e: {  	(v2sf) =	vpush v3, $0x0  }
0x3f: {  	(v2sf) =	vpush v1, $0x2  }
0x40: {  	(v2sf) =	vpush v3, $0x1  }
0x41: {  	(v2sf) =	vpush v1, $0x3;
	v52 =	vadd.f32 v4, v2  }
0x42: {  	s19 =	spop (v2sf);
	(v2sf) =	vpush v5, $0x4  }
0x43: {  	s20 =	spop (v2sf);
	(v2sf) =	vpush v52, $0x0  }
0x44: {  	s21 =	spop (v2sf);
	(v2sf) =	vpush v5, $0x2  }
0x45: {  	s22 =	spop (v2sf);
	(v2sf) =	vpush v52, $0x1  }
0x46: {  	s23 =	spop (v2sf)  }
0x47: {  	s24 =	spop (v2sf);
	(v2sf) =	vpush v5, $0x3  }
0x48: {  	s20 =	smul.f32 s19, s20;
	s25 =	spop (v2sf)  }
0x49: {  	s26 =	spop (v2sf)  }
0x4a: {  	s20 =	sadd.f32 s20, s21;
	s31 =	spop (v2sf)  }
0x4b: {  	s19 =	smul.f32 s19, s22;
	s22 =	spop (v2sf)  }
0x4c: {  	s25 =	smul.f32 s24, s25;
	s28 =	spop (v2sf)  }
0x4d: {  	s19 =	sadd.f32 s19, s23;
	s29 =	spop (v2sf)  }
0x4e: {  	s25 =	sadd.f32 s25, s26;
	s30 =	spop (v2sf)  }
0x4f: {  	s21 =	smul.f32 s24, s31;
	s31 =	spop (v2sf)  }
0x50: {  	s23 =	smul.f32 s28, s29;
	s29 =	spop (v2sf)  }
0x51: {  	s21 =	sadd.f32 s21, s22;
	s22 =	spop (v2sf)  }
0x52: {  	s23 =	sadd.f32 s23, s30;
	s30 =	spop (v2sf)  }
0x53: {  	s26 =	smul.f32 s22, s30;
	s30 =	spop (v2sf)  }
0x54: {  	v0 =	vnsel vm0, $0x0, v0;
	v53 =	vmov s20;
	s20 =	smul.f32 s28, s31;
	s31 =	spop (v2sf)  }
0x55: {  	v0 =	vsel vm1, s18, v0;
	v1 =	vnsel vm0, $0x0, v53;
	v54 =	vmov s25;
	s28 =	sadd.f32 s26, s30;
	s22 =	smul.f32 s22, s31  }
0x56: {  	[tilespmem:s13+$0x3C00] =	vst v0;
	v55 =	vsel vm1, s19, v1;
	v56 =	vnsel vm0, $0x0, v54;
	s29 =	sadd.f32 s20, s29;
	v57 =	vmov s23;
	s30 =	spop (v2sf)  }
0x57: {  	[tilespmem:s14+$0x3C00] =	vst v55;
	v58 =	vsel vm1, s21, v56;
	v59 =	vnsel vm0, $0x0, v57;
	s31 =	sadd.f32 s22, s30;
	v60 =	vmov s28  }
0x58: {  	s12 =	sadd.s32 $0x1, s12;
	[tilespmem:s15+$0x3C00] =	vst v58;
	v61 =	vsel vm1, s29, v59;
	v62 =	vnsel vm0, $0x0, v60  }
0x59: {  	p0 =	sne.s32 s12, s7;
	[tilespmem:s16+$0x3C00] =	vst v61;
	v63 =	vsel vm1, s31, v62  }
.Ltmp1:
0x5a: {  	[tilespmem:s17+$0x3C00] =	vst v63;
	(pc) =	sbr.rel @p0 .LBB2_1-.Ltmp1, $4  }
0x5b: {  	[hbm4b:s6+s2] =	stream.linear.scatter [tilespmem:s11], [sflag:$0x1], $0x1400, $0x38;
	[tilespmem:$0x5000] =	vst v63  }
0x5c: {  	_ =	swait.ge [sflag:s8], $0x1400  }
0x5d: {  	[sflag:s8] =	ssyncset.done $0x0  }
0x5e: {  	[sflag:s8] =	ssyncadd.s32 $0xFFFFEC00  }
0x5f: {  	_ =	sfence.sel $0x180000  }
0x60: {  	[bflag:$0x0] =	sbarrier.arrive $0xFFFF  }
0x61: {  	p0 =	sne.s32 s0, $0x0;
	_ =	strace $0x90000050  }
0x62: {  	s0 =	sadd.s32 @!p0 $0x100000, s1;
	[bflag:$0x2] =	sbarrier.arrive $0xFFFF  }
0x63: {  	[sflag:s0] =	ssyncadd.tile.s32 @!p0 $0x1;
	_ =	shalt  }
.Lfunc_end2:
_tile_overlayer_lowered:
.L_overlay_start_2:
0x64: {  	(tag) =	ssettag $0x2  }
0x65: {  	s0 =	rddreg [dreg:$0x0];
	s2 =	stileid.u32  }
0x66: {  	s1 =	rddreg [dreg:$0x1];
	p0 =	sne.s32 s2, $0x0  }
0x67: {  	s3 =	rddreg [dreg:$0x2];
	[bflag:$0x3] =	sbarrier.arrive $0xFFFF;
	s2 =	simm.s32 @!p0 $0x1C01  }
0x68: {  	[timem:s3], [sflag:s2] =	dma.local @!p0 [hbm:s0], s1  }
0x69: {  	s0 =	simm.s32 @!p0 $0x1  }
0x6a: {  	_ =	swait.ge @!p0 [sflag:s0], s1  }
0x6b: {  	s1 =	ssub.s32 @!p0 $0x0, s1;
	[sflag:s0] =	ssyncset.done @!p0 $0x0  }
0x6c: {  	[sflag:s0] =	ssyncadd.s32 @!p0 s1  }
0x6d: {  	[bflag:$0x3] =	sbarrier.arrive $0xFFFF  }
0x6e: {  	_ =	shalt  }

// kernel: kernel.8.cloned.1.call-start
scs
__scs_entry_jumppad:
0x0: {  	(pc) =	sbr.rel $0x88, $3  }
0x1: {  	(tag) =	ssettag $0x0;
	lr =	simm.s32 $0x1  }
0x2: {  	[smem:$0x3F99] =	sst lr;
	_ =	strace $0xD0000000  }
0x3: {  	_ = 	snop  }
0x4: {  	_ = 	snop  }
0x5: {  	_ = 	snop  }
0x6: {  	_ = 	snop  }
0x7: {  	_ = 	snop  }
__scs_overlays_trampoline_lowered:
0x8: {  	[smem:$0x3FA8] =	sst s0  }
0x9: {  	[smem:$0x3FA9] =	sst s1  }
0xa: {  	[smem:$0x3FAA] =	sst s2  }
0xb: {  	[smem:$0x3FAB] =	sst s3  }
0xc: {  	[smem:$0x3FAC] =	sst s4  }
0xd: {  	[smem:$0x3FAD] =	sst s5  }
0xe: {  	[smem:$0x3FAE] =	sst s6  }
0xf: {  	[smem:$0x3FAF] =	sst s7  }
0x10: {  	[smem:$0x3FB0] =	sst s8  }
0x11: {  	[smem:$0x3FB1] =	sst s9;
	s0 =	simm.s32 @!p0 $0x0  }
0x12: {  	s1 =	sld [smem:$0x3F97];
	s0 =	simm.s32 @p0 $0x1  }
0x13: {  	[smem:$0x3FB2] =	sst s0;
	s0 =	simm.s32 @!p1 $0x0  }
0x14: {  	s2 =	sld [smem:$0x3F96];
	s0 =	simm.s32 @p1 $0x1  }
0x15: {  	[smem:$0x3FB3] =	sst s0;
	s0 =	simm.s32 @!p2 $0x0  }
0x16: {  	s3 =	sld [smem:$0x3FDB];
	s0 =	simm.s32 @p2 $0x1  }
0x17: {  	s4 =	simm.s32 $0x1BF5;
	[smem:$0x3FB5] =	sst s0  }
0x18: {  	s0 =	sld [smem:$0x3F98];
	_ =	swait.ge [sflag:s4], $0x0  }
0x19: {  	s7 =	sld [smem:$0x3F99]  }
0x1a: {  	s8 =	sadd.s32 $0xFFFFE003, lr  }
0x1b: {  	s9 =	sadd.s32 $0xFFFFFEF7, lr;
	s5 =	simm.s32 $0xFFFFFFFF;
	p2 =	slt.u32 s8, $0xFFFFF086  }
0x1c: {  	p1 =	slt.u32 s9, $0xF7A;
	s5 =	simm.s32 @!p2 $0x0  }
0x1d: {  	s5 =	simm.s32 @p1 $0x1;
	p0 =	seq.s32 s7, s2  }
0x1e: {  	s7 =	smul.u32 @!p0 $0xF7A, s2;
	p2 =	seq.s32 @!p0 s5, $0x0  }
0x1f: {  	s9 =	smul.u32 $0xF7A, s1;
	s8 =	simm.s32 @!p0 $0x1BF5;
	p2 =	por !p2, p0  }
0x20: {  	[sflag:s8] =	ssyncset.s32 @!p0 $0xFFFFF086;
	s6 =	sadd.s32 @!p0 s3, s7;
	s7 =	simm.s32 @!p0 $0x108  }
0x21: {  	s3 =	sadd.s32 s3, s9;
	s6 =	sadd.s32 @!p0 $0x88, s6;
	s7 =	simm.s32 @p2 $0x1082  }
0x22: {  	[simem:s7], [sflag:s8] =	dma.local @!p0 [hbm:s6], $0xF7A  }
0x23: {  	s9 =	sor.u32 $0xD0000000, s2;
	s6 =	simm.s32 $0x108;
	_ =	swait.ge @!p0 [sflag:s8], $0x0  }
0x24: {  	s3 =	sadd.s32 $0x88, s3;
	s6 =	simm.s32 @!p1 $0x1082;
	[sflag:s4] =	ssyncset.s32 $0xFFFFF086  }
0x25: {  	[simem:s6], [sflag:s4] =	dma.local [hbm:s3], $0xF7A  }
0x26: {  	[smem:$0x3F99] =	sst s1;
	(tag) =	ssettag s2;
	_ =	strace s9  }
0x27: {  	s1 =	sld [smem:$0x3FA9]  }
0x28: {  	s2 =	sld [smem:$0x3FAA]  }
0x29: {  	s4 =	sld [smem:$0x3FAC]  }
0x2a: {  	p0 =	seq.s32 s5, $0x0;
	s5 =	sld [smem:$0x3FAD]  }
0x2b: {  	s6 =	sld [smem:$0x3FAE]  }
0x2c: {  	s7 =	sld [smem:$0x3FAF]  }
0x2d: {  	s3 =	simm.s32 $0x108;
	s8 =	sld [smem:$0x3FB0]  }
0x2e: {  	s3 =	simm.s32 @!p0 $0x1082;
	s9 =	sld [smem:$0x3FB1]  }
0x2f: {  	lr =	sadd.s32 s0, s3;
	s0 =	sld [smem:$0x3FA8]  }
0x30: {  	s3 =	sld [smem:$0x3FAB]  }
0x31: {  	[smem:$0x3FB4] =	sst s10  }
0x32: {  	s10 =	sld [smem:$0x3FB2];
	_ =	sdelay $0x3  }
0x33: {  	p0 =	seq.s32 s10, $0x1;
	s10 =	sld [smem:$0x3FB4];
	_ =	sdelay $0x3  }
0x34: {  	[smem:$0x3FB4] =	sst s10  }
0x35: {  	s10 =	sld [smem:$0x3FB3];
	_ =	sdelay $0x3  }
0x36: {  	p1 =	seq.s32 s10, $0x1;
	s10 =	sld [smem:$0x3FB4];
	_ =	sdelay $0x3  }
0x37: {  	[smem:$0x3FB4] =	sst s10  }
0x38: {  	s10 =	sld [smem:$0x3FB5]  }
0x39: {  	_ = 	snop;
	(pc) =	sbr.ind lr, $3  }
0x3a: {  	_ = 	snop  }
0x3b: {  	_ = 	snop  }
0x3c: {  	p2 =	seq.s32 s10, $0x1;
	s10 =	sld [smem:$0x3FB4]  }
0x3d: {  	_ =	shalt  }
0x3e: {  	_ =	shalt  }
0x3f: {  	_ =	shalt  }
0x40: {  	_ =	shalt  }
0x41: {  	_ =	shalt  }
0x42: {  	_ =	shalt  }
0x43: {  	_ =	shalt  }
0x44: {  	_ =	shalt  }
0x45: {  	_ =	shalt  }
0x46: {  	_ =	shalt  }
0x47: {  	_ =	shalt  }
0x48: {  	_ =	shalt  }
0x49: {  	_ =	shalt  }
0x4a: {  	_ =	shalt  }
0x4b: {  	_ =	shalt  }
0x4c: {  	_ =	shalt  }
0x4d: {  	_ =	shalt  }
0x4e: {  	_ =	shalt  }
0x4f: {  	_ =	shalt  }
0x50: {  	_ =	shalt  }
0x51: {  	_ =	shalt  }
0x52: {  	_ =	shalt  }
0x53: {  	_ =	shalt  }
0x54: {  	_ =	shalt  }
0x55: {  	_ =	shalt  }
0x56: {  	_ =	shalt  }
0x57: {  	_ =	shalt  }
0x58: {  	_ =	shalt  }
0x59: {  	_ =	shalt  }
0x5a: {  	_ =	shalt  }
0x5b: {  	_ =	shalt  }
0x5c: {  	_ =	shalt  }
0x5d: {  	_ =	shalt  }
0x5e: {  	_ =	shalt  }
0x5f: {  	_ =	shalt  }
0x60: {  	_ =	shalt  }
0x61: {  	_ =	shalt  }
0x62: {  	_ =	shalt  }
0x63: {  	_ =	shalt  }
0x64: {  	_ =	shalt  }
0x65: {  	_ =	shalt  }
0x66: {  	_ =	shalt  }
0x67: {  	_ =	shalt  }
0x68: {  	_ =	shalt  }
0x69: {  	_ =	shalt  }
0x6a: {  	_ =	shalt  }
0x6b: {  	_ =	shalt  }
0x6c: {  	_ =	shalt  }
0x6d: {  	_ =	shalt  }
0x6e: {  	_ =	shalt  }
0x6f: {  	_ =	shalt  }
0x70: {  	_ =	shalt  }
0x71: {  	_ =	shalt  }
0x72: {  	_ =	shalt  }
0x73: {  	_ =	shalt  }
0x74: {  	_ =	shalt  }
0x75: {  	_ =	shalt  }
0x76: {  	_ =	shalt  }
0x77: {  	_ =	shalt  }
0x78: {  	_ =	shalt  }
0x79: {  	_ =	shalt  }
0x7a: {  	_ =	shalt  }
0x7b: {  	_ =	shalt  }
0x7c: {  	_ =	shalt  }
0x7d: {  	_ =	shalt  }
0x7e: {  	_ =	shalt  }
0x7f: {  	_ =	shalt  }
0x80: {  	_ =	shalt  }
0x81: {  	_ =	shalt  }
0x82: {  	_ =	shalt  }
0x83: {  	_ =	shalt  }
0x84: {  	_ =	shalt  }
0x85: {  	_ =	shalt  }
0x86: {  	_ =	shalt  }
0x87: {  	_ =	shalt  }
.Lfunc_end0:
.L_simem_size_0:
called_computation_lowered:
.L_overlay_start_0:
0x88: {  	s2 =	sld [smem:$0x3FD9]  }
0x89: {  	s3 =	sld [smem:$0x3FFE];
	_ =	sdelay $0x1  }
0x8a: {  	s1 =	srdreg.scid  }
0x8b: {  	s0 =	sand.u32 $0x1, s1  }
0x8c: {  	s17 =	sshll.u32 s0, $0xA;
	s2 =	sadd.s32 s3, s2  }
0x8d: {  	s2 =	sadd.s32 s2, s17  }
0x8e: {  	[smem:$0x3FC0] =	sst s2  }
0x8f: {  	_ = 	snop  }
0x90: {  	s2 =	sld [smem:$0x3FD0];
	(tm) =	ssettm $0x1  }
0x91: {  	s18 =	sld [smem:$0x3FFB];
	_ =	sdelay $0x3  }
0x92: {  	_ =	strace s18  }
0x93: {  	s3 =	sld [smem:$0x3FFC];
	_ =	sdelay $0x3  }
0x94: {  	_ =	strace s3  }
0x95: {  	s3 =	sld [smem:$0x3FFD];
	_ =	sdelay $0x3  }
0x96: {  	_ =	strace s3  }
0x97: {  	_ =	strace $0x8FFFFFFF  }
0x98: {  	s19 =	sld [smem:$0x3FDB];
	_ =	sdelay $0x1  }
0x99: {  	s4 =	simm.s32 $_scs_section_size  }
0x9a: {  	s5 =	simm.s32 $_size__tile_overlayer_lowered;
	s6 =	simm.s32 $_tile_overlayer_lowered  }
0x9b: {  	s22 =	simm.s32 $0x1BFF;
	s21 =	sshll.u32 s6, $0x1;
	s3 =	sadd.s32 s4, s19  }
0x9c: {  	s7 =	simm.s32 $0x0;
	s20 =	sshll.u32 s5, $0x1;
	s5 =	sadd.s32 s21, s3  }
0x9d: {  	[timem:s7], [sflag:s22] =	dma.local [hbm:s5], s20  }
0x9e: {  	_ =	swait.ge [sflag:s22], s20  }
0x9f: {  	s4 =	ssub.s32 $0x0, s20;
	[sflag:s22] =	ssyncset.done $0x0  }
0xa0: {  	[sflag:s22] =	ssyncadd.s32 s4;
	_ =	sdelay $0x1  }
0xa1: {  	s23 =	simm.s32 $0x1B8B  }
0xa2: {  	_ =	swait.ge [sflag:s23], $0x1  }
0xa3: {  	[sflag:s23] =	ssyncset.done $0x0  }
0xa4: {  	s25 =	simm.s32 $0x1B8E;
	s24 =	sld [smem:$0x3FFE];
	[sflag:s23] =	ssyncadd.s32 $0xFFFFFFFF  }
0xa5: {  	s26 =	simm.s32 $execute0_lowered;
	[smem:$0x3FD2] =	sst s25  }
0xa6: {  	s5 =	sshll.u32 s26, $0x1;
	_ =	strace $0x80000046;
	[dreg:$0x1] =	wrdreg $0xFFFFFFFF  }
0xa7: {  	s28 =	simm.s32 $_size_execute0_lowered;
	s3 =	sadd.s32 s3, s5;
	[dreg:$0x0] =	wrdreg $0x0  }
0xa8: {  	s5 =	sshll.u32 s28, $0x1;
	[dreg:$0x2] =	wrdreg s3  }
0xa9: {  	[dreg:$0x3] =	wrdreg s5  }
0xaa: {  	[dreg:$0x4] =	wrdreg $0xC0  }
0xab: {  	_ =	task [dreg:s7], $0x5FFFF  }
0xac: {  	[dreg:$0x1] =	wrdreg $0xFFFFFFFF  }
0xad: {  	[dreg:$0x0] =	wrdreg $0x60  }
0xae: {  	[dreg:$0x2] =	wrdreg s24  }
0xaf: {  	[dreg:$0x3] =	wrdreg s2  }
0xb0: {  	[dreg:$0x4] =	wrdreg $0x1C2A00  }
0xb1: {  	[dreg:$0x5] =	wrdreg $0x122A00  }
0xb2: {  	[dreg:$0x6] =	wrdreg $0x9  }
0xb3: {  	_ =	task.clear_ibuf [dreg:s7], $0x7FFFF;
	_ =	strace $0x90000046  }
0xb4: {  	s29 =	simm.s32 $0x9;
	_ =	strace $0x80000048  }
0xb5: {  	_ =	swait.ge [sflag:s29], $0x1  }
0xb6: {  	[sflag:s29] =	ssyncadd.s32 $0xFFFFFFFF  }
0xb7: {  	_ =	strace $0x90000048  }
0xb8: {  	_ =	sfence  }
0xb9: {  	s30 =	sld [smem:$0x0];
	_ =	sdelay $0x2  }
0xba: {  	s31 =	sshll.u32 s1, $0xD;
	s1 =	sshrl.u32 s1, $0x2  }
0xbb: {  	s3 =	sand.u32 $0x4000, s31;
	s1 =	sadd.s32 s1, s30  }
0xbc: {  	s0 =	sor.u32 s3, s0;
	s1 =	sshll.u32 s1, $0x11  }
0xbd: {  	s0 =	sor.u32 s1, s0  }
0xbe: {  	s0 =	sadd.s32 $0x8F2B, s0  }
0xbf: {  	[sflag:s0] =	ssyncadd.remote.s32 $0x1  }
0xc0: {  	_ =	sfence.sel $0xFFFF  }
0xc1: {  	[dreg:$0x0] =	wrdreg $0xFFFFFFFF;
	(pc) =	sbr.abs _section_cstart, $3  }
0xc2: {  	[dreg:$0x1] =	wrdreg $0xFFFFFFFF  }
0xc3: {  	_ =	task.clear_ibuf [dreg:s7], $0x2FFFF;
	_ =	strace $0x9FFFFFFF  }
0xc4: {  	(tm) =	ssettm $0x7FFFFFFF  }
0xc5: {  	_ =	shalt  }
tec
execute0_lowered:
.L_overlay_start_1:
0x0: {  	(tag) =	ssettag $0x1  }
0x1: {  	s0 =	rddreg [dreg:$0x0];
	s1 =	srdreg.scid  }
0x2: {  	s16 =	stileid.u32;
	s3 =	rddreg [dreg:$0x2]  }
0x3: {  	s4 =	rddreg [dreg:$0x3];
	s5 =	simm.s32 $0x0;
	s28 =	simm.s32 $0x4010  }
0x4: {  	s29 =	simm.s32 $0x4330;
	s31 =	simm.s32 $0x44C0;
	s2 =	smul.u32 $0x2710, s16  }
0x5: {  	s30 =	simm.s32 $0x4970;
	s1 =	sand.u32 $0x1, s1;
	s10 =	smul.u32 $0xA000, s16  }
0x6: {  	[smem:$0x7FF] =	sst s5;
	s6 =	sadd.s32 $0xCC00, s0;
	s11 =	smul.u32 $0x1400, s16  }
0x7: {  	s19 =	sadd.s32 $0x6FC00, s0;
	s20 =	sadd.s32 $0x6E800, s0;
	s7 =	smul.u32 $0x27100, s1  }
0x8: {  	s26 =	sshll.u32 s16, $0x6;
	s16 =	simm.s32 $0x11620;
	s8 =	smul.u32 $0xA0000, s1  }
0x9: {  	_ =	strace $0x80000047;
	s13 =	smul.u32 $0x14000, s1;
	[dreg:$0x5] =	wrdreg s19  }
0xa: {  	[dreg:$0x6] =	wrdreg s20;
	s22 =	ssub.s32 $0x2, s1;
	p0 =	sne.s32 s1, $0x0  }
0xb: {  	s17 =	sor.u32 $0x1C03, s26;
	s20 =	simm.s32 $0x190;
	s26 =	simm.s32 $0x41A0  }
0xc: {  	s15 =	sshrl.u32 s22, $0x1;
	s23 =	sadd.s32 s11, s3;
	s19 =	sadd.s32 s10, s4  }
0xd: {  	s7 =	sadd.s32 s2, s7;
	s8 =	sadd.s32 s10, s8;
	s21 =	sadd.s32 s11, s13  }
0xe: {  	s2 =	sshrl.u32 s2, $0x3;
	s13 =	ssub.s32 s22, s15;
	s15 =	simm.s32 $0x3  }
0xf: {  	s18 =	sshrl.u32 s23, $0x3;
	s19 =	sshrl.u32 s19, $0x3;
	s22 =	simm.s32 $0xB220  }
0x10: {  	s23 =	simm.s32 $0x1;
	s10 =	simm.s32 $0x39D0;
	s11 =	simm.s32 $0x3B60  }
0x11: {  	s7 =	sshrl.u32 s7, $0x3;
	s9 =	sshrl.u32 s8, $0x3;
	s2 =	sadd.s32 s0, s2  }
0x12: {  	s13 =	smax.u32 s13, $0x1;
	s8 =	simm.s32 $0x4C90;
	s12 =	sadd.s32 s7, s0  }
0x13: {  	s14 =	sadd.s32 s9, s0;
	s9 =	sshrl.u32 s21, $0x3;
	s2 =	sadd.s32 $0x7C20, s2  }
0x14: {  	s21 =	simm.s32 $0x4E20;
	s7 =	simm.s32 $0x2710;
	s0 =	sadd.s32 s9, s0  }
.Ltmp0:
0x15: {  	[dreg:$0x7] =	wrdreg s2;
	s24 =	sadd.s32 $0x5AE00, s12;
	(pc) =	sbr.rel .LBB2_1-.Ltmp0, $4  }
0x16: {  	s25 =	sadd.s32 $0x74E00, s14;
	s9 =	simm.s32 $0x3840;
	s12 =	simm.s32 $0x3CF0  }
0x17: {  	s2 =	simm.s32 $0x3E80;
	s14 =	simm.s32 $0x4B00;
	[dreg:$0x8] =	wrdreg s24  }
0x18: {  	[dreg:$0x9] =	wrdreg s25;
	s0 =	sadd.s32 $0x6FE00, s0;
	s25 =	simm.s32 $0x2  }
0x19: {  	s24 =	simm.s32 $0x47E0;
	[dreg:$0xa] =	wrdreg s0;
	s0 =	simm.s32 $0x4650  }
.LBB2_3:
0x1a: {  	s1 =	simm.s32 $0x320  }
0x1b: {  	[tilespmem:s21], [sflag:$0x1] =	stream.indirect.gather [hbm4b:s6+s20], $0x40, s1, s20, $0xb8;
	[tilespmem:$0x1D6A0] =	vst v63  }
0x1c: {  	_ =	swait.ge [sflag:s25], $0x6400  }
0x1d: {  	[sflag:s25] =	ssyncset.done $0x0  }
0x1e: {  	s24 =	simm.s32 $0x28A0;
	[sflag:s25] =	ssyncadd.s32 $0xFFFF9C00  }
0x1f: {  	[spmem:s4] =	stream.indirect.scatter.add.f32 [tilespmem:s22], [sflag:$0x3], $0x40, s24, s20, $0xb8;
	[tilespmem:$0x1D6A0] =	vst v63  }
0x20: {  	_ =	swait.ge [sflag:s15], $0x6400  }
0x21: {  	[sflag:s15] =	ssyncset.done $0x0  }
0x22: {  	[sflag:s15] =	ssyncadd.s32 $0xFFFF9C00  }
0x23: {  	[spmem:s3] =	stream.indirect.scatter.add.f32 [tilespmem:s16], [sflag:$0x3], $0x8, s24, s20, $0xb8;
	[tilespmem:$0x1D6A0] =	vst v63  }
0x24: {  	_ =	swait.ge [sflag:s15], $0xC80  }
0x25: {  	[sflag:s15] =	ssyncset.done $0x0  }
0x26: {  	s26 =	simm.s32 $0x4B0;
	[sflag:s15] =	ssyncadd.s32 $0xFFFFF380  }
0x27: {  	[tilespmem:s22], [sflag:$0x2] =	stream.indirect.gather [hbm4b:s6+s20], $0x40, s26, s20, $0xb8;
	[tilespmem:$0x1D6A0] =	vst v63  }
0x28: {  	_ =	swait.ge [sflag:s23], $0x6400  }
0x29: {  	[sflag:s23] =	ssyncset.done $0x0  }
0x2a: {  	s2 =	simm.s32 $0x2A30;
	[sflag:s23] =	ssyncadd.s32 $0xFFFF9C00  }
0x2b: {  	[spmem:s4] =	stream.indirect.scatter.add.f32 [tilespmem:s21], [sflag:$0x3], $0x40, s2, s20, $0xb8;
	[tilespmem:$0x1D6A0] =	vst v63  }
0x2c: {  	_ =	swait.ge [sflag:s15], $0x6400  }
0x2d: {  	[sflag:s15] =	ssyncset.done $0x0  }
0x2e: {  	s9 =	simm.s32 $0x640;
	[sflag:s15] =	ssyncadd.s32 $0xFFFF9C00  }
0x2f: {  	[tilespmem:s21], [sflag:$0x1] =	stream.indirect.gather [hbm4b:s6+s20], $0x40, s9, s20, $0xb8;
	[tilespmem:$0x1D6A0] =	vst v63  }
0x30: {  	_ =	swait.ge [sflag:s25], $0x6400  }
0x31: {  	[sflag:s25] =	ssyncset.done $0x0  }
0x32: {  	s11 =	simm.s32 $0x2BC0;
	[sflag:s25] =	ssyncadd.s32 $0xFFFF9C00  }
0x33: {  	[spmem:s4] =	stream.indirect.scatter.add.f32 [tilespmem:s22], [sflag:$0x3], $0x40, s11, s20, $0xb8;
	[tilespmem:$0x1D6A0] =	vst v63  }
0x34: {  	_ =	swait.ge [sflag:s15], $0x6400  }
0x35: {  	[sflag:s15] =	ssyncset.done $0x0  }
0x36: {  	[sflag:s15] =	ssyncadd.s32 $0xFFFF9C00  }
0x37: {  	[spmem:s3] =	stream.indirect.scatter.add.f32 [tilespmem:s16], [sflag:$0x3], $0x8, s11, s20, $0xb8;
	[tilespmem:$0x1D6A0] =	vst v63  }
0x38: {  	_ =	swait.ge [sflag:s15], $0xC80  }
0x39: {  	[sflag:s15] =	ssyncset.done $0x0  }
0x3a: {  	s14 =	simm.s32 $0x7D0;
	[sflag:s15] =	ssyncadd.s32 $0xFFFFF380  }
0x3b: {  	[tilespmem:s22], [sflag:$0x2] =	stream.indirect.gather [hbm4b:s6+s20], $0x40, s14, s20, $0xb8;
	[tilespmem:$0x1D6A0] =	vst v63  }
0x3c: {  	_ =	swait.ge [sflag:s23], $0x6400  }
0x3d: {  	[sflag:s23] =	ssyncset.done $0x0  }
0x3e: {  	s24 =	simm.s32 $0x2D50;
	[sflag:s23] =	ssyncadd.s32 $0xFFFF9C00  }
0x3f: {  	[spmem:s4] =	stream.indirect.scatter.add.f32 [tilespmem:s21], [sflag:$0x3], $0x40, s24, s20, $0xb8;
	[tilespmem:$0x1D6A0] =	vst v63  }
0x40: {  	_ =	swait.ge [sflag:s15], $0x6400  }
0x41: {  	[sflag:s15] =	ssyncset.done $0x0  }
0x42: {  	s26 =	simm.s32 $0x960;
	[sflag:s15] =	ssyncadd.s32 $0xFFFF9C00  }
0x43: {  	[tilespmem:s21], [sflag:$0x1] =	stream.indirect.gather [hbm4b:s6+s20], $0x40, s26, s20, $0xb8;
	[tilespmem:$0x1D6A0] =	vst v63  }
0x44: {  	_ =	swait.ge [sflag:s25], $0x6400  }
0x45: {  	[sflag:s25] =	ssyncset.done $0x0  }
0x46: {  	s2 =	simm.s32 $0x2EE0;
	[sflag:s25] =	ssyncadd.s32 $0xFFFF9C00  }
0x47: {  	[spmem:s4] =	stream.indirect.scatter.add.f32 [tilespmem:s22], [sflag:$0x3], $0x40, s2, s20, $0xb8;
	[tilespmem:$0x1D6A0] =	vst v63  }
0x48: {  	_ =	swait.ge [sflag:s15], $0x6400  }
0x49: {  	[sflag:s15] =	ssyncset.done $0x0  }
0x4a: {  	[sflag:s15] =	ssyncadd.s32 $0xFFFF9C00  }
0x4b: {  	[spmem:s3] =	stream.indirect.scatter.add.f32 [tilespmem:s16], [sflag:$0x3], $0x8, s2, s20, $0xb8;
	[tilespmem:$0x1D6A0] =	vst v63  }
0x4c: {  	_ =	swait.ge [sflag:s15], $0xC80  }
0x4d: {  	[sflag:s15] =	ssyncset.done $0x0  }
0x4e: {  	s9 =	simm.s32 $0xAF0;
	[sflag:s15] =	ssyncadd.s32 $0xFFFFF380  }
0x4f: {  	[tilespmem:s22], [sflag:$0x2] =	stream.indirect.gather [hbm4b:s6+s20], $0x40, s9, s20, $0xb8;
	[tilespmem:$0x1D6A0] =	vst v63  }
0x50: {  	_ =	swait.ge [sflag:s23], $0x6400  }
0x51: {  	[sflag:s23] =	ssyncset.done $0x0  }
0x52: {  	s11 =	simm.s32 $0x3070;
	[sflag:s23] =	ssyncadd.s32 $0xFFFF9C00  }
0x53: {  	[spmem:s4] =	stream.indirect.scatter.add.f32 [tilespmem:s21], [sflag:$0x3], $0x40, s11, s20, $0xb8;
	[tilespmem:$0x1D6A0] =	vst v63  }
0x54: {  	_ =	swait.ge [sflag:s15], $0x6400  }
0x55: {  	[sflag:s15] =	ssyncset.done $0x0  }
0x56: {  	s14 =	simm.s32 $0xC80;
	[sflag:s15] =	ssyncadd.s32 $0xFFFF9C00  }
0x57: {  	[tilespmem:s21], [sflag:$0x1] =	stream.indirect.gather [hbm4b:s6+s20], $0x40, s14, s20, $0xb8;
	[tilespmem:$0x1D6A0] =	vst v63  }
0x58: {  	_ =	swait.ge [sflag:s25], $0x6400  }
0x59: {  	[sflag:s25] =	ssyncset.done $0x0  }
0x5a: {  	s24 =	simm.s32 $0x3200;
	[sflag:s25] =	ssyncadd.s32 $0xFFFF9C00  }
0x5b: {  	[spmem:s4] =	stream.indirect.scatter.add.f32 [tilespmem:s22], [sflag:$0x3], $0x40, s24, s20, $0xb8;
	[tilespmem:$0x1D6A0] =	vst v63  }
0x5c: {  	_ =	swait.ge [sflag:s15], $0x6400  }
0x5d: {  	[sflag:s15] =	ssyncset.done $0x0  }
0x5e: {  	[sflag:s15] =	ssyncadd.s32 $0xFFFF9C00  }
0x5f: {  	[spmem:s3] =	stream.indirect.scatter.add.f32 [tilespmem:s16], [sflag:$0x3], $0x8, s24, s20, $0xb8;
	[tilespmem:$0x1D6A0] =	vst v63  }
0x60: {  	_ =	swait.ge [sflag:s15], $0xC80  }
0x61: {  	[sflag:s15] =	ssyncset.done $0x0  }
0x62: {  	s26 =	simm.s32 $0xE10;
	[sflag:s15] =	ssyncadd.s32 $0xFFFFF380  }
0x63: {  	[tilespmem:s22], [sflag:$0x2] =	stream.indirect.gather [hbm4b:s6+s20], $0x40, s26, s20, $0xb8;
	[tilespmem:$0x1D6A0] =	vst v63  }
0x64: {  	_ =	swait.ge [sflag:s23], $0x6400  }
0x65: {  	[sflag:s23] =	ssyncset.done $0x0  }
0x66: {  	s2 =	simm.s32 $0x3390;
	[sflag:s23] =	ssyncadd.s32 $0xFFFF9C00  }
0x67: {  	[spmem:s4] =	stream.indirect.scatter.add.f32 [tilespmem:s21], [sflag:$0x3], $0x40, s2, s20, $0xb8;
	[tilespmem:$0x1D6A0] =	vst v63  }
0x68: {  	_ =	swait.ge [sflag:s15], $0x6400  }
0x69: {  	[sflag:s15] =	ssyncset.done $0x0  }
0x6a: {  	s9 =	simm.s32 $0xFA0;
	[sflag:s15] =	ssyncadd.s32 $0xFFFF9C00  }
0x6b: {  	[tilespmem:s21], [sflag:$0x1] =	stream.indirect.gather [hbm4b:s6+s20], $0x40, s9, s20, $0xb8;
	[tilespmem:$0x1D6A0] =	vst v63  }
0x6c: {  	_ =	swait.ge [sflag:s25], $0x6400  }
0x6d: {  	[sflag:s25] =	ssyncset.done $0x0  }
0x6e: {  	s11 =	simm.s32 $0x3520;
	[sflag:s25] =	ssyncadd.s32 $0xFFFF9C00  }
0x6f: {  	[spmem:s4] =	stream.indirect.scatter.add.f32 [tilespmem:s22], [sflag:$0x3], $0x40, s11, s20, $0xb8;
	[tilespmem:$0x1D6A0] =	vst v63  }
0x70: {  	_ =	swait.ge [sflag:s15], $0x6400  }
0x71: {  	[sflag:s15] =	ssyncset.done $0x0  }
0x72: {  	[sflag:s15] =	ssyncadd.s32 $0xFFFF9C00  }
0x73: {  	[spmem:s3] =	stream.indirect.scatter.add.f32 [tilespmem:s16], [sflag:$0x3], $0x8, s11, s20, $0xb8;
	[tilespmem:$0x1D6A0] =	vst v63  }
0x74: {  	_ =	swait.ge [sflag:s15], $0xC80  }
0x75: {  	[sflag:s15] =	ssyncset.done $0x0  }
0x76: {  	s14 =	simm.s32 $0x1130;
	[sflag:s15] =	ssyncadd.s32 $0xFFFFF380  }
0x77: {  	[tilespmem:s22], [sflag:$0x2] =	stream.indirect.gather [hbm4b:s6+s20], $0x40, s14, s20, $0xb8;
	[tilespmem:$0x1D6A0] =	vst v63  }
0x78: {  	_ =	swait.ge [sflag:s23], $0x6400  }
0x79: {  	[sflag:s23] =	ssyncset.done $0x0  }
0x7a: {  	s24 =	simm.s32 $0x36B0;
	[sflag:s23] =	ssyncadd.s32 $0xFFFF9C00  }
0x7b: {  	[spmem:s4] =	stream.indirect.scatter.add.f32 [tilespmem:s21], [sflag:$0x3], $0x40, s24, s20, $0xb8;
	[tilespmem:$0x1D6A0] =	vst v63  }
0x7c: {  	_ =	swait.ge [sflag:s15], $0x6400  }
0x7d: {  	[sflag:s15] =	ssyncset.done $0x0  }
0x7e: {  	s26 =	simm.s32 $0x12C0;
	[sflag:s15] =	ssyncadd.s32 $0xFFFF9C00  }
0x7f: {  	[tilespmem:s21], [sflag:$0x1] =	stream.indirect.gather [hbm4b:s6+s20], $0x40, s26, s20, $0xb8;
	[tilespmem:$0x1D6A0] =	vst v63  }
0x80: {  	_ =	swait.ge [sflag:s25], $0x6400  }
0x81: {  	[sflag:s25] =	ssyncset.done $0x0  }
0x82: {  	s2 =	simm.s32 $0x3840;
	[sflag:s25] =	ssyncadd.s32 $0xFFFF9C00  }
0x83: {  	[spmem:s4] =	stream.indirect.scatter.add.f32 [tilespmem:s22], [sflag:$0x3], $0x40, s2, s20, $0xb8;
	[tilespmem:$0x1D6A0] =	vst v63  }
0x84: {  	_ =	swait.ge [sflag:s15], $0x6400  }
0x85: {  	[sflag:s15] =	ssyncset.done $0x0  }
0x86: {  	[sflag:s15] =	ssyncadd.s32 $0xFFFF9C00  }
0x87: {  	[spmem:s3] =	stream.indirect.scatter.add.f32 [tilespmem:s16], [sflag:$0x3], $0x8, s2, s20, $0xb8;
	[tilespmem:$0x1D6A0] =	vst v63  }
0x88: {  	_ =	swait.ge [sflag:s15], $0xC80  }
0x89: {  	[sflag:s15] =	ssyncset.done $0x0  }
0x8a: {  	s11 =	simm.s32 $0x1450;
	[sflag:s15] =	ssyncadd.s32 $0xFFFFF380  }
0x8b: {  	[tilespmem:s22], [sflag:$0x2] =	stream.indirect.gather [hbm4b:s6+s20], $0x40, s11, s20, $0xb8;
	[tilespmem:$0x1D6A0] =	vst v63  }
0x8c: {  	_ =	swait.ge [sflag:s23], $0x6400  }
0x8d: {  	[sflag:s23] =	ssyncset.done $0x0  }
0x8e: {  	[sflag:s23] =	ssyncadd.s32 $0xFFFF9C00  }
0x8f: {  	[spmem:s4] =	stream.indirect.scatter.add.f32 [tilespmem:s21], [sflag:$0x3], $0x40, s10, s20, $0xb8;
	[tilespmem:$0x1D6A0] =	vst v63  }
0x90: {  	_ =	swait.ge [sflag:s15], $0x6400  }
0x91: {  	[sflag:s15] =	ssyncset.done $0x0  }
0x92: {  	s14 =	simm.s32 $0x15E0;
	[sflag:s15] =	ssyncadd.s32 $0xFFFF9C00  }
0x93: {  	[tilespmem:s21], [sflag:$0x1] =	stream.indirect.gather [hbm4b:s6+s20], $0x40, s14, s20, $0xb8;
	[tilespmem:$0x1D6A0] =	vst v63  }
0x94: {  	_ =	swait.ge [sflag:s25], $0x6400  }
0x95: {  	[sflag:s25] =	ssyncset.done $0x0  }
0x96: {  	s24 =	simm.s32 $0x3B60;
	[sflag:s25] =	ssyncadd.s32 $0xFFFF9C00  }
0x97: {  	[spmem:s4] =	stream.indirect.scatter.add.f32 [tilespmem:s22], [sflag:$0x3], $0x40, s24, s20, $0xb8;
	[tilespmem:$0x1D6A0] =	vst v63  }
0x98: {  	_ =	swait.ge [sflag:s15], $0x6400  }
0x99: {  	[sflag:s15] =	ssyncset.done $0x0  }
0x9a: {  	[sflag:s15] =	ssyncadd.s32 $0xFFFF9C00  }
0x9b: {  	[spmem:s3] =	stream.indirect.scatter.add.f32 [tilespmem:s16], [sflag:$0x3], $0x8, s24, s20, $0xb8;
	[tilespmem:$0x1D6A0] =	vst v63  }
0x9c: {  	_ =	swait.ge [sflag:s15], $0xC80  }
0x9d: {  	[sflag:s15] =	ssyncset.done $0x0  }
0x9e: {  	s26 =	simm.s32 $0x1770;
	[sflag:s15] =	ssyncadd.s32 $0xFFFFF380  }
0x9f: {  	[tilespmem:s22], [sflag:$0x2] =	stream.indirect.gather [hbm4b:s6+s20], $0x40, s26, s20, $0xb8;
	[tilespmem:$0x1D6A0] =	vst v63  }
0xa0: {  	_ =	swait.ge [sflag:s23], $0x6400  }
0xa1: {  	[sflag:s23] =	ssyncset.done $0x0  }
0xa2: {  	[sflag:s23] =	ssyncadd.s32 $0xFFFF9C00  }
0xa3: {  	[spmem:s4] =	stream.indirect.scatter.add.f32 [tilespmem:s21], [sflag:$0x3], $0x40, s12, s20, $0xb8;
	[tilespmem:$0x1D6A0] =	vst v63  }
0xa4: {  	_ =	swait.ge [sflag:s15], $0x6400  }
0xa5: {  	[sflag:s15] =	ssyncset.done $0x0  }
0xa6: {  	s2 =	simm.s32 $0x1900;
	[sflag:s15] =	ssyncadd.s32 $0xFFFF9C00  }
0xa7: {  	[tilespmem:s21], [sflag:$0x1] =	stream.indirect.gather [hbm4b:s6+s20], $0x40, s2, s20, $0xb8;
	[tilespmem:$0x1D6A0] =	vst v63  }
0xa8: {  	_ =	swait.ge [sflag:s25], $0x6400  }
0xa9: {  	[sflag:s25] =	ssyncset.done $0x0  }
0xaa: {  	s14 =	simm.s32 $0x3E80;
	[sflag:s25] =	ssyncadd.s32 $0xFFFF9C00  }
0xab: {  	[spmem:s4] =	stream.indirect.scatter.add.f32 [tilespmem:s22], [sflag:$0x3], $0x40, s14, s20, $0xb8;
	[tilespmem:$0x1D6A0] =	vst v63  }
0xac: {  	_ =	swait.ge [sflag:s15], $0x6400  }
0xad: {  	[sflag:s15] =	ssyncset.done $0x0  }
0xae: {  	[sflag:s15] =	ssyncadd.s32 $0xFFFF9C00  }
0xaf: {  	[spmem:s3] =	stream.indirect.scatter.add.f32 [tilespmem:s16], [sflag:$0x3], $0x8, s14, s20, $0xb8;
	[tilespmem:$0x1D6A0] =	vst v63  }
0xb0: {  	_ =	swait.ge [sflag:s15], $0xC80  }
0xb1: {  	[sflag:s15] =	ssyncset.done $0x0  }
0xb2: {  	s24 =	simm.s32 $0x1A90;
	[sflag:s15] =	ssyncadd.s32 $0xFFFFF380  }
0xb3: {  	[tilespmem:s22], [sflag:$0x2] =	stream.indirect.gather [hbm4b:s6+s20], $0x40, s24, s20, $0xb8;
	[tilespmem:$0x1D6A0] =	vst v63  }
0xb4: {  	_ =	swait.ge [sflag:s23], $0x6400  }
0xb5: {  	[sflag:s23] =	ssyncset.done $0x0  }
0xb6: {  	[sflag:s23] =	ssyncadd.s32 $0xFFFF9C00  }
0xb7: {  	[spmem:s4] =	stream.indirect.scatter.add.f32 [tilespmem:s21], [sflag:$0x3], $0x40, s28, s20, $0xb8;
	[tilespmem:$0x1D6A0] =	vst v63  }
0xb8: {  	_ =	swait.ge [sflag:s15], $0x6400  }
0xb9: {  	[sflag:s15] =	ssyncset.done $0x0  }
0xba: {  	s26 =	simm.s32 $0x1C20;
	[sflag:s15] =	ssyncadd.s32 $0xFFFF9C00  }
0xbb: {  	[tilespmem:s21], [sflag:$0x1] =	stream.indirect.gather [hbm4b:s6+s20], $0x40, s26, s20, $0xb8;
	[tilespmem:$0x1D6A0] =	vst v63  }
0xbc: {  	_ =	swait.ge [sflag:s25], $0x6400  }
0xbd: {  	[sflag:s25] =	ssyncset.done $0x0  }
0xbe: {  	s14 =	simm.s32 $0x41A0;
	[sflag:s25] =	ssyncadd.s32 $0xFFFF9C00  }
0xbf: {  	[spmem:s4] =	stream.indirect.scatter.add.f32 [tilespmem:s22], [sflag:$0x3], $0x40, s14, s20, $0xb8;
	[tilespmem:$0x1D6A0] =	vst v63  }
0xc0: {  	_ =	swait.ge [sflag:s15], $0x6400  }
0xc1: {  	[sflag:s15] =	ssyncset.done $0x0  }
0xc2: {  	[sflag:s15] =	ssyncadd.s32 $0xFFFF9C00  }
0xc3: {  	[spmem:s3] =	stream.indirect.scatter.add.f32 [tilespmem:s16], [sflag:$0x3], $0x8, s14, s20, $0xb8;
	[tilespmem:$0x1D6A0] =	vst v63  }
0xc4: {  	_ =	swait.ge [sflag:s15], $0xC80  }
0xc5: {  	[sflag:s15] =	ssyncset.done $0x0  }
0xc6: {  	s24 =	simm.s32 $0x1DB0;
	[sflag:s15] =	ssyncadd.s32 $0xFFFFF380  }
0xc7: {  	[tilespmem:s22], [sflag:$0x2] =	stream.indirect.gather [hbm4b:s6+s20], $0x40, s24, s20, $0xb8;
	[tilespmem:$0x1D6A0] =	vst v63  }
0xc8: {  	_ =	swait.ge [sflag:s23], $0x6400  }
0xc9: {  	[sflag:s23] =	ssyncset.done $0x0  }
0xca: {  	[sflag:s23] =	ssyncadd.s32 $0xFFFF9C00  }
0xcb: {  	[spmem:s4] =	stream.indirect.scatter.add.f32 [tilespmem:s21], [sflag:$0x3], $0x40, s29, s20, $0xb8;
	[tilespmem:$0x1D6A0] =	vst v63  }
0xcc: {  	_ =	swait.ge [sflag:s15], $0x6400  }
0xcd: {  	[sflag:s15] =	ssyncset.done $0x0  }
0xce: {  	s14 =	simm.s32 $0x1F40;
	[sflag:s15] =	ssyncadd.s32 $0xFFFF9C00  }
0xcf: {  	[tilespmem:s21], [sflag:$0x1] =	stream.indirect.gather [hbm4b:s6+s20], $0x40, s14, s20, $0xb8;
	[tilespmem:$0x1D6A0] =	vst v63  }
0xd0: {  	_ =	swait.ge [sflag:s25], $0x6400  }
0xd1: {  	[sflag:s25] =	ssyncset.done $0x0  }
0xd2: {  	s24 =	simm.s32 $0x44C0;
	[sflag:s25] =	ssyncadd.s32 $0xFFFF9C00  }
0xd3: {  	[spmem:s4] =	stream.indirect.scatter.add.f32 [tilespmem:s22], [sflag:$0x3], $0x40, s24, s20, $0xb8;
	[tilespmem:$0x1D6A0] =	vst v63  }
0xd4: {  	_ =	swait.ge [sflag:s15], $0x6400  }
0xd5: {  	[sflag:s15] =	ssyncset.done $0x0  }
0xd6: {  	[sflag:s15] =	ssyncadd.s32 $0xFFFF9C00  }
0xd7: {  	[spmem:s3] =	stream.indirect.scatter.add.f32 [tilespmem:s16], [sflag:$0x3], $0x8, s24, s20, $0xb8;
	[tilespmem:$0x1D6A0] =	vst v63  }
0xd8: {  	_ =	swait.ge [sflag:s15], $0xC80  }
0xd9: {  	[sflag:s15] =	ssyncset.done $0x0  }
0xda: {  	s14 =	simm.s32 $0x20D0;
	[sflag:s15] =	ssyncadd.s32 $0xFFFFF380  }
0xdb: {  	[tilespmem:s22], [sflag:$0x2] =	stream.indirect.gather [hbm4b:s6+s20], $0x40, s14, s20, $0xb8;
	[tilespmem:$0x1D6A0] =	vst v63  }
0xdc: {  	_ =	swait.ge [sflag:s23], $0x6400  }
0xdd: {  	[sflag:s23] =	ssyncset.done $0x0  }
0xde: {  	[sflag:s23] =	ssyncadd.s32 $0xFFFF9C00  }
0xdf: {  	[spmem:s4] =	stream.indirect.scatter.add.f32 [tilespmem:s21], [sflag:$0x3], $0x40, s0, s20, $0xb8;
	[tilespmem:$0x1D6A0] =	vst v63  }
0xe0: {  	_ =	swait.ge [sflag:s15], $0x6400  }
0xe1: {  	[sflag:s15] =	ssyncset.done $0x0  }
0xe2: {  	s24 =	simm.s32 $0x2260;
	[sflag:s15] =	ssyncadd.s32 $0xFFFF9C00  }
0xe3: {  	[tilespmem:s21], [sflag:$0x1] =	stream.indirect.gather [hbm4b:s6+s20], $0x40, s24, s20, $0xb8;
	[tilespmem:$0x1D6A0] =	vst v63  }
0xe4: {  	_ =	swait.ge [sflag:s25], $0x6400  }
0xe5: {  	[sflag:s25] =	ssyncset.done $0x0  }
0xe6: {  	s14 =	simm.s32 $0x47E0;
	[sflag:s25] =	ssyncadd.s32 $0xFFFF9C00  }
0xe7: {  	[spmem:s4] =	stream.indirect.scatter.add.f32 [tilespmem:s22], [sflag:$0x3], $0x40, s14, s20, $0xb8;
	[tilespmem:$0x1D6A0] =	vst v63  }
0xe8: {  	_ =	swait.ge [sflag:s15], $0x6400  }
0xe9: {  	[sflag:s15] =	ssyncset.done $0x0  }
0xea: {  	[sflag:s15] =	ssyncadd.s32 $0xFFFF9C00  }
0xeb: {  	[spmem:s3] =	stream.indirect.scatter.add.f32 [tilespmem:s16], [sflag:$0x3], $0x8, s14, s20, $0xb8;
	[tilespmem:$0x1D6A0] =	vst v63  }
0xec: {  	_ =	swait.ge [sflag:s15], $0xC80  }
0xed: {  	[sflag:s15] =	ssyncset.done $0x0  }
0xee: {  	s14 =	simm.s32 $0x23F0;
	[sflag:s15] =	ssyncadd.s32 $0xFFFFF380  }
0xef: {  	[tilespmem:s22], [sflag:$0x2] =	stream.indirect.gather [hbm4b:s6+s20], $0x40, s14, s20, $0xb8;
	[tilespmem:$0x1D6A0] =	vst v63  }
0xf0: {  	_ =	swait.ge [sflag:s23], $0x6400  }
0xf1: {  	[sflag:s23] =	ssyncset.done $0x0  }
0xf2: {  	[sflag:s23] =	ssyncadd.s32 $0xFFFF9C00  }
0xf3: {  	[spmem:s4] =	stream.indirect.scatter.add.f32 [tilespmem:s21], [sflag:$0x3], $0x40, s30, s20, $0xb8;
	[tilespmem:$0x1D6A0] =	vst v63  }
0xf4: {  	_ =	swait.ge [sflag:s15], $0x6400  }
0xf5: {  	[sflag:s15] =	ssyncset.done $0x0  }
0xf6: {  	s14 =	simm.s32 $0x2580;
	[sflag:s15] =	ssyncadd.s32 $0xFFFF9C00  }
0xf7: {  	[tilespmem:s21], [sflag:$0x1] =	stream.indirect.gather [hbm4b:s6+s20], $0x40, s14, s20, $0xb8;
	[tilespmem:$0x1D6A0] =	vst v63  }
0xf8: {  	_ =	swait.ge [sflag:s25], $0x6400  }
0xf9: {  	[sflag:s25] =	ssyncset.done $0x0  }
0xfa: {  	s1 =	simm.s32 $0x4B00;
	[sflag:s25] =	ssyncadd.s32 $0xFFFF9C00  }
0xfb: {  	[spmem:s4] =	stream.indirect.scatter.add.f32 [tilespmem:s22], [sflag:$0x3], $0x40, s1, s20, $0xb8;
	[tilespmem:$0x1D6A0] =	vst v63  }
0xfc: {  	_ =	swait.ge [sflag:s15], $0x6400  }
0xfd: {  	[sflag:s15] =	ssyncset.done $0x0  }
0xfe: {  	[sflag:s15] =	ssyncadd.s32 $0xFFFF9C00  }
0xff: {  	[spmem:s3] =	stream.indirect.scatter.add.f32 [tilespmem:s16], [sflag:$0x3], $0x8, s1, s20, $0xb8;
	[tilespmem:$0x1D6A0] =	vst v63  }
0x100: {  	_ =	swait.ge [sflag:s15], $0xC80  }
0x101: {  	[sflag:s15] =	ssyncset.done $0x0  }
0x102: {  	[sflag:s15] =	ssyncadd.s32 $0xFFFFF380  }
0x103: {  	_ =	swait.ge [sflag:s23], $0x6400  }
0x104: {  	[sflag:s23] =	ssyncset.done $0x0  }
0x105: {  	s31 =	simm.s32 $0x44C0;
	[sflag:s23] =	ssyncadd.s32 $0xFFFF9C00  }
0x106: {  	[spmem:s4] =	stream.indirect.scatter.add.f32 [tilespmem:s21], [sflag:$0x3], $0x40, s8, s20, $0xb8;
	[tilespmem:$0x1D6A0] =	vst v63  }
0x107: {  	s9 =	simm.s32 $0x3840;
	s11 =	simm.s32 $0x3B60;
	_ =	swait.ge [sflag:s15], $0x6400  }
0x108: {  	s2 =	simm.s32 $0x3E80;
	s26 =	simm.s32 $0x41A0;
	[sflag:s15] =	ssyncset.done $0x0  }
0x109: {  	s24 =	simm.s32 $0x47E0;
	s14 =	simm.s32 $0x4B00;
	[sflag:s15] =	ssyncadd.s32 $0xFFFF9C00  }
.LBB2_4:
0x10a: {  	[bflag:$0x0] =	sbarrier.arrive $0xFFFF  }
0x10b: {  	s1 =	rddreg [dreg:$0x9]  }
0x10c: {  	[hbm:s1], [sflag:s17] =	dma.local [spmem:s19], $0x1400  }
0x10d: {  	s13 =	sadd.s32 $0xFFFFFFFF, s13;
	_ =	swait.ge [sflag:s15], $0x1400  }
0x10e: {  	p1 =	sne.s32 s13, $0x0;
	[sflag:s15] =	ssyncset.done $0x0  }
.Ltmp1:
0x10f: {  	s1 =	rddreg [dreg:$0xa];
	[sflag:s15] =	ssyncadd.s32 $0xFFFFEC00;
	(pc) =	sbr.rel @!p1 .LBB2_5-.Ltmp1, $4  }
0x110: {  	[hbm:s1], [sflag:s17] =	dma.local [spmem:s18], $0x280  }
0x111: {  	_ =	swait.ge [sflag:s15], $0x280  }
0x112: {  	[sflag:s15] =	ssyncset.done $0x0  }
0x113: {  	[sflag:s15] =	ssyncadd.s32 $0xFFFFFD80  }
.LBB2_1:
0x114: {  	s1 =	rddreg [dreg:$0x7]  }
0x115: {  	[tilespmem:s7], [sflag:$0x3] =	stream.linear.gather [hbm4b:s1+s5], $0x2710, $0x38;
	[tilespmem:$0x1D6A0] =	vst v63  }
0x116: {  	_ =	swait.ge [sflag:s15], $0x2710  }
0x117: {  	[sflag:s15] =	ssyncset.done $0x0  }
0x118: {  	s1 =	rddreg [dreg:$0x5];
	[sflag:s15] =	ssyncadd.s32 $0xFFFFD8F0  }
0x119: {  	[tilespmem:s16], [sflag:$0x3] =	stream.linear.gather [hbm4b:s1+s5], $0xC80, $0x38;
	[tilespmem:$0x1D6A0] =	vst v63  }
0x11a: {  	_ =	swait.ge [sflag:s15], $0xC80  }
0x11b: {  	[sflag:s15] =	ssyncset.done $0x0  }
0x11c: {  	[sflag:s15] =	ssyncadd.s32 $0xFFFFF380  }
0x11d: {  	s1 =	rddreg [dreg:$0x1]  }
0x11e: {  	[spmem:s18], [sflag:s17] =	dma.local [hbm:s1], $0x280  }
0x11f: {  	_ =	swait.ge [sflag:s15], $0x280  }
0x120: {  	[sflag:s15] =	ssyncset.done $0x0  }
0x121: {  	s1 =	rddreg [dreg:$0x6];
	[sflag:s15] =	ssyncadd.s32 $0xFFFFFD80  }
0x122: {  	[spmem:s19], [sflag:s17] =	dma.local [hbm:s1], $0x1400  }
0x123: {  	_ =	swait.ge [sflag:s15], $0x1400  }
0x124: {  	[sflag:s15] =	ssyncset.done $0x0  }
0x125: {  	[sflag:s15] =	ssyncadd.s32 $0xFFFFEC00  }
0x126: {  	[bflag:$0x0] =	sbarrier.arrive $0xFFFF  }
0x127: {  	s1 =	rddreg [dreg:$0x8]  }
0x128: {  	[tilespmem:s5], [sflag:$0x3] =	stream.linear.gather [hbm4b:s1+s5], $0x2710, $0x38;
	[tilespmem:$0x1D6A0] =	vst v63  }
0x129: {  	_ =	swait.ge [sflag:s15], $0x2710  }
0x12a: {  	[sflag:s15] =	ssyncset.done $0x0  }
0x12b: {  	[sflag:s15] =	ssyncadd.s32 $0xFFFFD8F0  }
0x12c: {  	[tilespmem:s21], [sflag:$0x1] =	stream.indirect.gather [hbm4b:s6+s20], $0x40, s5, s20, $0xb8;
	[tilespmem:$0x1D6A0] =	vst v63  }
0x12d: {  	_ = 	snop  }
0x12e: {  	[tilespmem:s22], [sflag:$0x2] =	stream.indirect.gather [hbm4b:s6+s20], $0x40, s20, s20, $0xb8;
	[tilespmem:$0x1D6A0] =	vst v63  }
0x12f: {  	_ =	swait.ge [sflag:s23], $0x6400  }
0x130: {  	[sflag:s23] =	ssyncset.done $0x0  }
.Ltmp2:
0x131: {  	s1 =	simm.s32 $0x2710;
	[sflag:s23] =	ssyncadd.s32 $0xFFFF9C00;
	(pc) =	sbr.rel @p0 .LBB2_3-.Ltmp2, $4  }
0x132: {  	[spmem:s4] =	stream.indirect.scatter.add.f32 [tilespmem:s21], [sflag:$0x3], $0x40, s1, s20, $0xb8;
	[tilespmem:$0x1D6A0] =	vst v63  }
0x133: {  	_ =	swait.ge [sflag:s15], $0x6400  }
0x134: {  	[sflag:s15] =	ssyncset.done $0x0  }
0x135: {  	[sflag:s15] =	ssyncadd.s32 $0xFFFF9C00  }
0x136: {  	[spmem:s3] =	stream.indirect.scatter.add.f32 [tilespmem:s16], [sflag:$0x3], $0x8, s1, s20, $0xb8;
	[tilespmem:$0x1D6A0] =	vst v63  }
0x137: {  	_ =	swait.ge [sflag:s15], $0xC80  }
0x138: {  	[sflag:s15] =	ssyncset.done $0x0  }
0x139: {  	s12 =	simm.s32 $0x320;
	[sflag:s15] =	ssyncadd.s32 $0xFFFFF380  }
0x13a: {  	[tilespmem:s21], [sflag:$0x1] =	stream.indirect.gather [hbm4b:s6+s20], $0x40, s12, s20, $0xb8;
	[tilespmem:$0x1D6A0] =	vst v63  }
0x13b: {  	_ =	swait.ge [sflag:s25], $0x6400  }
0x13c: {  	[sflag:s25] =	ssyncset.done $0x0  }
0x13d: {  	s0 =	simm.s32 $0x28A0;
	[sflag:s25] =	ssyncadd.s32 $0xFFFF9C00  }
0x13e: {  	[spmem:s4] =	stream.indirect.scatter.add.f32 [tilespmem:s22], [sflag:$0x3], $0x40, s0, s20, $0xb8;
	[tilespmem:$0x1D6A0] =	vst v63  }
0x13f: {  	_ =	swait.ge [sflag:s15], $0x6400  }
0x140: {  	[sflag:s15] =	ssyncset.done $0x0  }
0x141: {  	s0 =	simm.s32 $0x4B0;
	[sflag:s15] =	ssyncadd.s32 $0xFFFF9C00  }
0x142: {  	[tilespmem:s22], [sflag:$0x2] =	stream.indirect.gather [hbm4b:s6+s20], $0x40, s0, s20, $0xb8;
	[tilespmem:$0x1D6A0] =	vst v63  }
0x143: {  	_ =	swait.ge [sflag:s23], $0x6400  }
0x144: {  	[sflag:s23] =	ssyncset.done $0x0  }
0x145: {  	s8 =	simm.s32 $0x2A30;
	[sflag:s23] =	ssyncadd.s32 $0xFFFF9C00  }
0x146: {  	[spmem:s4] =	stream.indirect.scatter.add.f32 [tilespmem:s21], [sflag:$0x3], $0x40, s8, s20, $0xb8;
	[tilespmem:$0x1D6A0] =	vst v63  }
0x147: {  	_ =	swait.ge [sflag:s15], $0x6400  }
0x148: {  	[sflag:s15] =	ssyncset.done $0x0  }
0x149: {  	[sflag:s15] =	ssyncadd.s32 $0xFFFF9C00  }
0x14a: {  	[spmem:s3] =	stream.indirect.scatter.add.f32 [tilespmem:s16], [sflag:$0x3], $0x8, s8, s20, $0xb8;
	[tilespmem:$0x1D6A0] =	vst v63  }
0x14b: {  	_ =	swait.ge [sflag:s15], $0xC80  }
0x14c: {  	[sflag:s15] =	ssyncset.done $0x0  }
0x14d: {  	s10 =	simm.s32 $0x640;
	[sflag:s15] =	ssyncadd.s32 $0xFFFFF380  }
0x14e: {  	[tilespmem:s21], [sflag:$0x1] =	stream.indirect.gather [hbm4b:s6+s20], $0x40, s10, s20, $0xb8;
	[tilespmem:$0x1D6A0] =	vst v63  }
0x14f: {  	_ =	swait.ge [sflag:s25], $0x6400  }
0x150: {  	[sflag:s25] =	ssyncset.done $0x0  }
0x151: {  	s12 =	simm.s32 $0x2BC0;
	[sflag:s25] =	ssyncadd.s32 $0xFFFF9C00  }
0x152: {  	[spmem:s4] =	stream.indirect.scatter.add.f32 [tilespmem:s22], [sflag:$0x3], $0x40, s12, s20, $0xb8;
	[tilespmem:$0x1D6A0] =	vst v63  }
0x153: {  	_ =	swait.ge [sflag:s15], $0x6400  }
0x154: {  	[sflag:s15] =	ssyncset.done $0x0  }
0x155: {  	s0 =	simm.s32 $0x7D0;
	[sflag:s15] =	ssyncadd.s32 $0xFFFF9C00  }
0x156: {  	[tilespmem:s22], [sflag:$0x2] =	stream.indirect.gather [hbm4b:s6+s20], $0x40, s0, s20, $0xb8;
	[tilespmem:$0x1D6A0] =	vst v63  }
0x157: {  	_ =	swait.ge [sflag:s23], $0x6400  }
0x158: {  	[sflag:s23] =	ssyncset.done $0x0  }
0x159: {  	s8 =	simm.s32 $0x2D50;
	[sflag:s23] =	ssyncadd.s32 $0xFFFF9C00  }
0x15a: {  	[spmem:s4] =	stream.indirect.scatter.add.f32 [tilespmem:s21], [sflag:$0x3], $0x40, s8, s20, $0xb8;
	[tilespmem:$0x1D6A0] =	vst v63  }
0x15b: {  	_ =	swait.ge [sflag:s15], $0x6400  }
0x15c: {  	[sflag:s15] =	ssyncset.done $0x0  }
0x15d: {  	[sflag:s15] =	ssyncadd.s32 $0xFFFF9C00  }
0x15e: {  	[spmem:s3] =	stream.indirect.scatter.add.f32 [tilespmem:s16], [sflag:$0x3], $0x8, s8, s20, $0xb8;
	[tilespmem:$0x1D6A0] =	vst v63  }
0x15f: {  	_ =	swait.ge [sflag:s15], $0xC80  }
0x160: {  	[sflag:s15] =	ssyncset.done $0x0  }
0x161: {  	s10 =	simm.s32 $0x960;
	[sflag:s15] =	ssyncadd.s32 $0xFFFFF380  }
0x162: {  	[tilespmem:s21], [sflag:$0x1] =	stream.indirect.gather [hbm4b:s6+s20], $0x40, s10, s20, $0xb8;
	[tilespmem:$0x1D6A0] =	vst v63  }
0x163: {  	_ =	swait.ge [sflag:s25], $0x6400  }
0x164: {  	[sflag:s25] =	ssyncset.done $0x0  }
0x165: {  	s12 =	simm.s32 $0x2EE0;
	[sflag:s25] =	ssyncadd.s32 $0xFFFF9C00  }
0x166: {  	[spmem:s4] =	stream.indirect.scatter.add.f32 [tilespmem:s22], [sflag:$0x3], $0x40, s12, s20, $0xb8;
	[tilespmem:$0x1D6A0] =	vst v63  }
0x167: {  	_ =	swait.ge [sflag:s15], $0x6400  }
0x168: {  	[sflag:s15] =	ssyncset.done $0x0  }
0x169: {  	s0 =	simm.s32 $0xAF0;
	[sflag:s15] =	ssyncadd.s32 $0xFFFF9C00  }
0x16a: {  	[tilespmem:s22], [sflag:$0x2] =	stream.indirect.gather [hbm4b:s6+s20], $0x40, s0, s20, $0xb8;
	[tilespmem:$0x1D6A0] =	vst v63  }
0x16b: {  	_ =	swait.ge [sflag:s23], $0x6400  }
0x16c: {  	[sflag:s23] =	ssyncset.done $0x0  }
0x16d: {  	s8 =	simm.s32 $0x3070;
	[sflag:s23] =	ssyncadd.s32 $0xFFFF9C00  }
0x16e: {  	[spmem:s4] =	stream.indirect.scatter.add.f32 [tilespmem:s21], [sflag:$0x3], $0x40, s8, s20, $0xb8;
	[tilespmem:$0x1D6A0] =	vst v63  }
0x16f: {  	_ =	swait.ge [sflag:s15], $0x6400  }
0x170: {  	[sflag:s15] =	ssyncset.done $0x0  }
0x171: {  	[sflag:s15] =	ssyncadd.s32 $0xFFFF9C00  }
0x172: {  	[spmem:s3] =	stream.indirect.scatter.add.f32 [tilespmem:s16], [sflag:$0x3], $0x8, s8, s20, $0xb8;
	[tilespmem:$0x1D6A0] =	vst v63  }
0x173: {  	_ =	swait.ge [sflag:s15], $0xC80  }
0x174: {  	[sflag:s15] =	ssyncset.done $0x0  }
0x175: {  	s10 =	simm.s32 $0xC80;
	[sflag:s15] =	ssyncadd.s32 $0xFFFFF380  }
0x176: {  	[tilespmem:s21], [sflag:$0x1] =	stream.indirect.gather [hbm4b:s6+s20], $0x40, s10, s20, $0xb8;
	[tilespmem:$0x1D6A0] =	vst v63  }
0x177: {  	_ =	swait.ge [sflag:s25], $0x6400  }
0x178: {  	[sflag:s25] =	ssyncset.done $0x0  }
0x179: {  	s12 =	simm.s32 $0x3200;
	[sflag:s25] =	ssyncadd.s32 $0xFFFF9C00  }
0x17a: {  	[spmem:s4] =	stream.indirect.scatter.add.f32 [tilespmem:s22], [sflag:$0x3], $0x40, s12, s20, $0xb8;
	[tilespmem:$0x1D6A0] =	vst v63  }
0x17b: {  	_ =	swait.ge [sflag:s15], $0x6400  }
0x17c: {  	[sflag:s15] =	ssyncset.done $0x0  }
0x17d: {  	s0 =	simm.s32 $0xE10;
	[sflag:s15] =	ssyncadd.s32 $0xFFFF9C00  }
0x17e: {  	[tilespmem:s22], [sflag:$0x2] =	stream.indirect.gather [hbm4b:s6+s20], $0x40, s0, s20, $0xb8;
	[tilespmem:$0x1D6A0] =	vst v63  }
0x17f: {  	_ =	swait.ge [sflag:s23], $0x6400  }
0x180: {  	[sflag:s23] =	ssyncset.done $0x0  }
0x181: {  	s8 =	simm.s32 $0x3390;
	[sflag:s23] =	ssyncadd.s32 $0xFFFF9C00  }
0x182: {  	[spmem:s4] =	stream.indirect.scatter.add.f32 [tilespmem:s21], [sflag:$0x3], $0x40, s8, s20, $0xb8;
	[tilespmem:$0x1D6A0] =	vst v63  }
0x183: {  	_ =	swait.ge [sflag:s15], $0x6400  }
0x184: {  	[sflag:s15] =	ssyncset.done $0x0  }
0x185: {  	[sflag:s15] =	ssyncadd.s32 $0xFFFF9C00  }
0x186: {  	[spmem:s3] =	stream.indirect.scatter.add.f32 [tilespmem:s16], [sflag:$0x3], $0x8, s8, s20, $0xb8;
	[tilespmem:$0x1D6A0] =	vst v63  }
0x187: {  	_ =	swait.ge [sflag:s15], $0xC80  }
0x188: {  	[sflag:s15] =	ssyncset.done $0x0  }
0x189: {  	s10 =	simm.s32 $0xFA0;
	[sflag:s15] =	ssyncadd.s32 $0xFFFFF380  }
0x18a: {  	[tilespmem:s21], [sflag:$0x1] =	stream.indirect.gather [hbm4b:s6+s20], $0x40, s10, s20, $0xb8;
	[tilespmem:$0x1D6A0] =	vst v63  }
0x18b: {  	_ =	swait.ge [sflag:s25], $0x6400  }
0x18c: {  	[sflag:s25] =	ssyncset.done $0x0  }
0x18d: {  	s12 =	simm.s32 $0x3520;
	[sflag:s25] =	ssyncadd.s32 $0xFFFF9C00  }
0x18e: {  	[spmem:s4] =	stream.indirect.scatter.add.f32 [tilespmem:s22], [sflag:$0x3], $0x40, s12, s20, $0xb8;
	[tilespmem:$0x1D6A0] =	vst v63  }
0x18f: {  	_ =	swait.ge [sflag:s15], $0x6400  }
0x190: {  	[sflag:s15] =	ssyncset.done $0x0  }
0x191: {  	s0 =	simm.s32 $0x1130;
	[sflag:s15] =	ssyncadd.s32 $0xFFFF9C00  }
0x192: {  	[tilespmem:s22], [sflag:$0x2] =	stream.indirect.gather [hbm4b:s6+s20], $0x40, s0, s20, $0xb8;
	[tilespmem:$0x1D6A0] =	vst v63  }
0x193: {  	_ =	swait.ge [sflag:s23], $0x6400  }
0x194: {  	[sflag:s23] =	ssyncset.done $0x0  }
0x195: {  	s8 =	simm.s32 $0x36B0;
	[sflag:s23] =	ssyncadd.s32 $0xFFFF9C00  }
0x196: {  	[spmem:s4] =	stream.indirect.scatter.add.f32 [tilespmem:s21], [sflag:$0x3], $0x40, s8, s20, $0xb8;
	[tilespmem:$0x1D6A0] =	vst v63  }
0x197: {  	_ =	swait.ge [sflag:s15], $0x6400  }
0x198: {  	[sflag:s15] =	ssyncset.done $0x0  }
0x199: {  	[sflag:s15] =	ssyncadd.s32 $0xFFFF9C00  }
0x19a: {  	[spmem:s3] =	stream.indirect.scatter.add.f32 [tilespmem:s16], [sflag:$0x3], $0x8, s8, s20, $0xb8;
	[tilespmem:$0x1D6A0] =	vst v63  }
0x19b: {  	_ =	swait.ge [sflag:s15], $0xC80  }
0x19c: {  	[sflag:s15] =	ssyncset.done $0x0  }
0x19d: {  	s10 =	simm.s32 $0x12C0;
	[sflag:s15] =	ssyncadd.s32 $0xFFFFF380  }
0x19e: {  	[tilespmem:s21], [sflag:$0x1] =	stream.indirect.gather [hbm4b:s6+s20], $0x40, s10, s20, $0xb8;
	[tilespmem:$0x1D6A0] =	vst v63  }
0x19f: {  	_ =	swait.ge [sflag:s25], $0x6400  }
0x1a0: {  	[sflag:s25] =	ssyncset.done $0x0  }
0x1a1: {  	[sflag:s25] =	ssyncadd.s32 $0xFFFF9C00  }
0x1a2: {  	[spmem:s4] =	stream.indirect.scatter.add.f32 [tilespmem:s22], [sflag:$0x3], $0x40, s9, s20, $0xb8;
	[tilespmem:$0x1D6A0] =	vst v63  }
0x1a3: {  	_ =	swait.ge [sflag:s15], $0x6400  }
0x1a4: {  	[sflag:s15] =	ssyncset.done $0x0  }
0x1a5: {  	s12 =	simm.s32 $0x1450;
	[sflag:s15] =	ssyncadd.s32 $0xFFFF9C00  }
0x1a6: {  	[tilespmem:s22], [sflag:$0x2] =	stream.indirect.gather [hbm4b:s6+s20], $0x40, s12, s20, $0xb8;
	[tilespmem:$0x1D6A0] =	vst v63  }
0x1a7: {  	_ =	swait.ge [sflag:s23], $0x6400  }
0x1a8: {  	[sflag:s23] =	ssyncset.done $0x0  }
0x1a9: {  	s0 =	simm.s32 $0x39D0;
	[sflag:s23] =	ssyncadd.s32 $0xFFFF9C00  }
0x1aa: {  	[spmem:s4] =	stream.indirect.scatter.add.f32 [tilespmem:s21], [sflag:$0x3], $0x40, s0, s20, $0xb8;
	[tilespmem:$0x1D6A0] =	vst v63  }
0x1ab: {  	_ =	swait.ge [sflag:s15], $0x6400  }
0x1ac: {  	[sflag:s15] =	ssyncset.done $0x0  }
0x1ad: {  	[sflag:s15] =	ssyncadd.s32 $0xFFFF9C00  }
0x1ae: {  	[spmem:s3] =	stream.indirect.scatter.add.f32 [tilespmem:s16], [sflag:$0x3], $0x8, s0, s20, $0xb8;
	[tilespmem:$0x1D6A0] =	vst v63  }
0x1af: {  	_ =	swait.ge [sflag:s15], $0xC80  }
0x1b0: {  	[sflag:s15] =	ssyncset.done $0x0  }
0x1b1: {  	s8 =	simm.s32 $0x15E0;
	[sflag:s15] =	ssyncadd.s32 $0xFFFFF380  }
0x1b2: {  	[tilespmem:s21], [sflag:$0x1] =	stream.indirect.gather [hbm4b:s6+s20], $0x40, s8, s20, $0xb8;
	[tilespmem:$0x1D6A0] =	vst v63  }
0x1b3: {  	_ =	swait.ge [sflag:s25], $0x6400  }
0x1b4: {  	[sflag:s25] =	ssyncset.done $0x0  }
0x1b5: {  	[sflag:s25] =	ssyncadd.s32 $0xFFFF9C00  }
0x1b6: {  	[spmem:s4] =	stream.indirect.scatter.add.f32 [tilespmem:s22], [sflag:$0x3], $0x40, s11, s20, $0xb8;
	[tilespmem:$0x1D6A0] =	vst v63  }
0x1b7: {  	_ =	swait.ge [sflag:s15], $0x6400  }
0x1b8: {  	[sflag:s15] =	ssyncset.done $0x0  }
0x1b9: {  	s12 =	simm.s32 $0x1770;
	[sflag:s15] =	ssyncadd.s32 $0xFFFF9C00  }
0x1ba: {  	[tilespmem:s22], [sflag:$0x2] =	stream.indirect.gather [hbm4b:s6+s20], $0x40, s12, s20, $0xb8;
	[tilespmem:$0x1D6A0] =	vst v63  }
0x1bb: {  	_ =	swait.ge [sflag:s23], $0x6400  }
0x1bc: {  	[sflag:s23] =	ssyncset.done $0x0  }
0x1bd: {  	s0 =	simm.s32 $0x3CF0;
	[sflag:s23] =	ssyncadd.s32 $0xFFFF9C00  }
0x1be: {  	[spmem:s4] =	stream.indirect.scatter.add.f32 [tilespmem:s21], [sflag:$0x3], $0x40, s0, s20, $0xb8;
	[tilespmem:$0x1D6A0] =	vst v63  }
0x1bf: {  	_ =	swait.ge [sflag:s15], $0x6400  }
0x1c0: {  	[sflag:s15] =	ssyncset.done $0x0  }
0x1c1: {  	[sflag:s15] =	ssyncadd.s32 $0xFFFF9C00  }
0x1c2: {  	[spmem:s3] =	stream.indirect.scatter.add.f32 [tilespmem:s16], [sflag:$0x3], $0x8, s0, s20, $0xb8;
	[tilespmem:$0x1D6A0] =	vst v63  }
0x1c3: {  	_ =	swait.ge [sflag:s15], $0xC80  }
0x1c4: {  	[sflag:s15] =	ssyncset.done $0x0  }
0x1c5: {  	s8 =	simm.s32 $0x1900;
	[sflag:s15] =	ssyncadd.s32 $0xFFFFF380  }
0x1c6: {  	[tilespmem:s21], [sflag:$0x1] =	stream.indirect.gather [hbm4b:s6+s20], $0x40, s8, s20, $0xb8;
	[tilespmem:$0x1D6A0] =	vst v63  }
0x1c7: {  	_ =	swait.ge [sflag:s25], $0x6400  }
0x1c8: {  	[sflag:s25] =	ssyncset.done $0x0  }
0x1c9: {  	[sflag:s25] =	ssyncadd.s32 $0xFFFF9C00  }
0x1ca: {  	[spmem:s4] =	stream.indirect.scatter.add.f32 [tilespmem:s22], [sflag:$0x3], $0x40, s2, s20, $0xb8;
	[tilespmem:$0x1D6A0] =	vst v63  }
0x1cb: {  	_ =	swait.ge [sflag:s15], $0x6400  }
0x1cc: {  	[sflag:s15] =	ssyncset.done $0x0  }
0x1cd: {  	s0 =	simm.s32 $0x1A90;
	[sflag:s15] =	ssyncadd.s32 $0xFFFF9C00  }
0x1ce: {  	[tilespmem:s22], [sflag:$0x2] =	stream.indirect.gather [hbm4b:s6+s20], $0x40, s0, s20, $0xb8;
	[tilespmem:$0x1D6A0] =	vst v63  }
0x1cf: {  	_ =	swait.ge [sflag:s23], $0x6400  }
0x1d0: {  	[sflag:s23] =	ssyncset.done $0x0  }
0x1d1: {  	s8 =	simm.s32 $0x4010;
	[sflag:s23] =	ssyncadd.s32 $0xFFFF9C00  }
0x1d2: {  	[spmem:s4] =	stream.indirect.scatter.add.f32 [tilespmem:s21], [sflag:$0x3], $0x40, s8, s20, $0xb8;
	[tilespmem:$0x1D6A0] =	vst v63  }
0x1d3: {  	_ =	swait.ge [sflag:s15], $0x6400  }
0x1d4: {  	[sflag:s15] =	ssyncset.done $0x0  }
0x1d5: {  	[sflag:s15] =	ssyncadd.s32 $0xFFFF9C00  }
0x1d6: {  	[spmem:s3] =	stream.indirect.scatter.add.f32 [tilespmem:s16], [sflag:$0x3], $0x8, s8, s20, $0xb8;
	[tilespmem:$0x1D6A0] =	vst v63  }
0x1d7: {  	_ =	swait.ge [sflag:s15], $0xC80  }
0x1d8: {  	[sflag:s15] =	ssyncset.done $0x0  }
0x1d9: {  	s0 =	simm.s32 $0x1C20;
	[sflag:s15] =	ssyncadd.s32 $0xFFFFF380  }
0x1da: {  	[tilespmem:s21], [sflag:$0x1] =	stream.indirect.gather [hbm4b:s6+s20], $0x40, s0, s20, $0xb8;
	[tilespmem:$0x1D6A0] =	vst v63  }
0x1db: {  	_ =	swait.ge [sflag:s25], $0x6400  }
0x1dc: {  	[sflag:s25] =	ssyncset.done $0x0  }
0x1dd: {  	[sflag:s25] =	ssyncadd.s32 $0xFFFF9C00  }
0x1de: {  	[spmem:s4] =	stream.indirect.scatter.add.f32 [tilespmem:s22], [sflag:$0x3], $0x40, s26, s20, $0xb8;
	[tilespmem:$0x1D6A0] =	vst v63  }
0x1df: {  	_ =	swait.ge [sflag:s15], $0x6400  }
0x1e0: {  	[sflag:s15] =	ssyncset.done $0x0  }
0x1e1: {  	s8 =	simm.s32 $0x1DB0;
	[sflag:s15] =	ssyncadd.s32 $0xFFFF9C00  }
0x1e2: {  	[tilespmem:s22], [sflag:$0x2] =	stream.indirect.gather [hbm4b:s6+s20], $0x40, s8, s20, $0xb8;
	[tilespmem:$0x1D6A0] =	vst v63  }
0x1e3: {  	_ =	swait.ge [sflag:s23], $0x6400  }
0x1e4: {  	[sflag:s23] =	ssyncset.done $0x0  }
0x1e5: {  	s0 =	simm.s32 $0x4330;
	[sflag:s23] =	ssyncadd.s32 $0xFFFF9C00  }
0x1e6: {  	[spmem:s4] =	stream.indirect.scatter.add.f32 [tilespmem:s21], [sflag:$0x3], $0x40, s0, s20, $0xb8;
	[tilespmem:$0x1D6A0] =	vst v63  }
0x1e7: {  	_ =	swait.ge [sflag:s15], $0x6400  }
0x1e8: {  	[sflag:s15] =	ssyncset.done $0x0  }
0x1e9: {  	[sflag:s15] =	ssyncadd.s32 $0xFFFF9C00  }
0x1ea: {  	[spmem:s3] =	stream.indirect.scatter.add.f32 [tilespmem:s16], [sflag:$0x3], $0x8, s0, s20, $0xb8;
	[tilespmem:$0x1D6A0] =	vst v63  }
0x1eb: {  	_ =	swait.ge [sflag:s15], $0xC80  }
0x1ec: {  	[sflag:s15] =	ssyncset.done $0x0  }
0x1ed: {  	s8 =	simm.s32 $0x1F40;
	[sflag:s15] =	ssyncadd.s32 $0xFFFFF380  }
0x1ee: {  	[tilespmem:s21], [sflag:$0x1] =	stream.indirect.gather [hbm4b:s6+s20], $0x40, s8, s20, $0xb8;
	[tilespmem:$0x1D6A0] =	vst v63  }
0x1ef: {  	_ =	swait.ge [sflag:s25], $0x6400  }
0x1f0: {  	[sflag:s25] =	ssyncset.done $0x0  }
0x1f1: {  	[sflag:s25] =	ssyncadd.s32 $0xFFFF9C00  }
0x1f2: {  	[spmem:s4] =	stream.indirect.scatter.add.f32 [tilespmem:s22], [sflag:$0x3], $0x40, s31, s20, $0xb8;
	[tilespmem:$0x1D6A0] =	vst v63  }
0x1f3: {  	_ =	swait.ge [sflag:s15], $0x6400  }
0x1f4: {  	[sflag:s15] =	ssyncset.done $0x0  }
0x1f5: {  	s0 =	simm.s32 $0x20D0;
	[sflag:s15] =	ssyncadd.s32 $0xFFFF9C00  }
0x1f6: {  	[tilespmem:s22], [sflag:$0x2] =	stream.indirect.gather [hbm4b:s6+s20], $0x40, s0, s20, $0xb8;
	[tilespmem:$0x1D6A0] =	vst v63  }
0x1f7: {  	_ =	swait.ge [sflag:s23], $0x6400  }
0x1f8: {  	[sflag:s23] =	ssyncset.done $0x0  }
0x1f9: {  	s8 =	simm.s32 $0x4650;
	[sflag:s23] =	ssyncadd.s32 $0xFFFF9C00  }
0x1fa: {  	[spmem:s4] =	stream.indirect.scatter.add.f32 [tilespmem:s21], [sflag:$0x3], $0x40, s8, s20, $0xb8;
	[tilespmem:$0x1D6A0] =	vst v63  }
0x1fb: {  	_ =	swait.ge [sflag:s15], $0x6400  }
0x1fc: {  	[sflag:s15] =	ssyncset.done $0x0  }
0x1fd: {  	[sflag:s15] =	ssyncadd.s32 $0xFFFF9C00  }
0x1fe: {  	[spmem:s3] =	stream.indirect.scatter.add.f32 [tilespmem:s16], [sflag:$0x3], $0x8, s8, s20, $0xb8;
	[tilespmem:$0x1D6A0] =	vst v63  }
0x1ff: {  	_ =	swait.ge [sflag:s15], $0xC80  }
0x200: {  	[sflag:s15] =	ssyncset.done $0x0  }
0x201: {  	s8 =	simm.s32 $0x2260;
	[sflag:s15] =	ssyncadd.s32 $0xFFFFF380  }
0x202: {  	[tilespmem:s21], [sflag:$0x1] =	stream.indirect.gather [hbm4b:s6+s20], $0x40, s8, s20, $0xb8;
	[tilespmem:$0x1D6A0] =	vst v63  }
0x203: {  	_ =	swait.ge [sflag:s25], $0x6400  }
0x204: {  	[sflag:s25] =	ssyncset.done $0x0  }
0x205: {  	[sflag:s25] =	ssyncadd.s32 $0xFFFF9C00  }
0x206: {  	[spmem:s4] =	stream.indirect.scatter.add.f32 [tilespmem:s22], [sflag:$0x3], $0x40, s24, s20, $0xb8;
	[tilespmem:$0x1D6A0] =	vst v63  }
0x207: {  	_ =	swait.ge [sflag:s15], $0x6400  }
0x208: {  	[sflag:s15] =	ssyncset.done $0x0  }
0x209: {  	s8 =	simm.s32 $0x23F0;
	[sflag:s15] =	ssyncadd.s32 $0xFFFF9C00  }
0x20a: {  	[tilespmem:s22], [sflag:$0x2] =	stream.indirect.gather [hbm4b:s6+s20], $0x40, s8, s20, $0xb8;
	[tilespmem:$0x1D6A0] =	vst v63  }
0x20b: {  	_ =	swait.ge [sflag:s23], $0x6400  }
0x20c: {  	[sflag:s23] =	ssyncset.done $0x0  }
0x20d: {  	s8 =	simm.s32 $0x4970;
	[sflag:s23] =	ssyncadd.s32 $0xFFFF9C00  }
0x20e: {  	[spmem:s4] =	stream.indirect.scatter.add.f32 [tilespmem:s21], [sflag:$0x3], $0x40, s8, s20, $0xb8;
	[tilespmem:$0x1D6A0] =	vst v63  }
0x20f: {  	_ =	swait.ge [sflag:s15], $0x6400  }
0x210: {  	[sflag:s15] =	ssyncset.done $0x0  }
0x211: {  	[sflag:s15] =	ssyncadd.s32 $0xFFFF9C00  }
0x212: {  	[spmem:s3] =	stream.indirect.scatter.add.f32 [tilespmem:s16], [sflag:$0x3], $0x8, s8, s20, $0xb8;
	[tilespmem:$0x1D6A0] =	vst v63  }
0x213: {  	_ =	swait.ge [sflag:s15], $0xC80  }
0x214: {  	[sflag:s15] =	ssyncset.done $0x0  }
0x215: {  	s8 =	simm.s32 $0x2580;
	[sflag:s15] =	ssyncadd.s32 $0xFFFFF380  }
0x216: {  	[tilespmem:s21], [sflag:$0x1] =	stream.indirect.gather [hbm4b:s6+s20], $0x40, s8, s20, $0xb8;
	[tilespmem:$0x1D6A0] =	vst v63  }
0x217: {  	_ =	swait.ge [sflag:s25], $0x6400  }
0x218: {  	[sflag:s25] =	ssyncset.done $0x0  }
0x219: {  	[sflag:s25] =	ssyncadd.s32 $0xFFFF9C00  }
0x21a: {  	[spmem:s4] =	stream.indirect.scatter.add.f32 [tilespmem:s22], [sflag:$0x3], $0x40, s14, s20, $0xb8;
	[tilespmem:$0x1D6A0] =	vst v63  }
0x21b: {  	_ =	swait.ge [sflag:s15], $0x6400  }
0x21c: {  	[sflag:s15] =	ssyncset.done $0x0  }
0x21d: {  	[sflag:s15] =	ssyncadd.s32 $0xFFFF9C00  }
0x21e: {  	_ =	swait.ge [sflag:s23], $0x6400  }
0x21f: {  	[sflag:s23] =	ssyncset.done $0x0  }
0x220: {  	s1 =	simm.s32 $0x4C90;
	[sflag:s23] =	ssyncadd.s32 $0xFFFF9C00  }
0x221: {  	[spmem:s4] =	stream.indirect.scatter.add.f32 [tilespmem:s21], [sflag:$0x3], $0x40, s1, s20, $0xb8;
	[tilespmem:$0x1D6A0] =	vst v63  }
0x222: {  	_ =	swait.ge [sflag:s15], $0x6400  }
0x223: {  	[sflag:s15] =	ssyncset.done $0x0  }
.Ltmp3:
0x224: {  	s28 =	simm.s32 $0x4010;
	[sflag:s15] =	ssyncadd.s32 $0xFFFF9C00;
	(pc) =	sbr.rel .LBB2_4-.Ltmp3, $4  }
0x225: {  	[spmem:s3] =	stream.indirect.scatter.add.f32 [tilespmem:s16], [sflag:$0x3], $0x8, s1, s20, $0xb8;
	[tilespmem:$0x1D6A0] =	vst v63  }
0x226: {  	s29 =	simm.s32 $0x4330;
	s30 =	simm.s32 $0x4970;
	_ =	swait.ge [sflag:s15], $0xC80  }
0x227: {  	s10 =	simm.s32 $0x39D0;
	s12 =	simm.s32 $0x3CF0;
	[sflag:s15] =	ssyncset.done $0x0  }
0x228: {  	s0 =	simm.s32 $0x4650;
	s8 =	simm.s32 $0x4C90;
	[sflag:s15] =	ssyncadd.s32 $0xFFFFF380  }
.LBB2_5:
0x229: {  	_ =	sfence.sel $0x180000  }
0x22a: {  	[bflag:$0x0] =	sbarrier.arrive $0xFFFF  }
0x22b: {  	_ =	strace $0x90000047  }
0x22c: {  	s0 =	stileid.u32;
	[bflag:$0x2] =	sbarrier.arrive $0xFFFF  }
0x22d: {  	p0 =	sne.s32 s0, $0x0;
	s0 =	rddreg [dreg:$0x4]  }
0x22e: {  	s0 =	sadd.s32 @!p0 $0x100000, s0  }
0x22f: {  	[sflag:s0] =	ssyncadd.tile.s32 @!p0 $0x1;
	_ =	shalt  }
.Lfunc_end2:
_tile_overlayer_lowered:
.L_overlay_start_2:
0x230: {  	(tag) =	ssettag $0x2  }
0x231: {  	s0 =	rddreg [dreg:$0x0];
	s2 =	stileid.u32  }
0x232: {  	s1 =	rddreg [dreg:$0x1];
	p0 =	sne.s32 s2, $0x0  }
0x233: {  	s3 =	rddreg [dreg:$0x2];
	[bflag:$0x3] =	sbarrier.arrive $0xFFFF;
	s2 =	simm.s32 @!p0 $0x1C03  }
0x234: {  	[timem:s3], [sflag:s2] =	dma.local @!p0 [hbm:s0], s1  }
0x235: {  	s0 =	simm.s32 @!p0 $0x3  }
0x236: {  	_ =	swait.ge @!p0 [sflag:s0], s1  }
0x237: {  	s1 =	ssub.s32 @!p0 $0x0, s1;
	[sflag:s0] =	ssyncset.done @!p0 $0x0  }
0x238: {  	[sflag:s0] =	ssyncadd.s32 @!p0 s1  }
0x239: {  	[bflag:$0x3] =	sbarrier.arrive $0xFFFF  }
0x23a: {  	_ =	shalt  }

</sc_bundles>
